<compile_context>
chip_gen: v7x
topology: tpu7x:2x2x1
jax: 0.10.2.dev20260603
libtpu: 0.0.44.dev20260713+nightly
codegen_flags: <defaults>
</compile_context>

<pallas_src>
import jax
import jax.numpy as jnp
from jax import lax
from jax.experimental import pallas as pl
from jax.experimental.pallas import tpu as pltpu
from jax.experimental.pallas import tpu_sc as plsc

N_J = 10000
N_L = 50000
E = 160000
D = 256
H = 256
A = 4

BLK_L = 2000
BLK_J = 2000

NC = 2
NS = 16
NW = NC * NS

WB = 2000
NWIN = E // WB
CAPB = 2304
CC = 64
JPT = 320



def _pack_cols(x):
    a = lax.bitcast_convert_type(
        x[:, :H // 2].astype(jnp.bfloat16), jnp.uint16).astype(jnp.uint32)
    b = lax.bitcast_convert_type(
        x[:, H // 2:].astype(jnp.bfloat16), jnp.uint16).astype(jnp.uint32)
    return lax.bitcast_convert_type(a | (b << 16), jnp.int32)


def _enc_l_body(x_ref, w1_ref, b1_ref, w2_ref, b2_ref, sp_ref):
    h = jnp.maximum(
        jnp.dot(x_ref[...], w1_ref[...], preferred_element_type=jnp.float32)
        + b1_ref[...], 0.0)
    sp_ref[...] = _pack_cols(
        jnp.dot(h, w2_ref[...], preferred_element_type=jnp.float32)
        + b2_ref[...])


def _enc_j_body(x_ref, w1_ref, b1_ref, w2_ref, b2_ref, je_ref, dp_ref):
    h = jnp.maximum(
        jnp.dot(x_ref[...], w1_ref[...], preferred_element_type=jnp.float32)
        + b1_ref[...], 0.0)
    je_ref[...] = h
    dp_ref[...] = _pack_cols(
        jnp.dot(h, w2_ref[...], preferred_element_type=jnp.float32)
        + b2_ref[...])


def _gru_body(p_ref, je_ref, agg_ref, h_ref, wih_ref, bih_ref, whh_ref, bhh_ref,
              whead_ref, bhead_ref, hnew_ref, logits_ref):
    z_sum = jnp.sum(p_ref[...])
    c = je_ref[...] + agg_ref[...] * (1.0 / z_sum)
    h = h_ref[...]
    gi = jnp.dot(c, wih_ref[...], preferred_element_type=jnp.float32) + bih_ref[...]
    gh = jnp.dot(h, whh_ref[...], preferred_element_type=jnp.float32) + bhh_ref[...]
    i_r, i_z, i_n = gi[:, :H], gi[:, H:2 * H], gi[:, 2 * H:]
    h_r, h_z, h_n = gh[:, :H], gh[:, H:2 * H], gh[:, 2 * H:]
    r = jax.nn.sigmoid(i_r + h_r)
    z = jax.nn.sigmoid(i_z + h_z)
    n = jnp.tanh(i_n + r * h_n)
    hn = (1.0 - z) * n + z * h
    hnew_ref[...] = hn
    logits_ref[...] = (
        jnp.dot(hn, whead_ref[...], preferred_element_type=jnp.float32)
        + bhead_ref[...])



_MESH = plsc.VectorSubcoreMesh(
    core_axis_name="c", subcore_axis_name="s", num_cores=NC, num_subcores=NS)


def _edge_fused_body(spj, dpj, esrc, edst, agg_out, zpart_out,
                     bsrc, bdst, bsrc1, bdst1, lsrc, ldst,
                     gidx, sidx, spr, dpr, acc, tmp16, zbuf,
                     sem1, sem2, sem3, sem4, sem5, sem6):
    c = lax.axis_index("c")
    s = lax.axis_index("s")
    wid = s * NC + c
    lane = lax.iota(jnp.int32, 16)
    m15 = lane == 15
    lo = wid * JPT
    zero16 = jnp.zeros((16,), jnp.float32)
    pad_src = (lane * 997 + wid * 131) % N_L

    def zrow(r, _):
        for k in range(16):
            acc[r, pl.ds(16 * k, 16)] = zero16
        return 0
    lax.fori_loop(0, JPT, zrow, 0)
    zbuf[pl.ds(0, 16)] = zero16

    def stage_issue(cnt):
        base = cnt - CC
        for r in range(CC // 16):
            gidx[pl.ds(r * 16, 16)] = lsrc[pl.ds(base + r * 16, 16)]
            sidx[pl.ds(r * 16, 16)] = ldst[pl.ds(base + r * 16, 16)]
        pltpu.async_copy(spj.at[gidx], spr, sem1)
        pltpu.async_copy(dpj.at[sidx], dpr, sem2)
        return base

    def wait_and_compute(nvalid):
        pltpu.make_async_copy(spj.at[gidx], spr, sem1).wait()
        pltpu.make_async_copy(dpj.at[sidx], dpr, sem2).wait()

        def row_body(r, _):
            rfull = jnp.full((16,), r, jnp.int32)
            dloc = plsc.load_gather(sidx, [rfull]) - lo
            sps = []
            accd = None
            for k in range(8):
                sa, sb = plsc.unpack(
                    plsc.bitcast(spr[r, pl.ds(16 * k, 16)], jnp.bfloat16),
                    format=plsc.PackFormat.INTERLEAVED,
                    preferred_element_type=jnp.float32)
                da, db = plsc.unpack(
                    plsc.bitcast(dpr[r, pl.ds(16 * k, 16)], jnp.bfloat16),
                    format=plsc.PackFormat.INTERLEAVED,
                    preferred_element_type=jnp.float32)
                sps.append((sa, sb))
                part = sa * da + sb * db
                accd = part if accd is None else accd + part
            tot = plsc.cumsum(accd)
            pv = jnp.exp(tot)
            mval = jnp.where(r < nvalid, 1.0, 0.0).astype(jnp.float32)
            pvm = pv * mval
            zbuf[pl.ds(0, 16)] = zbuf[pl.ds(0, 16)] + jnp.where(m15, pvm, 0.0)
            tmp16[pl.ds(0, 16)] = pvm
            pb = plsc.load_gather(tmp16, [jnp.full((16,), 15, jnp.int32)])
            for k in range(8):
                sa, sb = sps[k]
                plsc.addupdate_scatter(acc, [dloc, lane + 16 * k], sa * pb)
                plsc.addupdate_scatter(
                    acc, [dloc, lane + 16 * k + H // 2], sb * pb)
            return 0

        lax.fori_loop(0, CC, row_body, 0)

    def process_window(bs, bd, carry):
        cnt, pend = carry

        def comp_step(i, cnt):
            dv = bd[pl.ds(i * 16, 16)]
            sv = bs[pl.ds(i * 16, 16)]
            m = (dv >= lo) & (dv < lo + JPT)
            plsc.store_compressed(lsrc.at[pl.ds(cnt, 16)], sv, mask=m)
            plsc.store_compressed(ldst.at[pl.ds(cnt, 16)], dv, mask=m)
            return cnt + jnp.sum(m.astype(jnp.int32))

        cnt = lax.fori_loop(0, WB // 16, comp_step, cnt)

        @pl.when(pend == 1)
        def _():
            wait_and_compute(CC)

        def sync_extra(cnt):
            base = stage_issue(cnt)
            wait_and_compute(CC)
            return base

        cnt = lax.while_loop(lambda t: t >= 2 * CC, sync_extra, cnt)
        new_pend = jnp.where(cnt >= CC, 1, 0).astype(jnp.int32)

        @pl.when(cnt >= CC)
        def _():
            stage_issue(cnt)

        cnt = jnp.where(cnt >= CC, cnt - CC, cnt)
        return (cnt, new_pend)

    NPAIR = NWIN // 2
    pltpu.async_copy(esrc.at[pl.ds(0, WB)], bsrc, sem3)
    pltpu.async_copy(edst.at[pl.ds(0, WB)], bdst, sem4)

    def pair_body(w2, carry):
        w = 2 * w2
        pltpu.async_copy(esrc.at[pl.ds((w + 1) * WB, WB)], bsrc1, sem5)
        pltpu.async_copy(edst.at[pl.ds((w + 1) * WB, WB)], bdst1, sem6)
        pltpu.make_async_copy(esrc.at[pl.ds(0, WB)], bsrc, sem3).wait()
        pltpu.make_async_copy(edst.at[pl.ds(0, WB)], bdst, sem4).wait()
        carry = process_window(bsrc, bdst, carry)

        @pl.when(w2 < NPAIR - 1)
        def _():
            pltpu.async_copy(esrc.at[pl.ds((w + 2) * WB, WB)], bsrc, sem3)
            pltpu.async_copy(edst.at[pl.ds((w + 2) * WB, WB)], bdst, sem4)

        pltpu.make_async_copy(esrc.at[pl.ds(0, WB)], bsrc1, sem5).wait()
        pltpu.make_async_copy(edst.at[pl.ds(0, WB)], bdst1, sem6).wait()
        carry = process_window(bsrc1, bdst1, carry)
        return carry

    cnt, pend = lax.fori_loop(
        0, NPAIR, pair_body, (jnp.int32(0), jnp.int32(0)))

    @pl.when(pend == 1)
    def _():
        wait_and_compute(CC)

    @pl.when(cnt > 0)
    def _():
        for i in range(CC // 16):
            pos = cnt + i * 16
            lsrc[pl.ds(pos, 16)] = pad_src
            ldst[pl.ds(pos, 16)] = lo + (lane % JPT)
        stage_issue(CC)
        wait_and_compute(cnt)

    pltpu.sync_copy(zbuf, zpart_out.at[pl.ds(wid * 16, 16)])

    @pl.when(wid < NW - 1)
    def _():
        pltpu.sync_copy(acc, agg_out.at[pl.ds(lo, JPT), :])

    @pl.when(wid == NW - 1)
    def _():
        pltpu.sync_copy(acc.at[pl.ds(0, 80), :], agg_out.at[pl.ds(lo, 80), :])



def kernel(junction_x, lane_x, edge_src, edge_dst, hidden,
           W_enc_j, b_enc_j, W_enc_l, b_enc_l,
           W_src, b_src, W_dst, b_dst,
           W_ih, b_ih, W_hh, b_hh, W_head, b_head):
    edge_src = edge_src.astype(jnp.int32)
    edge_dst = edge_dst.astype(jnp.int32)

    b_enc_l2 = b_enc_l.reshape(1, H)
    b_src2 = b_src.reshape(1, H)
    b_enc_j2 = b_enc_j.reshape(1, H)
    b_dst2 = b_dst.reshape(1, H)

    wspec = pl.BlockSpec((D, H), lambda i: (0, 0))
    bspec = pl.BlockSpec((1, H), lambda i: (0, 0))

    src_proj = pl.pallas_call(
        _enc_l_body,
        grid=(N_L // BLK_L,),
        in_specs=[
            pl.BlockSpec((BLK_L, D), lambda i: (i, 0)),
            wspec, bspec, wspec, bspec,
        ],
        out_specs=pl.BlockSpec((BLK_L, H // 2), lambda i: (i, 0)),
        out_shape=jax.ShapeDtypeStruct((N_L, H // 2), jnp.int32),
    )(lane_x, W_enc_l, b_enc_l2, W_src, b_src2)

    j_emb, dst_proj = pl.pallas_call(
        _enc_j_body,
        grid=(N_J // BLK_J,),
        in_specs=[
            pl.BlockSpec((BLK_J, D), lambda i: (i, 0)),
            wspec, bspec, wspec, bspec,
        ],
        out_specs=[
            pl.BlockSpec((BLK_J, H), lambda i: (i, 0)),
            pl.BlockSpec((BLK_J, H // 2), lambda i: (i, 0)),
        ],
        out_shape=[
            jax.ShapeDtypeStruct((N_J, H), jnp.float32),
            jax.ShapeDtypeStruct((N_J, H // 2), jnp.int32),
        ],
    )(junction_x, W_enc_j, b_enc_j2, W_dst, b_dst2)

    agg, zpart = pl.kernel(
        _edge_fused_body,
        out_type=[
            jax.ShapeDtypeStruct((N_J, H), jnp.float32),
            jax.ShapeDtypeStruct((NW * 16,), jnp.float32),
        ],
        mesh=_MESH,
        compiler_params=pltpu.CompilerParams(needs_layout_passes=False),
        scratch_types=[
            pltpu.VMEM((WB,), jnp.int32),
            pltpu.VMEM((WB,), jnp.int32),
            pltpu.VMEM((WB,), jnp.int32),
            pltpu.VMEM((WB,), jnp.int32),
            pltpu.VMEM((CAPB,), jnp.int32),
            pltpu.VMEM((CAPB,), jnp.int32),
            pltpu.VMEM((CC,), jnp.int32),
            pltpu.VMEM((CC,), jnp.int32),
            pltpu.VMEM((CC, H // 2), jnp.int32),
            pltpu.VMEM((CC, H // 2), jnp.int32),
            pltpu.VMEM((JPT, H), jnp.float32),
            pltpu.VMEM((16,), jnp.float32),
            pltpu.VMEM((16,), jnp.float32),
            pltpu.SemaphoreType.DMA,
            pltpu.SemaphoreType.DMA,
            pltpu.SemaphoreType.DMA,
            pltpu.SemaphoreType.DMA,
            pltpu.SemaphoreType.DMA,
            pltpu.SemaphoreType.DMA,
        ],
    )(src_proj, dst_proj, edge_src, edge_dst)

    h = hidden[0]
    wih_t = W_ih.T
    whh_t = W_hh.T
    bih2 = b_ih.reshape(1, 3 * H)
    bhh2 = b_hh.reshape(1, 3 * H)
    bhead2 = b_head.reshape(1, A)
    z2d = zpart.reshape(NW, 16)

    gspec_w = pl.BlockSpec((H, 3 * H), lambda i: (0, 0))
    gspec_b = pl.BlockSpec((1, 3 * H), lambda i: (0, 0))

    h_new, logits = pl.pallas_call(
        _gru_body,
        grid=(N_J // BLK_J,),
        in_specs=[
            pl.BlockSpec((NW, 16), lambda i: (0, 0)),
            pl.BlockSpec((BLK_J, H), lambda i: (i, 0)),
            pl.BlockSpec((BLK_J, H), lambda i: (i, 0)),
            pl.BlockSpec((BLK_J, H), lambda i: (i, 0)),
            gspec_w, gspec_b, gspec_w, gspec_b,
            pl.BlockSpec((H, A), lambda i: (0, 0)),
            pl.BlockSpec((1, A), lambda i: (0, 0)),
        ],
        out_specs=[
            pl.BlockSpec((BLK_J, H), lambda i: (i, 0)),
            pl.BlockSpec((BLK_J, A), lambda i: (i, 0)),
        ],
        out_shape=[
            jax.ShapeDtypeStruct((N_J, H), jnp.float32),
            jax.ShapeDtypeStruct((N_J, A), jnp.float32),
        ],
    )(z2d, j_emb, agg, h, wih_t, bih2, whh_t, bhh2, W_head, bhead2)

    return logits, h_new[None, :, :]

# --- scband reference (transcript-rebuilt; emitter-appended) ---
"""Pipeline reference for scband-recurrent-hgat-33930241638753 (READ-ONLY COPY).

The authoritative reference and input builder live on the scoring server;
editing this copy changes nothing except your own understanding.
"""

import jax, jax.numpy as jnp
import numpy as np

N_J = 10000
N_L = 50000
E = 160000
D = 256
H = 256
A = 4


def _unif(key, shape, fan_in):
    s = 1.0 / np.sqrt(fan_in)
    return jax.random.uniform(key, shape, jnp.float32, -s, s)


def setup_inputs(seed: int = 0) -> dict:
    key = jax.random.key(seed)
    ks = jax.random.split(key, 24)
    inp = {
        "junction_x": jax.random.normal(ks[0], (N_J, D), jnp.float32),
        "lane_x": jax.random.normal(ks[1], (N_L, D), jnp.float32),
        "edge_src": jax.random.randint(ks[2], (E,), 0, N_L, jnp.int32).astype(jnp.int64),
        "edge_dst": jax.random.randint(ks[3], (E,), 0, N_J, jnp.int32).astype(jnp.int64),
        "hidden": jnp.zeros((1, N_J, H), jnp.float32),
        # junction encoder
        "W_enc_j": _unif(ks[4], (D, H), D), "b_enc_j": _unif(ks[5], (H,), D),
        # lane encoder
        "W_enc_l": _unif(ks[6], (D, H), D), "b_enc_l": _unif(ks[7], (H,), D),
        # lane_to_junction aggregator src/dst linears
        "W_src": _unif(ks[8], (H, H), H), "b_src": _unif(ks[9], (H,), H),
        "W_dst": _unif(ks[10], (H, H), H), "b_dst": _unif(ks[11], (H,), H),
        # GRU (single layer, batch_first): weight_ih [3H, H], weight_hh [3H, H]
        "W_ih": _unif(ks[12], (3 * H, H), H), "b_ih": _unif(ks[13], (3 * H,), H),
        "W_hh": _unif(ks[14], (3 * H, H), H), "b_hh": _unif(ks[15], (3 * H,), H),
        # head
        "W_head": _unif(ks[16], (H, A), H), "b_head": _unif(ks[17], (A,), H),
    }
    return inp


def reference(junction_x, lane_x, edge_src, edge_dst, hidden,
              W_enc_j, b_enc_j, W_enc_l, b_enc_l,
              W_src, b_src, W_dst, b_dst,
              W_ih, b_ih, W_hh, b_hh, W_head, b_head):
    n_j = junction_x.shape[0]
    # node-type encoders (Linear + ReLU); dropout is identity in eval mode
    j_emb = jax.nn.relu(junction_x @ W_enc_j + b_enc_j)
    l_emb = jax.nn.relu(lane_x @ W_enc_l + b_enc_l)
    # AttentionAggregator lane->junction
    src_proj_all = l_emb @ W_src + b_src
    dst_proj_all = j_emb @ W_dst + b_dst
    sp = jnp.take(src_proj_all, edge_src, axis=0)
    dp = jnp.take(dst_proj_all, edge_dst, axis=0)
    scores = jnp.sum(sp * dp, axis=-1)
    # NOTE: original code softmaxes over ALL edges (dim=0) -- faithful here
    weights = jax.nn.softmax(scores, axis=0)[:, None]
    messages = sp * weights
    agg = jnp.zeros((n_j, sp.shape[-1]), dtype=j_emb.dtype).at[edge_dst].add(messages)
    combined = j_emb + agg
    # GRU single time step (seq_len=1), hidden [1, N_j, H]
    h = hidden[0]
    gi = combined @ W_ih.T + b_ih
    gh = h @ W_hh.T + b_hh
    i_r, i_z, i_n = jnp.split(gi, 3, axis=-1)
    h_r, h_z, h_n = jnp.split(gh, 3, axis=-1)
    r = jax.nn.sigmoid(i_r + h_r)
    z = jax.nn.sigmoid(i_z + h_z)
    n = jnp.tanh(i_n + r * h_n)
    h_new = (1.0 - z) * n + z * h
    logits = h_new @ W_head + b_head
    return logits, h_new[None, :, :]

if __name__ == "__main__":
    import jax
    _d = setup_inputs()
    print(jax.jit(kernel)(*tuple(_d.values())))

</pallas_src>

<mosaic_0001>
#map = affine_map<(d0, d1) -> (0, 0)>
#map1 = affine_map<(d0, d1) -> (0)>
module attributes {stable_mosaic.version = 14 : i64} {
  func.func @_edge_fused_body(%arg0: i32, %arg1: i32, %arg2: memref<50000x128xi32, #tpu.memory_space<hbm>>, %arg3: memref<10000x128xi32, #tpu.memory_space<hbm>>, %arg4: memref<160000xi32, #tpu.memory_space<hbm>>, %arg5: memref<160000xi32, #tpu.memory_space<hbm>>, %arg6: memref<10000x256xf32, #tpu.memory_space<hbm>>, %arg7: memref<512xf32, #tpu.memory_space<hbm>>, %arg8: memref<2000xi32, #tpu.memory_space<vmem>>, %arg9: memref<2000xi32, #tpu.memory_space<vmem>>, %arg10: memref<2000xi32, #tpu.memory_space<vmem>>, %arg11: memref<2000xi32, #tpu.memory_space<vmem>>, %arg12: memref<2304xi32, #tpu.memory_space<vmem>>, %arg13: memref<2304xi32, #tpu.memory_space<vmem>>, %arg14: memref<64xi32, #tpu.memory_space<vmem>>, %arg15: memref<64xi32, #tpu.memory_space<vmem>>, %arg16: memref<64x128xi32, #tpu.memory_space<vmem>>, %arg17: memref<64x128xi32, #tpu.memory_space<vmem>>, %arg18: memref<320x256xf32, #tpu.memory_space<vmem>>, %arg19: memref<16xf32, #tpu.memory_space<vmem>>, %arg20: memref<16xf32, #tpu.memory_space<vmem>>, %arg21: memref<!tpu.dma_semaphore, #tpu.memory_space<semaphore_mem>>, %arg22: memref<!tpu.dma_semaphore, #tpu.memory_space<semaphore_mem>>, %arg23: memref<!tpu.dma_semaphore, #tpu.memory_space<semaphore_mem>>, %arg24: memref<!tpu.dma_semaphore, #tpu.memory_space<semaphore_mem>>, %arg25: memref<!tpu.dma_semaphore, #tpu.memory_space<semaphore_mem>>, %arg26: memref<!tpu.dma_semaphore, #tpu.memory_space<semaphore_mem>>) attributes {dimension_semantics = [#tpu.dimension_semantics<core_parallel>, #tpu.dimension_semantics<subcore_parallel>], iteration_bounds = array<i64: 2, 16>, scalar_prefetch = 0 : i64, scratch_operands = 19 : i64, tpu.core_type = #tpu.core_type<sc_vector_subcore>, window_params = [{transform_indices = #map}, {transform_indices = #map}, {transform_indices = #map1}, {transform_indices = #map1}, {transform_indices = #map}, {transform_indices = #map1}]} {
    %mul3A = arith.constant 2 : i32
    %mul3A_0 = arith.muli %arg1, %mul3A : i32
    %add3A = arith.addi %mul3A_0, %arg0 : i32
    %iota3A = tpu.iota {dimensions = array<i32: 0>} : vector<16xi32>
    %eq3A = arith.constant 15 : i32
    %eq3A_1 = vector.broadcast %eq3A : i32 to vector<16xi32>
    %eq3A_2 = arith.cmpi eq, %iota3A, %eq3A_1 : vector<16xi32>
    %mul3A_3 = arith.constant 320 : i32
    %mul3A_4 = arith.muli %add3A, %mul3A_3 : i32
    %broadcast_in_dim3A = arith.constant 0.000000e+00 : f32
    %broadcast_in_dim3A_5 = vector.broadcast %broadcast_in_dim3A : f32 to vector<16xf32>
    %mul3A_6 = arith.constant 997 : i32
    %mul3A_7 = vector.broadcast %mul3A_6 : i32 to vector<16xi32>
    %mul3A_8 = arith.muli %iota3A, %mul3A_7 : vector<16xi32>
    %mul3A_9 = arith.constant 131 : i32
    %mul3A_10 = arith.muli %add3A, %mul3A_9 : i32
    %add3A_11 = vector.broadcast %mul3A_10 : i32 to vector<16xi32>
    %add3A_12 = arith.addi %mul3A_8, %add3A_11 : vector<16xi32>
    %jit3A = arith.constant 50000 : i32
    %eq3A_13 = arith.constant 0 : i32
    %eq3A_14 = arith.cmpi eq, %jit3A, %eq3A_13 : i32
    %jit3A_15 = arith.constant 1 : i32
    %select_n3A = arith.select %eq3A_14, %jit3A_15, %jit3A : i32
    %rem3A = vector.broadcast %select_n3A : i32 to vector<16xi32>
    %rem3A_16 = arith.remsi %add3A_12, %rem3A : vector<16xi32>
    %ne3A = arith.constant 0 : i32
    %ne3A_17 = vector.broadcast %ne3A : i32 to vector<16xi32>
    %ne3A_18 = arith.cmpi ne, %rem3A_16, %ne3A_17 : vector<16xi32>
    %lt3A = arith.constant 0 : i32
    %lt3A_19 = vector.broadcast %lt3A : i32 to vector<16xi32>
    %lt3A_20 = arith.cmpi slt, %rem3A_16, %lt3A_19 : vector<16xi32>
    %lt3A_21 = arith.constant 0 : i32
    %lt3A_22 = arith.cmpi slt, %select_n3A, %lt3A_21 : i32
    %ne3A_23 = vector.broadcast %lt3A_22 : i1 to vector<16xi1>
    %ne3A_24 = vector.broadcast %ne3A_23 : vector<16xi1> to vector<16xi1>
    %ne3A_25 = arith.xori %lt3A_20, %ne3A_24 : vector<16xi1>
    %and3A = arith.andi %ne3A_25, %ne3A_18 : vector<16xi1>
    %add3A_26 = vector.broadcast %select_n3A : i32 to vector<16xi32>
    %add3A_27 = arith.addi %rem3A_16, %add3A_26 : vector<16xi32>
    %select_n3A_28 = arith.select %and3A, %add3A_27, %rem3A_16 : vector<16xi1>, vector<16xi32>
    %scan3A = arith.constant 0 : i32
    %scan3A_29 = arith.constant 0 : i32
    %scan3A_30 = arith.constant 320 : i32
    %scan3A_31 = arith.addi %scan3A_29, %scan3A_30 : i32
    %scan3A_32 = arith.constant 1 : i32
    %scan3A_33 = scf.for %scan3A_70 = %scan3A_29 to %scan3A_31 step %scan3A_32 iter_args(%scan3A_71 = %scan3A) -> (i32)  : i32 {
      %swap3A_72 = arith.index_cast %scan3A_70 : i32 to index
      %swap3A_73 = arith.constant 0 : index
      %swap3A_74 = tpu.vector_load %arg18[%swap3A_72, %swap3A_73] {strides = array<i32>} : memref<320x256xf32, #tpu.memory_space<vmem>>, vector<16xf32>,
      tpu.vector_store %arg18[%swap3A_72, %swap3A_73], %broadcast_in_dim3A_5 {strides = array<i32>} : memref<320x256xf32, #tpu.memory_space<vmem>>, vector<16xf32>,
      %swap3A_75 = arith.index_cast %scan3A_70 : i32 to index
      %swap3A_76 = arith.constant 16 : index
      %swap3A_77 = tpu.vector_load %arg18[%swap3A_75, %swap3A_76] {strides = array<i32>} : memref<320x256xf32, #tpu.memory_space<vmem>>, vector<16xf32>,
      tpu.vector_store %arg18[%swap3A_75, %swap3A_76], %broadcast_in_dim3A_5 {strides = array<i32>} : memref<320x256xf32, #tpu.memory_space<vmem>>, vector<16xf32>,
      %swap3A_78 = arith.index_cast %scan3A_70 : i32 to index
      %swap3A_79 = arith.constant 32 : index
      %swap3A_80 = tpu.vector_load %arg18[%swap3A_78, %swap3A_79] {strides = array<i32>} : memref<320x256xf32, #tpu.memory_space<vmem>>, vector<16xf32>,
      tpu.vector_store %arg18[%swap3A_78, %swap3A_79], %broadcast_in_dim3A_5 {strides = array<i32>} : memref<320x256xf32, #tpu.memory_space<vmem>>, vector<16xf32>,
      %swap3A_81 = arith.index_cast %scan3A_70 : i32 to index
      %swap3A_82 = arith.constant 48 : index
      %swap3A_83 = tpu.vector_load %arg18[%swap3A_81, %swap3A_82] {strides = array<i32>} : memref<320x256xf32, #tpu.memory_space<vmem>>, vector<16xf32>,
      tpu.vector_store %arg18[%swap3A_81, %swap3A_82], %broadcast_in_dim3A_5 {strides = array<i32>} : memref<320x256xf32, #tpu.memory_space<vmem>>, vector<16xf32>,
      %swap3A_84 = arith.index_cast %scan3A_70 : i32 to index
      %swap3A_85 = arith.constant 64 : index
      %swap3A_86 = tpu.vector_load %arg18[%swap3A_84, %swap3A_85] {strides = array<i32>} : memref<320x256xf32, #tpu.memory_space<vmem>>, vector<16xf32>,
      tpu.vector_store %arg18[%swap3A_84, %swap3A_85], %broadcast_in_dim3A_5 {strides = array<i32>} : memref<320x256xf32, #tpu.memory_space<vmem>>, vector<16xf32>,
      %swap3A_87 = arith.index_cast %scan3A_70 : i32 to index
      %swap3A_88 = arith.constant 80 : index
      %swap3A_89 = tpu.vector_load %arg18[%swap3A_87, %swap3A_88] {strides = array<i32>} : memref<320x256xf32, #tpu.memory_space<vmem>>, vector<16xf32>,
      tpu.vector_store %arg18[%swap3A_87, %swap3A_88], %broadcast_in_dim3A_5 {strides = array<i32>} : memref<320x256xf32, #tpu.memory_space<vmem>>, vector<16xf32>,
      %swap3A_90 = arith.index_cast %scan3A_70 : i32 to index
      %swap3A_91 = arith.constant 96 : index
      %swap3A_92 = tpu.vector_load %arg18[%swap3A_90, %swap3A_91] {strides = array<i32>} : memref<320x256xf32, #tpu.memory_space<vmem>>, vector<16xf32>,
      tpu.vector_store %arg18[%swap3A_90, %swap3A_91], %broadcast_in_dim3A_5 {strides = array<i32>} : memref<320x256xf32, #tpu.memory_space<vmem>>, vector<16xf32>,
      %swap3A_93 = arith.index_cast %scan3A_70 : i32 to index
      %swap3A_94 = arith.constant 112 : index
      %swap3A_95 = tpu.vector_load %arg18[%swap3A_93, %swap3A_94] {strides = array<i32>} : memref<320x256xf32, #tpu.memory_space<vmem>>, vector<16xf32>,
      tpu.vector_store %arg18[%swap3A_93, %swap3A_94], %broadcast_in_dim3A_5 {strides = array<i32>} : memref<320x256xf32, #tpu.memory_space<vmem>>, vector<16xf32>,
      %swap3A_96 = arith.index_cast %scan3A_70 : i32 to index
      %swap3A_97 = arith.constant 128 : index
      %swap3A_98 = tpu.vector_load %arg18[%swap3A_96, %swap3A_97] {strides = array<i32>} : memref<320x256xf32, #tpu.memory_space<vmem>>, vector<16xf32>,
      tpu.vector_store %arg18[%swap3A_96, %swap3A_97], %broadcast_in_dim3A_5 {strides = array<i32>} : memref<320x256xf32, #tpu.memory_space<vmem>>, vector<16xf32>,
      %swap3A_99 = arith.index_cast %scan3A_70 : i32 to index
      %swap3A_100 = arith.constant 144 : index
      %swap3A_101 = tpu.vector_load %arg18[%swap3A_99, %swap3A_100] {strides = array<i32>} : memref<320x256xf32, #tpu.memory_space<vmem>>, vector<16xf32>,
      tpu.vector_store %arg18[%swap3A_99, %swap3A_100], %broadcast_in_dim3A_5 {strides = array<i32>} : memref<320x256xf32, #tpu.memory_space<vmem>>, vector<16xf32>,
      %swap3A_102 = arith.index_cast %scan3A_70 : i32 to index
      %swap3A_103 = arith.constant 160 : index
      %swap3A_104 = tpu.vector_load %arg18[%swap3A_102, %swap3A_103] {strides = array<i32>} : memref<320x256xf32, #tpu.memory_space<vmem>>, vector<16xf32>,
      tpu.vector_store %arg18[%swap3A_102, %swap3A_103], %broadcast_in_dim3A_5 {strides = array<i32>} : memref<320x256xf32, #tpu.memory_space<vmem>>, vector<16xf32>,
      %swap3A_105 = arith.index_cast %scan3A_70 : i32 to index
      %swap3A_106 = arith.constant 176 : index
      %swap3A_107 = tpu.vector_load %arg18[%swap3A_105, %swap3A_106] {strides = array<i32>} : memref<320x256xf32, #tpu.memory_space<vmem>>, vector<16xf32>,
      tpu.vector_store %arg18[%swap3A_105, %swap3A_106], %broadcast_in_dim3A_5 {strides = array<i32>} : memref<320x256xf32, #tpu.memory_space<vmem>>, vector<16xf32>,
      %swap3A_108 = arith.index_cast %scan3A_70 : i32 to index
      %swap3A_109 = arith.constant 192 : index
      %swap3A_110 = tpu.vector_load %arg18[%swap3A_108, %swap3A_109] {strides = array<i32>} : memref<320x256xf32, #tpu.memory_space<vmem>>, vector<16xf32>,
      tpu.vector_store %arg18[%swap3A_108, %swap3A_109], %broadcast_in_dim3A_5 {strides = array<i32>} : memref<320x256xf32, #tpu.memory_space<vmem>>, vector<16xf32>,
      %swap3A_111 = arith.index_cast %scan3A_70 : i32 to index
      %swap3A_112 = arith.constant 208 : index
      %swap3A_113 = tpu.vector_load %arg18[%swap3A_111, %swap3A_112] {strides = array<i32>} : memref<320x256xf32, #tpu.memory_space<vmem>>, vector<16xf32>,
      tpu.vector_store %arg18[%swap3A_111, %swap3A_112], %broadcast_in_dim3A_5 {strides = array<i32>} : memref<320x256xf32, #tpu.memory_space<vmem>>, vector<16xf32>,
      %swap3A_114 = arith.index_cast %scan3A_70 : i32 to index
      %swap3A_115 = arith.constant 224 : index
      %swap3A_116 = tpu.vector_load %arg18[%swap3A_114, %swap3A_115] {strides = array<i32>} : memref<320x256xf32, #tpu.memory_space<vmem>>, vector<16xf32>,
      tpu.vector_store %arg18[%swap3A_114, %swap3A_115], %broadcast_in_dim3A_5 {strides = array<i32>} : memref<320x256xf32, #tpu.memory_space<vmem>>, vector<16xf32>,
      %swap3A_117 = arith.index_cast %scan3A_70 : i32 to index
      %swap3A_118 = arith.constant 240 : index
      %swap3A_119 = tpu.vector_load %arg18[%swap3A_117, %swap3A_118] {strides = array<i32>} : memref<320x256xf32, #tpu.memory_space<vmem>>, vector<16xf32>,
      tpu.vector_store %arg18[%swap3A_117, %swap3A_118], %broadcast_in_dim3A_5 {strides = array<i32>} : memref<320x256xf32, #tpu.memory_space<vmem>>, vector<16xf32>,
      %scan3A_120 = arith.constant 0 : i32
      scf.yield %scan3A_120 : i32
    }
    %scan3A_34 = arith.constant 320 : i32
    %swap3A = arith.constant 0 : index
    %swap3A_35 = tpu.vector_load %arg20[%swap3A] {strides = array<i32>} : memref<16xf32, #tpu.memory_space<vmem>>, vector<16xf32>,
    tpu.vector_store %arg20[%swap3A], %broadcast_in_dim3A_5 {strides = array<i32>} : memref<16xf32, #tpu.memory_space<vmem>>, vector<16xf32>,
    %dma_start3A = arith.constant 0 : i32
    %dma_start3A_36 = tpu.memref_slice %arg4[%dma_start3A] : memref<160000xi32, #tpu.memory_space<hbm>> -> memref<2000xi32, #tpu.memory_space<hbm>>
    %dma_start3A_37 = arith.constant 0 : i32
    %dma_start3A_38 = tpu.memref_slice %arg4[%dma_start3A_37] : memref<160000xi32, #tpu.memory_space<hbm>> -> memref<2000xi32, #tpu.memory_space<hbm>>
    tpu.enqueue_dma source(%dma_start3A_38 : memref<2000xi32, #tpu.memory_space<hbm>>) target(%arg8 : memref<2000xi32, #tpu.memory_space<vmem>>) target_semaphore(%arg23 : memref<!tpu.dma_semaphore, #tpu.memory_space<semaphore_mem>>)
    %dma_start3A_39 = arith.constant 0 : i32
    %dma_start3A_40 = tpu.memref_slice %arg5[%dma_start3A_39] : memref<160000xi32, #tpu.memory_space<hbm>> -> memref<2000xi32, #tpu.memory_space<hbm>>
    %dma_start3A_41 = arith.constant 0 : i32
    %dma_start3A_42 = tpu.memref_slice %arg5[%dma_start3A_41] : memref<160000xi32, #tpu.memory_space<hbm>> -> memref<2000xi32, #tpu.memory_space<hbm>>
    tpu.enqueue_dma source(%dma_start3A_42 : memref<2000xi32, #tpu.memory_space<hbm>>) target(%arg9 : memref<2000xi32, #tpu.memory_space<vmem>>) target_semaphore(%arg24 : memref<!tpu.dma_semaphore, #tpu.memory_space<semaphore_mem>>)
    %scan3A_43 = arith.constant 0 : i32
    %scan3A_44 = arith.constant 0 : i32
    %scan3A_45 = arith.constant 0 : i32
    %scan3A_46 = arith.constant 40 : i32
    %scan3A_47 = arith.addi %scan3A_45, %scan3A_46 : i32
    %scan3A_48 = arith.constant 1 : i32
    %scan3A_49:2 = scf.for %scan3A_70 = %scan3A_45 to %scan3A_47 step %scan3A_48 iter_args(%scan3A_71 = %scan3A_43, %scan3A_72 = %scan3A_44) -> (i32, i32)  : i32 {
      %mul3A_73 = arith.constant 2 : i32
      %mul3A_74 = arith.muli %mul3A_73, %scan3A_70 : i32
      %add3A_75 = arith.constant 1 : i32
      %add3A_76 = arith.addi %mul3A_74, %add3A_75 : i32
      %mul3A_77 = arith.constant 2000 : i32
      %mul3A_78 = arith.muli %add3A_76, %mul3A_77 : i32
      %dma_start3A_79 = tpu.memref_slice %arg4[%mul3A_78] : memref<160000xi32, #tpu.memory_space<hbm>> -> memref<2000xi32, #tpu.memory_space<hbm>>
      %dma_start3A_80 = tpu.memref_slice %arg4[%mul3A_78] : memref<160000xi32, #tpu.memory_space<hbm>> -> memref<2000xi32, #tpu.memory_space<hbm>>
      tpu.enqueue_dma source(%dma_start3A_80 : memref<2000xi32, #tpu.memory_space<hbm>>) target(%arg10 : memref<2000xi32, #tpu.memory_space<vmem>>) target_semaphore(%arg25 : memref<!tpu.dma_semaphore, #tpu.memory_space<semaphore_mem>>)
      %add3A_81 = arith.constant 1 : i32
      %add3A_82 = arith.addi %mul3A_74, %add3A_81 : i32
      %mul3A_83 = arith.constant 2000 : i32
      %mul3A_84 = arith.muli %add3A_82, %mul3A_83 : i32
      %dma_start3A_85 = tpu.memref_slice %arg5[%mul3A_84] : memref<160000xi32, #tpu.memory_space<hbm>> -> memref<2000xi32, #tpu.memory_space<hbm>>
      %dma_start3A_86 = tpu.memref_slice %arg5[%mul3A_84] : memref<160000xi32, #tpu.memory_space<hbm>> -> memref<2000xi32, #tpu.memory_space<hbm>>
      tpu.enqueue_dma source(%dma_start3A_86 : memref<2000xi32, #tpu.memory_space<hbm>>) target(%arg11 : memref<2000xi32, #tpu.memory_space<vmem>>) target_semaphore(%arg26 : memref<!tpu.dma_semaphore, #tpu.memory_space<semaphore_mem>>)
      %dma_wait3A = arith.constant 0 : i32
      %dma_wait3A_87 = tpu.memref_slice %arg4[%dma_wait3A] : memref<160000xi32, #tpu.memory_space<hbm>> -> memref<2000xi32, #tpu.memory_space<hbm>>
      %dma_wait3A_88 = arith.constant 0 : i32
      %dma_wait3A_89 = tpu.memref_slice %arg4[%dma_wait3A_88] : memref<160000xi32, #tpu.memory_space<hbm>> -> memref<2000xi32, #tpu.memory_space<hbm>>
      tpu.wait_dma2 semaphore(%arg23 : memref<!tpu.dma_semaphore, #tpu.memory_space<semaphore_mem>>) src(%dma_wait3A_89 : memref<2000xi32, #tpu.memory_space<hbm>>) dst(%arg8 : memref<2000xi32, #tpu.memory_space<vmem>>)
      %dma_wait3A_90 = arith.constant 0 : i32
      %dma_wait3A_91 = tpu.memref_slice %arg5[%dma_wait3A_90] : memref<160000xi32, #tpu.memory_space<hbm>> -> memref<2000xi32, #tpu.memory_space<hbm>>
      %dma_wait3A_92 = arith.constant 0 : i32
      %dma_wait3A_93 = tpu.memref_slice %arg5[%dma_wait3A_92] : memref<160000xi32, #tpu.memory_space<hbm>> -> memref<2000xi32, #tpu.memory_space<hbm>>
      tpu.wait_dma2 semaphore(%arg24 : memref<!tpu.dma_semaphore, #tpu.memory_space<semaphore_mem>>) src(%dma_wait3A_93 : memref<2000xi32, #tpu.memory_space<hbm>>) dst(%arg9 : memref<2000xi32, #tpu.memory_space<vmem>>)
      %scan3A_94 = arith.constant 0 : i32
      %scan3A_95 = arith.constant 125 : i32
      %scan3A_96 = arith.addi %scan3A_94, %scan3A_95 : i32
      %scan3A_97 = arith.constant 1 : i32
      %scan3A_98 = scf.for %scan3A_158 = %scan3A_94 to %scan3A_96 step %scan3A_97 iter_args(%scan3A_159 = %scan3A_71) -> (i32)  : i32 {
        %mul3A_160 = arith.constant 16 : i32
        %mul3A_161 = arith.muli %scan3A_158, %mul3A_160 : i32
        %get3A = arith.index_cast %mul3A_161 : i32 to index
        %get3A_162 = tpu.vector_load %arg9[%get3A] {strides = array<i32>} : memref<2000xi32, #tpu.memory_space<vmem>>, vector<16xi32>,
        %mul3A_163 = arith.constant 16 : i32
        %mul3A_164 = arith.muli %scan3A_158, %mul3A_163 : i32
        %get3A_165 = arith.index_cast %mul3A_164 : i32 to index
        %get3A_166 = tpu.vector_load %arg8[%get3A_165] {strides = array<i32>} : memref<2000xi32, #tpu.memory_space<vmem>>, vector<16xi32>,
        %ge3A_167 = vector.broadcast %mul3A_4 : i32 to vector<16xi32>
        %ge3A_168 = arith.cmpi sge, %get3A_162, %ge3A_167 : vector<16xi32>
        %add3A_169 = arith.constant 320 : i32
        %add3A_170 = arith.addi %mul3A_4, %add3A_169 : i32
        %lt3A_171 = vector.broadcast %add3A_170 : i32 to vector<16xi32>
        %lt3A_172 = arith.cmpi slt, %get3A_162, %lt3A_171 : vector<16xi32>
        %and3A_173 = arith.andi %ge3A_168, %lt3A_172 : vector<16xi1>
        %swap3A_174 = arith.index_cast %scan3A_159 : i32 to index
        %swap3A_175 = tpu.vector_load %arg12[%swap3A_174] masked %and3A_173 {strides = array<i32>} : memref<2304xi32, #tpu.memory_space<vmem>>, vector<16xi32>, vector<16xi1>
        tpu.vector_store %arg12[%swap3A_174], %get3A_166 masked %and3A_173 {strides = array<i32>} : memref<2304xi32, #tpu.memory_space<vmem>>, vector<16xi32>, vector<16xi1>
        %swap3A_176 = arith.index_cast %scan3A_159 : i32 to index
        %swap3A_177 = tpu.vector_load %arg13[%swap3A_176] masked %and3A_173 {strides = array<i32>} : memref<2304xi32, #tpu.memory_space<vmem>>, vector<16xi32>, vector<16xi1>
        tpu.vector_store %arg13[%swap3A_176], %get3A_162 masked %and3A_173 {strides = array<i32>} : memref<2304xi32, #tpu.memory_space<vmem>>, vector<16xi32>, vector<16xi1>
        %convert_element_type3A_178 = arith.extui %and3A_173 : vector<16xi1> to vector<16xi32>
        %reduce_sum3A = arith.constant true
        %reduce_sum3A_179 = vector.broadcast %reduce_sum3A : i1 to vector<16xi1>
        %reduce_sum3A_180 = tpu.scan <sum>, %convert_element_type3A_178 masked %reduce_sum3A_179 : vector<16xi32>, vector<16xi1> -> vector<16xi32>
        %reduce_sum3A_181 = vector.extract %reduce_sum3A_180[15] : i32 from vector<16xi32>
        %add3A_182 = arith.addi %scan3A_159, %reduce_sum3A_181 : i32
        scf.yield %add3A_182 : i32
      }
      %scan3A_99 = arith.constant 125 : i32
      %eq3A_100 = arith.constant 1 : i32
      %eq3A_101 = arith.cmpi eq, %scan3A_72, %eq3A_100 : i32
      %convert_element_type3A_102 = arith.extui %eq3A_101 : i1 to i32
      %cond3A_103 = arith.constant 0 : i32
      %cond3A_104 = arith.cmpi ne, %convert_element_type3A_102, %cond3A_103 : i32
      scf.if %cond3A_104 {
        %dma_wait3A_158 = arith.constant 0 : i32
        %dma_wait3A_159 = arith.constant 0 : i32
        %dma_wait3A_160 = tpu.memref_slice %arg2[%dma_wait3A_158, %dma_wait3A_159] : memref<50000x128xi32, #tpu.memory_space<hbm>> -> memref<50000x128xi32, #tpu.memory_space<hbm>>
        tpu.wait_indirect_dma semaphore(%arg21 : memref<!tpu.dma_semaphore, #tpu.memory_space<semaphore_mem>>) src(%dma_wait3A_160 : memref<50000x128xi32, #tpu.memory_space<hbm>>) dst(%arg16 : memref<64x128xi32, #tpu.memory_space<vmem>>)
        %dma_wait3A_161 = arith.constant 0 : i32
        %dma_wait3A_162 = arith.constant 0 : i32
        %dma_wait3A_163 = tpu.memref_slice %arg3[%dma_wait3A_161, %dma_wait3A_162] : memref<10000x128xi32, #tpu.memory_space<hbm>> -> memref<10000x128xi32, #tpu.memory_space<hbm>>
        tpu.wait_indirect_dma semaphore(%arg22 : memref<!tpu.dma_semaphore, #tpu.memory_space<semaphore_mem>>) src(%dma_wait3A_163 : memref<10000x128xi32, #tpu.memory_space<hbm>>) dst(%arg17 : memref<64x128xi32, #tpu.memory_space<vmem>>)
        %scan3A_164 = arith.constant 0 : i32
        %scan3A_165 = arith.constant 0 : i32
        %scan3A_166 = arith.constant 64 : i32
        %scan3A_167 = arith.addi %scan3A_165, %scan3A_166 : i32
        %scan3A_168 = arith.constant 1 : i32
        %scan3A_169 = scf.for %scan3A_171 = %scan3A_165 to %scan3A_167 step %scan3A_168 iter_args(%scan3A_172 = %scan3A_164) -> (i32)  : i32 {
          %broadcast_in_dim3A_173 = vector.broadcast %scan3A_171 : i32 to vector<16xi32>
          %gather3A = tpu.vector_load_idx %arg15[%broadcast_in_dim3A_173] : memref<64xi32, #tpu.memory_space<vmem>>[vector<16xi32>], vector<16xi32>,
          %sub3A_174 = vector.broadcast %mul3A_4 : i32 to vector<16xi32>
          %sub3A_175 = arith.subi %gather3A, %sub3A_174 : vector<16xi32>
          %get3A = arith.index_cast %scan3A_171 : i32 to index
          %get3A_176 = arith.constant 0 : index
          %get3A_177 = tpu.vector_load %arg16[%get3A, %get3A_176] {strides = array<i32>} : memref<64x128xi32, #tpu.memory_space<vmem>>, vector<16xi32>,
          %bitcast3A = vector.bitcast %get3A_177 : vector<16xi32> to vector<32xbf16>
          %unpack3A = tpu.unpack_subelements %bitcast3A, 0 {pack_format = #tpu.pack_format<interleaved>} : vector<32xbf16> -> vector<16xf32>
          %unpack3A_178 = tpu.unpack_subelements %bitcast3A, 1 {pack_format = #tpu.pack_format<interleaved>} : vector<32xbf16> -> vector<16xf32>
          %get3A_179 = arith.index_cast %scan3A_171 : i32 to index
          %get3A_180 = arith.constant 0 : index
          %get3A_181 = tpu.vector_load %arg17[%get3A_179, %get3A_180] {strides = array<i32>} : memref<64x128xi32, #tpu.memory_space<vmem>>, vector<16xi32>,
          %bitcast3A_182 = vector.bitcast %get3A_181 : vector<16xi32> to vector<32xbf16>
          %unpack3A_183 = tpu.unpack_subelements %bitcast3A_182, 0 {pack_format = #tpu.pack_format<interleaved>} : vector<32xbf16> -> vector<16xf32>
          %unpack3A_184 = tpu.unpack_subelements %bitcast3A_182, 1 {pack_format = #tpu.pack_format<interleaved>} : vector<32xbf16> -> vector<16xf32>
          %mul3A_185 = arith.mulf %unpack3A, %unpack3A_183 : vector<16xf32>
          %mul3A_186 = arith.mulf %unpack3A_178, %unpack3A_184 : vector<16xf32>
          %add3A_187 = arith.addf %mul3A_185, %mul3A_186 : vector<16xf32>
          %get3A_188 = arith.index_cast %scan3A_171 : i32 to index
          %get3A_189 = arith.constant 16 : index
          %get3A_190 = tpu.vector_load %arg16[%get3A_188, %get3A_189] {strides = array<i32>} : memref<64x128xi32, #tpu.memory_space<vmem>>, vector<16xi32>,
          %bitcast3A_191 = vector.bitcast %get3A_190 : vector<16xi32> to vector<32xbf16>
          %unpack3A_192 = tpu.unpack_subelements %bitcast3A_191, 0 {pack_format = #tpu.pack_format<interleaved>} : vector<32xbf16> -> vector<16xf32>
          %unpack3A_193 = tpu.unpack_subelements %bitcast3A_191, 1 {pack_format = #tpu.pack_format<interleaved>} : vector<32xbf16> -> vector<16xf32>
          %get3A_194 = arith.index_cast %scan3A_171 : i32 to index
          %get3A_195 = arith.constant 16 : index
          %get3A_196 = tpu.vector_load %arg17[%get3A_194, %get3A_195] {strides = array<i32>} : memref<64x128xi32, #tpu.memory_space<vmem>>, vector<16xi32>,
          %bitcast3A_197 = vector.bitcast %get3A_196 : vector<16xi32> to vector<32xbf16>
          %unpack3A_198 = tpu.unpack_subelements %bitcast3A_197, 0 {pack_format = #tpu.pack_format<interleaved>} : vector<32xbf16> -> vector<16xf32>
          %unpack3A_199 = tpu.unpack_subelements %bitcast3A_197, 1 {pack_format = #tpu.pack_format<interleaved>} : vector<32xbf16> -> vector<16xf32>
          %mul3A_200 = arith.mulf %unpack3A_192, %unpack3A_198 : vector<16xf32>
          %mul3A_201 = arith.mulf %unpack3A_193, %unpack3A_199 : vector<16xf32>
          %add3A_202 = arith.addf %mul3A_200, %mul3A_201 : vector<16xf32>
          %add3A_203 = arith.addf %add3A_187, %add3A_202 : vector<16xf32>
          %get3A_204 = arith.index_cast %scan3A_171 : i32 to index
          %get3A_205 = arith.constant 32 : index
          %get3A_206 = tpu.vector_load %arg16[%get3A_204, %get3A_205] {strides = array<i32>} : memref<64x128xi32, #tpu.memory_space<vmem>>, vector<16xi32>,
          %bitcast3A_207 = vector.bitcast %get3A_206 : vector<16xi32> to vector<32xbf16>
          %unpack3A_208 = tpu.unpack_subelements %bitcast3A_207, 0 {pack_format = #tpu.pack_format<interleaved>} : vector<32xbf16> -> vector<16xf32>
          %unpack3A_209 = tpu.unpack_subelements %bitcast3A_207, 1 {pack_format = #tpu.pack_format<interleaved>} : vector<32xbf16> -> vector<16xf32>
          %get3A_210 = arith.index_cast %scan3A_171 : i32 to index
          %get3A_211 = arith.constant 32 : index
          %get3A_212 = tpu.vector_load %arg17[%get3A_210, %get3A_211] {strides = array<i32>} : memref<64x128xi32, #tpu.memory_space<vmem>>, vector<16xi32>,
          %bitcast3A_213 = vector.bitcast %get3A_212 : vector<16xi32> to vector<32xbf16>
          %unpack3A_214 = tpu.unpack_subelements %bitcast3A_213, 0 {pack_format = #tpu.pack_format<interleaved>} : vector<32xbf16> -> vector<16xf32>
          %unpack3A_215 = tpu.unpack_subelements %bitcast3A_213, 1 {pack_format = #tpu.pack_format<interleaved>} : vector<32xbf16> -> vector<16xf32>
          %mul3A_216 = arith.mulf %unpack3A_208, %unpack3A_214 : vector<16xf32>
          %mul3A_217 = arith.mulf %unpack3A_209, %unpack3A_215 : vector<16xf32>
          %add3A_218 = arith.addf %mul3A_216, %mul3A_217 : vector<16xf32>
          %add3A_219 = arith.addf %add3A_203, %add3A_218 : vector<16xf32>
          %get3A_220 = arith.index_cast %scan3A_171 : i32 to index
          %get3A_221 = arith.constant 48 : index
          %get3A_222 = tpu.vector_load %arg16[%get3A_220, %get3A_221] {strides = array<i32>} : memref<64x128xi32, #tpu.memory_space<vmem>>, vector<16xi32>,
          %bitcast3A_223 = vector.bitcast %get3A_222 : vector<16xi32> to vector<32xbf16>
          %unpack3A_224 = tpu.unpack_subelements %bitcast3A_223, 0 {pack_format = #tpu.pack_format<interleaved>} : vector<32xbf16> -> vector<16xf32>
          %unpack3A_225 = tpu.unpack_subelements %bitcast3A_223, 1 {pack_format = #tpu.pack_format<interleaved>} : vector<32xbf16> -> vector<16xf32>
          %get3A_226 = arith.index_cast %scan3A_171 : i32 to index
          %get3A_227 = arith.constant 48 : index
          %get3A_228 = tpu.vector_load %arg17[%get3A_226, %get3A_227] {strides = array<i32>} : memref<64x128xi32, #tpu.memory_space<vmem>>, vector<16xi32>,
          %bitcast3A_229 = vector.bitcast %get3A_228 : vector<16xi32> to vector<32xbf16>
          %unpack3A_230 = tpu.unpack_subelements %bitcast3A_229, 0 {pack_format = #tpu.pack_format<interleaved>} : vector<32xbf16> -> vector<16xf32>
          %unpack3A_231 = tpu.unpack_subelements %bitcast3A_229, 1 {pack_format = #tpu.pack_format<interleaved>} : vector<32xbf16> -> vector<16xf32>
          %mul3A_232 = arith.mulf %unpack3A_224, %unpack3A_230 : vector<16xf32>
          %mul3A_233 = arith.mulf %unpack3A_225, %unpack3A_231 : vector<16xf32>
          %add3A_234 = arith.addf %mul3A_232, %mul3A_233 : vector<16xf32>
          %add3A_235 = arith.addf %add3A_219, %add3A_234 : vector<16xf32>
          %get3A_236 = arith.index_cast %scan3A_171 : i32 to index
          %get3A_237 = arith.constant 64 : index
          %get3A_238 = tpu.vector_load %arg16[%get3A_236, %get3A_237] {strides = array<i32>} : memref<64x128xi32, #tpu.memory_space<vmem>>, vector<16xi32>,
          %bitcast3A_239 = vector.bitcast %get3A_238 : vector<16xi32> to vector<32xbf16>
          %unpack3A_240 = tpu.unpack_subelements %bitcast3A_239, 0 {pack_format = #tpu.pack_format<interleaved>} : vector<32xbf16> -> vector<16xf32>
          %unpack3A_241 = tpu.unpack_subelements %bitcast3A_239, 1 {pack_format = #tpu.pack_format<interleaved>} : vector<32xbf16> -> vector<16xf32>
          %get3A_242 = arith.index_cast %scan3A_171 : i32 to index
          %get3A_243 = arith.constant 64 : index
          %get3A_244 = tpu.vector_load %arg17[%get3A_242, %get3A_243] {strides = array<i32>} : memref<64x128xi32, #tpu.memory_space<vmem>>, vector<16xi32>,
          %bitcast3A_245 = vector.bitcast %get3A_244 : vector<16xi32> to vector<32xbf16>
          %unpack3A_246 = tpu.unpack_subelements %bitcast3A_245, 0 {pack_format = #tpu.pack_format<interleaved>} : vector<32xbf16> -> vector<16xf32>
          %unpack3A_247 = tpu.unpack_subelements %bitcast3A_245, 1 {pack_format = #tpu.pack_format<interleaved>} : vector<32xbf16> -> vector<16xf32>
          %mul3A_248 = arith.mulf %unpack3A_240, %unpack3A_246 : vector<16xf32>
          %mul3A_249 = arith.mulf %unpack3A_241, %unpack3A_247 : vector<16xf32>
          %add3A_250 = arith.addf %mul3A_248, %mul3A_249 : vector<16xf32>
          %add3A_251 = arith.addf %add3A_235, %add3A_250 : vector<16xf32>
          %get3A_252 = arith.index_cast %scan3A_171 : i32 to index
          %get3A_253 = arith.constant 80 : index
          %get3A_254 = tpu.vector_load %arg16[%get3A_252, %get3A_253] {strides = array<i32>} : memref<64x128xi32, #tpu.memory_space<vmem>>, vector<16xi32>,
          %bitcast3A_255 = vector.bitcast %get3A_254 : vector<16xi32> to vector<32xbf16>
          %unpack3A_256 = tpu.unpack_subelements %bitcast3A_255, 0 {pack_format = #tpu.pack_format<interleaved>} : vector<32xbf16> -> vector<16xf32>
          %unpack3A_257 = tpu.unpack_subelements %bitcast3A_255, 1 {pack_format = #tpu.pack_format<interleaved>} : vector<32xbf16> -> vector<16xf32>
          %get3A_258 = arith.index_cast %scan3A_171 : i32 to index
          %get3A_259 = arith.constant 80 : index
          %get3A_260 = tpu.vector_load %arg17[%get3A_258, %get3A_259] {strides = array<i32>} : memref<64x128xi32, #tpu.memory_space<vmem>>, vector<16xi32>,
          %bitcast3A_261 = vector.bitcast %get3A_260 : vector<16xi32> to vector<32xbf16>
          %unpack3A_262 = tpu.unpack_subelements %bitcast3A_261, 0 {pack_format = #tpu.pack_format<interleaved>} : vector<32xbf16> -> vector<16xf32>
          %unpack3A_263 = tpu.unpack_subelements %bitcast3A_261, 1 {pack_format = #tpu.pack_format<interleaved>} : vector<32xbf16> -> vector<16xf32>
          %mul3A_264 = arith.mulf %unpack3A_256, %unpack3A_262 : vector<16xf32>
          %mul3A_265 = arith.mulf %unpack3A_257, %unpack3A_263 : vector<16xf32>
          %add3A_266 = arith.addf %mul3A_264, %mul3A_265 : vector<16xf32>
          %add3A_267 = arith.addf %add3A_251, %add3A_266 : vector<16xf32>
          %get3A_268 = arith.index_cast %scan3A_171 : i32 to index
          %get3A_269 = arith.constant 96 : index
          %get3A_270 = tpu.vector_load %arg16[%get3A_268, %get3A_269] {strides = array<i32>} : memref<64x128xi32, #tpu.memory_space<vmem>>, vector<16xi32>,
          %bitcast3A_271 = vector.bitcast %get3A_270 : vector<16xi32> to vector<32xbf16>
          %unpack3A_272 = tpu.unpack_subelements %bitcast3A_271, 0 {pack_format = #tpu.pack_format<interleaved>} : vector<32xbf16> -> vector<16xf32>
          %unpack3A_273 = tpu.unpack_subelements %bitcast3A_271, 1 {pack_format = #tpu.pack_format<interleaved>} : vector<32xbf16> -> vector<16xf32>
          %get3A_274 = arith.index_cast %scan3A_171 : i32 to index
          %get3A_275 = arith.constant 96 : index
          %get3A_276 = tpu.vector_load %arg17[%get3A_274, %get3A_275] {strides = array<i32>} : memref<64x128xi32, #tpu.memory_space<vmem>>, vector<16xi32>,
          %bitcast3A_277 = vector.bitcast %get3A_276 : vector<16xi32> to vector<32xbf16>
          %unpack3A_278 = tpu.unpack_subelements %bitcast3A_277, 0 {pack_format = #tpu.pack_format<interleaved>} : vector<32xbf16> -> vector<16xf32>
          %unpack3A_279 = tpu.unpack_subelements %bitcast3A_277, 1 {pack_format = #tpu.pack_format<interleaved>} : vector<32xbf16> -> vector<16xf32>
          %mul3A_280 = arith.mulf %unpack3A_272, %unpack3A_278 : vector<16xf32>
          %mul3A_281 = arith.mulf %unpack3A_273, %unpack3A_279 : vector<16xf32>
          %add3A_282 = arith.addf %mul3A_280, %mul3A_281 : vector<16xf32>
          %add3A_283 = arith.addf %add3A_267, %add3A_282 : vector<16xf32>
          %get3A_284 = arith.index_cast %scan3A_171 : i32 to index
          %get3A_285 = arith.constant 112 : index
          %get3A_286 = tpu.vector_load %arg16[%get3A_284, %get3A_285] {strides = array<i32>} : memref<64x128xi32, #tpu.memory_space<vmem>>, vector<16xi32>,
          %bitcast3A_287 = vector.bitcast %get3A_286 : vector<16xi32> to vector<32xbf16>
          %unpack3A_288 = tpu.unpack_subelements %bitcast3A_287, 0 {pack_format = #tpu.pack_format<interleaved>} : vector<32xbf16> -> vector<16xf32>
          %unpack3A_289 = tpu.unpack_subelements %bitcast3A_287, 1 {pack_format = #tpu.pack_format<interleaved>} : vector<32xbf16> -> vector<16xf32>
          %get3A_290 = arith.index_cast %scan3A_171 : i32 to index
          %get3A_291 = arith.constant 112 : index
          %get3A_292 = tpu.vector_load %arg17[%get3A_290, %get3A_291] {strides = array<i32>} : memref<64x128xi32, #tpu.memory_space<vmem>>, vector<16xi32>,
          %bitcast3A_293 = vector.bitcast %get3A_292 : vector<16xi32> to vector<32xbf16>
          %unpack3A_294 = tpu.unpack_subelements %bitcast3A_293, 0 {pack_format = #tpu.pack_format<interleaved>} : vector<32xbf16> -> vector<16xf32>
          %unpack3A_295 = tpu.unpack_subelements %bitcast3A_293, 1 {pack_format = #tpu.pack_format<interleaved>} : vector<32xbf16> -> vector<16xf32>
          %mul3A_296 = arith.mulf %unpack3A_288, %unpack3A_294 : vector<16xf32>
          %mul3A_297 = arith.mulf %unpack3A_289, %unpack3A_295 : vector<16xf32>
          %add3A_298 = arith.addf %mul3A_296, %mul3A_297 : vector<16xf32>
          %add3A_299 = arith.addf %add3A_283, %add3A_298 : vector<16xf32>
          %broadcast_in_dim3A_300 = arith.constant true
          %broadcast_in_dim3A_301 = vector.broadcast %broadcast_in_dim3A_300 : i1 to vector<16xi1>
          %masked_cumsum3A = tpu.scan <sum>, %add3A_299 masked %broadcast_in_dim3A_301 : vector<16xf32>, vector<16xi1> -> vector<16xf32>
          %exp3A = math.exp %masked_cumsum3A : vector<16xf32>
          %lt3A_302 = arith.constant 64 : i32
          %lt3A_303 = arith.cmpi slt, %scan3A_171, %lt3A_302 : i32
          %jit3A_304 = arith.constant 1.000000e+00 : f32
          %jit3A_305 = arith.constant 0.000000e+00 : f32
          %select_n3A_306 = arith.select %lt3A_303, %jit3A_304, %jit3A_305 : f32
          %mul3A_307 = vector.broadcast %select_n3A_306 : f32 to vector<16xf32>
          %mul3A_308 = arith.mulf %exp3A, %mul3A_307 : vector<16xf32>
          %get3A_309 = arith.constant 0 : index
          %get3A_310 = tpu.vector_load %arg20[%get3A_309] {strides = array<i32>} : memref<16xf32, #tpu.memory_space<vmem>>, vector<16xf32>,
          %jit3A_311 = arith.constant 0.000000e+00 : f32
          %broadcast_in_dim3A_312 = vector.broadcast %jit3A_311 : f32 to vector<16xf32>
          %select_n3A_313 = arith.select %eq3A_2, %mul3A_308, %broadcast_in_dim3A_312 : vector<16xi1>, vector<16xf32>
          %add3A_314 = arith.addf %get3A_310, %select_n3A_313 : vector<16xf32>
          %swap3A_315 = arith.constant 0 : index
          %swap3A_316 = tpu.vector_load %arg20[%swap3A_315] {strides = array<i32>} : memref<16xf32, #tpu.memory_space<vmem>>, vector<16xf32>,
          tpu.vector_store %arg20[%swap3A_315], %add3A_314 {strides = array<i32>} : memref<16xf32, #tpu.memory_space<vmem>>, vector<16xf32>,
          %swap3A_317 = arith.constant 0 : index
          %swap3A_318 = tpu.vector_load %arg19[%swap3A_317] {strides = array<i32>} : memref<16xf32, #tpu.memory_space<vmem>>, vector<16xf32>,
          tpu.vector_store %arg19[%swap3A_317], %mul3A_308 {strides = array<i32>} : memref<16xf32, #tpu.memory_space<vmem>>, vector<16xf32>,
          %broadcast_in_dim3A_319 = arith.constant 15 : i32
          %broadcast_in_dim3A_320 = vector.broadcast %broadcast_in_dim3A_319 : i32 to vector<16xi32>
          %gather3A_321 = tpu.vector_load_idx %arg19[%broadcast_in_dim3A_320] : memref<16xf32, #tpu.memory_space<vmem>>[vector<16xi32>], vector<16xf32>,
          %add3A_322 = arith.constant 0 : i32
          %add3A_323 = vector.broadcast %add3A_322 : i32 to vector<16xi32>
          %add3A_324 = arith.addi %iota3A, %add3A_323 : vector<16xi32>
          %mul3A_325 = arith.mulf %unpack3A, %gather3A_321 : vector<16xf32>
          tpu.vector_store_idx %arg18[%sub3A_175, %add3A_324], %mul3A_325 {add = true} : memref<320x256xf32, #tpu.memory_space<vmem>>[vector<16xi32>, vector<16xi32>], vector<16xf32>,
          %add3A_326 = arith.constant 0 : i32
          %add3A_327 = vector.broadcast %add3A_326 : i32 to vector<16xi32>
          %add3A_328 = arith.addi %iota3A, %add3A_327 : vector<16xi32>
          %add3A_329 = arith.constant 128 : i32
          %add3A_330 = vector.broadcast %add3A_329 : i32 to vector<16xi32>
          %add3A_331 = arith.addi %add3A_328, %add3A_330 : vector<16xi32>
          %mul3A_332 = arith.mulf %unpack3A_178, %gather3A_321 : vector<16xf32>
          tpu.vector_store_idx %arg18[%sub3A_175, %add3A_331], %mul3A_332 {add = true} : memref<320x256xf32, #tpu.memory_space<vmem>>[vector<16xi32>, vector<16xi32>], vector<16xf32>,
          %add3A_333 = arith.constant 16 : i32
          %add3A_334 = vector.broadcast %add3A_333 : i32 to vector<16xi32>
          %add3A_335 = arith.addi %iota3A, %add3A_334 : vector<16xi32>
          %mul3A_336 = arith.mulf %unpack3A_192, %gather3A_321 : vector<16xf32>
          tpu.vector_store_idx %arg18[%sub3A_175, %add3A_335], %mul3A_336 {add = true} : memref<320x256xf32, #tpu.memory_space<vmem>>[vector<16xi32>, vector<16xi32>], vector<16xf32>,
          %add3A_337 = arith.constant 16 : i32
          %add3A_338 = vector.broadcast %add3A_337 : i32 to vector<16xi32>
          %add3A_339 = arith.addi %iota3A, %add3A_338 : vector<16xi32>
          %add3A_340 = arith.constant 128 : i32
          %add3A_341 = vector.broadcast %add3A_340 : i32 to vector<16xi32>
          %add3A_342 = arith.addi %add3A_339, %add3A_341 : vector<16xi32>
          %mul3A_343 = arith.mulf %unpack3A_193, %gather3A_321 : vector<16xf32>
          tpu.vector_store_idx %arg18[%sub3A_175, %add3A_342], %mul3A_343 {add = true} : memref<320x256xf32, #tpu.memory_space<vmem>>[vector<16xi32>, vector<16xi32>], vector<16xf32>,
          %add3A_344 = arith.constant 32 : i32
          %add3A_345 = vector.broadcast %add3A_344 : i32 to vector<16xi32>
          %add3A_346 = arith.addi %iota3A, %add3A_345 : vector<16xi32>
          %mul3A_347 = arith.mulf %unpack3A_208, %gather3A_321 : vector<16xf32>
          tpu.vector_store_idx %arg18[%sub3A_175, %add3A_346], %mul3A_347 {add = true} : memref<320x256xf32, #tpu.memory_space<vmem>>[vector<16xi32>, vector<16xi32>], vector<16xf32>,
          %add3A_348 = arith.constant 32 : i32
          %add3A_349 = vector.broadcast %add3A_348 : i32 to vector<16xi32>
          %add3A_350 = arith.addi %iota3A, %add3A_349 : vector<16xi32>
          %add3A_351 = arith.constant 128 : i32
          %add3A_352 = vector.broadcast %add3A_351 : i32 to vector<16xi32>
          %add3A_353 = arith.addi %add3A_350, %add3A_352 : vector<16xi32>
          %mul3A_354 = arith.mulf %unpack3A_209, %gather3A_321 : vector<16xf32>
          tpu.vector_store_idx %arg18[%sub3A_175, %add3A_353], %mul3A_354 {add = true} : memref<320x256xf32, #tpu.memory_space<vmem>>[vector<16xi32>, vector<16xi32>], vector<16xf32>,
          %add3A_355 = arith.constant 48 : i32
          %add3A_356 = vector.broadcast %add3A_355 : i32 to vector<16xi32>
          %add3A_357 = arith.addi %iota3A, %add3A_356 : vector<16xi32>
          %mul3A_358 = arith.mulf %unpack3A_224, %gather3A_321 : vector<16xf32>
          tpu.vector_store_idx %arg18[%sub3A_175, %add3A_357], %mul3A_358 {add = true} : memref<320x256xf32, #tpu.memory_space<vmem>>[vector<16xi32>, vector<16xi32>], vector<16xf32>,
          %add3A_359 = arith.constant 48 : i32
          %add3A_360 = vector.broadcast %add3A_359 : i32 to vector<16xi32>
          %add3A_361 = arith.addi %iota3A, %add3A_360 : vector<16xi32>
          %add3A_362 = arith.constant 128 : i32
          %add3A_363 = vector.broadcast %add3A_362 : i32 to vector<16xi32>
          %add3A_364 = arith.addi %add3A_361, %add3A_363 : vector<16xi32>
          %mul3A_365 = arith.mulf %unpack3A_225, %gather3A_321 : vector<16xf32>
          tpu.vector_store_idx %arg18[%sub3A_175, %add3A_364], %mul3A_365 {add = true} : memref<320x256xf32, #tpu.memory_space<vmem>>[vector<16xi32>, vector<16xi32>], vector<16xf32>,
          %add3A_366 = arith.constant 64 : i32
          %add3A_367 = vector.broadcast %add3A_366 : i32 to vector<16xi32>
          %add3A_368 = arith.addi %iota3A, %add3A_367 : vector<16xi32>
          %mul3A_369 = arith.mulf %unpack3A_240, %gather3A_321 : vector<16xf32>
          tpu.vector_store_idx %arg18[%sub3A_175, %add3A_368], %mul3A_369 {add = true} : memref<320x256xf32, #tpu.memory_space<vmem>>[vector<16xi32>, vector<16xi32>], vector<16xf32>,
          %add3A_370 = arith.constant 64 : i32
          %add3A_371 = vector.broadcast %add3A_370 : i32 to vector<16xi32>
          %add3A_372 = arith.addi %iota3A, %add3A_371 : vector<16xi32>
          %add3A_373 = arith.constant 128 : i32
          %add3A_374 = vector.broadcast %add3A_373 : i32 to vector<16xi32>
          %add3A_375 = arith.addi %add3A_372, %add3A_374 : vector<16xi32>
          %mul3A_376 = arith.mulf %unpack3A_241, %gather3A_321 : vector<16xf32>
          tpu.vector_store_idx %arg18[%sub3A_175, %add3A_375], %mul3A_376 {add = true} : memref<320x256xf32, #tpu.memory_space<vmem>>[vector<16xi32>, vector<16xi32>], vector<16xf32>,
          %add3A_377 = arith.constant 80 : i32
          %add3A_378 = vector.broadcast %add3A_377 : i32 to vector<16xi32>
          %add3A_379 = arith.addi %iota3A, %add3A_378 : vector<16xi32>
          %mul3A_380 = arith.mulf %unpack3A_256, %gather3A_321 : vector<16xf32>
          tpu.vector_store_idx %arg18[%sub3A_175, %add3A_379], %mul3A_380 {add = true} : memref<320x256xf32, #tpu.memory_space<vmem>>[vector<16xi32>, vector<16xi32>], vector<16xf32>,
          %add3A_381 = arith.constant 80 : i32
          %add3A_382 = vector.broadcast %add3A_381 : i32 to vector<16xi32>
          %add3A_383 = arith.addi %iota3A, %add3A_382 : vector<16xi32>
          %add3A_384 = arith.constant 128 : i32
          %add3A_385 = vector.broadcast %add3A_384 : i32 to vector<16xi32>
          %add3A_386 = arith.addi %add3A_383, %add3A_385 : vector<16xi32>
          %mul3A_387 = arith.mulf %unpack3A_257, %gather3A_321 : vector<16xf32>
          tpu.vector_store_idx %arg18[%sub3A_175, %add3A_386], %mul3A_387 {add = true} : memref<320x256xf32, #tpu.memory_space<vmem>>[vector<16xi32>, vector<16xi32>], vector<16xf32>,
          %add3A_388 = arith.constant 96 : i32
          %add3A_389 = vector.broadcast %add3A_388 : i32 to vector<16xi32>
          %add3A_390 = arith.addi %iota3A, %add3A_389 : vector<16xi32>
          %mul3A_391 = arith.mulf %unpack3A_272, %gather3A_321 : vector<16xf32>
          tpu.vector_store_idx %arg18[%sub3A_175, %add3A_390], %mul3A_391 {add = true} : memref<320x256xf32, #tpu.memory_space<vmem>>[vector<16xi32>, vector<16xi32>], vector<16xf32>,
          %add3A_392 = arith.constant 96 : i32
          %add3A_393 = vector.broadcast %add3A_392 : i32 to vector<16xi32>
          %add3A_394 = arith.addi %iota3A, %add3A_393 : vector<16xi32>
          %add3A_395 = arith.constant 128 : i32
          %add3A_396 = vector.broadcast %add3A_395 : i32 to vector<16xi32>
          %add3A_397 = arith.addi %add3A_394, %add3A_396 : vector<16xi32>
          %mul3A_398 = arith.mulf %unpack3A_273, %gather3A_321 : vector<16xf32>
          tpu.vector_store_idx %arg18[%sub3A_175, %add3A_397], %mul3A_398 {add = true} : memref<320x256xf32, #tpu.memory_space<vmem>>[vector<16xi32>, vector<16xi32>], vector<16xf32>,
          %add3A_399 = arith.constant 112 : i32
          %add3A_400 = vector.broadcast %add3A_399 : i32 to vector<16xi32>
          %add3A_401 = arith.addi %iota3A, %add3A_400 : vector<16xi32>
          %mul3A_402 = arith.mulf %unpack3A_288, %gather3A_321 : vector<16xf32>
          tpu.vector_store_idx %arg18[%sub3A_175, %add3A_401], %mul3A_402 {add = true} : memref<320x256xf32, #tpu.memory_space<vmem>>[vector<16xi32>, vector<16xi32>], vector<16xf32>,
          %add3A_403 = arith.constant 112 : i32
          %add3A_404 = vector.broadcast %add3A_403 : i32 to vector<16xi32>
          %add3A_405 = arith.addi %iota3A, %add3A_404 : vector<16xi32>
          %add3A_406 = arith.constant 128 : i32
          %add3A_407 = vector.broadcast %add3A_406 : i32 to vector<16xi32>
          %add3A_408 = arith.addi %add3A_405, %add3A_407 : vector<16xi32>
          %mul3A_409 = arith.mulf %unpack3A_289, %gather3A_321 : vector<16xf32>
          tpu.vector_store_idx %arg18[%sub3A_175, %add3A_408], %mul3A_409 {add = true} : memref<320x256xf32, #tpu.memory_space<vmem>>[vector<16xi32>, vector<16xi32>], vector<16xf32>,
          %scan3A_410 = arith.constant 0 : i32
          scf.yield %scan3A_410 : i32
        }
        %scan3A_170 = arith.constant 64 : i32
      } else {
      }
      %while3A = scf.while (%while3A_158 = %scan3A_98) : (i32) -> i32 {
        %ge3A_159 = arith.constant 128 : i32
        %ge3A_160 = arith.cmpi sge, %while3A_158, %ge3A_159 : i32
        scf.condition(%ge3A_160) %while3A_158 : i32
      } do {
      ^bb0(%while3A_158: i32):
        %sub3A_159 = arith.constant 64 : i32
        %sub3A_160 = arith.subi %while3A_158, %sub3A_159 : i32
        %add3A_161 = arith.constant 0 : i32
        %add3A_162 = arith.addi %sub3A_160, %add3A_161 : i32
        %get3A = arith.index_cast %add3A_162 : i32 to index
        %get3A_163 = tpu.vector_load %arg12[%get3A] {strides = array<i32>} : memref<2304xi32, #tpu.memory_space<vmem>>, vector<16xi32>,
        %swap3A_164 = arith.constant 0 : index
        %swap3A_165 = tpu.vector_load %arg14[%swap3A_164] {strides = array<i32>} : memref<64xi32, #tpu.memory_space<vmem>>, vector<16xi32>,
        tpu.vector_store %arg14[%swap3A_164], %get3A_163 {strides = array<i32>} : memref<64xi32, #tpu.memory_space<vmem>>, vector<16xi32>,
        %add3A_166 = arith.constant 0 : i32
        %add3A_167 = arith.addi %sub3A_160, %add3A_166 : i32
        %get3A_168 = arith.index_cast %add3A_167 : i32 to index
        %get3A_169 = tpu.vector_load %arg13[%get3A_168] {strides = array<i32>} : memref<2304xi32, #tpu.memory_space<vmem>>, vector<16xi32>,
        %swap3A_170 = arith.constant 0 : index
        %swap3A_171 = tpu.vector_load %arg15[%swap3A_170] {strides = array<i32>} : memref<64xi32, #tpu.memory_space<vmem>>, vector<16xi32>,
        tpu.vector_store %arg15[%swap3A_170], %get3A_169 {strides = array<i32>} : memref<64xi32, #tpu.memory_space<vmem>>, vector<16xi32>,
        %add3A_172 = arith.constant 16 : i32
        %add3A_173 = arith.addi %sub3A_160, %add3A_172 : i32
        %get3A_174 = arith.index_cast %add3A_173 : i32 to index
        %get3A_175 = tpu.vector_load %arg12[%get3A_174] {strides = array<i32>} : memref<2304xi32, #tpu.memory_space<vmem>>, vector<16xi32>,
        %swap3A_176 = arith.constant 16 : index
        %swap3A_177 = tpu.vector_load %arg14[%swap3A_176] {strides = array<i32>} : memref<64xi32, #tpu.memory_space<vmem>>, vector<16xi32>,
        tpu.vector_store %arg14[%swap3A_176], %get3A_175 {strides = array<i32>} : memref<64xi32, #tpu.memory_space<vmem>>, vector<16xi32>,
        %add3A_178 = arith.constant 16 : i32
        %add3A_179 = arith.addi %sub3A_160, %add3A_178 : i32
        %get3A_180 = arith.index_cast %add3A_179 : i32 to index
        %get3A_181 = tpu.vector_load %arg13[%get3A_180] {strides = array<i32>} : memref<2304xi32, #tpu.memory_space<vmem>>, vector<16xi32>,
        %swap3A_182 = arith.constant 16 : index
        %swap3A_183 = tpu.vector_load %arg15[%swap3A_182] {strides = array<i32>} : memref<64xi32, #tpu.memory_space<vmem>>, vector<16xi32>,
        tpu.vector_store %arg15[%swap3A_182], %get3A_181 {strides = array<i32>} : memref<64xi32, #tpu.memory_space<vmem>>, vector<16xi32>,
        %add3A_184 = arith.constant 32 : i32
        %add3A_185 = arith.addi %sub3A_160, %add3A_184 : i32
        %get3A_186 = arith.index_cast %add3A_185 : i32 to index
        %get3A_187 = tpu.vector_load %arg12[%get3A_186] {strides = array<i32>} : memref<2304xi32, #tpu.memory_space<vmem>>, vector<16xi32>,
        %swap3A_188 = arith.constant 32 : index
        %swap3A_189 = tpu.vector_load %arg14[%swap3A_188] {strides = array<i32>} : memref<64xi32, #tpu.memory_space<vmem>>, vector<16xi32>,
        tpu.vector_store %arg14[%swap3A_188], %get3A_187 {strides = array<i32>} : memref<64xi32, #tpu.memory_space<vmem>>, vector<16xi32>,
        %add3A_190 = arith.constant 32 : i32
        %add3A_191 = arith.addi %sub3A_160, %add3A_190 : i32
        %get3A_192 = arith.index_cast %add3A_191 : i32 to index
        %get3A_193 = tpu.vector_load %arg13[%get3A_192] {strides = array<i32>} : memref<2304xi32, #tpu.memory_space<vmem>>, vector<16xi32>,
        %swap3A_194 = arith.constant 32 : index
        %swap3A_195 = tpu.vector_load %arg15[%swap3A_194] {strides = array<i32>} : memref<64xi32, #tpu.memory_space<vmem>>, vector<16xi32>,
        tpu.vector_store %arg15[%swap3A_194], %get3A_193 {strides = array<i32>} : memref<64xi32, #tpu.memory_space<vmem>>, vector<16xi32>,
        %add3A_196 = arith.constant 48 : i32
        %add3A_197 = arith.addi %sub3A_160, %add3A_196 : i32
        %get3A_198 = arith.index_cast %add3A_197 : i32 to index
        %get3A_199 = tpu.vector_load %arg12[%get3A_198] {strides = array<i32>} : memref<2304xi32, #tpu.memory_space<vmem>>, vector<16xi32>,
        %swap3A_200 = arith.constant 48 : index
        %swap3A_201 = tpu.vector_load %arg14[%swap3A_200] {strides = array<i32>} : memref<64xi32, #tpu.memory_space<vmem>>, vector<16xi32>,
        tpu.vector_store %arg14[%swap3A_200], %get3A_199 {strides = array<i32>} : memref<64xi32, #tpu.memory_space<vmem>>, vector<16xi32>,
        %add3A_202 = arith.constant 48 : i32
        %add3A_203 = arith.addi %sub3A_160, %add3A_202 : i32
        %get3A_204 = arith.index_cast %add3A_203 : i32 to index
        %get3A_205 = tpu.vector_load %arg13[%get3A_204] {strides = array<i32>} : memref<2304xi32, #tpu.memory_space<vmem>>, vector<16xi32>,
        %swap3A_206 = arith.constant 48 : index
        %swap3A_207 = tpu.vector_load %arg15[%swap3A_206] {strides = array<i32>} : memref<64xi32, #tpu.memory_space<vmem>>, vector<16xi32>,
        tpu.vector_store %arg15[%swap3A_206], %get3A_205 {strides = array<i32>} : memref<64xi32, #tpu.memory_space<vmem>>, vector<16xi32>,
        %dma_start3A_208 = arith.constant 0 : i32
        %dma_start3A_209 = arith.constant 0 : i32
        %dma_start3A_210 = tpu.memref_slice %arg2[%dma_start3A_208, %dma_start3A_209] : memref<50000x128xi32, #tpu.memory_space<hbm>> -> memref<50000x128xi32, #tpu.memory_space<hbm>>
        tpu.enqueue_indirect_dma source(%dma_start3A_210 : memref<50000x128xi32, #tpu.memory_space<hbm>>) target(%arg16 : memref<64x128xi32, #tpu.memory_space<vmem>>) offsets(%arg14 : memref<64xi32, #tpu.memory_space<vmem>>) semaphore(%arg21 : memref<!tpu.dma_semaphore, #tpu.memory_space<semaphore_mem>>)
        %dma_start3A_211 = arith.constant 0 : i32
        %dma_start3A_212 = arith.constant 0 : i32
        %dma_start3A_213 = tpu.memref_slice %arg3[%dma_start3A_211, %dma_start3A_212] : memref<10000x128xi32, #tpu.memory_space<hbm>> -> memref<10000x128xi32, #tpu.memory_space<hbm>>
        tpu.enqueue_indirect_dma source(%dma_start3A_213 : memref<10000x128xi32, #tpu.memory_space<hbm>>) target(%arg17 : memref<64x128xi32, #tpu.memory_space<vmem>>) offsets(%arg15 : memref<64xi32, #tpu.memory_space<vmem>>) semaphore(%arg22 : memref<!tpu.dma_semaphore, #tpu.memory_space<semaphore_mem>>)
        %dma_wait3A_214 = arith.constant 0 : i32
        %dma_wait3A_215 = arith.constant 0 : i32
        %dma_wait3A_216 = tpu.memref_slice %arg2[%dma_wait3A_214, %dma_wait3A_215] : memref<50000x128xi32, #tpu.memory_space<hbm>> -> memref<50000x128xi32, #tpu.memory_space<hbm>>
        tpu.wait_indirect_dma semaphore(%arg21 : memref<!tpu.dma_semaphore, #tpu.memory_space<semaphore_mem>>) src(%dma_wait3A_216 : memref<50000x128xi32, #tpu.memory_space<hbm>>) dst(%arg16 : memref<64x128xi32, #tpu.memory_space<vmem>>)
        %dma_wait3A_217 = arith.constant 0 : i32
        %dma_wait3A_218 = arith.constant 0 : i32
        %dma_wait3A_219 = tpu.memref_slice %arg3[%dma_wait3A_217, %dma_wait3A_218] : memref<10000x128xi32, #tpu.memory_space<hbm>> -> memref<10000x128xi32, #tpu.memory_space<hbm>>
        tpu.wait_indirect_dma semaphore(%arg22 : memref<!tpu.dma_semaphore, #tpu.memory_space<semaphore_mem>>) src(%dma_wait3A_219 : memref<10000x128xi32, #tpu.memory_space<hbm>>) dst(%arg17 : memref<64x128xi32, #tpu.memory_space<vmem>>)
        %scan3A_220 = arith.constant 0 : i32
        %scan3A_221 = arith.constant 0 : i32
        %scan3A_222 = arith.constant 64 : i32
        %scan3A_223 = arith.addi %scan3A_221, %scan3A_222 : i32
        %scan3A_224 = arith.constant 1 : i32
        %scan3A_225 = scf.for %scan3A_227 = %scan3A_221 to %scan3A_223 step %scan3A_224 iter_args(%scan3A_228 = %scan3A_220) -> (i32)  : i32 {
          %broadcast_in_dim3A_229 = vector.broadcast %scan3A_227 : i32 to vector<16xi32>
          %gather3A = tpu.vector_load_idx %arg15[%broadcast_in_dim3A_229] : memref<64xi32, #tpu.memory_space<vmem>>[vector<16xi32>], vector<16xi32>,
          %sub3A_230 = vector.broadcast %mul3A_4 : i32 to vector<16xi32>
          %sub3A_231 = arith.subi %gather3A, %sub3A_230 : vector<16xi32>
          %get3A_232 = arith.index_cast %scan3A_227 : i32 to index
          %get3A_233 = arith.constant 0 : index
          %get3A_234 = tpu.vector_load %arg16[%get3A_232, %get3A_233] {strides = array<i32>} : memref<64x128xi32, #tpu.memory_space<vmem>>, vector<16xi32>,
          %bitcast3A = vector.bitcast %get3A_234 : vector<16xi32> to vector<32xbf16>
          %unpack3A = tpu.unpack_subelements %bitcast3A, 0 {pack_format = #tpu.pack_format<interleaved>} : vector<32xbf16> -> vector<16xf32>
          %unpack3A_235 = tpu.unpack_subelements %bitcast3A, 1 {pack_format = #tpu.pack_format<interleaved>} : vector<32xbf16> -> vector<16xf32>
          %get3A_236 = arith.index_cast %scan3A_227 : i32 to index
          %get3A_237 = arith.constant 0 : index
          %get3A_238 = tpu.vector_load %arg17[%get3A_236, %get3A_237] {strides = array<i32>} : memref<64x128xi32, #tpu.memory_space<vmem>>, vector<16xi32>,
          %bitcast3A_239 = vector.bitcast %get3A_238 : vector<16xi32> to vector<32xbf16>
          %unpack3A_240 = tpu.unpack_subelements %bitcast3A_239, 0 {pack_format = #tpu.pack_format<interleaved>} : vector<32xbf16> -> vector<16xf32>
          %unpack3A_241 = tpu.unpack_subelements %bitcast3A_239, 1 {pack_format = #tpu.pack_format<interleaved>} : vector<32xbf16> -> vector<16xf32>
          %mul3A_242 = arith.mulf %unpack3A, %unpack3A_240 : vector<16xf32>
          %mul3A_243 = arith.mulf %unpack3A_235, %unpack3A_241 : vector<16xf32>
          %add3A_244 = arith.addf %mul3A_242, %mul3A_243 : vector<16xf32>
          %get3A_245 = arith.index_cast %scan3A_227 : i32 to index
          %get3A_246 = arith.constant 16 : index
          %get3A_247 = tpu.vector_load %arg16[%get3A_245, %get3A_246] {strides = array<i32>} : memref<64x128xi32, #tpu.memory_space<vmem>>, vector<16xi32>,
          %bitcast3A_248 = vector.bitcast %get3A_247 : vector<16xi32> to vector<32xbf16>
          %unpack3A_249 = tpu.unpack_subelements %bitcast3A_248, 0 {pack_format = #tpu.pack_format<interleaved>} : vector<32xbf16> -> vector<16xf32>
          %unpack3A_250 = tpu.unpack_subelements %bitcast3A_248, 1 {pack_format = #tpu.pack_format<interleaved>} : vector<32xbf16> -> vector<16xf32>
          %get3A_251 = arith.index_cast %scan3A_227 : i32 to index
          %get3A_252 = arith.constant 16 : index
          %get3A_253 = tpu.vector_load %arg17[%get3A_251, %get3A_252] {strides = array<i32>} : memref<64x128xi32, #tpu.memory_space<vmem>>, vector<16xi32>,
          %bitcast3A_254 = vector.bitcast %get3A_253 : vector<16xi32> to vector<32xbf16>
          %unpack3A_255 = tpu.unpack_subelements %bitcast3A_254, 0 {pack_format = #tpu.pack_format<interleaved>} : vector<32xbf16> -> vector<16xf32>
          %unpack3A_256 = tpu.unpack_subelements %bitcast3A_254, 1 {pack_format = #tpu.pack_format<interleaved>} : vector<32xbf16> -> vector<16xf32>
          %mul3A_257 = arith.mulf %unpack3A_249, %unpack3A_255 : vector<16xf32>
          %mul3A_258 = arith.mulf %unpack3A_250, %unpack3A_256 : vector<16xf32>
          %add3A_259 = arith.addf %mul3A_257, %mul3A_258 : vector<16xf32>
          %add3A_260 = arith.addf %add3A_244, %add3A_259 : vector<16xf32>
          %get3A_261 = arith.index_cast %scan3A_227 : i32 to index
          %get3A_262 = arith.constant 32 : index
          %get3A_263 = tpu.vector_load %arg16[%get3A_261, %get3A_262] {strides = array<i32>} : memref<64x128xi32, #tpu.memory_space<vmem>>, vector<16xi32>,
          %bitcast3A_264 = vector.bitcast %get3A_263 : vector<16xi32> to vector<32xbf16>
          %unpack3A_265 = tpu.unpack_subelements %bitcast3A_264, 0 {pack_format = #tpu.pack_format<interleaved>} : vector<32xbf16> -> vector<16xf32>
          %unpack3A_266 = tpu.unpack_subelements %bitcast3A_264, 1 {pack_format = #tpu.pack_format<interleaved>} : vector<32xbf16> -> vector<16xf32>
          %get3A_267 = arith.index_cast %scan3A_227 : i32 to index
          %get3A_268 = arith.constant 32 : index
          %get3A_269 = tpu.vector_load %arg17[%get3A_267, %get3A_268] {strides = array<i32>} : memref<64x128xi32, #tpu.memory_space<vmem>>, vector<16xi32>,
          %bitcast3A_270 = vector.bitcast %get3A_269 : vector<16xi32> to vector<32xbf16>
          %unpack3A_271 = tpu.unpack_subelements %bitcast3A_270, 0 {pack_format = #tpu.pack_format<interleaved>} : vector<32xbf16> -> vector<16xf32>
          %unpack3A_272 = tpu.unpack_subelements %bitcast3A_270, 1 {pack_format = #tpu.pack_format<interleaved>} : vector<32xbf16> -> vector<16xf32>
          %mul3A_273 = arith.mulf %unpack3A_265, %unpack3A_271 : vector<16xf32>
          %mul3A_274 = arith.mulf %unpack3A_266, %unpack3A_272 : vector<16xf32>
          %add3A_275 = arith.addf %mul3A_273, %mul3A_274 : vector<16xf32>
          %add3A_276 = arith.addf %add3A_260, %add3A_275 : vector<16xf32>
          %get3A_277 = arith.index_cast %scan3A_227 : i32 to index
          %get3A_278 = arith.constant 48 : index
          %get3A_279 = tpu.vector_load %arg16[%get3A_277, %get3A_278] {strides = array<i32>} : memref<64x128xi32, #tpu.memory_space<vmem>>, vector<16xi32>,
          %bitcast3A_280 = vector.bitcast %get3A_279 : vector<16xi32> to vector<32xbf16>
          %unpack3A_281 = tpu.unpack_subelements %bitcast3A_280, 0 {pack_format = #tpu.pack_format<interleaved>} : vector<32xbf16> -> vector<16xf32>
          %unpack3A_282 = tpu.unpack_subelements %bitcast3A_280, 1 {pack_format = #tpu.pack_format<interleaved>} : vector<32xbf16> -> vector<16xf32>
          %get3A_283 = arith.index_cast %scan3A_227 : i32 to index
          %get3A_284 = arith.constant 48 : index
          %get3A_285 = tpu.vector_load %arg17[%get3A_283, %get3A_284] {strides = array<i32>} : memref<64x128xi32, #tpu.memory_space<vmem>>, vector<16xi32>,
          %bitcast3A_286 = vector.bitcast %get3A_285 : vector<16xi32> to vector<32xbf16>
          %unpack3A_287 = tpu.unpack_subelements %bitcast3A_286, 0 {pack_format = #tpu.pack_format<interleaved>} : vector<32xbf16> -> vector<16xf32>
          %unpack3A_288 = tpu.unpack_subelements %bitcast3A_286, 1 {pack_format = #tpu.pack_format<interleaved>} : vector<32xbf16> -> vector<16xf32>
          %mul3A_289 = arith.mulf %unpack3A_281, %unpack3A_287 : vector<16xf32>
          %mul3A_290 = arith.mulf %unpack3A_282, %unpack3A_288 : vector<16xf32>
          %add3A_291 = arith.addf %mul3A_289, %mul3A_290 : vector<16xf32>
          %add3A_292 = arith.addf %add3A_276, %add3A_291 : vector<16xf32>
          %get3A_293 = arith.index_cast %scan3A_227 : i32 to index
          %get3A_294 = arith.constant 64 : index
          %get3A_295 = tpu.vector_load %arg16[%get3A_293, %get3A_294] {strides = array<i32>} : memref<64x128xi32, #tpu.memory_space<vmem>>, vector<16xi32>,
          %bitcast3A_296 = vector.bitcast %get3A_295 : vector<16xi32> to vector<32xbf16>
          %unpack3A_297 = tpu.unpack_subelements %bitcast3A_296, 0 {pack_format = #tpu.pack_format<interleaved>} : vector<32xbf16> -> vector<16xf32>
          %unpack3A_298 = tpu.unpack_subelements %bitcast3A_296, 1 {pack_format = #tpu.pack_format<interleaved>} : vector<32xbf16> -> vector<16xf32>
          %get3A_299 = arith.index_cast %scan3A_227 : i32 to index
          %get3A_300 = arith.constant 64 : index
          %get3A_301 = tpu.vector_load %arg17[%get3A_299, %get3A_300] {strides = array<i32>} : memref<64x128xi32, #tpu.memory_space<vmem>>, vector<16xi32>,
          %bitcast3A_302 = vector.bitcast %get3A_301 : vector<16xi32> to vector<32xbf16>
          %unpack3A_303 = tpu.unpack_subelements %bitcast3A_302, 0 {pack_format = #tpu.pack_format<interleaved>} : vector<32xbf16> -> vector<16xf32>
          %unpack3A_304 = tpu.unpack_subelements %bitcast3A_302, 1 {pack_format = #tpu.pack_format<interleaved>} : vector<32xbf16> -> vector<16xf32>
          %mul3A_305 = arith.mulf %unpack3A_297, %unpack3A_303 : vector<16xf32>
          %mul3A_306 = arith.mulf %unpack3A_298, %unpack3A_304 : vector<16xf32>
          %add3A_307 = arith.addf %mul3A_305, %mul3A_306 : vector<16xf32>
          %add3A_308 = arith.addf %add3A_292, %add3A_307 : vector<16xf32>
          %get3A_309 = arith.index_cast %scan3A_227 : i32 to index
          %get3A_310 = arith.constant 80 : index
          %get3A_311 = tpu.vector_load %arg16[%get3A_309, %get3A_310] {strides = array<i32>} : memref<64x128xi32, #tpu.memory_space<vmem>>, vector<16xi32>,
          %bitcast3A_312 = vector.bitcast %get3A_311 : vector<16xi32> to vector<32xbf16>
          %unpack3A_313 = tpu.unpack_subelements %bitcast3A_312, 0 {pack_format = #tpu.pack_format<interleaved>} : vector<32xbf16> -> vector<16xf32>
          %unpack3A_314 = tpu.unpack_subelements %bitcast3A_312, 1 {pack_format = #tpu.pack_format<interleaved>} : vector<32xbf16> -> vector<16xf32>
          %get3A_315 = arith.index_cast %scan3A_227 : i32 to index
          %get3A_316 = arith.constant 80 : index
          %get3A_317 = tpu.vector_load %arg17[%get3A_315, %get3A_316] {strides = array<i32>} : memref<64x128xi32, #tpu.memory_space<vmem>>, vector<16xi32>,
          %bitcast3A_318 = vector.bitcast %get3A_317 : vector<16xi32> to vector<32xbf16>
          %unpack3A_319 = tpu.unpack_subelements %bitcast3A_318, 0 {pack_format = #tpu.pack_format<interleaved>} : vector<32xbf16> -> vector<16xf32>
          %unpack3A_320 = tpu.unpack_subelements %bitcast3A_318, 1 {pack_format = #tpu.pack_format<interleaved>} : vector<32xbf16> -> vector<16xf32>
          %mul3A_321 = arith.mulf %unpack3A_313, %unpack3A_319 : vector<16xf32>
          %mul3A_322 = arith.mulf %unpack3A_314, %unpack3A_320 : vector<16xf32>
          %add3A_323 = arith.addf %mul3A_321, %mul3A_322 : vector<16xf32>
          %add3A_324 = arith.addf %add3A_308, %add3A_323 : vector<16xf32>
          %get3A_325 = arith.index_cast %scan3A_227 : i32 to index
          %get3A_326 = arith.constant 96 : index
          %get3A_327 = tpu.vector_load %arg16[%get3A_325, %get3A_326] {strides = array<i32>} : memref<64x128xi32, #tpu.memory_space<vmem>>, vector<16xi32>,
          %bitcast3A_328 = vector.bitcast %get3A_327 : vector<16xi32> to vector<32xbf16>
          %unpack3A_329 = tpu.unpack_subelements %bitcast3A_328, 0 {pack_format = #tpu.pack_format<interleaved>} : vector<32xbf16> -> vector<16xf32>
          %unpack3A_330 = tpu.unpack_subelements %bitcast3A_328, 1 {pack_format = #tpu.pack_format<interleaved>} : vector<32xbf16> -> vector<16xf32>
          %get3A_331 = arith.index_cast %scan3A_227 : i32 to index
          %get3A_332 = arith.constant 96 : index
          %get3A_333 = tpu.vector_load %arg17[%get3A_331, %get3A_332] {strides = array<i32>} : memref<64x128xi32, #tpu.memory_space<vmem>>, vector<16xi32>,
          %bitcast3A_334 = vector.bitcast %get3A_333 : vector<16xi32> to vector<32xbf16>
          %unpack3A_335 = tpu.unpack_subelements %bitcast3A_334, 0 {pack_format = #tpu.pack_format<interleaved>} : vector<32xbf16> -> vector<16xf32>
          %unpack3A_336 = tpu.unpack_subelements %bitcast3A_334, 1 {pack_format = #tpu.pack_format<interleaved>} : vector<32xbf16> -> vector<16xf32>
          %mul3A_337 = arith.mulf %unpack3A_329, %unpack3A_335 : vector<16xf32>
          %mul3A_338 = arith.mulf %unpack3A_330, %unpack3A_336 : vector<16xf32>
          %add3A_339 = arith.addf %mul3A_337, %mul3A_338 : vector<16xf32>
          %add3A_340 = arith.addf %add3A_324, %add3A_339 : vector<16xf32>
          %get3A_341 = arith.index_cast %scan3A_227 : i32 to index
          %get3A_342 = arith.constant 112 : index
          %get3A_343 = tpu.vector_load %arg16[%get3A_341, %get3A_342] {strides = array<i32>} : memref<64x128xi32, #tpu.memory_space<vmem>>, vector<16xi32>,
          %bitcast3A_344 = vector.bitcast %get3A_343 : vector<16xi32> to vector<32xbf16>
          %unpack3A_345 = tpu.unpack_subelements %bitcast3A_344, 0 {pack_format = #tpu.pack_format<interleaved>} : vector<32xbf16> -> vector<16xf32>
          %unpack3A_346 = tpu.unpack_subelements %bitcast3A_344, 1 {pack_format = #tpu.pack_format<interleaved>} : vector<32xbf16> -> vector<16xf32>
          %get3A_347 = arith.index_cast %scan3A_227 : i32 to index
          %get3A_348 = arith.constant 112 : index
          %get3A_349 = tpu.vector_load %arg17[%get3A_347, %get3A_348] {strides = array<i32>} : memref<64x128xi32, #tpu.memory_space<vmem>>, vector<16xi32>,
          %bitcast3A_350 = vector.bitcast %get3A_349 : vector<16xi32> to vector<32xbf16>
          %unpack3A_351 = tpu.unpack_subelements %bitcast3A_350, 0 {pack_format = #tpu.pack_format<interleaved>} : vector<32xbf16> -> vector<16xf32>
          %unpack3A_352 = tpu.unpack_subelements %bitcast3A_350, 1 {pack_format = #tpu.pack_format<interleaved>} : vector<32xbf16> -> vector<16xf32>
          %mul3A_353 = arith.mulf %unpack3A_345, %unpack3A_351 : vector<16xf32>
          %mul3A_354 = arith.mulf %unpack3A_346, %unpack3A_352 : vector<16xf32>
          %add3A_355 = arith.addf %mul3A_353, %mul3A_354 : vector<16xf32>
          %add3A_356 = arith.addf %add3A_340, %add3A_355 : vector<16xf32>
          %broadcast_in_dim3A_357 = arith.constant true
          %broadcast_in_dim3A_358 = vector.broadcast %broadcast_in_dim3A_357 : i1 to vector<16xi1>
          %masked_cumsum3A = tpu.scan <sum>, %add3A_356 masked %broadcast_in_dim3A_358 : vector<16xf32>, vector<16xi1> -> vector<16xf32>
          %exp3A = math.exp %masked_cumsum3A : vector<16xf32>
          %lt3A_359 = arith.constant 64 : i32
          %lt3A_360 = arith.cmpi slt, %scan3A_227, %lt3A_359 : i32
          %jit3A_361 = arith.constant 1.000000e+00 : f32
          %jit3A_362 = arith.constant 0.000000e+00 : f32
          %select_n3A_363 = arith.select %lt3A_360, %jit3A_361, %jit3A_362 : f32
          %mul3A_364 = vector.broadcast %select_n3A_363 : f32 to vector<16xf32>
          %mul3A_365 = arith.mulf %exp3A, %mul3A_364 : vector<16xf32>
          %get3A_366 = arith.constant 0 : index
          %get3A_367 = tpu.vector_load %arg20[%get3A_366] {strides = array<i32>} : memref<16xf32, #tpu.memory_space<vmem>>, vector<16xf32>,
          %jit3A_368 = arith.constant 0.000000e+00 : f32
          %broadcast_in_dim3A_369 = vector.broadcast %jit3A_368 : f32 to vector<16xf32>
          %select_n3A_370 = arith.select %eq3A_2, %mul3A_365, %broadcast_in_dim3A_369 : vector<16xi1>, vector<16xf32>
          %add3A_371 = arith.addf %get3A_367, %select_n3A_370 : vector<16xf32>
          %swap3A_372 = arith.constant 0 : index
          %swap3A_373 = tpu.vector_load %arg20[%swap3A_372] {strides = array<i32>} : memref<16xf32, #tpu.memory_space<vmem>>, vector<16xf32>,
          tpu.vector_store %arg20[%swap3A_372], %add3A_371 {strides = array<i32>} : memref<16xf32, #tpu.memory_space<vmem>>, vector<16xf32>,
          %swap3A_374 = arith.constant 0 : index
          %swap3A_375 = tpu.vector_load %arg19[%swap3A_374] {strides = array<i32>} : memref<16xf32, #tpu.memory_space<vmem>>, vector<16xf32>,
          tpu.vector_store %arg19[%swap3A_374], %mul3A_365 {strides = array<i32>} : memref<16xf32, #tpu.memory_space<vmem>>, vector<16xf32>,
          %broadcast_in_dim3A_376 = arith.constant 15 : i32
          %broadcast_in_dim3A_377 = vector.broadcast %broadcast_in_dim3A_376 : i32 to vector<16xi32>
          %gather3A_378 = tpu.vector_load_idx %arg19[%broadcast_in_dim3A_377] : memref<16xf32, #tpu.memory_space<vmem>>[vector<16xi32>], vector<16xf32>,
          %add3A_379 = arith.constant 0 : i32
          %add3A_380 = vector.broadcast %add3A_379 : i32 to vector<16xi32>
          %add3A_381 = arith.addi %iota3A, %add3A_380 : vector<16xi32>
          %mul3A_382 = arith.mulf %unpack3A, %gather3A_378 : vector<16xf32>
          tpu.vector_store_idx %arg18[%sub3A_231, %add3A_381], %mul3A_382 {add = true} : memref<320x256xf32, #tpu.memory_space<vmem>>[vector<16xi32>, vector<16xi32>], vector<16xf32>,
          %add3A_383 = arith.constant 0 : i32
          %add3A_384 = vector.broadcast %add3A_383 : i32 to vector<16xi32>
          %add3A_385 = arith.addi %iota3A, %add3A_384 : vector<16xi32>
          %add3A_386 = arith.constant 128 : i32
          %add3A_387 = vector.broadcast %add3A_386 : i32 to vector<16xi32>
          %add3A_388 = arith.addi %add3A_385, %add3A_387 : vector<16xi32>
          %mul3A_389 = arith.mulf %unpack3A_235, %gather3A_378 : vector<16xf32>
          tpu.vector_store_idx %arg18[%sub3A_231, %add3A_388], %mul3A_389 {add = true} : memref<320x256xf32, #tpu.memory_space<vmem>>[vector<16xi32>, vector<16xi32>], vector<16xf32>,
          %add3A_390 = arith.constant 16 : i32
          %add3A_391 = vector.broadcast %add3A_390 : i32 to vector<16xi32>
          %add3A_392 = arith.addi %iota3A, %add3A_391 : vector<16xi32>
          %mul3A_393 = arith.mulf %unpack3A_249, %gather3A_378 : vector<16xf32>
          tpu.vector_store_idx %arg18[%sub3A_231, %add3A_392], %mul3A_393 {add = true} : memref<320x256xf32, #tpu.memory_space<vmem>>[vector<16xi32>, vector<16xi32>], vector<16xf32>,
          %add3A_394 = arith.constant 16 : i32
          %add3A_395 = vector.broadcast %add3A_394 : i32 to vector<16xi32>
          %add3A_396 = arith.addi %iota3A, %add3A_395 : vector<16xi32>
          %add3A_397 = arith.constant 128 : i32
          %add3A_398 = vector.broadcast %add3A_397 : i32 to vector<16xi32>
          %add3A_399 = arith.addi %add3A_396, %add3A_398 : vector<16xi32>
          %mul3A_400 = arith.mulf %unpack3A_250, %gather3A_378 : vector<16xf32>
          tpu.vector_store_idx %arg18[%sub3A_231, %add3A_399], %mul3A_400 {add = true} : memref<320x256xf32, #tpu.memory_space<vmem>>[vector<16xi32>, vector<16xi32>], vector<16xf32>,
          %add3A_401 = arith.constant 32 : i32
          %add3A_402 = vector.broadcast %add3A_401 : i32 to vector<16xi32>
          %add3A_403 = arith.addi %iota3A, %add3A_402 : vector<16xi32>
          %mul3A_404 = arith.mulf %unpack3A_265, %gather3A_378 : vector<16xf32>
          tpu.vector_store_idx %arg18[%sub3A_231, %add3A_403], %mul3A_404 {add = true} : memref<320x256xf32, #tpu.memory_space<vmem>>[vector<16xi32>, vector<16xi32>], vector<16xf32>,
          %add3A_405 = arith.constant 32 : i32
          %add3A_406 = vector.broadcast %add3A_405 : i32 to vector<16xi32>
          %add3A_407 = arith.addi %iota3A, %add3A_406 : vector<16xi32>
          %add3A_408 = arith.constant 128 : i32
          %add3A_409 = vector.broadcast %add3A_408 : i32 to vector<16xi32>
          %add3A_410 = arith.addi %add3A_407, %add3A_409 : vector<16xi32>
          %mul3A_411 = arith.mulf %unpack3A_266, %gather3A_378 : vector<16xf32>
          tpu.vector_store_idx %arg18[%sub3A_231, %add3A_410], %mul3A_411 {add = true} : memref<320x256xf32, #tpu.memory_space<vmem>>[vector<16xi32>, vector<16xi32>], vector<16xf32>,
          %add3A_412 = arith.constant 48 : i32
          %add3A_413 = vector.broadcast %add3A_412 : i32 to vector<16xi32>
          %add3A_414 = arith.addi %iota3A, %add3A_413 : vector<16xi32>
          %mul3A_415 = arith.mulf %unpack3A_281, %gather3A_378 : vector<16xf32>
          tpu.vector_store_idx %arg18[%sub3A_231, %add3A_414], %mul3A_415 {add = true} : memref<320x256xf32, #tpu.memory_space<vmem>>[vector<16xi32>, vector<16xi32>], vector<16xf32>,
          %add3A_416 = arith.constant 48 : i32
          %add3A_417 = vector.broadcast %add3A_416 : i32 to vector<16xi32>
          %add3A_418 = arith.addi %iota3A, %add3A_417 : vector<16xi32>
          %add3A_419 = arith.constant 128 : i32
          %add3A_420 = vector.broadcast %add3A_419 : i32 to vector<16xi32>
          %add3A_421 = arith.addi %add3A_418, %add3A_420 : vector<16xi32>
          %mul3A_422 = arith.mulf %unpack3A_282, %gather3A_378 : vector<16xf32>
          tpu.vector_store_idx %arg18[%sub3A_231, %add3A_421], %mul3A_422 {add = true} : memref<320x256xf32, #tpu.memory_space<vmem>>[vector<16xi32>, vector<16xi32>], vector<16xf32>,
          %add3A_423 = arith.constant 64 : i32
          %add3A_424 = vector.broadcast %add3A_423 : i32 to vector<16xi32>
          %add3A_425 = arith.addi %iota3A, %add3A_424 : vector<16xi32>
          %mul3A_426 = arith.mulf %unpack3A_297, %gather3A_378 : vector<16xf32>
          tpu.vector_store_idx %arg18[%sub3A_231, %add3A_425], %mul3A_426 {add = true} : memref<320x256xf32, #tpu.memory_space<vmem>>[vector<16xi32>, vector<16xi32>], vector<16xf32>,
          %add3A_427 = arith.constant 64 : i32
          %add3A_428 = vector.broadcast %add3A_427 : i32 to vector<16xi32>
          %add3A_429 = arith.addi %iota3A, %add3A_428 : vector<16xi32>
          %add3A_430 = arith.constant 128 : i32
          %add3A_431 = vector.broadcast %add3A_430 : i32 to vector<16xi32>
          %add3A_432 = arith.addi %add3A_429, %add3A_431 : vector<16xi32>
          %mul3A_433 = arith.mulf %unpack3A_298, %gather3A_378 : vector<16xf32>
          tpu.vector_store_idx %arg18[%sub3A_231, %add3A_432], %mul3A_433 {add = true} : memref<320x256xf32, #tpu.memory_space<vmem>>[vector<16xi32>, vector<16xi32>], vector<16xf32>,
          %add3A_434 = arith.constant 80 : i32
          %add3A_435 = vector.broadcast %add3A_434 : i32 to vector<16xi32>
          %add3A_436 = arith.addi %iota3A, %add3A_435 : vector<16xi32>
          %mul3A_437 = arith.mulf %unpack3A_313, %gather3A_378 : vector<16xf32>
          tpu.vector_store_idx %arg18[%sub3A_231, %add3A_436], %mul3A_437 {add = true} : memref<320x256xf32, #tpu.memory_space<vmem>>[vector<16xi32>, vector<16xi32>], vector<16xf32>,
          %add3A_438 = arith.constant 80 : i32
          %add3A_439 = vector.broadcast %add3A_438 : i32 to vector<16xi32>
          %add3A_440 = arith.addi %iota3A, %add3A_439 : vector<16xi32>
          %add3A_441 = arith.constant 128 : i32
          %add3A_442 = vector.broadcast %add3A_441 : i32 to vector<16xi32>
          %add3A_443 = arith.addi %add3A_440, %add3A_442 : vector<16xi32>
          %mul3A_444 = arith.mulf %unpack3A_314, %gather3A_378 : vector<16xf32>
          tpu.vector_store_idx %arg18[%sub3A_231, %add3A_443], %mul3A_444 {add = true} : memref<320x256xf32, #tpu.memory_space<vmem>>[vector<16xi32>, vector<16xi32>], vector<16xf32>,
          %add3A_445 = arith.constant 96 : i32
          %add3A_446 = vector.broadcast %add3A_445 : i32 to vector<16xi32>
          %add3A_447 = arith.addi %iota3A, %add3A_446 : vector<16xi32>
          %mul3A_448 = arith.mulf %unpack3A_329, %gather3A_378 : vector<16xf32>
          tpu.vector_store_idx %arg18[%sub3A_231, %add3A_447], %mul3A_448 {add = true} : memref<320x256xf32, #tpu.memory_space<vmem>>[vector<16xi32>, vector<16xi32>], vector<16xf32>,
          %add3A_449 = arith.constant 96 : i32
          %add3A_450 = vector.broadcast %add3A_449 : i32 to vector<16xi32>
          %add3A_451 = arith.addi %iota3A, %add3A_450 : vector<16xi32>
          %add3A_452 = arith.constant 128 : i32
          %add3A_453 = vector.broadcast %add3A_452 : i32 to vector<16xi32>
          %add3A_454 = arith.addi %add3A_451, %add3A_453 : vector<16xi32>
          %mul3A_455 = arith.mulf %unpack3A_330, %gather3A_378 : vector<16xf32>
          tpu.vector_store_idx %arg18[%sub3A_231, %add3A_454], %mul3A_455 {add = true} : memref<320x256xf32, #tpu.memory_space<vmem>>[vector<16xi32>, vector<16xi32>], vector<16xf32>,
          %add3A_456 = arith.constant 112 : i32
          %add3A_457 = vector.broadcast %add3A_456 : i32 to vector<16xi32>
          %add3A_458 = arith.addi %iota3A, %add3A_457 : vector<16xi32>
          %mul3A_459 = arith.mulf %unpack3A_345, %gather3A_378 : vector<16xf32>
          tpu.vector_store_idx %arg18[%sub3A_231, %add3A_458], %mul3A_459 {add = true} : memref<320x256xf32, #tpu.memory_space<vmem>>[vector<16xi32>, vector<16xi32>], vector<16xf32>,
          %add3A_460 = arith.constant 112 : i32
          %add3A_461 = vector.broadcast %add3A_460 : i32 to vector<16xi32>
          %add3A_462 = arith.addi %iota3A, %add3A_461 : vector<16xi32>
          %add3A_463 = arith.constant 128 : i32
          %add3A_464 = vector.broadcast %add3A_463 : i32 to vector<16xi32>
          %add3A_465 = arith.addi %add3A_462, %add3A_464 : vector<16xi32>
          %mul3A_466 = arith.mulf %unpack3A_346, %gather3A_378 : vector<16xf32>
          tpu.vector_store_idx %arg18[%sub3A_231, %add3A_465], %mul3A_466 {add = true} : memref<320x256xf32, #tpu.memory_space<vmem>>[vector<16xi32>, vector<16xi32>], vector<16xf32>,
          %scan3A_467 = arith.constant 0 : i32
          scf.yield %scan3A_467 : i32
        }
        %scan3A_226 = arith.constant 64 : i32
        scf.yield %sub3A_160 : i32
      }
      %ge3A = arith.constant 64 : i32
      %ge3A_105 = arith.cmpi sge, %while3A, %ge3A : i32
      %jit3A_106 = arith.constant 1 : i32
      %jit3A_107 = arith.constant 0 : i32
      %select_n3A_108 = arith.select %ge3A_105, %jit3A_106, %jit3A_107 : i32
      %ge3A_109 = arith.constant 64 : i32
      %ge3A_110 = arith.cmpi sge, %while3A, %ge3A_109 : i32
      %convert_element_type3A_111 = arith.extui %ge3A_110 : i1 to i32
      %cond3A_112 = arith.constant 0 : i32
      %cond3A_113 = arith.cmpi ne, %convert_element_type3A_111, %cond3A_112 : i32
      scf.if %cond3A_113 {
        %sub3A_158 = arith.constant 64 : i32
        %sub3A_159 = arith.subi %while3A, %sub3A_158 : i32
        %add3A_160 = arith.constant 0 : i32
        %add3A_161 = arith.addi %sub3A_159, %add3A_160 : i32
        %get3A = arith.index_cast %add3A_161 : i32 to index
        %get3A_162 = tpu.vector_load %arg12[%get3A] {strides = array<i32>} : memref<2304xi32, #tpu.memory_space<vmem>>, vector<16xi32>,
        %swap3A_163 = arith.constant 0 : index
        %swap3A_164 = tpu.vector_load %arg14[%swap3A_163] {strides = array<i32>} : memref<64xi32, #tpu.memory_space<vmem>>, vector<16xi32>,
        tpu.vector_store %arg14[%swap3A_163], %get3A_162 {strides = array<i32>} : memref<64xi32, #tpu.memory_space<vmem>>, vector<16xi32>,
        %add3A_165 = arith.constant 0 : i32
        %add3A_166 = arith.addi %sub3A_159, %add3A_165 : i32
        %get3A_167 = arith.index_cast %add3A_166 : i32 to index
        %get3A_168 = tpu.vector_load %arg13[%get3A_167] {strides = array<i32>} : memref<2304xi32, #tpu.memory_space<vmem>>, vector<16xi32>,
        %swap3A_169 = arith.constant 0 : index
        %swap3A_170 = tpu.vector_load %arg15[%swap3A_169] {strides = array<i32>} : memref<64xi32, #tpu.memory_space<vmem>>, vector<16xi32>,
        tpu.vector_store %arg15[%swap3A_169], %get3A_168 {strides = array<i32>} : memref<64xi32, #tpu.memory_space<vmem>>, vector<16xi32>,
        %add3A_171 = arith.constant 16 : i32
        %add3A_172 = arith.addi %sub3A_159, %add3A_171 : i32
        %get3A_173 = arith.index_cast %add3A_172 : i32 to index
        %get3A_174 = tpu.vector_load %arg12[%get3A_173] {strides = array<i32>} : memref<2304xi32, #tpu.memory_space<vmem>>, vector<16xi32>,
        %swap3A_175 = arith.constant 16 : index
        %swap3A_176 = tpu.vector_load %arg14[%swap3A_175] {strides = array<i32>} : memref<64xi32, #tpu.memory_space<vmem>>, vector<16xi32>,
        tpu.vector_store %arg14[%swap3A_175], %get3A_174 {strides = array<i32>} : memref<64xi32, #tpu.memory_space<vmem>>, vector<16xi32>,
        %add3A_177 = arith.constant 16 : i32
        %add3A_178 = arith.addi %sub3A_159, %add3A_177 : i32
        %get3A_179 = arith.index_cast %add3A_178 : i32 to index
        %get3A_180 = tpu.vector_load %arg13[%get3A_179] {strides = array<i32>} : memref<2304xi32, #tpu.memory_space<vmem>>, vector<16xi32>,
        %swap3A_181 = arith.constant 16 : index
        %swap3A_182 = tpu.vector_load %arg15[%swap3A_181] {strides = array<i32>} : memref<64xi32, #tpu.memory_space<vmem>>, vector<16xi32>,
        tpu.vector_store %arg15[%swap3A_181], %get3A_180 {strides = array<i32>} : memref<64xi32, #tpu.memory_space<vmem>>, vector<16xi32>,
        %add3A_183 = arith.constant 32 : i32
        %add3A_184 = arith.addi %sub3A_159, %add3A_183 : i32
        %get3A_185 = arith.index_cast %add3A_184 : i32 to index
        %get3A_186 = tpu.vector_load %arg12[%get3A_185] {strides = array<i32>} : memref<2304xi32, #tpu.memory_space<vmem>>, vector<16xi32>,
        %swap3A_187 = arith.constant 32 : index
        %swap3A_188 = tpu.vector_load %arg14[%swap3A_187] {strides = array<i32>} : memref<64xi32, #tpu.memory_space<vmem>>, vector<16xi32>,
        tpu.vector_store %arg14[%swap3A_187], %get3A_186 {strides = array<i32>} : memref<64xi32, #tpu.memory_space<vmem>>, vector<16xi32>,
        %add3A_189 = arith.constant 32 : i32
        %add3A_190 = arith.addi %sub3A_159, %add3A_189 : i32
        %get3A_191 = arith.index_cast %add3A_190 : i32 to index
        %get3A_192 = tpu.vector_load %arg13[%get3A_191] {strides = array<i32>} : memref<2304xi32, #tpu.memory_space<vmem>>, vector<16xi32>,
        %swap3A_193 = arith.constant 32 : index
        %swap3A_194 = tpu.vector_load %arg15[%swap3A_193] {strides = array<i32>} : memref<64xi32, #tpu.memory_space<vmem>>, vector<16xi32>,
        tpu.vector_store %arg15[%swap3A_193], %get3A_192 {strides = array<i32>} : memref<64xi32, #tpu.memory_space<vmem>>, vector<16xi32>,
        %add3A_195 = arith.constant 48 : i32
        %add3A_196 = arith.addi %sub3A_159, %add3A_195 : i32
        %get3A_197 = arith.index_cast %add3A_196 : i32 to index
        %get3A_198 = tpu.vector_load %arg12[%get3A_197] {strides = array<i32>} : memref<2304xi32, #tpu.memory_space<vmem>>, vector<16xi32>,
        %swap3A_199 = arith.constant 48 : index
        %swap3A_200 = tpu.vector_load %arg14[%swap3A_199] {strides = array<i32>} : memref<64xi32, #tpu.memory_space<vmem>>, vector<16xi32>,
        tpu.vector_store %arg14[%swap3A_199], %get3A_198 {strides = array<i32>} : memref<64xi32, #tpu.memory_space<vmem>>, vector<16xi32>,
        %add3A_201 = arith.constant 48 : i32
        %add3A_202 = arith.addi %sub3A_159, %add3A_201 : i32
        %get3A_203 = arith.index_cast %add3A_202 : i32 to index
        %get3A_204 = tpu.vector_load %arg13[%get3A_203] {strides = array<i32>} : memref<2304xi32, #tpu.memory_space<vmem>>, vector<16xi32>,
        %swap3A_205 = arith.constant 48 : index
        %swap3A_206 = tpu.vector_load %arg15[%swap3A_205] {strides = array<i32>} : memref<64xi32, #tpu.memory_space<vmem>>, vector<16xi32>,
        tpu.vector_store %arg15[%swap3A_205], %get3A_204 {strides = array<i32>} : memref<64xi32, #tpu.memory_space<vmem>>, vector<16xi32>,
        %dma_start3A_207 = arith.constant 0 : i32
        %dma_start3A_208 = arith.constant 0 : i32
        %dma_start3A_209 = tpu.memref_slice %arg2[%dma_start3A_207, %dma_start3A_208] : memref<50000x128xi32, #tpu.memory_space<hbm>> -> memref<50000x128xi32, #tpu.memory_space<hbm>>
        tpu.enqueue_indirect_dma source(%dma_start3A_209 : memref<50000x128xi32, #tpu.memory_space<hbm>>) target(%arg16 : memref<64x128xi32, #tpu.memory_space<vmem>>) offsets(%arg14 : memref<64xi32, #tpu.memory_space<vmem>>) semaphore(%arg21 : memref<!tpu.dma_semaphore, #tpu.memory_space<semaphore_mem>>)
        %dma_start3A_210 = arith.constant 0 : i32
        %dma_start3A_211 = arith.constant 0 : i32
        %dma_start3A_212 = tpu.memref_slice %arg3[%dma_start3A_210, %dma_start3A_211] : memref<10000x128xi32, #tpu.memory_space<hbm>> -> memref<10000x128xi32, #tpu.memory_space<hbm>>
        tpu.enqueue_indirect_dma source(%dma_start3A_212 : memref<10000x128xi32, #tpu.memory_space<hbm>>) target(%arg17 : memref<64x128xi32, #tpu.memory_space<vmem>>) offsets(%arg15 : memref<64xi32, #tpu.memory_space<vmem>>) semaphore(%arg22 : memref<!tpu.dma_semaphore, #tpu.memory_space<semaphore_mem>>)
      } else {
      }
      %ge3A_114 = arith.constant 64 : i32
      %ge3A_115 = arith.cmpi sge, %while3A, %ge3A_114 : i32
      %sub3A = arith.constant 64 : i32
      %sub3A_116 = arith.subi %while3A, %sub3A : i32
      %select_n3A_117 = arith.select %ge3A_115, %sub3A_116, %while3A : i32
      %lt3A_118 = arith.constant 39 : i32
      %lt3A_119 = arith.cmpi slt, %scan3A_70, %lt3A_118 : i32
      %convert_element_type3A_120 = arith.extui %lt3A_119 : i1 to i32
      %cond3A_121 = arith.constant 0 : i32
      %cond3A_122 = arith.cmpi ne, %convert_element_type3A_120, %cond3A_121 : i32
      scf.if %cond3A_122 {
        %add3A_158 = arith.constant 2 : i32
        %add3A_159 = arith.addi %mul3A_74, %add3A_158 : i32
        %mul3A_160 = arith.constant 2000 : i32
        %mul3A_161 = arith.muli %add3A_159, %mul3A_160 : i32
        %dma_start3A_162 = tpu.memref_slice %arg4[%mul3A_161] : memref<160000xi32, #tpu.memory_space<hbm>> -> memref<2000xi32, #tpu.memory_space<hbm>>
        %dma_start3A_163 = tpu.memref_slice %arg4[%mul3A_161] : memref<160000xi32, #tpu.memory_space<hbm>> -> memref<2000xi32, #tpu.memory_space<hbm>>
        tpu.enqueue_dma source(%dma_start3A_163 : memref<2000xi32, #tpu.memory_space<hbm>>) target(%arg8 : memref<2000xi32, #tpu.memory_space<vmem>>) target_semaphore(%arg23 : memref<!tpu.dma_semaphore, #tpu.memory_space<semaphore_mem>>)
        %add3A_164 = arith.constant 2 : i32
        %add3A_165 = arith.addi %mul3A_74, %add3A_164 : i32
        %mul3A_166 = arith.constant 2000 : i32
        %mul3A_167 = arith.muli %add3A_165, %mul3A_166 : i32
        %dma_start3A_168 = tpu.memref_slice %arg5[%mul3A_167] : memref<160000xi32, #tpu.memory_space<hbm>> -> memref<2000xi32, #tpu.memory_space<hbm>>
        %dma_start3A_169 = tpu.memref_slice %arg5[%mul3A_167] : memref<160000xi32, #tpu.memory_space<hbm>> -> memref<2000xi32, #tpu.memory_space<hbm>>
        tpu.enqueue_dma source(%dma_start3A_169 : memref<2000xi32, #tpu.memory_space<hbm>>) target(%arg9 : memref<2000xi32, #tpu.memory_space<vmem>>) target_semaphore(%arg24 : memref<!tpu.dma_semaphore, #tpu.memory_space<semaphore_mem>>)
      } else {
      }
      %dma_wait3A_123 = arith.constant 0 : i32
      %dma_wait3A_124 = tpu.memref_slice %arg4[%dma_wait3A_123] : memref<160000xi32, #tpu.memory_space<hbm>> -> memref<2000xi32, #tpu.memory_space<hbm>>
      %dma_wait3A_125 = arith.constant 0 : i32
      %dma_wait3A_126 = tpu.memref_slice %arg4[%dma_wait3A_125] : memref<160000xi32, #tpu.memory_space<hbm>> -> memref<2000xi32, #tpu.memory_space<hbm>>
      tpu.wait_dma2 semaphore(%arg25 : memref<!tpu.dma_semaphore, #tpu.memory_space<semaphore_mem>>) src(%dma_wait3A_126 : memref<2000xi32, #tpu.memory_space<hbm>>) dst(%arg10 : memref<2000xi32, #tpu.memory_space<vmem>>)
      %dma_wait3A_127 = arith.constant 0 : i32
      %dma_wait3A_128 = tpu.memref_slice %arg5[%dma_wait3A_127] : memref<160000xi32, #tpu.memory_space<hbm>> -> memref<2000xi32, #tpu.memory_space<hbm>>
      %dma_wait3A_129 = arith.constant 0 : i32
      %dma_wait3A_130 = tpu.memref_slice %arg5[%dma_wait3A_129] : memref<160000xi32, #tpu.memory_space<hbm>> -> memref<2000xi32, #tpu.memory_space<hbm>>
      tpu.wait_dma2 semaphore(%arg26 : memref<!tpu.dma_semaphore, #tpu.memory_space<semaphore_mem>>) src(%dma_wait3A_130 : memref<2000xi32, #tpu.memory_space<hbm>>) dst(%arg11 : memref<2000xi32, #tpu.memory_space<vmem>>)
      %scan3A_131 = arith.constant 0 : i32
      %scan3A_132 = arith.constant 125 : i32
      %scan3A_133 = arith.addi %scan3A_131, %scan3A_132 : i32
      %scan3A_134 = arith.constant 1 : i32
      %scan3A_135 = scf.for %scan3A_158 = %scan3A_131 to %scan3A_133 step %scan3A_134 iter_args(%scan3A_159 = %select_n3A_117) -> (i32)  : i32 {
        %mul3A_160 = arith.constant 16 : i32
        %mul3A_161 = arith.muli %scan3A_158, %mul3A_160 : i32
        %get3A = arith.index_cast %mul3A_161 : i32 to index
        %get3A_162 = tpu.vector_load %arg11[%get3A] {strides = array<i32>} : memref<2000xi32, #tpu.memory_space<vmem>>, vector<16xi32>,
        %mul3A_163 = arith.constant 16 : i32
        %mul3A_164 = arith.muli %scan3A_158, %mul3A_163 : i32
        %get3A_165 = arith.index_cast %mul3A_164 : i32 to index
        %get3A_166 = tpu.vector_load %arg10[%get3A_165] {strides = array<i32>} : memref<2000xi32, #tpu.memory_space<vmem>>, vector<16xi32>,
        %ge3A_167 = vector.broadcast %mul3A_4 : i32 to vector<16xi32>
        %ge3A_168 = arith.cmpi sge, %get3A_162, %ge3A_167 : vector<16xi32>
        %add3A_169 = arith.constant 320 : i32
        %add3A_170 = arith.addi %mul3A_4, %add3A_169 : i32
        %lt3A_171 = vector.broadcast %add3A_170 : i32 to vector<16xi32>
        %lt3A_172 = arith.cmpi slt, %get3A_162, %lt3A_171 : vector<16xi32>
        %and3A_173 = arith.andi %ge3A_168, %lt3A_172 : vector<16xi1>
        %swap3A_174 = arith.index_cast %scan3A_159 : i32 to index
        %swap3A_175 = tpu.vector_load %arg12[%swap3A_174] masked %and3A_173 {strides = array<i32>} : memref<2304xi32, #tpu.memory_space<vmem>>, vector<16xi32>, vector<16xi1>
        tpu.vector_store %arg12[%swap3A_174], %get3A_166 masked %and3A_173 {strides = array<i32>} : memref<2304xi32, #tpu.memory_space<vmem>>, vector<16xi32>, vector<16xi1>
        %swap3A_176 = arith.index_cast %scan3A_159 : i32 to index
        %swap3A_177 = tpu.vector_load %arg13[%swap3A_176] masked %and3A_173 {strides = array<i32>} : memref<2304xi32, #tpu.memory_space<vmem>>, vector<16xi32>, vector<16xi1>
        tpu.vector_store %arg13[%swap3A_176], %get3A_162 masked %and3A_173 {strides = array<i32>} : memref<2304xi32, #tpu.memory_space<vmem>>, vector<16xi32>, vector<16xi1>
        %convert_element_type3A_178 = arith.extui %and3A_173 : vector<16xi1> to vector<16xi32>
        %reduce_sum3A = arith.constant true
        %reduce_sum3A_179 = vector.broadcast %reduce_sum3A : i1 to vector<16xi1>
        %reduce_sum3A_180 = tpu.scan <sum>, %convert_element_type3A_178 masked %reduce_sum3A_179 : vector<16xi32>, vector<16xi1> -> vector<16xi32>
        %reduce_sum3A_181 = vector.extract %reduce_sum3A_180[15] : i32 from vector<16xi32>
        %add3A_182 = arith.addi %scan3A_159, %reduce_sum3A_181 : i32
        scf.yield %add3A_182 : i32
      }
      %scan3A_136 = arith.constant 125 : i32
      %eq3A_137 = arith.constant 1 : i32
      %eq3A_138 = arith.cmpi eq, %select_n3A_108, %eq3A_137 : i32
      %convert_element_type3A_139 = arith.extui %eq3A_138 : i1 to i32
      %cond3A_140 = arith.constant 0 : i32
      %cond3A_141 = arith.cmpi ne, %convert_element_type3A_139, %cond3A_140 : i32
      scf.if %cond3A_141 {
        %dma_wait3A_158 = arith.constant 0 : i32
        %dma_wait3A_159 = arith.constant 0 : i32
        %dma_wait3A_160 = tpu.memref_slice %arg2[%dma_wait3A_158, %dma_wait3A_159] : memref<50000x128xi32, #tpu.memory_space<hbm>> -> memref<50000x128xi32, #tpu.memory_space<hbm>>
        tpu.wait_indirect_dma semaphore(%arg21 : memref<!tpu.dma_semaphore, #tpu.memory_space<semaphore_mem>>) src(%dma_wait3A_160 : memref<50000x128xi32, #tpu.memory_space<hbm>>) dst(%arg16 : memref<64x128xi32, #tpu.memory_space<vmem>>)
        %dma_wait3A_161 = arith.constant 0 : i32
        %dma_wait3A_162 = arith.constant 0 : i32
        %dma_wait3A_163 = tpu.memref_slice %arg3[%dma_wait3A_161, %dma_wait3A_162] : memref<10000x128xi32, #tpu.memory_space<hbm>> -> memref<10000x128xi32, #tpu.memory_space<hbm>>
        tpu.wait_indirect_dma semaphore(%arg22 : memref<!tpu.dma_semaphore, #tpu.memory_space<semaphore_mem>>) src(%dma_wait3A_163 : memref<10000x128xi32, #tpu.memory_space<hbm>>) dst(%arg17 : memref<64x128xi32, #tpu.memory_space<vmem>>)
        %scan3A_164 = arith.constant 0 : i32
        %scan3A_165 = arith.constant 0 : i32
        %scan3A_166 = arith.constant 64 : i32
        %scan3A_167 = arith.addi %scan3A_165, %scan3A_166 : i32
        %scan3A_168 = arith.constant 1 : i32
        %scan3A_169 = scf.for %scan3A_171 = %scan3A_165 to %scan3A_167 step %scan3A_168 iter_args(%scan3A_172 = %scan3A_164) -> (i32)  : i32 {
          %broadcast_in_dim3A_173 = vector.broadcast %scan3A_171 : i32 to vector<16xi32>
          %gather3A = tpu.vector_load_idx %arg15[%broadcast_in_dim3A_173] : memref<64xi32, #tpu.memory_space<vmem>>[vector<16xi32>], vector<16xi32>,
          %sub3A_174 = vector.broadcast %mul3A_4 : i32 to vector<16xi32>
          %sub3A_175 = arith.subi %gather3A, %sub3A_174 : vector<16xi32>
          %get3A = arith.index_cast %scan3A_171 : i32 to index
          %get3A_176 = arith.constant 0 : index
          %get3A_177 = tpu.vector_load %arg16[%get3A, %get3A_176] {strides = array<i32>} : memref<64x128xi32, #tpu.memory_space<vmem>>, vector<16xi32>,
          %bitcast3A = vector.bitcast %get3A_177 : vector<16xi32> to vector<32xbf16>
          %unpack3A = tpu.unpack_subelements %bitcast3A, 0 {pack_format = #tpu.pack_format<interleaved>} : vector<32xbf16> -> vector<16xf32>
          %unpack3A_178 = tpu.unpack_subelements %bitcast3A, 1 {pack_format = #tpu.pack_format<interleaved>} : vector<32xbf16> -> vector<16xf32>
          %get3A_179 = arith.index_cast %scan3A_171 : i32 to index
          %get3A_180 = arith.constant 0 : index
          %get3A_181 = tpu.vector_load %arg17[%get3A_179, %get3A_180] {strides = array<i32>} : memref<64x128xi32, #tpu.memory_space<vmem>>, vector<16xi32>,
          %bitcast3A_182 = vector.bitcast %get3A_181 : vector<16xi32> to vector<32xbf16>
          %unpack3A_183 = tpu.unpack_subelements %bitcast3A_182, 0 {pack_format = #tpu.pack_format<interleaved>} : vector<32xbf16> -> vector<16xf32>
          %unpack3A_184 = tpu.unpack_subelements %bitcast3A_182, 1 {pack_format = #tpu.pack_format<interleaved>} : vector<32xbf16> -> vector<16xf32>
          %mul3A_185 = arith.mulf %unpack3A, %unpack3A_183 : vector<16xf32>
          %mul3A_186 = arith.mulf %unpack3A_178, %unpack3A_184 : vector<16xf32>
          %add3A_187 = arith.addf %mul3A_185, %mul3A_186 : vector<16xf32>
          %get3A_188 = arith.index_cast %scan3A_171 : i32 to index
          %get3A_189 = arith.constant 16 : index
          %get3A_190 = tpu.vector_load %arg16[%get3A_188, %get3A_189] {strides = array<i32>} : memref<64x128xi32, #tpu.memory_space<vmem>>, vector<16xi32>,
          %bitcast3A_191 = vector.bitcast %get3A_190 : vector<16xi32> to vector<32xbf16>
          %unpack3A_192 = tpu.unpack_subelements %bitcast3A_191, 0 {pack_format = #tpu.pack_format<interleaved>} : vector<32xbf16> -> vector<16xf32>
          %unpack3A_193 = tpu.unpack_subelements %bitcast3A_191, 1 {pack_format = #tpu.pack_format<interleaved>} : vector<32xbf16> -> vector<16xf32>
          %get3A_194 = arith.index_cast %scan3A_171 : i32 to index
          %get3A_195 = arith.constant 16 : index
          %get3A_196 = tpu.vector_load %arg17[%get3A_194, %get3A_195] {strides = array<i32>} : memref<64x128xi32, #tpu.memory_space<vmem>>, vector<16xi32>,
          %bitcast3A_197 = vector.bitcast %get3A_196 : vector<16xi32> to vector<32xbf16>
          %unpack3A_198 = tpu.unpack_subelements %bitcast3A_197, 0 {pack_format = #tpu.pack_format<interleaved>} : vector<32xbf16> -> vector<16xf32>
          %unpack3A_199 = tpu.unpack_subelements %bitcast3A_197, 1 {pack_format = #tpu.pack_format<interleaved>} : vector<32xbf16> -> vector<16xf32>
          %mul3A_200 = arith.mulf %unpack3A_192, %unpack3A_198 : vector<16xf32>
          %mul3A_201 = arith.mulf %unpack3A_193, %unpack3A_199 : vector<16xf32>
          %add3A_202 = arith.addf %mul3A_200, %mul3A_201 : vector<16xf32>
          %add3A_203 = arith.addf %add3A_187, %add3A_202 : vector<16xf32>
          %get3A_204 = arith.index_cast %scan3A_171 : i32 to index
          %get3A_205 = arith.constant 32 : index
          %get3A_206 = tpu.vector_load %arg16[%get3A_204, %get3A_205] {strides = array<i32>} : memref<64x128xi32, #tpu.memory_space<vmem>>, vector<16xi32>,
          %bitcast3A_207 = vector.bitcast %get3A_206 : vector<16xi32> to vector<32xbf16>
          %unpack3A_208 = tpu.unpack_subelements %bitcast3A_207, 0 {pack_format = #tpu.pack_format<interleaved>} : vector<32xbf16> -> vector<16xf32>
          %unpack3A_209 = tpu.unpack_subelements %bitcast3A_207, 1 {pack_format = #tpu.pack_format<interleaved>} : vector<32xbf16> -> vector<16xf32>
          %get3A_210 = arith.index_cast %scan3A_171 : i32 to index
          %get3A_211 = arith.constant 32 : index
          %get3A_212 = tpu.vector_load %arg17[%get3A_210, %get3A_211] {strides = array<i32>} : memref<64x128xi32, #tpu.memory_space<vmem>>, vector<16xi32>,
          %bitcast3A_213 = vector.bitcast %get3A_212 : vector<16xi32> to vector<32xbf16>
          %unpack3A_214 = tpu.unpack_subelements %bitcast3A_213, 0 {pack_format = #tpu.pack_format<interleaved>} : vector<32xbf16> -> vector<16xf32>
          %unpack3A_215 = tpu.unpack_subelements %bitcast3A_213, 1 {pack_format = #tpu.pack_format<interleaved>} : vector<32xbf16> -> vector<16xf32>
          %mul3A_216 = arith.mulf %unpack3A_208, %unpack3A_214 : vector<16xf32>
          %mul3A_217 = arith.mulf %unpack3A_209, %unpack3A_215 : vector<16xf32>
          %add3A_218 = arith.addf %mul3A_216, %mul3A_217 : vector<16xf32>
          %add3A_219 = arith.addf %add3A_203, %add3A_218 : vector<16xf32>
          %get3A_220 = arith.index_cast %scan3A_171 : i32 to index
          %get3A_221 = arith.constant 48 : index
          %get3A_222 = tpu.vector_load %arg16[%get3A_220, %get3A_221] {strides = array<i32>} : memref<64x128xi32, #tpu.memory_space<vmem>>, vector<16xi32>,
          %bitcast3A_223 = vector.bitcast %get3A_222 : vector<16xi32> to vector<32xbf16>
          %unpack3A_224 = tpu.unpack_subelements %bitcast3A_223, 0 {pack_format = #tpu.pack_format<interleaved>} : vector<32xbf16> -> vector<16xf32>
          %unpack3A_225 = tpu.unpack_subelements %bitcast3A_223, 1 {pack_format = #tpu.pack_format<interleaved>} : vector<32xbf16> -> vector<16xf32>
          %get3A_226 = arith.index_cast %scan3A_171 : i32 to index
          %get3A_227 = arith.constant 48 : index
          %get3A_228 = tpu.vector_load %arg17[%get3A_226, %get3A_227] {strides = array<i32>} : memref<64x128xi32, #tpu.memory_space<vmem>>, vector<16xi32>,
          %bitcast3A_229 = vector.bitcast %get3A_228 : vector<16xi32> to vector<32xbf16>
          %unpack3A_230 = tpu.unpack_subelements %bitcast3A_229, 0 {pack_format = #tpu.pack_format<interleaved>} : vector<32xbf16> -> vector<16xf32>
          %unpack3A_231 = tpu.unpack_subelements %bitcast3A_229, 1 {pack_format = #tpu.pack_format<interleaved>} : vector<32xbf16> -> vector<16xf32>
          %mul3A_232 = arith.mulf %unpack3A_224, %unpack3A_230 : vector<16xf32>
          %mul3A_233 = arith.mulf %unpack3A_225, %unpack3A_231 : vector<16xf32>
          %add3A_234 = arith.addf %mul3A_232, %mul3A_233 : vector<16xf32>
          %add3A_235 = arith.addf %add3A_219, %add3A_234 : vector<16xf32>
          %get3A_236 = arith.index_cast %scan3A_171 : i32 to index
          %get3A_237 = arith.constant 64 : index
          %get3A_238 = tpu.vector_load %arg16[%get3A_236, %get3A_237] {strides = array<i32>} : memref<64x128xi32, #tpu.memory_space<vmem>>, vector<16xi32>,
          %bitcast3A_239 = vector.bitcast %get3A_238 : vector<16xi32> to vector<32xbf16>
          %unpack3A_240 = tpu.unpack_subelements %bitcast3A_239, 0 {pack_format = #tpu.pack_format<interleaved>} : vector<32xbf16> -> vector<16xf32>
          %unpack3A_241 = tpu.unpack_subelements %bitcast3A_239, 1 {pack_format = #tpu.pack_format<interleaved>} : vector<32xbf16> -> vector<16xf32>
          %get3A_242 = arith.index_cast %scan3A_171 : i32 to index
          %get3A_243 = arith.constant 64 : index
          %get3A_244 = tpu.vector_load %arg17[%get3A_242, %get3A_243] {strides = array<i32>} : memref<64x128xi32, #tpu.memory_space<vmem>>, vector<16xi32>,
          %bitcast3A_245 = vector.bitcast %get3A_244 : vector<16xi32> to vector<32xbf16>
          %unpack3A_246 = tpu.unpack_subelements %bitcast3A_245, 0 {pack_format = #tpu.pack_format<interleaved>} : vector<32xbf16> -> vector<16xf32>
          %unpack3A_247 = tpu.unpack_subelements %bitcast3A_245, 1 {pack_format = #tpu.pack_format<interleaved>} : vector<32xbf16> -> vector<16xf32>
          %mul3A_248 = arith.mulf %unpack3A_240, %unpack3A_246 : vector<16xf32>
          %mul3A_249 = arith.mulf %unpack3A_241, %unpack3A_247 : vector<16xf32>
          %add3A_250 = arith.addf %mul3A_248, %mul3A_249 : vector<16xf32>
          %add3A_251 = arith.addf %add3A_235, %add3A_250 : vector<16xf32>
          %get3A_252 = arith.index_cast %scan3A_171 : i32 to index
          %get3A_253 = arith.constant 80 : index
          %get3A_254 = tpu.vector_load %arg16[%get3A_252, %get3A_253] {strides = array<i32>} : memref<64x128xi32, #tpu.memory_space<vmem>>, vector<16xi32>,
          %bitcast3A_255 = vector.bitcast %get3A_254 : vector<16xi32> to vector<32xbf16>
          %unpack3A_256 = tpu.unpack_subelements %bitcast3A_255, 0 {pack_format = #tpu.pack_format<interleaved>} : vector<32xbf16> -> vector<16xf32>
          %unpack3A_257 = tpu.unpack_subelements %bitcast3A_255, 1 {pack_format = #tpu.pack_format<interleaved>} : vector<32xbf16> -> vector<16xf32>
          %get3A_258 = arith.index_cast %scan3A_171 : i32 to index
          %get3A_259 = arith.constant 80 : index
          %get3A_260 = tpu.vector_load %arg17[%get3A_258, %get3A_259] {strides = array<i32>} : memref<64x128xi32, #tpu.memory_space<vmem>>, vector<16xi32>,
          %bitcast3A_261 = vector.bitcast %get3A_260 : vector<16xi32> to vector<32xbf16>
          %unpack3A_262 = tpu.unpack_subelements %bitcast3A_261, 0 {pack_format = #tpu.pack_format<interleaved>} : vector<32xbf16> -> vector<16xf32>
          %unpack3A_263 = tpu.unpack_subelements %bitcast3A_261, 1 {pack_format = #tpu.pack_format<interleaved>} : vector<32xbf16> -> vector<16xf32>
          %mul3A_264 = arith.mulf %unpack3A_256, %unpack3A_262 : vector<16xf32>
          %mul3A_265 = arith.mulf %unpack3A_257, %unpack3A_263 : vector<16xf32>
          %add3A_266 = arith.addf %mul3A_264, %mul3A_265 : vector<16xf32>
          %add3A_267 = arith.addf %add3A_251, %add3A_266 : vector<16xf32>
          %get3A_268 = arith.index_cast %scan3A_171 : i32 to index
          %get3A_269 = arith.constant 96 : index
          %get3A_270 = tpu.vector_load %arg16[%get3A_268, %get3A_269] {strides = array<i32>} : memref<64x128xi32, #tpu.memory_space<vmem>>, vector<16xi32>,
          %bitcast3A_271 = vector.bitcast %get3A_270 : vector<16xi32> to vector<32xbf16>
          %unpack3A_272 = tpu.unpack_subelements %bitcast3A_271, 0 {pack_format = #tpu.pack_format<interleaved>} : vector<32xbf16> -> vector<16xf32>
          %unpack3A_273 = tpu.unpack_subelements %bitcast3A_271, 1 {pack_format = #tpu.pack_format<interleaved>} : vector<32xbf16> -> vector<16xf32>
          %get3A_274 = arith.index_cast %scan3A_171 : i32 to index
          %get3A_275 = arith.constant 96 : index
          %get3A_276 = tpu.vector_load %arg17[%get3A_274, %get3A_275] {strides = array<i32>} : memref<64x128xi32, #tpu.memory_space<vmem>>, vector<16xi32>,
          %bitcast3A_277 = vector.bitcast %get3A_276 : vector<16xi32> to vector<32xbf16>
          %unpack3A_278 = tpu.unpack_subelements %bitcast3A_277, 0 {pack_format = #tpu.pack_format<interleaved>} : vector<32xbf16> -> vector<16xf32>
          %unpack3A_279 = tpu.unpack_subelements %bitcast3A_277, 1 {pack_format = #tpu.pack_format<interleaved>} : vector<32xbf16> -> vector<16xf32>
          %mul3A_280 = arith.mulf %unpack3A_272, %unpack3A_278 : vector<16xf32>
          %mul3A_281 = arith.mulf %unpack3A_273, %unpack3A_279 : vector<16xf32>
          %add3A_282 = arith.addf %mul3A_280, %mul3A_281 : vector<16xf32>
          %add3A_283 = arith.addf %add3A_267, %add3A_282 : vector<16xf32>
          %get3A_284 = arith.index_cast %scan3A_171 : i32 to index
          %get3A_285 = arith.constant 112 : index
          %get3A_286 = tpu.vector_load %arg16[%get3A_284, %get3A_285] {strides = array<i32>} : memref<64x128xi32, #tpu.memory_space<vmem>>, vector<16xi32>,
          %bitcast3A_287 = vector.bitcast %get3A_286 : vector<16xi32> to vector<32xbf16>
          %unpack3A_288 = tpu.unpack_subelements %bitcast3A_287, 0 {pack_format = #tpu.pack_format<interleaved>} : vector<32xbf16> -> vector<16xf32>
          %unpack3A_289 = tpu.unpack_subelements %bitcast3A_287, 1 {pack_format = #tpu.pack_format<interleaved>} : vector<32xbf16> -> vector<16xf32>
          %get3A_290 = arith.index_cast %scan3A_171 : i32 to index
          %get3A_291 = arith.constant 112 : index
          %get3A_292 = tpu.vector_load %arg17[%get3A_290, %get3A_291] {strides = array<i32>} : memref<64x128xi32, #tpu.memory_space<vmem>>, vector<16xi32>,
          %bitcast3A_293 = vector.bitcast %get3A_292 : vector<16xi32> to vector<32xbf16>
          %unpack3A_294 = tpu.unpack_subelements %bitcast3A_293, 0 {pack_format = #tpu.pack_format<interleaved>} : vector<32xbf16> -> vector<16xf32>
          %unpack3A_295 = tpu.unpack_subelements %bitcast3A_293, 1 {pack_format = #tpu.pack_format<interleaved>} : vector<32xbf16> -> vector<16xf32>
          %mul3A_296 = arith.mulf %unpack3A_288, %unpack3A_294 : vector<16xf32>
          %mul3A_297 = arith.mulf %unpack3A_289, %unpack3A_295 : vector<16xf32>
          %add3A_298 = arith.addf %mul3A_296, %mul3A_297 : vector<16xf32>
          %add3A_299 = arith.addf %add3A_283, %add3A_298 : vector<16xf32>
          %broadcast_in_dim3A_300 = arith.constant true
          %broadcast_in_dim3A_301 = vector.broadcast %broadcast_in_dim3A_300 : i1 to vector<16xi1>
          %masked_cumsum3A = tpu.scan <sum>, %add3A_299 masked %broadcast_in_dim3A_301 : vector<16xf32>, vector<16xi1> -> vector<16xf32>
          %exp3A = math.exp %masked_cumsum3A : vector<16xf32>
          %lt3A_302 = arith.constant 64 : i32
          %lt3A_303 = arith.cmpi slt, %scan3A_171, %lt3A_302 : i32
          %jit3A_304 = arith.constant 1.000000e+00 : f32
          %jit3A_305 = arith.constant 0.000000e+00 : f32
          %select_n3A_306 = arith.select %lt3A_303, %jit3A_304, %jit3A_305 : f32
          %mul3A_307 = vector.broadcast %select_n3A_306 : f32 to vector<16xf32>
          %mul3A_308 = arith.mulf %exp3A, %mul3A_307 : vector<16xf32>
          %get3A_309 = arith.constant 0 : index
          %get3A_310 = tpu.vector_load %arg20[%get3A_309] {strides = array<i32>} : memref<16xf32, #tpu.memory_space<vmem>>, vector<16xf32>,
          %jit3A_311 = arith.constant 0.000000e+00 : f32
          %broadcast_in_dim3A_312 = vector.broadcast %jit3A_311 : f32 to vector<16xf32>
          %select_n3A_313 = arith.select %eq3A_2, %mul3A_308, %broadcast_in_dim3A_312 : vector<16xi1>, vector<16xf32>
          %add3A_314 = arith.addf %get3A_310, %select_n3A_313 : vector<16xf32>
          %swap3A_315 = arith.constant 0 : index
          %swap3A_316 = tpu.vector_load %arg20[%swap3A_315] {strides = array<i32>} : memref<16xf32, #tpu.memory_space<vmem>>, vector<16xf32>,
          tpu.vector_store %arg20[%swap3A_315], %add3A_314 {strides = array<i32>} : memref<16xf32, #tpu.memory_space<vmem>>, vector<16xf32>,
          %swap3A_317 = arith.constant 0 : index
          %swap3A_318 = tpu.vector_load %arg19[%swap3A_317] {strides = array<i32>} : memref<16xf32, #tpu.memory_space<vmem>>, vector<16xf32>,
          tpu.vector_store %arg19[%swap3A_317], %mul3A_308 {strides = array<i32>} : memref<16xf32, #tpu.memory_space<vmem>>, vector<16xf32>,
          %broadcast_in_dim3A_319 = arith.constant 15 : i32
          %broadcast_in_dim3A_320 = vector.broadcast %broadcast_in_dim3A_319 : i32 to vector<16xi32>
          %gather3A_321 = tpu.vector_load_idx %arg19[%broadcast_in_dim3A_320] : memref<16xf32, #tpu.memory_space<vmem>>[vector<16xi32>], vector<16xf32>,
          %add3A_322 = arith.constant 0 : i32
          %add3A_323 = vector.broadcast %add3A_322 : i32 to vector<16xi32>
          %add3A_324 = arith.addi %iota3A, %add3A_323 : vector<16xi32>
          %mul3A_325 = arith.mulf %unpack3A, %gather3A_321 : vector<16xf32>
          tpu.vector_store_idx %arg18[%sub3A_175, %add3A_324], %mul3A_325 {add = true} : memref<320x256xf32, #tpu.memory_space<vmem>>[vector<16xi32>, vector<16xi32>], vector<16xf32>,
          %add3A_326 = arith.constant 0 : i32
          %add3A_327 = vector.broadcast %add3A_326 : i32 to vector<16xi32>
          %add3A_328 = arith.addi %iota3A, %add3A_327 : vector<16xi32>
          %add3A_329 = arith.constant 128 : i32
          %add3A_330 = vector.broadcast %add3A_329 : i32 to vector<16xi32>
          %add3A_331 = arith.addi %add3A_328, %add3A_330 : vector<16xi32>
          %mul3A_332 = arith.mulf %unpack3A_178, %gather3A_321 : vector<16xf32>
          tpu.vector_store_idx %arg18[%sub3A_175, %add3A_331], %mul3A_332 {add = true} : memref<320x256xf32, #tpu.memory_space<vmem>>[vector<16xi32>, vector<16xi32>], vector<16xf32>,
          %add3A_333 = arith.constant 16 : i32
          %add3A_334 = vector.broadcast %add3A_333 : i32 to vector<16xi32>
          %add3A_335 = arith.addi %iota3A, %add3A_334 : vector<16xi32>
          %mul3A_336 = arith.mulf %unpack3A_192, %gather3A_321 : vector<16xf32>
          tpu.vector_store_idx %arg18[%sub3A_175, %add3A_335], %mul3A_336 {add = true} : memref<320x256xf32, #tpu.memory_space<vmem>>[vector<16xi32>, vector<16xi32>], vector<16xf32>,
          %add3A_337 = arith.constant 16 : i32
          %add3A_338 = vector.broadcast %add3A_337 : i32 to vector<16xi32>
          %add3A_339 = arith.addi %iota3A, %add3A_338 : vector<16xi32>
          %add3A_340 = arith.constant 128 : i32
          %add3A_341 = vector.broadcast %add3A_340 : i32 to vector<16xi32>
          %add3A_342 = arith.addi %add3A_339, %add3A_341 : vector<16xi32>
          %mul3A_343 = arith.mulf %unpack3A_193, %gather3A_321 : vector<16xf32>
          tpu.vector_store_idx %arg18[%sub3A_175, %add3A_342], %mul3A_343 {add = true} : memref<320x256xf32, #tpu.memory_space<vmem>>[vector<16xi32>, vector<16xi32>], vector<16xf32>,
          %add3A_344 = arith.constant 32 : i32
          %add3A_345 = vector.broadcast %add3A_344 : i32 to vector<16xi32>
          %add3A_346 = arith.addi %iota3A, %add3A_345 : vector<16xi32>
          %mul3A_347 = arith.mulf %unpack3A_208, %gather3A_321 : vector<16xf32>
          tpu.vector_store_idx %arg18[%sub3A_175, %add3A_346], %mul3A_347 {add = true} : memref<320x256xf32, #tpu.memory_space<vmem>>[vector<16xi32>, vector<16xi32>], vector<16xf32>,
          %add3A_348 = arith.constant 32 : i32
          %add3A_349 = vector.broadcast %add3A_348 : i32 to vector<16xi32>
          %add3A_350 = arith.addi %iota3A, %add3A_349 : vector<16xi32>
          %add3A_351 = arith.constant 128 : i32
          %add3A_352 = vector.broadcast %add3A_351 : i32 to vector<16xi32>
          %add3A_353 = arith.addi %add3A_350, %add3A_352 : vector<16xi32>
          %mul3A_354 = arith.mulf %unpack3A_209, %gather3A_321 : vector<16xf32>
          tpu.vector_store_idx %arg18[%sub3A_175, %add3A_353], %mul3A_354 {add = true} : memref<320x256xf32, #tpu.memory_space<vmem>>[vector<16xi32>, vector<16xi32>], vector<16xf32>,
          %add3A_355 = arith.constant 48 : i32
          %add3A_356 = vector.broadcast %add3A_355 : i32 to vector<16xi32>
          %add3A_357 = arith.addi %iota3A, %add3A_356 : vector<16xi32>
          %mul3A_358 = arith.mulf %unpack3A_224, %gather3A_321 : vector<16xf32>
          tpu.vector_store_idx %arg18[%sub3A_175, %add3A_357], %mul3A_358 {add = true} : memref<320x256xf32, #tpu.memory_space<vmem>>[vector<16xi32>, vector<16xi32>], vector<16xf32>,
          %add3A_359 = arith.constant 48 : i32
          %add3A_360 = vector.broadcast %add3A_359 : i32 to vector<16xi32>
          %add3A_361 = arith.addi %iota3A, %add3A_360 : vector<16xi32>
          %add3A_362 = arith.constant 128 : i32
          %add3A_363 = vector.broadcast %add3A_362 : i32 to vector<16xi32>
          %add3A_364 = arith.addi %add3A_361, %add3A_363 : vector<16xi32>
          %mul3A_365 = arith.mulf %unpack3A_225, %gather3A_321 : vector<16xf32>
          tpu.vector_store_idx %arg18[%sub3A_175, %add3A_364], %mul3A_365 {add = true} : memref<320x256xf32, #tpu.memory_space<vmem>>[vector<16xi32>, vector<16xi32>], vector<16xf32>,
          %add3A_366 = arith.constant 64 : i32
          %add3A_367 = vector.broadcast %add3A_366 : i32 to vector<16xi32>
          %add3A_368 = arith.addi %iota3A, %add3A_367 : vector<16xi32>
          %mul3A_369 = arith.mulf %unpack3A_240, %gather3A_321 : vector<16xf32>
          tpu.vector_store_idx %arg18[%sub3A_175, %add3A_368], %mul3A_369 {add = true} : memref<320x256xf32, #tpu.memory_space<vmem>>[vector<16xi32>, vector<16xi32>], vector<16xf32>,
          %add3A_370 = arith.constant 64 : i32
          %add3A_371 = vector.broadcast %add3A_370 : i32 to vector<16xi32>
          %add3A_372 = arith.addi %iota3A, %add3A_371 : vector<16xi32>
          %add3A_373 = arith.constant 128 : i32
          %add3A_374 = vector.broadcast %add3A_373 : i32 to vector<16xi32>
          %add3A_375 = arith.addi %add3A_372, %add3A_374 : vector<16xi32>
          %mul3A_376 = arith.mulf %unpack3A_241, %gather3A_321 : vector<16xf32>
          tpu.vector_store_idx %arg18[%sub3A_175, %add3A_375], %mul3A_376 {add = true} : memref<320x256xf32, #tpu.memory_space<vmem>>[vector<16xi32>, vector<16xi32>], vector<16xf32>,
          %add3A_377 = arith.constant 80 : i32
          %add3A_378 = vector.broadcast %add3A_377 : i32 to vector<16xi32>
          %add3A_379 = arith.addi %iota3A, %add3A_378 : vector<16xi32>
          %mul3A_380 = arith.mulf %unpack3A_256, %gather3A_321 : vector<16xf32>
          tpu.vector_store_idx %arg18[%sub3A_175, %add3A_379], %mul3A_380 {add = true} : memref<320x256xf32, #tpu.memory_space<vmem>>[vector<16xi32>, vector<16xi32>], vector<16xf32>,
          %add3A_381 = arith.constant 80 : i32
          %add3A_382 = vector.broadcast %add3A_381 : i32 to vector<16xi32>
          %add3A_383 = arith.addi %iota3A, %add3A_382 : vector<16xi32>
          %add3A_384 = arith.constant 128 : i32
          %add3A_385 = vector.broadcast %add3A_384 : i32 to vector<16xi32>
          %add3A_386 = arith.addi %add3A_383, %add3A_385 : vector<16xi32>
          %mul3A_387 = arith.mulf %unpack3A_257, %gather3A_321 : vector<16xf32>
          tpu.vector_store_idx %arg18[%sub3A_175, %add3A_386], %mul3A_387 {add = true} : memref<320x256xf32, #tpu.memory_space<vmem>>[vector<16xi32>, vector<16xi32>], vector<16xf32>,
          %add3A_388 = arith.constant 96 : i32
          %add3A_389 = vector.broadcast %add3A_388 : i32 to vector<16xi32>
          %add3A_390 = arith.addi %iota3A, %add3A_389 : vector<16xi32>
          %mul3A_391 = arith.mulf %unpack3A_272, %gather3A_321 : vector<16xf32>
          tpu.vector_store_idx %arg18[%sub3A_175, %add3A_390], %mul3A_391 {add = true} : memref<320x256xf32, #tpu.memory_space<vmem>>[vector<16xi32>, vector<16xi32>], vector<16xf32>,
          %add3A_392 = arith.constant 96 : i32
          %add3A_393 = vector.broadcast %add3A_392 : i32 to vector<16xi32>
          %add3A_394 = arith.addi %iota3A, %add3A_393 : vector<16xi32>
          %add3A_395 = arith.constant 128 : i32
          %add3A_396 = vector.broadcast %add3A_395 : i32 to vector<16xi32>
          %add3A_397 = arith.addi %add3A_394, %add3A_396 : vector<16xi32>
          %mul3A_398 = arith.mulf %unpack3A_273, %gather3A_321 : vector<16xf32>
          tpu.vector_store_idx %arg18[%sub3A_175, %add3A_397], %mul3A_398 {add = true} : memref<320x256xf32, #tpu.memory_space<vmem>>[vector<16xi32>, vector<16xi32>], vector<16xf32>,
          %add3A_399 = arith.constant 112 : i32
          %add3A_400 = vector.broadcast %add3A_399 : i32 to vector<16xi32>
          %add3A_401 = arith.addi %iota3A, %add3A_400 : vector<16xi32>
          %mul3A_402 = arith.mulf %unpack3A_288, %gather3A_321 : vector<16xf32>
          tpu.vector_store_idx %arg18[%sub3A_175, %add3A_401], %mul3A_402 {add = true} : memref<320x256xf32, #tpu.memory_space<vmem>>[vector<16xi32>, vector<16xi32>], vector<16xf32>,
          %add3A_403 = arith.constant 112 : i32
          %add3A_404 = vector.broadcast %add3A_403 : i32 to vector<16xi32>
          %add3A_405 = arith.addi %iota3A, %add3A_404 : vector<16xi32>
          %add3A_406 = arith.constant 128 : i32
          %add3A_407 = vector.broadcast %add3A_406 : i32 to vector<16xi32>
          %add3A_408 = arith.addi %add3A_405, %add3A_407 : vector<16xi32>
          %mul3A_409 = arith.mulf %unpack3A_289, %gather3A_321 : vector<16xf32>
          tpu.vector_store_idx %arg18[%sub3A_175, %add3A_408], %mul3A_409 {add = true} : memref<320x256xf32, #tpu.memory_space<vmem>>[vector<16xi32>, vector<16xi32>], vector<16xf32>,
          %scan3A_410 = arith.constant 0 : i32
          scf.yield %scan3A_410 : i32
        }
        %scan3A_170 = arith.constant 64 : i32
      } else {
      }
      %while3A_142 = scf.while (%while3A_158 = %scan3A_135) : (i32) -> i32 {
        %ge3A_159 = arith.constant 128 : i32
        %ge3A_160 = arith.cmpi sge, %while3A_158, %ge3A_159 : i32
        scf.condition(%ge3A_160) %while3A_158 : i32
      } do {
      ^bb0(%while3A_158: i32):
        %sub3A_159 = arith.constant 64 : i32
        %sub3A_160 = arith.subi %while3A_158, %sub3A_159 : i32
        %add3A_161 = arith.constant 0 : i32
        %add3A_162 = arith.addi %sub3A_160, %add3A_161 : i32
        %get3A = arith.index_cast %add3A_162 : i32 to index
        %get3A_163 = tpu.vector_load %arg12[%get3A] {strides = array<i32>} : memref<2304xi32, #tpu.memory_space<vmem>>, vector<16xi32>,
        %swap3A_164 = arith.constant 0 : index
        %swap3A_165 = tpu.vector_load %arg14[%swap3A_164] {strides = array<i32>} : memref<64xi32, #tpu.memory_space<vmem>>, vector<16xi32>,
        tpu.vector_store %arg14[%swap3A_164], %get3A_163 {strides = array<i32>} : memref<64xi32, #tpu.memory_space<vmem>>, vector<16xi32>,
        %add3A_166 = arith.constant 0 : i32
        %add3A_167 = arith.addi %sub3A_160, %add3A_166 : i32
        %get3A_168 = arith.index_cast %add3A_167 : i32 to index
        %get3A_169 = tpu.vector_load %arg13[%get3A_168] {strides = array<i32>} : memref<2304xi32, #tpu.memory_space<vmem>>, vector<16xi32>,
        %swap3A_170 = arith.constant 0 : index
        %swap3A_171 = tpu.vector_load %arg15[%swap3A_170] {strides = array<i32>} : memref<64xi32, #tpu.memory_space<vmem>>, vector<16xi32>,
        tpu.vector_store %arg15[%swap3A_170], %get3A_169 {strides = array<i32>} : memref<64xi32, #tpu.memory_space<vmem>>, vector<16xi32>,
        %add3A_172 = arith.constant 16 : i32
        %add3A_173 = arith.addi %sub3A_160, %add3A_172 : i32
        %get3A_174 = arith.index_cast %add3A_173 : i32 to index
        %get3A_175 = tpu.vector_load %arg12[%get3A_174] {strides = array<i32>} : memref<2304xi32, #tpu.memory_space<vmem>>, vector<16xi32>,
        %swap3A_176 = arith.constant 16 : index
        %swap3A_177 = tpu.vector_load %arg14[%swap3A_176] {strides = array<i32>} : memref<64xi32, #tpu.memory_space<vmem>>, vector<16xi32>,
        tpu.vector_store %arg14[%swap3A_176], %get3A_175 {strides = array<i32>} : memref<64xi32, #tpu.memory_space<vmem>>, vector<16xi32>,
        %add3A_178 = arith.constant 16 : i32
        %add3A_179 = arith.addi %sub3A_160, %add3A_178 : i32
        %get3A_180 = arith.index_cast %add3A_179 : i32 to index
        %get3A_181 = tpu.vector_load %arg13[%get3A_180] {strides = array<i32>} : memref<2304xi32, #tpu.memory_space<vmem>>, vector<16xi32>,
        %swap3A_182 = arith.constant 16 : index
        %swap3A_183 = tpu.vector_load %arg15[%swap3A_182] {strides = array<i32>} : memref<64xi32, #tpu.memory_space<vmem>>, vector<16xi32>,
        tpu.vector_store %arg15[%swap3A_182], %get3A_181 {strides = array<i32>} : memref<64xi32, #tpu.memory_space<vmem>>, vector<16xi32>,
        %add3A_184 = arith.constant 32 : i32
        %add3A_185 = arith.addi %sub3A_160, %add3A_184 : i32
        %get3A_186 = arith.index_cast %add3A_185 : i32 to index
        %get3A_187 = tpu.vector_load %arg12[%get3A_186] {strides = array<i32>} : memref<2304xi32, #tpu.memory_space<vmem>>, vector<16xi32>,
        %swap3A_188 = arith.constant 32 : index
        %swap3A_189 = tpu.vector_load %arg14[%swap3A_188] {strides = array<i32>} : memref<64xi32, #tpu.memory_space<vmem>>, vector<16xi32>,
        tpu.vector_store %arg14[%swap3A_188], %get3A_187 {strides = array<i32>} : memref<64xi32, #tpu.memory_space<vmem>>, vector<16xi32>,
        %add3A_190 = arith.constant 32 : i32
        %add3A_191 = arith.addi %sub3A_160, %add3A_190 : i32
        %get3A_192 = arith.index_cast %add3A_191 : i32 to index
        %get3A_193 = tpu.vector_load %arg13[%get3A_192] {strides = array<i32>} : memref<2304xi32, #tpu.memory_space<vmem>>, vector<16xi32>,
        %swap3A_194 = arith.constant 32 : index
        %swap3A_195 = tpu.vector_load %arg15[%swap3A_194] {strides = array<i32>} : memref<64xi32, #tpu.memory_space<vmem>>, vector<16xi32>,
        tpu.vector_store %arg15[%swap3A_194], %get3A_193 {strides = array<i32>} : memref<64xi32, #tpu.memory_space<vmem>>, vector<16xi32>,
        %add3A_196 = arith.constant 48 : i32
        %add3A_197 = arith.addi %sub3A_160, %add3A_196 : i32
        %get3A_198 = arith.index_cast %add3A_197 : i32 to index
        %get3A_199 = tpu.vector_load %arg12[%get3A_198] {strides = array<i32>} : memref<2304xi32, #tpu.memory_space<vmem>>, vector<16xi32>,
        %swap3A_200 = arith.constant 48 : index
        %swap3A_201 = tpu.vector_load %arg14[%swap3A_200] {strides = array<i32>} : memref<64xi32, #tpu.memory_space<vmem>>, vector<16xi32>,
        tpu.vector_store %arg14[%swap3A_200], %get3A_199 {strides = array<i32>} : memref<64xi32, #tpu.memory_space<vmem>>, vector<16xi32>,
        %add3A_202 = arith.constant 48 : i32
        %add3A_203 = arith.addi %sub3A_160, %add3A_202 : i32
        %get3A_204 = arith.index_cast %add3A_203 : i32 to index
        %get3A_205 = tpu.vector_load %arg13[%get3A_204] {strides = array<i32>} : memref<2304xi32, #tpu.memory_space<vmem>>, vector<16xi32>,
        %swap3A_206 = arith.constant 48 : index
        %swap3A_207 = tpu.vector_load %arg15[%swap3A_206] {strides = array<i32>} : memref<64xi32, #tpu.memory_space<vmem>>, vector<16xi32>,
        tpu.vector_store %arg15[%swap3A_206], %get3A_205 {strides = array<i32>} : memref<64xi32, #tpu.memory_space<vmem>>, vector<16xi32>,
        %dma_start3A_208 = arith.constant 0 : i32
        %dma_start3A_209 = arith.constant 0 : i32
        %dma_start3A_210 = tpu.memref_slice %arg2[%dma_start3A_208, %dma_start3A_209] : memref<50000x128xi32, #tpu.memory_space<hbm>> -> memref<50000x128xi32, #tpu.memory_space<hbm>>
        tpu.enqueue_indirect_dma source(%dma_start3A_210 : memref<50000x128xi32, #tpu.memory_space<hbm>>) target(%arg16 : memref<64x128xi32, #tpu.memory_space<vmem>>) offsets(%arg14 : memref<64xi32, #tpu.memory_space<vmem>>) semaphore(%arg21 : memref<!tpu.dma_semaphore, #tpu.memory_space<semaphore_mem>>)
        %dma_start3A_211 = arith.constant 0 : i32
        %dma_start3A_212 = arith.constant 0 : i32
        %dma_start3A_213 = tpu.memref_slice %arg3[%dma_start3A_211, %dma_start3A_212] : memref<10000x128xi32, #tpu.memory_space<hbm>> -> memref<10000x128xi32, #tpu.memory_space<hbm>>
        tpu.enqueue_indirect_dma source(%dma_start3A_213 : memref<10000x128xi32, #tpu.memory_space<hbm>>) target(%arg17 : memref<64x128xi32, #tpu.memory_space<vmem>>) offsets(%arg15 : memref<64xi32, #tpu.memory_space<vmem>>) semaphore(%arg22 : memref<!tpu.dma_semaphore, #tpu.memory_space<semaphore_mem>>)
        %dma_wait3A_214 = arith.constant 0 : i32
        %dma_wait3A_215 = arith.constant 0 : i32
        %dma_wait3A_216 = tpu.memref_slice %arg2[%dma_wait3A_214, %dma_wait3A_215] : memref<50000x128xi32, #tpu.memory_space<hbm>> -> memref<50000x128xi32, #tpu.memory_space<hbm>>
        tpu.wait_indirect_dma semaphore(%arg21 : memref<!tpu.dma_semaphore, #tpu.memory_space<semaphore_mem>>) src(%dma_wait3A_216 : memref<50000x128xi32, #tpu.memory_space<hbm>>) dst(%arg16 : memref<64x128xi32, #tpu.memory_space<vmem>>)
        %dma_wait3A_217 = arith.constant 0 : i32
        %dma_wait3A_218 = arith.constant 0 : i32
        %dma_wait3A_219 = tpu.memref_slice %arg3[%dma_wait3A_217, %dma_wait3A_218] : memref<10000x128xi32, #tpu.memory_space<hbm>> -> memref<10000x128xi32, #tpu.memory_space<hbm>>
        tpu.wait_indirect_dma semaphore(%arg22 : memref<!tpu.dma_semaphore, #tpu.memory_space<semaphore_mem>>) src(%dma_wait3A_219 : memref<10000x128xi32, #tpu.memory_space<hbm>>) dst(%arg17 : memref<64x128xi32, #tpu.memory_space<vmem>>)
        %scan3A_220 = arith.constant 0 : i32
        %scan3A_221 = arith.constant 0 : i32
        %scan3A_222 = arith.constant 64 : i32
        %scan3A_223 = arith.addi %scan3A_221, %scan3A_222 : i32
        %scan3A_224 = arith.constant 1 : i32
        %scan3A_225 = scf.for %scan3A_227 = %scan3A_221 to %scan3A_223 step %scan3A_224 iter_args(%scan3A_228 = %scan3A_220) -> (i32)  : i32 {
          %broadcast_in_dim3A_229 = vector.broadcast %scan3A_227 : i32 to vector<16xi32>
          %gather3A = tpu.vector_load_idx %arg15[%broadcast_in_dim3A_229] : memref<64xi32, #tpu.memory_space<vmem>>[vector<16xi32>], vector<16xi32>,
          %sub3A_230 = vector.broadcast %mul3A_4 : i32 to vector<16xi32>
          %sub3A_231 = arith.subi %gather3A, %sub3A_230 : vector<16xi32>
          %get3A_232 = arith.index_cast %scan3A_227 : i32 to index
          %get3A_233 = arith.constant 0 : index
          %get3A_234 = tpu.vector_load %arg16[%get3A_232, %get3A_233] {strides = array<i32>} : memref<64x128xi32, #tpu.memory_space<vmem>>, vector<16xi32>,
          %bitcast3A = vector.bitcast %get3A_234 : vector<16xi32> to vector<32xbf16>
          %unpack3A = tpu.unpack_subelements %bitcast3A, 0 {pack_format = #tpu.pack_format<interleaved>} : vector<32xbf16> -> vector<16xf32>
          %unpack3A_235 = tpu.unpack_subelements %bitcast3A, 1 {pack_format = #tpu.pack_format<interleaved>} : vector<32xbf16> -> vector<16xf32>
          %get3A_236 = arith.index_cast %scan3A_227 : i32 to index
          %get3A_237 = arith.constant 0 : index
          %get3A_238 = tpu.vector_load %arg17[%get3A_236, %get3A_237] {strides = array<i32>} : memref<64x128xi32, #tpu.memory_space<vmem>>, vector<16xi32>,
          %bitcast3A_239 = vector.bitcast %get3A_238 : vector<16xi32> to vector<32xbf16>
          %unpack3A_240 = tpu.unpack_subelements %bitcast3A_239, 0 {pack_format = #tpu.pack_format<interleaved>} : vector<32xbf16> -> vector<16xf32>
          %unpack3A_241 = tpu.unpack_subelements %bitcast3A_239, 1 {pack_format = #tpu.pack_format<interleaved>} : vector<32xbf16> -> vector<16xf32>
          %mul3A_242 = arith.mulf %unpack3A, %unpack3A_240 : vector<16xf32>
          %mul3A_243 = arith.mulf %unpack3A_235, %unpack3A_241 : vector<16xf32>
          %add3A_244 = arith.addf %mul3A_242, %mul3A_243 : vector<16xf32>
          %get3A_245 = arith.index_cast %scan3A_227 : i32 to index
          %get3A_246 = arith.constant 16 : index
          %get3A_247 = tpu.vector_load %arg16[%get3A_245, %get3A_246] {strides = array<i32>} : memref<64x128xi32, #tpu.memory_space<vmem>>, vector<16xi32>,
          %bitcast3A_248 = vector.bitcast %get3A_247 : vector<16xi32> to vector<32xbf16>
          %unpack3A_249 = tpu.unpack_subelements %bitcast3A_248, 0 {pack_format = #tpu.pack_format<interleaved>} : vector<32xbf16> -> vector<16xf32>
          %unpack3A_250 = tpu.unpack_subelements %bitcast3A_248, 1 {pack_format = #tpu.pack_format<interleaved>} : vector<32xbf16> -> vector<16xf32>
          %get3A_251 = arith.index_cast %scan3A_227 : i32 to index
          %get3A_252 = arith.constant 16 : index
          %get3A_253 = tpu.vector_load %arg17[%get3A_251, %get3A_252] {strides = array<i32>} : memref<64x128xi32, #tpu.memory_space<vmem>>, vector<16xi32>,
          %bitcast3A_254 = vector.bitcast %get3A_253 : vector<16xi32> to vector<32xbf16>
          %unpack3A_255 = tpu.unpack_subelements %bitcast3A_254, 0 {pack_format = #tpu.pack_format<interleaved>} : vector<32xbf16> -> vector<16xf32>
          %unpack3A_256 = tpu.unpack_subelements %bitcast3A_254, 1 {pack_format = #tpu.pack_format<interleaved>} : vector<32xbf16> -> vector<16xf32>
          %mul3A_257 = arith.mulf %unpack3A_249, %unpack3A_255 : vector<16xf32>
          %mul3A_258 = arith.mulf %unpack3A_250, %unpack3A_256 : vector<16xf32>
          %add3A_259 = arith.addf %mul3A_257, %mul3A_258 : vector<16xf32>
          %add3A_260 = arith.addf %add3A_244, %add3A_259 : vector<16xf32>
          %get3A_261 = arith.index_cast %scan3A_227 : i32 to index
          %get3A_262 = arith.constant 32 : index
          %get3A_263 = tpu.vector_load %arg16[%get3A_261, %get3A_262] {strides = array<i32>} : memref<64x128xi32, #tpu.memory_space<vmem>>, vector<16xi32>,
          %bitcast3A_264 = vector.bitcast %get3A_263 : vector<16xi32> to vector<32xbf16>
          %unpack3A_265 = tpu.unpack_subelements %bitcast3A_264, 0 {pack_format = #tpu.pack_format<interleaved>} : vector<32xbf16> -> vector<16xf32>
          %unpack3A_266 = tpu.unpack_subelements %bitcast3A_264, 1 {pack_format = #tpu.pack_format<interleaved>} : vector<32xbf16> -> vector<16xf32>
          %get3A_267 = arith.index_cast %scan3A_227 : i32 to index
          %get3A_268 = arith.constant 32 : index
          %get3A_269 = tpu.vector_load %arg17[%get3A_267, %get3A_268] {strides = array<i32>} : memref<64x128xi32, #tpu.memory_space<vmem>>, vector<16xi32>,
          %bitcast3A_270 = vector.bitcast %get3A_269 : vector<16xi32> to vector<32xbf16>
          %unpack3A_271 = tpu.unpack_subelements %bitcast3A_270, 0 {pack_format = #tpu.pack_format<interleaved>} : vector<32xbf16> -> vector<16xf32>
          %unpack3A_272 = tpu.unpack_subelements %bitcast3A_270, 1 {pack_format = #tpu.pack_format<interleaved>} : vector<32xbf16> -> vector<16xf32>
          %mul3A_273 = arith.mulf %unpack3A_265, %unpack3A_271 : vector<16xf32>
          %mul3A_274 = arith.mulf %unpack3A_266, %unpack3A_272 : vector<16xf32>
          %add3A_275 = arith.addf %mul3A_273, %mul3A_274 : vector<16xf32>
          %add3A_276 = arith.addf %add3A_260, %add3A_275 : vector<16xf32>
          %get3A_277 = arith.index_cast %scan3A_227 : i32 to index
          %get3A_278 = arith.constant 48 : index
          %get3A_279 = tpu.vector_load %arg16[%get3A_277, %get3A_278] {strides = array<i32>} : memref<64x128xi32, #tpu.memory_space<vmem>>, vector<16xi32>,
          %bitcast3A_280 = vector.bitcast %get3A_279 : vector<16xi32> to vector<32xbf16>
          %unpack3A_281 = tpu.unpack_subelements %bitcast3A_280, 0 {pack_format = #tpu.pack_format<interleaved>} : vector<32xbf16> -> vector<16xf32>
          %unpack3A_282 = tpu.unpack_subelements %bitcast3A_280, 1 {pack_format = #tpu.pack_format<interleaved>} : vector<32xbf16> -> vector<16xf32>
          %get3A_283 = arith.index_cast %scan3A_227 : i32 to index
          %get3A_284 = arith.constant 48 : index
          %get3A_285 = tpu.vector_load %arg17[%get3A_283, %get3A_284] {strides = array<i32>} : memref<64x128xi32, #tpu.memory_space<vmem>>, vector<16xi32>,
          %bitcast3A_286 = vector.bitcast %get3A_285 : vector<16xi32> to vector<32xbf16>
          %unpack3A_287 = tpu.unpack_subelements %bitcast3A_286, 0 {pack_format = #tpu.pack_format<interleaved>} : vector<32xbf16> -> vector<16xf32>
          %unpack3A_288 = tpu.unpack_subelements %bitcast3A_286, 1 {pack_format = #tpu.pack_format<interleaved>} : vector<32xbf16> -> vector<16xf32>
          %mul3A_289 = arith.mulf %unpack3A_281, %unpack3A_287 : vector<16xf32>
          %mul3A_290 = arith.mulf %unpack3A_282, %unpack3A_288 : vector<16xf32>
          %add3A_291 = arith.addf %mul3A_289, %mul3A_290 : vector<16xf32>
          %add3A_292 = arith.addf %add3A_276, %add3A_291 : vector<16xf32>
          %get3A_293 = arith.index_cast %scan3A_227 : i32 to index
          %get3A_294 = arith.constant 64 : index
          %get3A_295 = tpu.vector_load %arg16[%get3A_293, %get3A_294] {strides = array<i32>} : memref<64x128xi32, #tpu.memory_space<vmem>>, vector<16xi32>,
          %bitcast3A_296 = vector.bitcast %get3A_295 : vector<16xi32> to vector<32xbf16>
          %unpack3A_297 = tpu.unpack_subelements %bitcast3A_296, 0 {pack_format = #tpu.pack_format<interleaved>} : vector<32xbf16> -> vector<16xf32>
          %unpack3A_298 = tpu.unpack_subelements %bitcast3A_296, 1 {pack_format = #tpu.pack_format<interleaved>} : vector<32xbf16> -> vector<16xf32>
          %get3A_299 = arith.index_cast %scan3A_227 : i32 to index
          %get3A_300 = arith.constant 64 : index
          %get3A_301 = tpu.vector_load %arg17[%get3A_299, %get3A_300] {strides = array<i32>} : memref<64x128xi32, #tpu.memory_space<vmem>>, vector<16xi32>,
          %bitcast3A_302 = vector.bitcast %get3A_301 : vector<16xi32> to vector<32xbf16>
          %unpack3A_303 = tpu.unpack_subelements %bitcast3A_302, 0 {pack_format = #tpu.pack_format<interleaved>} : vector<32xbf16> -> vector<16xf32>
          %unpack3A_304 = tpu.unpack_subelements %bitcast3A_302, 1 {pack_format = #tpu.pack_format<interleaved>} : vector<32xbf16> -> vector<16xf32>
          %mul3A_305 = arith.mulf %unpack3A_297, %unpack3A_303 : vector<16xf32>
          %mul3A_306 = arith.mulf %unpack3A_298, %unpack3A_304 : vector<16xf32>
          %add3A_307 = arith.addf %mul3A_305, %mul3A_306 : vector<16xf32>
          %add3A_308 = arith.addf %add3A_292, %add3A_307 : vector<16xf32>
          %get3A_309 = arith.index_cast %scan3A_227 : i32 to index
          %get3A_310 = arith.constant 80 : index
          %get3A_311 = tpu.vector_load %arg16[%get3A_309, %get3A_310] {strides = array<i32>} : memref<64x128xi32, #tpu.memory_space<vmem>>, vector<16xi32>,
          %bitcast3A_312 = vector.bitcast %get3A_311 : vector<16xi32> to vector<32xbf16>
          %unpack3A_313 = tpu.unpack_subelements %bitcast3A_312, 0 {pack_format = #tpu.pack_format<interleaved>} : vector<32xbf16> -> vector<16xf32>
          %unpack3A_314 = tpu.unpack_subelements %bitcast3A_312, 1 {pack_format = #tpu.pack_format<interleaved>} : vector<32xbf16> -> vector<16xf32>
          %get3A_315 = arith.index_cast %scan3A_227 : i32 to index
          %get3A_316 = arith.constant 80 : index
          %get3A_317 = tpu.vector_load %arg17[%get3A_315, %get3A_316] {strides = array<i32>} : memref<64x128xi32, #tpu.memory_space<vmem>>, vector<16xi32>,
          %bitcast3A_318 = vector.bitcast %get3A_317 : vector<16xi32> to vector<32xbf16>
          %unpack3A_319 = tpu.unpack_subelements %bitcast3A_318, 0 {pack_format = #tpu.pack_format<interleaved>} : vector<32xbf16> -> vector<16xf32>
          %unpack3A_320 = tpu.unpack_subelements %bitcast3A_318, 1 {pack_format = #tpu.pack_format<interleaved>} : vector<32xbf16> -> vector<16xf32>
          %mul3A_321 = arith.mulf %unpack3A_313, %unpack3A_319 : vector<16xf32>
          %mul3A_322 = arith.mulf %unpack3A_314, %unpack3A_320 : vector<16xf32>
          %add3A_323 = arith.addf %mul3A_321, %mul3A_322 : vector<16xf32>
          %add3A_324 = arith.addf %add3A_308, %add3A_323 : vector<16xf32>
          %get3A_325 = arith.index_cast %scan3A_227 : i32 to index
          %get3A_326 = arith.constant 96 : index
          %get3A_327 = tpu.vector_load %arg16[%get3A_325, %get3A_326] {strides = array<i32>} : memref<64x128xi32, #tpu.memory_space<vmem>>, vector<16xi32>,
          %bitcast3A_328 = vector.bitcast %get3A_327 : vector<16xi32> to vector<32xbf16>
          %unpack3A_329 = tpu.unpack_subelements %bitcast3A_328, 0 {pack_format = #tpu.pack_format<interleaved>} : vector<32xbf16> -> vector<16xf32>
          %unpack3A_330 = tpu.unpack_subelements %bitcast3A_328, 1 {pack_format = #tpu.pack_format<interleaved>} : vector<32xbf16> -> vector<16xf32>
          %get3A_331 = arith.index_cast %scan3A_227 : i32 to index
          %get3A_332 = arith.constant 96 : index
          %get3A_333 = tpu.vector_load %arg17[%get3A_331, %get3A_332] {strides = array<i32>} : memref<64x128xi32, #tpu.memory_space<vmem>>, vector<16xi32>,
          %bitcast3A_334 = vector.bitcast %get3A_333 : vector<16xi32> to vector<32xbf16>
          %unpack3A_335 = tpu.unpack_subelements %bitcast3A_334, 0 {pack_format = #tpu.pack_format<interleaved>} : vector<32xbf16> -> vector<16xf32>
          %unpack3A_336 = tpu.unpack_subelements %bitcast3A_334, 1 {pack_format = #tpu.pack_format<interleaved>} : vector<32xbf16> -> vector<16xf32>
          %mul3A_337 = arith.mulf %unpack3A_329, %unpack3A_335 : vector<16xf32>
          %mul3A_338 = arith.mulf %unpack3A_330, %unpack3A_336 : vector<16xf32>
          %add3A_339 = arith.addf %mul3A_337, %mul3A_338 : vector<16xf32>
          %add3A_340 = arith.addf %add3A_324, %add3A_339 : vector<16xf32>
          %get3A_341 = arith.index_cast %scan3A_227 : i32 to index
          %get3A_342 = arith.constant 112 : index
          %get3A_343 = tpu.vector_load %arg16[%get3A_341, %get3A_342] {strides = array<i32>} : memref<64x128xi32, #tpu.memory_space<vmem>>, vector<16xi32>,
          %bitcast3A_344 = vector.bitcast %get3A_343 : vector<16xi32> to vector<32xbf16>
          %unpack3A_345 = tpu.unpack_subelements %bitcast3A_344, 0 {pack_format = #tpu.pack_format<interleaved>} : vector<32xbf16> -> vector<16xf32>
          %unpack3A_346 = tpu.unpack_subelements %bitcast3A_344, 1 {pack_format = #tpu.pack_format<interleaved>} : vector<32xbf16> -> vector<16xf32>
          %get3A_347 = arith.index_cast %scan3A_227 : i32 to index
          %get3A_348 = arith.constant 112 : index
          %get3A_349 = tpu.vector_load %arg17[%get3A_347, %get3A_348] {strides = array<i32>} : memref<64x128xi32, #tpu.memory_space<vmem>>, vector<16xi32>,
          %bitcast3A_350 = vector.bitcast %get3A_349 : vector<16xi32> to vector<32xbf16>
          %unpack3A_351 = tpu.unpack_subelements %bitcast3A_350, 0 {pack_format = #tpu.pack_format<interleaved>} : vector<32xbf16> -> vector<16xf32>
          %unpack3A_352 = tpu.unpack_subelements %bitcast3A_350, 1 {pack_format = #tpu.pack_format<interleaved>} : vector<32xbf16> -> vector<16xf32>
          %mul3A_353 = arith.mulf %unpack3A_345, %unpack3A_351 : vector<16xf32>
          %mul3A_354 = arith.mulf %unpack3A_346, %unpack3A_352 : vector<16xf32>
          %add3A_355 = arith.addf %mul3A_353, %mul3A_354 : vector<16xf32>
          %add3A_356 = arith.addf %add3A_340, %add3A_355 : vector<16xf32>
          %broadcast_in_dim3A_357 = arith.constant true
          %broadcast_in_dim3A_358 = vector.broadcast %broadcast_in_dim3A_357 : i1 to vector<16xi1>
          %masked_cumsum3A = tpu.scan <sum>, %add3A_356 masked %broadcast_in_dim3A_358 : vector<16xf32>, vector<16xi1> -> vector<16xf32>
          %exp3A = math.exp %masked_cumsum3A : vector<16xf32>
          %lt3A_359 = arith.constant 64 : i32
          %lt3A_360 = arith.cmpi slt, %scan3A_227, %lt3A_359 : i32
          %jit3A_361 = arith.constant 1.000000e+00 : f32
          %jit3A_362 = arith.constant 0.000000e+00 : f32
          %select_n3A_363 = arith.select %lt3A_360, %jit3A_361, %jit3A_362 : f32
          %mul3A_364 = vector.broadcast %select_n3A_363 : f32 to vector<16xf32>
          %mul3A_365 = arith.mulf %exp3A, %mul3A_364 : vector<16xf32>
          %get3A_366 = arith.constant 0 : index
          %get3A_367 = tpu.vector_load %arg20[%get3A_366] {strides = array<i32>} : memref<16xf32, #tpu.memory_space<vmem>>, vector<16xf32>,
          %jit3A_368 = arith.constant 0.000000e+00 : f32
          %broadcast_in_dim3A_369 = vector.broadcast %jit3A_368 : f32 to vector<16xf32>
          %select_n3A_370 = arith.select %eq3A_2, %mul3A_365, %broadcast_in_dim3A_369 : vector<16xi1>, vector<16xf32>
          %add3A_371 = arith.addf %get3A_367, %select_n3A_370 : vector<16xf32>
          %swap3A_372 = arith.constant 0 : index
          %swap3A_373 = tpu.vector_load %arg20[%swap3A_372] {strides = array<i32>} : memref<16xf32, #tpu.memory_space<vmem>>, vector<16xf32>,
          tpu.vector_store %arg20[%swap3A_372], %add3A_371 {strides = array<i32>} : memref<16xf32, #tpu.memory_space<vmem>>, vector<16xf32>,
          %swap3A_374 = arith.constant 0 : index
          %swap3A_375 = tpu.vector_load %arg19[%swap3A_374] {strides = array<i32>} : memref<16xf32, #tpu.memory_space<vmem>>, vector<16xf32>,
          tpu.vector_store %arg19[%swap3A_374], %mul3A_365 {strides = array<i32>} : memref<16xf32, #tpu.memory_space<vmem>>, vector<16xf32>,
          %broadcast_in_dim3A_376 = arith.constant 15 : i32
          %broadcast_in_dim3A_377 = vector.broadcast %broadcast_in_dim3A_376 : i32 to vector<16xi32>
          %gather3A_378 = tpu.vector_load_idx %arg19[%broadcast_in_dim3A_377] : memref<16xf32, #tpu.memory_space<vmem>>[vector<16xi32>], vector<16xf32>,
          %add3A_379 = arith.constant 0 : i32
          %add3A_380 = vector.broadcast %add3A_379 : i32 to vector<16xi32>
          %add3A_381 = arith.addi %iota3A, %add3A_380 : vector<16xi32>
          %mul3A_382 = arith.mulf %unpack3A, %gather3A_378 : vector<16xf32>
          tpu.vector_store_idx %arg18[%sub3A_231, %add3A_381], %mul3A_382 {add = true} : memref<320x256xf32, #tpu.memory_space<vmem>>[vector<16xi32>, vector<16xi32>], vector<16xf32>,
          %add3A_383 = arith.constant 0 : i32
          %add3A_384 = vector.broadcast %add3A_383 : i32 to vector<16xi32>
          %add3A_385 = arith.addi %iota3A, %add3A_384 : vector<16xi32>
          %add3A_386 = arith.constant 128 : i32
          %add3A_387 = vector.broadcast %add3A_386 : i32 to vector<16xi32>
          %add3A_388 = arith.addi %add3A_385, %add3A_387 : vector<16xi32>
          %mul3A_389 = arith.mulf %unpack3A_235, %gather3A_378 : vector<16xf32>
          tpu.vector_store_idx %arg18[%sub3A_231, %add3A_388], %mul3A_389 {add = true} : memref<320x256xf32, #tpu.memory_space<vmem>>[vector<16xi32>, vector<16xi32>], vector<16xf32>,
          %add3A_390 = arith.constant 16 : i32
          %add3A_391 = vector.broadcast %add3A_390 : i32 to vector<16xi32>
          %add3A_392 = arith.addi %iota3A, %add3A_391 : vector<16xi32>
          %mul3A_393 = arith.mulf %unpack3A_249, %gather3A_378 : vector<16xf32>
          tpu.vector_store_idx %arg18[%sub3A_231, %add3A_392], %mul3A_393 {add = true} : memref<320x256xf32, #tpu.memory_space<vmem>>[vector<16xi32>, vector<16xi32>], vector<16xf32>,
          %add3A_394 = arith.constant 16 : i32
          %add3A_395 = vector.broadcast %add3A_394 : i32 to vector<16xi32>
          %add3A_396 = arith.addi %iota3A, %add3A_395 : vector<16xi32>
          %add3A_397 = arith.constant 128 : i32
          %add3A_398 = vector.broadcast %add3A_397 : i32 to vector<16xi32>
          %add3A_399 = arith.addi %add3A_396, %add3A_398 : vector<16xi32>
          %mul3A_400 = arith.mulf %unpack3A_250, %gather3A_378 : vector<16xf32>
          tpu.vector_store_idx %arg18[%sub3A_231, %add3A_399], %mul3A_400 {add = true} : memref<320x256xf32, #tpu.memory_space<vmem>>[vector<16xi32>, vector<16xi32>], vector<16xf32>,
          %add3A_401 = arith.constant 32 : i32
          %add3A_402 = vector.broadcast %add3A_401 : i32 to vector<16xi32>
          %add3A_403 = arith.addi %iota3A, %add3A_402 : vector<16xi32>
          %mul3A_404 = arith.mulf %unpack3A_265, %gather3A_378 : vector<16xf32>
          tpu.vector_store_idx %arg18[%sub3A_231, %add3A_403], %mul3A_404 {add = true} : memref<320x256xf32, #tpu.memory_space<vmem>>[vector<16xi32>, vector<16xi32>], vector<16xf32>,
          %add3A_405 = arith.constant 32 : i32
          %add3A_406 = vector.broadcast %add3A_405 : i32 to vector<16xi32>
          %add3A_407 = arith.addi %iota3A, %add3A_406 : vector<16xi32>
          %add3A_408 = arith.constant 128 : i32
          %add3A_409 = vector.broadcast %add3A_408 : i32 to vector<16xi32>
          %add3A_410 = arith.addi %add3A_407, %add3A_409 : vector<16xi32>
          %mul3A_411 = arith.mulf %unpack3A_266, %gather3A_378 : vector<16xf32>
          tpu.vector_store_idx %arg18[%sub3A_231, %add3A_410], %mul3A_411 {add = true} : memref<320x256xf32, #tpu.memory_space<vmem>>[vector<16xi32>, vector<16xi32>], vector<16xf32>,
          %add3A_412 = arith.constant 48 : i32
          %add3A_413 = vector.broadcast %add3A_412 : i32 to vector<16xi32>
          %add3A_414 = arith.addi %iota3A, %add3A_413 : vector<16xi32>
          %mul3A_415 = arith.mulf %unpack3A_281, %gather3A_378 : vector<16xf32>
          tpu.vector_store_idx %arg18[%sub3A_231, %add3A_414], %mul3A_415 {add = true} : memref<320x256xf32, #tpu.memory_space<vmem>>[vector<16xi32>, vector<16xi32>], vector<16xf32>,
          %add3A_416 = arith.constant 48 : i32
          %add3A_417 = vector.broadcast %add3A_416 : i32 to vector<16xi32>
          %add3A_418 = arith.addi %iota3A, %add3A_417 : vector<16xi32>
          %add3A_419 = arith.constant 128 : i32
          %add3A_420 = vector.broadcast %add3A_419 : i32 to vector<16xi32>
          %add3A_421 = arith.addi %add3A_418, %add3A_420 : vector<16xi32>
          %mul3A_422 = arith.mulf %unpack3A_282, %gather3A_378 : vector<16xf32>
          tpu.vector_store_idx %arg18[%sub3A_231, %add3A_421], %mul3A_422 {add = true} : memref<320x256xf32, #tpu.memory_space<vmem>>[vector<16xi32>, vector<16xi32>], vector<16xf32>,
          %add3A_423 = arith.constant 64 : i32
          %add3A_424 = vector.broadcast %add3A_423 : i32 to vector<16xi32>
          %add3A_425 = arith.addi %iota3A, %add3A_424 : vector<16xi32>
          %mul3A_426 = arith.mulf %unpack3A_297, %gather3A_378 : vector<16xf32>
          tpu.vector_store_idx %arg18[%sub3A_231, %add3A_425], %mul3A_426 {add = true} : memref<320x256xf32, #tpu.memory_space<vmem>>[vector<16xi32>, vector<16xi32>], vector<16xf32>,
          %add3A_427 = arith.constant 64 : i32
          %add3A_428 = vector.broadcast %add3A_427 : i32 to vector<16xi32>
          %add3A_429 = arith.addi %iota3A, %add3A_428 : vector<16xi32>
          %add3A_430 = arith.constant 128 : i32
          %add3A_431 = vector.broadcast %add3A_430 : i32 to vector<16xi32>
          %add3A_432 = arith.addi %add3A_429, %add3A_431 : vector<16xi32>
          %mul3A_433 = arith.mulf %unpack3A_298, %gather3A_378 : vector<16xf32>
          tpu.vector_store_idx %arg18[%sub3A_231, %add3A_432], %mul3A_433 {add = true} : memref<320x256xf32, #tpu.memory_space<vmem>>[vector<16xi32>, vector<16xi32>], vector<16xf32>,
          %add3A_434 = arith.constant 80 : i32
          %add3A_435 = vector.broadcast %add3A_434 : i32 to vector<16xi32>
          %add3A_436 = arith.addi %iota3A, %add3A_435 : vector<16xi32>
          %mul3A_437 = arith.mulf %unpack3A_313, %gather3A_378 : vector<16xf32>
          tpu.vector_store_idx %arg18[%sub3A_231, %add3A_436], %mul3A_437 {add = true} : memref<320x256xf32, #tpu.memory_space<vmem>>[vector<16xi32>, vector<16xi32>], vector<16xf32>,
          %add3A_438 = arith.constant 80 : i32
          %add3A_439 = vector.broadcast %add3A_438 : i32 to vector<16xi32>
          %add3A_440 = arith.addi %iota3A, %add3A_439 : vector<16xi32>
          %add3A_441 = arith.constant 128 : i32
          %add3A_442 = vector.broadcast %add3A_441 : i32 to vector<16xi32>
          %add3A_443 = arith.addi %add3A_440, %add3A_442 : vector<16xi32>
          %mul3A_444 = arith.mulf %unpack3A_314, %gather3A_378 : vector<16xf32>
          tpu.vector_store_idx %arg18[%sub3A_231, %add3A_443], %mul3A_444 {add = true} : memref<320x256xf32, #tpu.memory_space<vmem>>[vector<16xi32>, vector<16xi32>], vector<16xf32>,
          %add3A_445 = arith.constant 96 : i32
          %add3A_446 = vector.broadcast %add3A_445 : i32 to vector<16xi32>
          %add3A_447 = arith.addi %iota3A, %add3A_446 : vector<16xi32>
          %mul3A_448 = arith.mulf %unpack3A_329, %gather3A_378 : vector<16xf32>
          tpu.vector_store_idx %arg18[%sub3A_231, %add3A_447], %mul3A_448 {add = true} : memref<320x256xf32, #tpu.memory_space<vmem>>[vector<16xi32>, vector<16xi32>], vector<16xf32>,
          %add3A_449 = arith.constant 96 : i32
          %add3A_450 = vector.broadcast %add3A_449 : i32 to vector<16xi32>
          %add3A_451 = arith.addi %iota3A, %add3A_450 : vector<16xi32>
          %add3A_452 = arith.constant 128 : i32
          %add3A_453 = vector.broadcast %add3A_452 : i32 to vector<16xi32>
          %add3A_454 = arith.addi %add3A_451, %add3A_453 : vector<16xi32>
          %mul3A_455 = arith.mulf %unpack3A_330, %gather3A_378 : vector<16xf32>
          tpu.vector_store_idx %arg18[%sub3A_231, %add3A_454], %mul3A_455 {add = true} : memref<320x256xf32, #tpu.memory_space<vmem>>[vector<16xi32>, vector<16xi32>], vector<16xf32>,
          %add3A_456 = arith.constant 112 : i32
          %add3A_457 = vector.broadcast %add3A_456 : i32 to vector<16xi32>
          %add3A_458 = arith.addi %iota3A, %add3A_457 : vector<16xi32>
          %mul3A_459 = arith.mulf %unpack3A_345, %gather3A_378 : vector<16xf32>
          tpu.vector_store_idx %arg18[%sub3A_231, %add3A_458], %mul3A_459 {add = true} : memref<320x256xf32, #tpu.memory_space<vmem>>[vector<16xi32>, vector<16xi32>], vector<16xf32>,
          %add3A_460 = arith.constant 112 : i32
          %add3A_461 = vector.broadcast %add3A_460 : i32 to vector<16xi32>
          %add3A_462 = arith.addi %iota3A, %add3A_461 : vector<16xi32>
          %add3A_463 = arith.constant 128 : i32
          %add3A_464 = vector.broadcast %add3A_463 : i32 to vector<16xi32>
          %add3A_465 = arith.addi %add3A_462, %add3A_464 : vector<16xi32>
          %mul3A_466 = arith.mulf %unpack3A_346, %gather3A_378 : vector<16xf32>
          tpu.vector_store_idx %arg18[%sub3A_231, %add3A_465], %mul3A_466 {add = true} : memref<320x256xf32, #tpu.memory_space<vmem>>[vector<16xi32>, vector<16xi32>], vector<16xf32>,
          %scan3A_467 = arith.constant 0 : i32
          scf.yield %scan3A_467 : i32
        }
        %scan3A_226 = arith.constant 64 : i32
        scf.yield %sub3A_160 : i32
      }
      %ge3A_143 = arith.constant 64 : i32
      %ge3A_144 = arith.cmpi sge, %while3A_142, %ge3A_143 : i32
      %jit3A_145 = arith.constant 1 : i32
      %jit3A_146 = arith.constant 0 : i32
      %select_n3A_147 = arith.select %ge3A_144, %jit3A_145, %jit3A_146 : i32
      %ge3A_148 = arith.constant 64 : i32
      %ge3A_149 = arith.cmpi sge, %while3A_142, %ge3A_148 : i32
      %convert_element_type3A_150 = arith.extui %ge3A_149 : i1 to i32
      %cond3A_151 = arith.constant 0 : i32
      %cond3A_152 = arith.cmpi ne, %convert_element_type3A_150, %cond3A_151 : i32
      scf.if %cond3A_152 {
        %sub3A_158 = arith.constant 64 : i32
        %sub3A_159 = arith.subi %while3A_142, %sub3A_158 : i32
        %add3A_160 = arith.constant 0 : i32
        %add3A_161 = arith.addi %sub3A_159, %add3A_160 : i32
        %get3A = arith.index_cast %add3A_161 : i32 to index
        %get3A_162 = tpu.vector_load %arg12[%get3A] {strides = array<i32>} : memref<2304xi32, #tpu.memory_space<vmem>>, vector<16xi32>,
        %swap3A_163 = arith.constant 0 : index
        %swap3A_164 = tpu.vector_load %arg14[%swap3A_163] {strides = array<i32>} : memref<64xi32, #tpu.memory_space<vmem>>, vector<16xi32>,
        tpu.vector_store %arg14[%swap3A_163], %get3A_162 {strides = array<i32>} : memref<64xi32, #tpu.memory_space<vmem>>, vector<16xi32>,
        %add3A_165 = arith.constant 0 : i32
        %add3A_166 = arith.addi %sub3A_159, %add3A_165 : i32
        %get3A_167 = arith.index_cast %add3A_166 : i32 to index
        %get3A_168 = tpu.vector_load %arg13[%get3A_167] {strides = array<i32>} : memref<2304xi32, #tpu.memory_space<vmem>>, vector<16xi32>,
        %swap3A_169 = arith.constant 0 : index
        %swap3A_170 = tpu.vector_load %arg15[%swap3A_169] {strides = array<i32>} : memref<64xi32, #tpu.memory_space<vmem>>, vector<16xi32>,
        tpu.vector_store %arg15[%swap3A_169], %get3A_168 {strides = array<i32>} : memref<64xi32, #tpu.memory_space<vmem>>, vector<16xi32>,
        %add3A_171 = arith.constant 16 : i32
        %add3A_172 = arith.addi %sub3A_159, %add3A_171 : i32
        %get3A_173 = arith.index_cast %add3A_172 : i32 to index
        %get3A_174 = tpu.vector_load %arg12[%get3A_173] {strides = array<i32>} : memref<2304xi32, #tpu.memory_space<vmem>>, vector<16xi32>,
        %swap3A_175 = arith.constant 16 : index
        %swap3A_176 = tpu.vector_load %arg14[%swap3A_175] {strides = array<i32>} : memref<64xi32, #tpu.memory_space<vmem>>, vector<16xi32>,
        tpu.vector_store %arg14[%swap3A_175], %get3A_174 {strides = array<i32>} : memref<64xi32, #tpu.memory_space<vmem>>, vector<16xi32>,
        %add3A_177 = arith.constant 16 : i32
        %add3A_178 = arith.addi %sub3A_159, %add3A_177 : i32
        %get3A_179 = arith.index_cast %add3A_178 : i32 to index
        %get3A_180 = tpu.vector_load %arg13[%get3A_179] {strides = array<i32>} : memref<2304xi32, #tpu.memory_space<vmem>>, vector<16xi32>,
        %swap3A_181 = arith.constant 16 : index
        %swap3A_182 = tpu.vector_load %arg15[%swap3A_181] {strides = array<i32>} : memref<64xi32, #tpu.memory_space<vmem>>, vector<16xi32>,
        tpu.vector_store %arg15[%swap3A_181], %get3A_180 {strides = array<i32>} : memref<64xi32, #tpu.memory_space<vmem>>, vector<16xi32>,
        %add3A_183 = arith.constant 32 : i32
        %add3A_184 = arith.addi %sub3A_159, %add3A_183 : i32
        %get3A_185 = arith.index_cast %add3A_184 : i32 to index
        %get3A_186 = tpu.vector_load %arg12[%get3A_185] {strides = array<i32>} : memref<2304xi32, #tpu.memory_space<vmem>>, vector<16xi32>,
        %swap3A_187 = arith.constant 32 : index
        %swap3A_188 = tpu.vector_load %arg14[%swap3A_187] {strides = array<i32>} : memref<64xi32, #tpu.memory_space<vmem>>, vector<16xi32>,
        tpu.vector_store %arg14[%swap3A_187], %get3A_186 {strides = array<i32>} : memref<64xi32, #tpu.memory_space<vmem>>, vector<16xi32>,
        %add3A_189 = arith.constant 32 : i32
        %add3A_190 = arith.addi %sub3A_159, %add3A_189 : i32
        %get3A_191 = arith.index_cast %add3A_190 : i32 to index
        %get3A_192 = tpu.vector_load %arg13[%get3A_191] {strides = array<i32>} : memref<2304xi32, #tpu.memory_space<vmem>>, vector<16xi32>,
        %swap3A_193 = arith.constant 32 : index
        %swap3A_194 = tpu.vector_load %arg15[%swap3A_193] {strides = array<i32>} : memref<64xi32, #tpu.memory_space<vmem>>, vector<16xi32>,
        tpu.vector_store %arg15[%swap3A_193], %get3A_192 {strides = array<i32>} : memref<64xi32, #tpu.memory_space<vmem>>, vector<16xi32>,
        %add3A_195 = arith.constant 48 : i32
        %add3A_196 = arith.addi %sub3A_159, %add3A_195 : i32
        %get3A_197 = arith.index_cast %add3A_196 : i32 to index
        %get3A_198 = tpu.vector_load %arg12[%get3A_197] {strides = array<i32>} : memref<2304xi32, #tpu.memory_space<vmem>>, vector<16xi32>,
        %swap3A_199 = arith.constant 48 : index
        %swap3A_200 = tpu.vector_load %arg14[%swap3A_199] {strides = array<i32>} : memref<64xi32, #tpu.memory_space<vmem>>, vector<16xi32>,
        tpu.vector_store %arg14[%swap3A_199], %get3A_198 {strides = array<i32>} : memref<64xi32, #tpu.memory_space<vmem>>, vector<16xi32>,
        %add3A_201 = arith.constant 48 : i32
        %add3A_202 = arith.addi %sub3A_159, %add3A_201 : i32
        %get3A_203 = arith.index_cast %add3A_202 : i32 to index
        %get3A_204 = tpu.vector_load %arg13[%get3A_203] {strides = array<i32>} : memref<2304xi32, #tpu.memory_space<vmem>>, vector<16xi32>,
        %swap3A_205 = arith.constant 48 : index
        %swap3A_206 = tpu.vector_load %arg15[%swap3A_205] {strides = array<i32>} : memref<64xi32, #tpu.memory_space<vmem>>, vector<16xi32>,
        tpu.vector_store %arg15[%swap3A_205], %get3A_204 {strides = array<i32>} : memref<64xi32, #tpu.memory_space<vmem>>, vector<16xi32>,
        %dma_start3A_207 = arith.constant 0 : i32
        %dma_start3A_208 = arith.constant 0 : i32
        %dma_start3A_209 = tpu.memref_slice %arg2[%dma_start3A_207, %dma_start3A_208] : memref<50000x128xi32, #tpu.memory_space<hbm>> -> memref<50000x128xi32, #tpu.memory_space<hbm>>
        tpu.enqueue_indirect_dma source(%dma_start3A_209 : memref<50000x128xi32, #tpu.memory_space<hbm>>) target(%arg16 : memref<64x128xi32, #tpu.memory_space<vmem>>) offsets(%arg14 : memref<64xi32, #tpu.memory_space<vmem>>) semaphore(%arg21 : memref<!tpu.dma_semaphore, #tpu.memory_space<semaphore_mem>>)
        %dma_start3A_210 = arith.constant 0 : i32
        %dma_start3A_211 = arith.constant 0 : i32
        %dma_start3A_212 = tpu.memref_slice %arg3[%dma_start3A_210, %dma_start3A_211] : memref<10000x128xi32, #tpu.memory_space<hbm>> -> memref<10000x128xi32, #tpu.memory_space<hbm>>
        tpu.enqueue_indirect_dma source(%dma_start3A_212 : memref<10000x128xi32, #tpu.memory_space<hbm>>) target(%arg17 : memref<64x128xi32, #tpu.memory_space<vmem>>) offsets(%arg15 : memref<64xi32, #tpu.memory_space<vmem>>) semaphore(%arg22 : memref<!tpu.dma_semaphore, #tpu.memory_space<semaphore_mem>>)
      } else {
      }
      %ge3A_153 = arith.constant 64 : i32
      %ge3A_154 = arith.cmpi sge, %while3A_142, %ge3A_153 : i32
      %sub3A_155 = arith.constant 64 : i32
      %sub3A_156 = arith.subi %while3A_142, %sub3A_155 : i32
      %select_n3A_157 = arith.select %ge3A_154, %sub3A_156, %while3A_142 : i32
      scf.yield %select_n3A_157, %select_n3A_147 : i32, i32
    }
    %scan3A_50 = arith.constant 40 : i32
    %eq3A_51 = arith.constant 1 : i32
    %eq3A_52 = arith.cmpi eq, %scan3A_49#1, %eq3A_51 : i32
    %convert_element_type3A = arith.extui %eq3A_52 : i1 to i32
    %cond3A = arith.constant 0 : i32
    %cond3A_53 = arith.cmpi ne, %convert_element_type3A, %cond3A : i32
    scf.if %cond3A_53 {
      %dma_wait3A = arith.constant 0 : i32
      %dma_wait3A_70 = arith.constant 0 : i32
      %dma_wait3A_71 = tpu.memref_slice %arg2[%dma_wait3A, %dma_wait3A_70] : memref<50000x128xi32, #tpu.memory_space<hbm>> -> memref<50000x128xi32, #tpu.memory_space<hbm>>
      tpu.wait_indirect_dma semaphore(%arg21 : memref<!tpu.dma_semaphore, #tpu.memory_space<semaphore_mem>>) src(%dma_wait3A_71 : memref<50000x128xi32, #tpu.memory_space<hbm>>) dst(%arg16 : memref<64x128xi32, #tpu.memory_space<vmem>>)
      %dma_wait3A_72 = arith.constant 0 : i32
      %dma_wait3A_73 = arith.constant 0 : i32
      %dma_wait3A_74 = tpu.memref_slice %arg3[%dma_wait3A_72, %dma_wait3A_73] : memref<10000x128xi32, #tpu.memory_space<hbm>> -> memref<10000x128xi32, #tpu.memory_space<hbm>>
      tpu.wait_indirect_dma semaphore(%arg22 : memref<!tpu.dma_semaphore, #tpu.memory_space<semaphore_mem>>) src(%dma_wait3A_74 : memref<10000x128xi32, #tpu.memory_space<hbm>>) dst(%arg17 : memref<64x128xi32, #tpu.memory_space<vmem>>)
      %scan3A_75 = arith.constant 0 : i32
      %scan3A_76 = arith.constant 0 : i32
      %scan3A_77 = arith.constant 64 : i32
      %scan3A_78 = arith.addi %scan3A_76, %scan3A_77 : i32
      %scan3A_79 = arith.constant 1 : i32
      %scan3A_80 = scf.for %scan3A_82 = %scan3A_76 to %scan3A_78 step %scan3A_79 iter_args(%scan3A_83 = %scan3A_75) -> (i32)  : i32 {
        %broadcast_in_dim3A_84 = vector.broadcast %scan3A_82 : i32 to vector<16xi32>
        %gather3A = tpu.vector_load_idx %arg15[%broadcast_in_dim3A_84] : memref<64xi32, #tpu.memory_space<vmem>>[vector<16xi32>], vector<16xi32>,
        %sub3A = vector.broadcast %mul3A_4 : i32 to vector<16xi32>
        %sub3A_85 = arith.subi %gather3A, %sub3A : vector<16xi32>
        %get3A = arith.index_cast %scan3A_82 : i32 to index
        %get3A_86 = arith.constant 0 : index
        %get3A_87 = tpu.vector_load %arg16[%get3A, %get3A_86] {strides = array<i32>} : memref<64x128xi32, #tpu.memory_space<vmem>>, vector<16xi32>,
        %bitcast3A = vector.bitcast %get3A_87 : vector<16xi32> to vector<32xbf16>
        %unpack3A = tpu.unpack_subelements %bitcast3A, 0 {pack_format = #tpu.pack_format<interleaved>} : vector<32xbf16> -> vector<16xf32>
        %unpack3A_88 = tpu.unpack_subelements %bitcast3A, 1 {pack_format = #tpu.pack_format<interleaved>} : vector<32xbf16> -> vector<16xf32>
        %get3A_89 = arith.index_cast %scan3A_82 : i32 to index
        %get3A_90 = arith.constant 0 : index
        %get3A_91 = tpu.vector_load %arg17[%get3A_89, %get3A_90] {strides = array<i32>} : memref<64x128xi32, #tpu.memory_space<vmem>>, vector<16xi32>,
        %bitcast3A_92 = vector.bitcast %get3A_91 : vector<16xi32> to vector<32xbf16>
        %unpack3A_93 = tpu.unpack_subelements %bitcast3A_92, 0 {pack_format = #tpu.pack_format<interleaved>} : vector<32xbf16> -> vector<16xf32>
        %unpack3A_94 = tpu.unpack_subelements %bitcast3A_92, 1 {pack_format = #tpu.pack_format<interleaved>} : vector<32xbf16> -> vector<16xf32>
        %mul3A_95 = arith.mulf %unpack3A, %unpack3A_93 : vector<16xf32>
        %mul3A_96 = arith.mulf %unpack3A_88, %unpack3A_94 : vector<16xf32>
        %add3A_97 = arith.addf %mul3A_95, %mul3A_96 : vector<16xf32>
        %get3A_98 = arith.index_cast %scan3A_82 : i32 to index
        %get3A_99 = arith.constant 16 : index
        %get3A_100 = tpu.vector_load %arg16[%get3A_98, %get3A_99] {strides = array<i32>} : memref<64x128xi32, #tpu.memory_space<vmem>>, vector<16xi32>,
        %bitcast3A_101 = vector.bitcast %get3A_100 : vector<16xi32> to vector<32xbf16>
        %unpack3A_102 = tpu.unpack_subelements %bitcast3A_101, 0 {pack_format = #tpu.pack_format<interleaved>} : vector<32xbf16> -> vector<16xf32>
        %unpack3A_103 = tpu.unpack_subelements %bitcast3A_101, 1 {pack_format = #tpu.pack_format<interleaved>} : vector<32xbf16> -> vector<16xf32>
        %get3A_104 = arith.index_cast %scan3A_82 : i32 to index
        %get3A_105 = arith.constant 16 : index
        %get3A_106 = tpu.vector_load %arg17[%get3A_104, %get3A_105] {strides = array<i32>} : memref<64x128xi32, #tpu.memory_space<vmem>>, vector<16xi32>,
        %bitcast3A_107 = vector.bitcast %get3A_106 : vector<16xi32> to vector<32xbf16>
        %unpack3A_108 = tpu.unpack_subelements %bitcast3A_107, 0 {pack_format = #tpu.pack_format<interleaved>} : vector<32xbf16> -> vector<16xf32>
        %unpack3A_109 = tpu.unpack_subelements %bitcast3A_107, 1 {pack_format = #tpu.pack_format<interleaved>} : vector<32xbf16> -> vector<16xf32>
        %mul3A_110 = arith.mulf %unpack3A_102, %unpack3A_108 : vector<16xf32>
        %mul3A_111 = arith.mulf %unpack3A_103, %unpack3A_109 : vector<16xf32>
        %add3A_112 = arith.addf %mul3A_110, %mul3A_111 : vector<16xf32>
        %add3A_113 = arith.addf %add3A_97, %add3A_112 : vector<16xf32>
        %get3A_114 = arith.index_cast %scan3A_82 : i32 to index
        %get3A_115 = arith.constant 32 : index
        %get3A_116 = tpu.vector_load %arg16[%get3A_114, %get3A_115] {strides = array<i32>} : memref<64x128xi32, #tpu.memory_space<vmem>>, vector<16xi32>,
        %bitcast3A_117 = vector.bitcast %get3A_116 : vector<16xi32> to vector<32xbf16>
        %unpack3A_118 = tpu.unpack_subelements %bitcast3A_117, 0 {pack_format = #tpu.pack_format<interleaved>} : vector<32xbf16> -> vector<16xf32>
        %unpack3A_119 = tpu.unpack_subelements %bitcast3A_117, 1 {pack_format = #tpu.pack_format<interleaved>} : vector<32xbf16> -> vector<16xf32>
        %get3A_120 = arith.index_cast %scan3A_82 : i32 to index
        %get3A_121 = arith.constant 32 : index
        %get3A_122 = tpu.vector_load %arg17[%get3A_120, %get3A_121] {strides = array<i32>} : memref<64x128xi32, #tpu.memory_space<vmem>>, vector<16xi32>,
        %bitcast3A_123 = vector.bitcast %get3A_122 : vector<16xi32> to vector<32xbf16>
        %unpack3A_124 = tpu.unpack_subelements %bitcast3A_123, 0 {pack_format = #tpu.pack_format<interleaved>} : vector<32xbf16> -> vector<16xf32>
        %unpack3A_125 = tpu.unpack_subelements %bitcast3A_123, 1 {pack_format = #tpu.pack_format<interleaved>} : vector<32xbf16> -> vector<16xf32>
        %mul3A_126 = arith.mulf %unpack3A_118, %unpack3A_124 : vector<16xf32>
        %mul3A_127 = arith.mulf %unpack3A_119, %unpack3A_125 : vector<16xf32>
        %add3A_128 = arith.addf %mul3A_126, %mul3A_127 : vector<16xf32>
        %add3A_129 = arith.addf %add3A_113, %add3A_128 : vector<16xf32>
        %get3A_130 = arith.index_cast %scan3A_82 : i32 to index
        %get3A_131 = arith.constant 48 : index
        %get3A_132 = tpu.vector_load %arg16[%get3A_130, %get3A_131] {strides = array<i32>} : memref<64x128xi32, #tpu.memory_space<vmem>>, vector<16xi32>,
        %bitcast3A_133 = vector.bitcast %get3A_132 : vector<16xi32> to vector<32xbf16>
        %unpack3A_134 = tpu.unpack_subelements %bitcast3A_133, 0 {pack_format = #tpu.pack_format<interleaved>} : vector<32xbf16> -> vector<16xf32>
        %unpack3A_135 = tpu.unpack_subelements %bitcast3A_133, 1 {pack_format = #tpu.pack_format<interleaved>} : vector<32xbf16> -> vector<16xf32>
        %get3A_136 = arith.index_cast %scan3A_82 : i32 to index
        %get3A_137 = arith.constant 48 : index
        %get3A_138 = tpu.vector_load %arg17[%get3A_136, %get3A_137] {strides = array<i32>} : memref<64x128xi32, #tpu.memory_space<vmem>>, vector<16xi32>,
        %bitcast3A_139 = vector.bitcast %get3A_138 : vector<16xi32> to vector<32xbf16>
        %unpack3A_140 = tpu.unpack_subelements %bitcast3A_139, 0 {pack_format = #tpu.pack_format<interleaved>} : vector<32xbf16> -> vector<16xf32>
        %unpack3A_141 = tpu.unpack_subelements %bitcast3A_139, 1 {pack_format = #tpu.pack_format<interleaved>} : vector<32xbf16> -> vector<16xf32>
        %mul3A_142 = arith.mulf %unpack3A_134, %unpack3A_140 : vector<16xf32>
        %mul3A_143 = arith.mulf %unpack3A_135, %unpack3A_141 : vector<16xf32>
        %add3A_144 = arith.addf %mul3A_142, %mul3A_143 : vector<16xf32>
        %add3A_145 = arith.addf %add3A_129, %add3A_144 : vector<16xf32>
        %get3A_146 = arith.index_cast %scan3A_82 : i32 to index
        %get3A_147 = arith.constant 64 : index
        %get3A_148 = tpu.vector_load %arg16[%get3A_146, %get3A_147] {strides = array<i32>} : memref<64x128xi32, #tpu.memory_space<vmem>>, vector<16xi32>,
        %bitcast3A_149 = vector.bitcast %get3A_148 : vector<16xi32> to vector<32xbf16>
        %unpack3A_150 = tpu.unpack_subelements %bitcast3A_149, 0 {pack_format = #tpu.pack_format<interleaved>} : vector<32xbf16> -> vector<16xf32>
        %unpack3A_151 = tpu.unpack_subelements %bitcast3A_149, 1 {pack_format = #tpu.pack_format<interleaved>} : vector<32xbf16> -> vector<16xf32>
        %get3A_152 = arith.index_cast %scan3A_82 : i32 to index
        %get3A_153 = arith.constant 64 : index
        %get3A_154 = tpu.vector_load %arg17[%get3A_152, %get3A_153] {strides = array<i32>} : memref<64x128xi32, #tpu.memory_space<vmem>>, vector<16xi32>,
        %bitcast3A_155 = vector.bitcast %get3A_154 : vector<16xi32> to vector<32xbf16>
        %unpack3A_156 = tpu.unpack_subelements %bitcast3A_155, 0 {pack_format = #tpu.pack_format<interleaved>} : vector<32xbf16> -> vector<16xf32>
        %unpack3A_157 = tpu.unpack_subelements %bitcast3A_155, 1 {pack_format = #tpu.pack_format<interleaved>} : vector<32xbf16> -> vector<16xf32>
        %mul3A_158 = arith.mulf %unpack3A_150, %unpack3A_156 : vector<16xf32>
        %mul3A_159 = arith.mulf %unpack3A_151, %unpack3A_157 : vector<16xf32>
        %add3A_160 = arith.addf %mul3A_158, %mul3A_159 : vector<16xf32>
        %add3A_161 = arith.addf %add3A_145, %add3A_160 : vector<16xf32>
        %get3A_162 = arith.index_cast %scan3A_82 : i32 to index
        %get3A_163 = arith.constant 80 : index
        %get3A_164 = tpu.vector_load %arg16[%get3A_162, %get3A_163] {strides = array<i32>} : memref<64x128xi32, #tpu.memory_space<vmem>>, vector<16xi32>,
        %bitcast3A_165 = vector.bitcast %get3A_164 : vector<16xi32> to vector<32xbf16>
        %unpack3A_166 = tpu.unpack_subelements %bitcast3A_165, 0 {pack_format = #tpu.pack_format<interleaved>} : vector<32xbf16> -> vector<16xf32>
        %unpack3A_167 = tpu.unpack_subelements %bitcast3A_165, 1 {pack_format = #tpu.pack_format<interleaved>} : vector<32xbf16> -> vector<16xf32>
        %get3A_168 = arith.index_cast %scan3A_82 : i32 to index
        %get3A_169 = arith.constant 80 : index
        %get3A_170 = tpu.vector_load %arg17[%get3A_168, %get3A_169] {strides = array<i32>} : memref<64x128xi32, #tpu.memory_space<vmem>>, vector<16xi32>,
        %bitcast3A_171 = vector.bitcast %get3A_170 : vector<16xi32> to vector<32xbf16>
        %unpack3A_172 = tpu.unpack_subelements %bitcast3A_171, 0 {pack_format = #tpu.pack_format<interleaved>} : vector<32xbf16> -> vector<16xf32>
        %unpack3A_173 = tpu.unpack_subelements %bitcast3A_171, 1 {pack_format = #tpu.pack_format<interleaved>} : vector<32xbf16> -> vector<16xf32>
        %mul3A_174 = arith.mulf %unpack3A_166, %unpack3A_172 : vector<16xf32>
        %mul3A_175 = arith.mulf %unpack3A_167, %unpack3A_173 : vector<16xf32>
        %add3A_176 = arith.addf %mul3A_174, %mul3A_175 : vector<16xf32>
        %add3A_177 = arith.addf %add3A_161, %add3A_176 : vector<16xf32>
        %get3A_178 = arith.index_cast %scan3A_82 : i32 to index
        %get3A_179 = arith.constant 96 : index
        %get3A_180 = tpu.vector_load %arg16[%get3A_178, %get3A_179] {strides = array<i32>} : memref<64x128xi32, #tpu.memory_space<vmem>>, vector<16xi32>,
        %bitcast3A_181 = vector.bitcast %get3A_180 : vector<16xi32> to vector<32xbf16>
        %unpack3A_182 = tpu.unpack_subelements %bitcast3A_181, 0 {pack_format = #tpu.pack_format<interleaved>} : vector<32xbf16> -> vector<16xf32>
        %unpack3A_183 = tpu.unpack_subelements %bitcast3A_181, 1 {pack_format = #tpu.pack_format<interleaved>} : vector<32xbf16> -> vector<16xf32>
        %get3A_184 = arith.index_cast %scan3A_82 : i32 to index
        %get3A_185 = arith.constant 96 : index
        %get3A_186 = tpu.vector_load %arg17[%get3A_184, %get3A_185] {strides = array<i32>} : memref<64x128xi32, #tpu.memory_space<vmem>>, vector<16xi32>,
        %bitcast3A_187 = vector.bitcast %get3A_186 : vector<16xi32> to vector<32xbf16>
        %unpack3A_188 = tpu.unpack_subelements %bitcast3A_187, 0 {pack_format = #tpu.pack_format<interleaved>} : vector<32xbf16> -> vector<16xf32>
        %unpack3A_189 = tpu.unpack_subelements %bitcast3A_187, 1 {pack_format = #tpu.pack_format<interleaved>} : vector<32xbf16> -> vector<16xf32>
        %mul3A_190 = arith.mulf %unpack3A_182, %unpack3A_188 : vector<16xf32>
        %mul3A_191 = arith.mulf %unpack3A_183, %unpack3A_189 : vector<16xf32>
        %add3A_192 = arith.addf %mul3A_190, %mul3A_191 : vector<16xf32>
        %add3A_193 = arith.addf %add3A_177, %add3A_192 : vector<16xf32>
        %get3A_194 = arith.index_cast %scan3A_82 : i32 to index
        %get3A_195 = arith.constant 112 : index
        %get3A_196 = tpu.vector_load %arg16[%get3A_194, %get3A_195] {strides = array<i32>} : memref<64x128xi32, #tpu.memory_space<vmem>>, vector<16xi32>,
        %bitcast3A_197 = vector.bitcast %get3A_196 : vector<16xi32> to vector<32xbf16>
        %unpack3A_198 = tpu.unpack_subelements %bitcast3A_197, 0 {pack_format = #tpu.pack_format<interleaved>} : vector<32xbf16> -> vector<16xf32>
        %unpack3A_199 = tpu.unpack_subelements %bitcast3A_197, 1 {pack_format = #tpu.pack_format<interleaved>} : vector<32xbf16> -> vector<16xf32>
        %get3A_200 = arith.index_cast %scan3A_82 : i32 to index
        %get3A_201 = arith.constant 112 : index
        %get3A_202 = tpu.vector_load %arg17[%get3A_200, %get3A_201] {strides = array<i32>} : memref<64x128xi32, #tpu.memory_space<vmem>>, vector<16xi32>,
        %bitcast3A_203 = vector.bitcast %get3A_202 : vector<16xi32> to vector<32xbf16>
        %unpack3A_204 = tpu.unpack_subelements %bitcast3A_203, 0 {pack_format = #tpu.pack_format<interleaved>} : vector<32xbf16> -> vector<16xf32>
        %unpack3A_205 = tpu.unpack_subelements %bitcast3A_203, 1 {pack_format = #tpu.pack_format<interleaved>} : vector<32xbf16> -> vector<16xf32>
        %mul3A_206 = arith.mulf %unpack3A_198, %unpack3A_204 : vector<16xf32>
        %mul3A_207 = arith.mulf %unpack3A_199, %unpack3A_205 : vector<16xf32>
        %add3A_208 = arith.addf %mul3A_206, %mul3A_207 : vector<16xf32>
        %add3A_209 = arith.addf %add3A_193, %add3A_208 : vector<16xf32>
        %broadcast_in_dim3A_210 = arith.constant true
        %broadcast_in_dim3A_211 = vector.broadcast %broadcast_in_dim3A_210 : i1 to vector<16xi1>
        %masked_cumsum3A = tpu.scan <sum>, %add3A_209 masked %broadcast_in_dim3A_211 : vector<16xf32>, vector<16xi1> -> vector<16xf32>
        %exp3A = math.exp %masked_cumsum3A : vector<16xf32>
        %lt3A_212 = arith.constant 64 : i32
        %lt3A_213 = arith.cmpi slt, %scan3A_82, %lt3A_212 : i32
        %jit3A_214 = arith.constant 1.000000e+00 : f32
        %jit3A_215 = arith.constant 0.000000e+00 : f32
        %select_n3A_216 = arith.select %lt3A_213, %jit3A_214, %jit3A_215 : f32
        %mul3A_217 = vector.broadcast %select_n3A_216 : f32 to vector<16xf32>
        %mul3A_218 = arith.mulf %exp3A, %mul3A_217 : vector<16xf32>
        %get3A_219 = arith.constant 0 : index
        %get3A_220 = tpu.vector_load %arg20[%get3A_219] {strides = array<i32>} : memref<16xf32, #tpu.memory_space<vmem>>, vector<16xf32>,
        %jit3A_221 = arith.constant 0.000000e+00 : f32
        %broadcast_in_dim3A_222 = vector.broadcast %jit3A_221 : f32 to vector<16xf32>
        %select_n3A_223 = arith.select %eq3A_2, %mul3A_218, %broadcast_in_dim3A_222 : vector<16xi1>, vector<16xf32>
        %add3A_224 = arith.addf %get3A_220, %select_n3A_223 : vector<16xf32>
        %swap3A_225 = arith.constant 0 : index
        %swap3A_226 = tpu.vector_load %arg20[%swap3A_225] {strides = array<i32>} : memref<16xf32, #tpu.memory_space<vmem>>, vector<16xf32>,
        tpu.vector_store %arg20[%swap3A_225], %add3A_224 {strides = array<i32>} : memref<16xf32, #tpu.memory_space<vmem>>, vector<16xf32>,
        %swap3A_227 = arith.constant 0 : index
        %swap3A_228 = tpu.vector_load %arg19[%swap3A_227] {strides = array<i32>} : memref<16xf32, #tpu.memory_space<vmem>>, vector<16xf32>,
        tpu.vector_store %arg19[%swap3A_227], %mul3A_218 {strides = array<i32>} : memref<16xf32, #tpu.memory_space<vmem>>, vector<16xf32>,
        %broadcast_in_dim3A_229 = arith.constant 15 : i32
        %broadcast_in_dim3A_230 = vector.broadcast %broadcast_in_dim3A_229 : i32 to vector<16xi32>
        %gather3A_231 = tpu.vector_load_idx %arg19[%broadcast_in_dim3A_230] : memref<16xf32, #tpu.memory_space<vmem>>[vector<16xi32>], vector<16xf32>,
        %add3A_232 = arith.constant 0 : i32
        %add3A_233 = vector.broadcast %add3A_232 : i32 to vector<16xi32>
        %add3A_234 = arith.addi %iota3A, %add3A_233 : vector<16xi32>
        %mul3A_235 = arith.mulf %unpack3A, %gather3A_231 : vector<16xf32>
        tpu.vector_store_idx %arg18[%sub3A_85, %add3A_234], %mul3A_235 {add = true} : memref<320x256xf32, #tpu.memory_space<vmem>>[vector<16xi32>, vector<16xi32>], vector<16xf32>,
        %add3A_236 = arith.constant 0 : i32
        %add3A_237 = vector.broadcast %add3A_236 : i32 to vector<16xi32>
        %add3A_238 = arith.addi %iota3A, %add3A_237 : vector<16xi32>
        %add3A_239 = arith.constant 128 : i32
        %add3A_240 = vector.broadcast %add3A_239 : i32 to vector<16xi32>
        %add3A_241 = arith.addi %add3A_238, %add3A_240 : vector<16xi32>
        %mul3A_242 = arith.mulf %unpack3A_88, %gather3A_231 : vector<16xf32>
        tpu.vector_store_idx %arg18[%sub3A_85, %add3A_241], %mul3A_242 {add = true} : memref<320x256xf32, #tpu.memory_space<vmem>>[vector<16xi32>, vector<16xi32>], vector<16xf32>,
        %add3A_243 = arith.constant 16 : i32
        %add3A_244 = vector.broadcast %add3A_243 : i32 to vector<16xi32>
        %add3A_245 = arith.addi %iota3A, %add3A_244 : vector<16xi32>
        %mul3A_246 = arith.mulf %unpack3A_102, %gather3A_231 : vector<16xf32>
        tpu.vector_store_idx %arg18[%sub3A_85, %add3A_245], %mul3A_246 {add = true} : memref<320x256xf32, #tpu.memory_space<vmem>>[vector<16xi32>, vector<16xi32>], vector<16xf32>,
        %add3A_247 = arith.constant 16 : i32
        %add3A_248 = vector.broadcast %add3A_247 : i32 to vector<16xi32>
        %add3A_249 = arith.addi %iota3A, %add3A_248 : vector<16xi32>
        %add3A_250 = arith.constant 128 : i32
        %add3A_251 = vector.broadcast %add3A_250 : i32 to vector<16xi32>
        %add3A_252 = arith.addi %add3A_249, %add3A_251 : vector<16xi32>
        %mul3A_253 = arith.mulf %unpack3A_103, %gather3A_231 : vector<16xf32>
        tpu.vector_store_idx %arg18[%sub3A_85, %add3A_252], %mul3A_253 {add = true} : memref<320x256xf32, #tpu.memory_space<vmem>>[vector<16xi32>, vector<16xi32>], vector<16xf32>,
        %add3A_254 = arith.constant 32 : i32
        %add3A_255 = vector.broadcast %add3A_254 : i32 to vector<16xi32>
        %add3A_256 = arith.addi %iota3A, %add3A_255 : vector<16xi32>
        %mul3A_257 = arith.mulf %unpack3A_118, %gather3A_231 : vector<16xf32>
        tpu.vector_store_idx %arg18[%sub3A_85, %add3A_256], %mul3A_257 {add = true} : memref<320x256xf32, #tpu.memory_space<vmem>>[vector<16xi32>, vector<16xi32>], vector<16xf32>,
        %add3A_258 = arith.constant 32 : i32
        %add3A_259 = vector.broadcast %add3A_258 : i32 to vector<16xi32>
        %add3A_260 = arith.addi %iota3A, %add3A_259 : vector<16xi32>
        %add3A_261 = arith.constant 128 : i32
        %add3A_262 = vector.broadcast %add3A_261 : i32 to vector<16xi32>
        %add3A_263 = arith.addi %add3A_260, %add3A_262 : vector<16xi32>
        %mul3A_264 = arith.mulf %unpack3A_119, %gather3A_231 : vector<16xf32>
        tpu.vector_store_idx %arg18[%sub3A_85, %add3A_263], %mul3A_264 {add = true} : memref<320x256xf32, #tpu.memory_space<vmem>>[vector<16xi32>, vector<16xi32>], vector<16xf32>,
        %add3A_265 = arith.constant 48 : i32
        %add3A_266 = vector.broadcast %add3A_265 : i32 to vector<16xi32>
        %add3A_267 = arith.addi %iota3A, %add3A_266 : vector<16xi32>
        %mul3A_268 = arith.mulf %unpack3A_134, %gather3A_231 : vector<16xf32>
        tpu.vector_store_idx %arg18[%sub3A_85, %add3A_267], %mul3A_268 {add = true} : memref<320x256xf32, #tpu.memory_space<vmem>>[vector<16xi32>, vector<16xi32>], vector<16xf32>,
        %add3A_269 = arith.constant 48 : i32
        %add3A_270 = vector.broadcast %add3A_269 : i32 to vector<16xi32>
        %add3A_271 = arith.addi %iota3A, %add3A_270 : vector<16xi32>
        %add3A_272 = arith.constant 128 : i32
        %add3A_273 = vector.broadcast %add3A_272 : i32 to vector<16xi32>
        %add3A_274 = arith.addi %add3A_271, %add3A_273 : vector<16xi32>
        %mul3A_275 = arith.mulf %unpack3A_135, %gather3A_231 : vector<16xf32>
        tpu.vector_store_idx %arg18[%sub3A_85, %add3A_274], %mul3A_275 {add = true} : memref<320x256xf32, #tpu.memory_space<vmem>>[vector<16xi32>, vector<16xi32>], vector<16xf32>,
        %add3A_276 = arith.constant 64 : i32
        %add3A_277 = vector.broadcast %add3A_276 : i32 to vector<16xi32>
        %add3A_278 = arith.addi %iota3A, %add3A_277 : vector<16xi32>
        %mul3A_279 = arith.mulf %unpack3A_150, %gather3A_231 : vector<16xf32>
        tpu.vector_store_idx %arg18[%sub3A_85, %add3A_278], %mul3A_279 {add = true} : memref<320x256xf32, #tpu.memory_space<vmem>>[vector<16xi32>, vector<16xi32>], vector<16xf32>,
        %add3A_280 = arith.constant 64 : i32
        %add3A_281 = vector.broadcast %add3A_280 : i32 to vector<16xi32>
        %add3A_282 = arith.addi %iota3A, %add3A_281 : vector<16xi32>
        %add3A_283 = arith.constant 128 : i32
        %add3A_284 = vector.broadcast %add3A_283 : i32 to vector<16xi32>
        %add3A_285 = arith.addi %add3A_282, %add3A_284 : vector<16xi32>
        %mul3A_286 = arith.mulf %unpack3A_151, %gather3A_231 : vector<16xf32>
        tpu.vector_store_idx %arg18[%sub3A_85, %add3A_285], %mul3A_286 {add = true} : memref<320x256xf32, #tpu.memory_space<vmem>>[vector<16xi32>, vector<16xi32>], vector<16xf32>,
        %add3A_287 = arith.constant 80 : i32
        %add3A_288 = vector.broadcast %add3A_287 : i32 to vector<16xi32>
        %add3A_289 = arith.addi %iota3A, %add3A_288 : vector<16xi32>
        %mul3A_290 = arith.mulf %unpack3A_166, %gather3A_231 : vector<16xf32>
        tpu.vector_store_idx %arg18[%sub3A_85, %add3A_289], %mul3A_290 {add = true} : memref<320x256xf32, #tpu.memory_space<vmem>>[vector<16xi32>, vector<16xi32>], vector<16xf32>,
        %add3A_291 = arith.constant 80 : i32
        %add3A_292 = vector.broadcast %add3A_291 : i32 to vector<16xi32>
        %add3A_293 = arith.addi %iota3A, %add3A_292 : vector<16xi32>
        %add3A_294 = arith.constant 128 : i32
        %add3A_295 = vector.broadcast %add3A_294 : i32 to vector<16xi32>
        %add3A_296 = arith.addi %add3A_293, %add3A_295 : vector<16xi32>
        %mul3A_297 = arith.mulf %unpack3A_167, %gather3A_231 : vector<16xf32>
        tpu.vector_store_idx %arg18[%sub3A_85, %add3A_296], %mul3A_297 {add = true} : memref<320x256xf32, #tpu.memory_space<vmem>>[vector<16xi32>, vector<16xi32>], vector<16xf32>,
        %add3A_298 = arith.constant 96 : i32
        %add3A_299 = vector.broadcast %add3A_298 : i32 to vector<16xi32>
        %add3A_300 = arith.addi %iota3A, %add3A_299 : vector<16xi32>
        %mul3A_301 = arith.mulf %unpack3A_182, %gather3A_231 : vector<16xf32>
        tpu.vector_store_idx %arg18[%sub3A_85, %add3A_300], %mul3A_301 {add = true} : memref<320x256xf32, #tpu.memory_space<vmem>>[vector<16xi32>, vector<16xi32>], vector<16xf32>,
        %add3A_302 = arith.constant 96 : i32
        %add3A_303 = vector.broadcast %add3A_302 : i32 to vector<16xi32>
        %add3A_304 = arith.addi %iota3A, %add3A_303 : vector<16xi32>
        %add3A_305 = arith.constant 128 : i32
        %add3A_306 = vector.broadcast %add3A_305 : i32 to vector<16xi32>
        %add3A_307 = arith.addi %add3A_304, %add3A_306 : vector<16xi32>
        %mul3A_308 = arith.mulf %unpack3A_183, %gather3A_231 : vector<16xf32>
        tpu.vector_store_idx %arg18[%sub3A_85, %add3A_307], %mul3A_308 {add = true} : memref<320x256xf32, #tpu.memory_space<vmem>>[vector<16xi32>, vector<16xi32>], vector<16xf32>,
        %add3A_309 = arith.constant 112 : i32
        %add3A_310 = vector.broadcast %add3A_309 : i32 to vector<16xi32>
        %add3A_311 = arith.addi %iota3A, %add3A_310 : vector<16xi32>
        %mul3A_312 = arith.mulf %unpack3A_198, %gather3A_231 : vector<16xf32>
        tpu.vector_store_idx %arg18[%sub3A_85, %add3A_311], %mul3A_312 {add = true} : memref<320x256xf32, #tpu.memory_space<vmem>>[vector<16xi32>, vector<16xi32>], vector<16xf32>,
        %add3A_313 = arith.constant 112 : i32
        %add3A_314 = vector.broadcast %add3A_313 : i32 to vector<16xi32>
        %add3A_315 = arith.addi %iota3A, %add3A_314 : vector<16xi32>
        %add3A_316 = arith.constant 128 : i32
        %add3A_317 = vector.broadcast %add3A_316 : i32 to vector<16xi32>
        %add3A_318 = arith.addi %add3A_315, %add3A_317 : vector<16xi32>
        %mul3A_319 = arith.mulf %unpack3A_199, %gather3A_231 : vector<16xf32>
        tpu.vector_store_idx %arg18[%sub3A_85, %add3A_318], %mul3A_319 {add = true} : memref<320x256xf32, #tpu.memory_space<vmem>>[vector<16xi32>, vector<16xi32>], vector<16xf32>,
        %scan3A_320 = arith.constant 0 : i32
        scf.yield %scan3A_320 : i32
      }
      %scan3A_81 = arith.constant 64 : i32
    } else {
    }
    %gt3A = arith.constant 0 : i32
    %gt3A_54 = arith.cmpi sgt, %scan3A_49#0, %gt3A : i32
    %convert_element_type3A_55 = arith.extui %gt3A_54 : i1 to i32
    %cond3A_56 = arith.constant 0 : i32
    %cond3A_57 = arith.cmpi ne, %convert_element_type3A_55, %cond3A_56 : i32
    scf.if %cond3A_57 {
      %add3A_70 = arith.constant 0 : i32
      %add3A_71 = arith.addi %scan3A_49#0, %add3A_70 : i32
      %swap3A_72 = arith.index_cast %add3A_71 : i32 to index
      %swap3A_73 = tpu.vector_load %arg12[%swap3A_72] {strides = array<i32>} : memref<2304xi32, #tpu.memory_space<vmem>>, vector<16xi32>,
      tpu.vector_store %arg12[%swap3A_72], %select_n3A_28 {strides = array<i32>} : memref<2304xi32, #tpu.memory_space<vmem>>, vector<16xi32>,
      %jit3A_74 = arith.constant 320 : i32
      %eq3A_75 = arith.constant 0 : i32
      %eq3A_76 = arith.cmpi eq, %jit3A_74, %eq3A_75 : i32
      %jit3A_77 = arith.constant 1 : i32
      %select_n3A_78 = arith.select %eq3A_76, %jit3A_77, %jit3A_74 : i32
      %rem3A_79 = vector.broadcast %select_n3A_78 : i32 to vector<16xi32>
      %rem3A_80 = arith.remsi %iota3A, %rem3A_79 : vector<16xi32>
      %ne3A_81 = arith.constant 0 : i32
      %ne3A_82 = vector.broadcast %ne3A_81 : i32 to vector<16xi32>
      %ne3A_83 = arith.cmpi ne, %rem3A_80, %ne3A_82 : vector<16xi32>
      %lt3A_84 = arith.constant 0 : i32
      %lt3A_85 = vector.broadcast %lt3A_84 : i32 to vector<16xi32>
      %lt3A_86 = arith.cmpi slt, %rem3A_80, %lt3A_85 : vector<16xi32>
      %lt3A_87 = arith.constant 0 : i32
      %lt3A_88 = arith.cmpi slt, %select_n3A_78, %lt3A_87 : i32
      %ne3A_89 = vector.broadcast %lt3A_88 : i1 to vector<16xi1>
      %ne3A_90 = vector.broadcast %ne3A_89 : vector<16xi1> to vector<16xi1>
      %ne3A_91 = arith.xori %lt3A_86, %ne3A_90 : vector<16xi1>
      %and3A_92 = arith.andi %ne3A_91, %ne3A_83 : vector<16xi1>
      %add3A_93 = vector.broadcast %select_n3A_78 : i32 to vector<16xi32>
      %add3A_94 = arith.addi %rem3A_80, %add3A_93 : vector<16xi32>
      %select_n3A_95 = arith.select %and3A_92, %add3A_94, %rem3A_80 : vector<16xi1>, vector<16xi32>
      %add3A_96 = vector.broadcast %mul3A_4 : i32 to vector<16xi32>
      %add3A_97 = arith.addi %add3A_96, %select_n3A_95 : vector<16xi32>
      %swap3A_98 = arith.index_cast %add3A_71 : i32 to index
      %swap3A_99 = tpu.vector_load %arg13[%swap3A_98] {strides = array<i32>} : memref<2304xi32, #tpu.memory_space<vmem>>, vector<16xi32>,
      tpu.vector_store %arg13[%swap3A_98], %add3A_97 {strides = array<i32>} : memref<2304xi32, #tpu.memory_space<vmem>>, vector<16xi32>,
      %add3A_100 = arith.constant 16 : i32
      %add3A_101 = arith.addi %scan3A_49#0, %add3A_100 : i32
      %swap3A_102 = arith.index_cast %add3A_101 : i32 to index
      %swap3A_103 = tpu.vector_load %arg12[%swap3A_102] {strides = array<i32>} : memref<2304xi32, #tpu.memory_space<vmem>>, vector<16xi32>,
      tpu.vector_store %arg12[%swap3A_102], %select_n3A_28 {strides = array<i32>} : memref<2304xi32, #tpu.memory_space<vmem>>, vector<16xi32>,
      %jit3A_104 = arith.constant 320 : i32
      %eq3A_105 = arith.constant 0 : i32
      %eq3A_106 = arith.cmpi eq, %jit3A_104, %eq3A_105 : i32
      %jit3A_107 = arith.constant 1 : i32
      %select_n3A_108 = arith.select %eq3A_106, %jit3A_107, %jit3A_104 : i32
      %rem3A_109 = vector.broadcast %select_n3A_108 : i32 to vector<16xi32>
      %rem3A_110 = arith.remsi %iota3A, %rem3A_109 : vector<16xi32>
      %ne3A_111 = arith.constant 0 : i32
      %ne3A_112 = vector.broadcast %ne3A_111 : i32 to vector<16xi32>
      %ne3A_113 = arith.cmpi ne, %rem3A_110, %ne3A_112 : vector<16xi32>
      %lt3A_114 = arith.constant 0 : i32
      %lt3A_115 = vector.broadcast %lt3A_114 : i32 to vector<16xi32>
      %lt3A_116 = arith.cmpi slt, %rem3A_110, %lt3A_115 : vector<16xi32>
      %lt3A_117 = arith.constant 0 : i32
      %lt3A_118 = arith.cmpi slt, %select_n3A_108, %lt3A_117 : i32
      %ne3A_119 = vector.broadcast %lt3A_118 : i1 to vector<16xi1>
      %ne3A_120 = vector.broadcast %ne3A_119 : vector<16xi1> to vector<16xi1>
      %ne3A_121 = arith.xori %lt3A_116, %ne3A_120 : vector<16xi1>
      %and3A_122 = arith.andi %ne3A_121, %ne3A_113 : vector<16xi1>
      %add3A_123 = vector.broadcast %select_n3A_108 : i32 to vector<16xi32>
      %add3A_124 = arith.addi %rem3A_110, %add3A_123 : vector<16xi32>
      %select_n3A_125 = arith.select %and3A_122, %add3A_124, %rem3A_110 : vector<16xi1>, vector<16xi32>
      %add3A_126 = vector.broadcast %mul3A_4 : i32 to vector<16xi32>
      %add3A_127 = arith.addi %add3A_126, %select_n3A_125 : vector<16xi32>
      %swap3A_128 = arith.index_cast %add3A_101 : i32 to index
      %swap3A_129 = tpu.vector_load %arg13[%swap3A_128] {strides = array<i32>} : memref<2304xi32, #tpu.memory_space<vmem>>, vector<16xi32>,
      tpu.vector_store %arg13[%swap3A_128], %add3A_127 {strides = array<i32>} : memref<2304xi32, #tpu.memory_space<vmem>>, vector<16xi32>,
      %add3A_130 = arith.constant 32 : i32
      %add3A_131 = arith.addi %scan3A_49#0, %add3A_130 : i32
      %swap3A_132 = arith.index_cast %add3A_131 : i32 to index
      %swap3A_133 = tpu.vector_load %arg12[%swap3A_132] {strides = array<i32>} : memref<2304xi32, #tpu.memory_space<vmem>>, vector<16xi32>,
      tpu.vector_store %arg12[%swap3A_132], %select_n3A_28 {strides = array<i32>} : memref<2304xi32, #tpu.memory_space<vmem>>, vector<16xi32>,
      %jit3A_134 = arith.constant 320 : i32
      %eq3A_135 = arith.constant 0 : i32
      %eq3A_136 = arith.cmpi eq, %jit3A_134, %eq3A_135 : i32
      %jit3A_137 = arith.constant 1 : i32
      %select_n3A_138 = arith.select %eq3A_136, %jit3A_137, %jit3A_134 : i32
      %rem3A_139 = vector.broadcast %select_n3A_138 : i32 to vector<16xi32>
      %rem3A_140 = arith.remsi %iota3A, %rem3A_139 : vector<16xi32>
      %ne3A_141 = arith.constant 0 : i32
      %ne3A_142 = vector.broadcast %ne3A_141 : i32 to vector<16xi32>
      %ne3A_143 = arith.cmpi ne, %rem3A_140, %ne3A_142 : vector<16xi32>
      %lt3A_144 = arith.constant 0 : i32
      %lt3A_145 = vector.broadcast %lt3A_144 : i32 to vector<16xi32>
      %lt3A_146 = arith.cmpi slt, %rem3A_140, %lt3A_145 : vector<16xi32>
      %lt3A_147 = arith.constant 0 : i32
      %lt3A_148 = arith.cmpi slt, %select_n3A_138, %lt3A_147 : i32
      %ne3A_149 = vector.broadcast %lt3A_148 : i1 to vector<16xi1>
      %ne3A_150 = vector.broadcast %ne3A_149 : vector<16xi1> to vector<16xi1>
      %ne3A_151 = arith.xori %lt3A_146, %ne3A_150 : vector<16xi1>
      %and3A_152 = arith.andi %ne3A_151, %ne3A_143 : vector<16xi1>
      %add3A_153 = vector.broadcast %select_n3A_138 : i32 to vector<16xi32>
      %add3A_154 = arith.addi %rem3A_140, %add3A_153 : vector<16xi32>
      %select_n3A_155 = arith.select %and3A_152, %add3A_154, %rem3A_140 : vector<16xi1>, vector<16xi32>
      %add3A_156 = vector.broadcast %mul3A_4 : i32 to vector<16xi32>
      %add3A_157 = arith.addi %add3A_156, %select_n3A_155 : vector<16xi32>
      %swap3A_158 = arith.index_cast %add3A_131 : i32 to index
      %swap3A_159 = tpu.vector_load %arg13[%swap3A_158] {strides = array<i32>} : memref<2304xi32, #tpu.memory_space<vmem>>, vector<16xi32>,
      tpu.vector_store %arg13[%swap3A_158], %add3A_157 {strides = array<i32>} : memref<2304xi32, #tpu.memory_space<vmem>>, vector<16xi32>,
      %add3A_160 = arith.constant 48 : i32
      %add3A_161 = arith.addi %scan3A_49#0, %add3A_160 : i32
      %swap3A_162 = arith.index_cast %add3A_161 : i32 to index
      %swap3A_163 = tpu.vector_load %arg12[%swap3A_162] {strides = array<i32>} : memref<2304xi32, #tpu.memory_space<vmem>>, vector<16xi32>,
      tpu.vector_store %arg12[%swap3A_162], %select_n3A_28 {strides = array<i32>} : memref<2304xi32, #tpu.memory_space<vmem>>, vector<16xi32>,
      %jit3A_164 = arith.constant 320 : i32
      %eq3A_165 = arith.constant 0 : i32
      %eq3A_166 = arith.cmpi eq, %jit3A_164, %eq3A_165 : i32
      %jit3A_167 = arith.constant 1 : i32
      %select_n3A_168 = arith.select %eq3A_166, %jit3A_167, %jit3A_164 : i32
      %rem3A_169 = vector.broadcast %select_n3A_168 : i32 to vector<16xi32>
      %rem3A_170 = arith.remsi %iota3A, %rem3A_169 : vector<16xi32>
      %ne3A_171 = arith.constant 0 : i32
      %ne3A_172 = vector.broadcast %ne3A_171 : i32 to vector<16xi32>
      %ne3A_173 = arith.cmpi ne, %rem3A_170, %ne3A_172 : vector<16xi32>
      %lt3A_174 = arith.constant 0 : i32
      %lt3A_175 = vector.broadcast %lt3A_174 : i32 to vector<16xi32>
      %lt3A_176 = arith.cmpi slt, %rem3A_170, %lt3A_175 : vector<16xi32>
      %lt3A_177 = arith.constant 0 : i32
      %lt3A_178 = arith.cmpi slt, %select_n3A_168, %lt3A_177 : i32
      %ne3A_179 = vector.broadcast %lt3A_178 : i1 to vector<16xi1>
      %ne3A_180 = vector.broadcast %ne3A_179 : vector<16xi1> to vector<16xi1>
      %ne3A_181 = arith.xori %lt3A_176, %ne3A_180 : vector<16xi1>
      %and3A_182 = arith.andi %ne3A_181, %ne3A_173 : vector<16xi1>
      %add3A_183 = vector.broadcast %select_n3A_168 : i32 to vector<16xi32>
      %add3A_184 = arith.addi %rem3A_170, %add3A_183 : vector<16xi32>
      %select_n3A_185 = arith.select %and3A_182, %add3A_184, %rem3A_170 : vector<16xi1>, vector<16xi32>
      %add3A_186 = vector.broadcast %mul3A_4 : i32 to vector<16xi32>
      %add3A_187 = arith.addi %add3A_186, %select_n3A_185 : vector<16xi32>
      %swap3A_188 = arith.index_cast %add3A_161 : i32 to index
      %swap3A_189 = tpu.vector_load %arg13[%swap3A_188] {strides = array<i32>} : memref<2304xi32, #tpu.memory_space<vmem>>, vector<16xi32>,
      tpu.vector_store %arg13[%swap3A_188], %add3A_187 {strides = array<i32>} : memref<2304xi32, #tpu.memory_space<vmem>>, vector<16xi32>,
      %get3A = arith.constant 0 : index
      %get3A_190 = tpu.vector_load %arg12[%get3A] {strides = array<i32>} : memref<2304xi32, #tpu.memory_space<vmem>>, vector<16xi32>,
      %swap3A_191 = arith.constant 0 : index
      %swap3A_192 = tpu.vector_load %arg14[%swap3A_191] {strides = array<i32>} : memref<64xi32, #tpu.memory_space<vmem>>, vector<16xi32>,
      tpu.vector_store %arg14[%swap3A_191], %get3A_190 {strides = array<i32>} : memref<64xi32, #tpu.memory_space<vmem>>, vector<16xi32>,
      %get3A_193 = arith.constant 0 : index
      %get3A_194 = tpu.vector_load %arg13[%get3A_193] {strides = array<i32>} : memref<2304xi32, #tpu.memory_space<vmem>>, vector<16xi32>,
      %swap3A_195 = arith.constant 0 : index
      %swap3A_196 = tpu.vector_load %arg15[%swap3A_195] {strides = array<i32>} : memref<64xi32, #tpu.memory_space<vmem>>, vector<16xi32>,
      tpu.vector_store %arg15[%swap3A_195], %get3A_194 {strides = array<i32>} : memref<64xi32, #tpu.memory_space<vmem>>, vector<16xi32>,
      %get3A_197 = arith.constant 16 : index
      %get3A_198 = tpu.vector_load %arg12[%get3A_197] {strides = array<i32>} : memref<2304xi32, #tpu.memory_space<vmem>>, vector<16xi32>,
      %swap3A_199 = arith.constant 16 : index
      %swap3A_200 = tpu.vector_load %arg14[%swap3A_199] {strides = array<i32>} : memref<64xi32, #tpu.memory_space<vmem>>, vector<16xi32>,
      tpu.vector_store %arg14[%swap3A_199], %get3A_198 {strides = array<i32>} : memref<64xi32, #tpu.memory_space<vmem>>, vector<16xi32>,
      %get3A_201 = arith.constant 16 : index
      %get3A_202 = tpu.vector_load %arg13[%get3A_201] {strides = array<i32>} : memref<2304xi32, #tpu.memory_space<vmem>>, vector<16xi32>,
      %swap3A_203 = arith.constant 16 : index
      %swap3A_204 = tpu.vector_load %arg15[%swap3A_203] {strides = array<i32>} : memref<64xi32, #tpu.memory_space<vmem>>, vector<16xi32>,
      tpu.vector_store %arg15[%swap3A_203], %get3A_202 {strides = array<i32>} : memref<64xi32, #tpu.memory_space<vmem>>, vector<16xi32>,
      %get3A_205 = arith.constant 32 : index
      %get3A_206 = tpu.vector_load %arg12[%get3A_205] {strides = array<i32>} : memref<2304xi32, #tpu.memory_space<vmem>>, vector<16xi32>,
      %swap3A_207 = arith.constant 32 : index
      %swap3A_208 = tpu.vector_load %arg14[%swap3A_207] {strides = array<i32>} : memref<64xi32, #tpu.memory_space<vmem>>, vector<16xi32>,
      tpu.vector_store %arg14[%swap3A_207], %get3A_206 {strides = array<i32>} : memref<64xi32, #tpu.memory_space<vmem>>, vector<16xi32>,
      %get3A_209 = arith.constant 32 : index
      %get3A_210 = tpu.vector_load %arg13[%get3A_209] {strides = array<i32>} : memref<2304xi32, #tpu.memory_space<vmem>>, vector<16xi32>,
      %swap3A_211 = arith.constant 32 : index
      %swap3A_212 = tpu.vector_load %arg15[%swap3A_211] {strides = array<i32>} : memref<64xi32, #tpu.memory_space<vmem>>, vector<16xi32>,
      tpu.vector_store %arg15[%swap3A_211], %get3A_210 {strides = array<i32>} : memref<64xi32, #tpu.memory_space<vmem>>, vector<16xi32>,
      %get3A_213 = arith.constant 48 : index
      %get3A_214 = tpu.vector_load %arg12[%get3A_213] {strides = array<i32>} : memref<2304xi32, #tpu.memory_space<vmem>>, vector<16xi32>,
      %swap3A_215 = arith.constant 48 : index
      %swap3A_216 = tpu.vector_load %arg14[%swap3A_215] {strides = array<i32>} : memref<64xi32, #tpu.memory_space<vmem>>, vector<16xi32>,
      tpu.vector_store %arg14[%swap3A_215], %get3A_214 {strides = array<i32>} : memref<64xi32, #tpu.memory_space<vmem>>, vector<16xi32>,
      %get3A_217 = arith.constant 48 : index
      %get3A_218 = tpu.vector_load %arg13[%get3A_217] {strides = array<i32>} : memref<2304xi32, #tpu.memory_space<vmem>>, vector<16xi32>,
      %swap3A_219 = arith.constant 48 : index
      %swap3A_220 = tpu.vector_load %arg15[%swap3A_219] {strides = array<i32>} : memref<64xi32, #tpu.memory_space<vmem>>, vector<16xi32>,
      tpu.vector_store %arg15[%swap3A_219], %get3A_218 {strides = array<i32>} : memref<64xi32, #tpu.memory_space<vmem>>, vector<16xi32>,
      %dma_start3A_221 = arith.constant 0 : i32
      %dma_start3A_222 = arith.constant 0 : i32
      %dma_start3A_223 = tpu.memref_slice %arg2[%dma_start3A_221, %dma_start3A_222] : memref<50000x128xi32, #tpu.memory_space<hbm>> -> memref<50000x128xi32, #tpu.memory_space<hbm>>
      tpu.enqueue_indirect_dma source(%dma_start3A_223 : memref<50000x128xi32, #tpu.memory_space<hbm>>) target(%arg16 : memref<64x128xi32, #tpu.memory_space<vmem>>) offsets(%arg14 : memref<64xi32, #tpu.memory_space<vmem>>) semaphore(%arg21 : memref<!tpu.dma_semaphore, #tpu.memory_space<semaphore_mem>>)
      %dma_start3A_224 = arith.constant 0 : i32
      %dma_start3A_225 = arith.constant 0 : i32
      %dma_start3A_226 = tpu.memref_slice %arg3[%dma_start3A_224, %dma_start3A_225] : memref<10000x128xi32, #tpu.memory_space<hbm>> -> memref<10000x128xi32, #tpu.memory_space<hbm>>
      tpu.enqueue_indirect_dma source(%dma_start3A_226 : memref<10000x128xi32, #tpu.memory_space<hbm>>) target(%arg17 : memref<64x128xi32, #tpu.memory_space<vmem>>) offsets(%arg15 : memref<64xi32, #tpu.memory_space<vmem>>) semaphore(%arg22 : memref<!tpu.dma_semaphore, #tpu.memory_space<semaphore_mem>>)
      %dma_wait3A = arith.constant 0 : i32
      %dma_wait3A_227 = arith.constant 0 : i32
      %dma_wait3A_228 = tpu.memref_slice %arg2[%dma_wait3A, %dma_wait3A_227] : memref<50000x128xi32, #tpu.memory_space<hbm>> -> memref<50000x128xi32, #tpu.memory_space<hbm>>
      tpu.wait_indirect_dma semaphore(%arg21 : memref<!tpu.dma_semaphore, #tpu.memory_space<semaphore_mem>>) src(%dma_wait3A_228 : memref<50000x128xi32, #tpu.memory_space<hbm>>) dst(%arg16 : memref<64x128xi32, #tpu.memory_space<vmem>>)
      %dma_wait3A_229 = arith.constant 0 : i32
      %dma_wait3A_230 = arith.constant 0 : i32
      %dma_wait3A_231 = tpu.memref_slice %arg3[%dma_wait3A_229, %dma_wait3A_230] : memref<10000x128xi32, #tpu.memory_space<hbm>> -> memref<10000x128xi32, #tpu.memory_space<hbm>>
      tpu.wait_indirect_dma semaphore(%arg22 : memref<!tpu.dma_semaphore, #tpu.memory_space<semaphore_mem>>) src(%dma_wait3A_231 : memref<10000x128xi32, #tpu.memory_space<hbm>>) dst(%arg17 : memref<64x128xi32, #tpu.memory_space<vmem>>)
      %scan3A_232 = arith.constant 0 : i32
      %scan3A_233 = arith.constant 0 : i32
      %scan3A_234 = arith.constant 64 : i32
      %scan3A_235 = arith.addi %scan3A_233, %scan3A_234 : i32
      %scan3A_236 = arith.constant 1 : i32
      %scan3A_237 = scf.for %scan3A_239 = %scan3A_233 to %scan3A_235 step %scan3A_236 iter_args(%scan3A_240 = %scan3A_232) -> (i32)  : i32 {
        %broadcast_in_dim3A_241 = vector.broadcast %scan3A_239 : i32 to vector<16xi32>
        %gather3A = tpu.vector_load_idx %arg15[%broadcast_in_dim3A_241] : memref<64xi32, #tpu.memory_space<vmem>>[vector<16xi32>], vector<16xi32>,
        %sub3A = vector.broadcast %mul3A_4 : i32 to vector<16xi32>
        %sub3A_242 = arith.subi %gather3A, %sub3A : vector<16xi32>
        %get3A_243 = arith.index_cast %scan3A_239 : i32 to index
        %get3A_244 = arith.constant 0 : index
        %get3A_245 = tpu.vector_load %arg16[%get3A_243, %get3A_244] {strides = array<i32>} : memref<64x128xi32, #tpu.memory_space<vmem>>, vector<16xi32>,
        %bitcast3A = vector.bitcast %get3A_245 : vector<16xi32> to vector<32xbf16>
        %unpack3A = tpu.unpack_subelements %bitcast3A, 0 {pack_format = #tpu.pack_format<interleaved>} : vector<32xbf16> -> vector<16xf32>
        %unpack3A_246 = tpu.unpack_subelements %bitcast3A, 1 {pack_format = #tpu.pack_format<interleaved>} : vector<32xbf16> -> vector<16xf32>
        %get3A_247 = arith.index_cast %scan3A_239 : i32 to index
        %get3A_248 = arith.constant 0 : index
        %get3A_249 = tpu.vector_load %arg17[%get3A_247, %get3A_248] {strides = array<i32>} : memref<64x128xi32, #tpu.memory_space<vmem>>, vector<16xi32>,
        %bitcast3A_250 = vector.bitcast %get3A_249 : vector<16xi32> to vector<32xbf16>
        %unpack3A_251 = tpu.unpack_subelements %bitcast3A_250, 0 {pack_format = #tpu.pack_format<interleaved>} : vector<32xbf16> -> vector<16xf32>
        %unpack3A_252 = tpu.unpack_subelements %bitcast3A_250, 1 {pack_format = #tpu.pack_format<interleaved>} : vector<32xbf16> -> vector<16xf32>
        %mul3A_253 = arith.mulf %unpack3A, %unpack3A_251 : vector<16xf32>
        %mul3A_254 = arith.mulf %unpack3A_246, %unpack3A_252 : vector<16xf32>
        %add3A_255 = arith.addf %mul3A_253, %mul3A_254 : vector<16xf32>
        %get3A_256 = arith.index_cast %scan3A_239 : i32 to index
        %get3A_257 = arith.constant 16 : index
        %get3A_258 = tpu.vector_load %arg16[%get3A_256, %get3A_257] {strides = array<i32>} : memref<64x128xi32, #tpu.memory_space<vmem>>, vector<16xi32>,
        %bitcast3A_259 = vector.bitcast %get3A_258 : vector<16xi32> to vector<32xbf16>
        %unpack3A_260 = tpu.unpack_subelements %bitcast3A_259, 0 {pack_format = #tpu.pack_format<interleaved>} : vector<32xbf16> -> vector<16xf32>
        %unpack3A_261 = tpu.unpack_subelements %bitcast3A_259, 1 {pack_format = #tpu.pack_format<interleaved>} : vector<32xbf16> -> vector<16xf32>
        %get3A_262 = arith.index_cast %scan3A_239 : i32 to index
        %get3A_263 = arith.constant 16 : index
        %get3A_264 = tpu.vector_load %arg17[%get3A_262, %get3A_263] {strides = array<i32>} : memref<64x128xi32, #tpu.memory_space<vmem>>, vector<16xi32>,
        %bitcast3A_265 = vector.bitcast %get3A_264 : vector<16xi32> to vector<32xbf16>
        %unpack3A_266 = tpu.unpack_subelements %bitcast3A_265, 0 {pack_format = #tpu.pack_format<interleaved>} : vector<32xbf16> -> vector<16xf32>
        %unpack3A_267 = tpu.unpack_subelements %bitcast3A_265, 1 {pack_format = #tpu.pack_format<interleaved>} : vector<32xbf16> -> vector<16xf32>
        %mul3A_268 = arith.mulf %unpack3A_260, %unpack3A_266 : vector<16xf32>
        %mul3A_269 = arith.mulf %unpack3A_261, %unpack3A_267 : vector<16xf32>
        %add3A_270 = arith.addf %mul3A_268, %mul3A_269 : vector<16xf32>
        %add3A_271 = arith.addf %add3A_255, %add3A_270 : vector<16xf32>
        %get3A_272 = arith.index_cast %scan3A_239 : i32 to index
        %get3A_273 = arith.constant 32 : index
        %get3A_274 = tpu.vector_load %arg16[%get3A_272, %get3A_273] {strides = array<i32>} : memref<64x128xi32, #tpu.memory_space<vmem>>, vector<16xi32>,
        %bitcast3A_275 = vector.bitcast %get3A_274 : vector<16xi32> to vector<32xbf16>
        %unpack3A_276 = tpu.unpack_subelements %bitcast3A_275, 0 {pack_format = #tpu.pack_format<interleaved>} : vector<32xbf16> -> vector<16xf32>
        %unpack3A_277 = tpu.unpack_subelements %bitcast3A_275, 1 {pack_format = #tpu.pack_format<interleaved>} : vector<32xbf16> -> vector<16xf32>
        %get3A_278 = arith.index_cast %scan3A_239 : i32 to index
        %get3A_279 = arith.constant 32 : index
        %get3A_280 = tpu.vector_load %arg17[%get3A_278, %get3A_279] {strides = array<i32>} : memref<64x128xi32, #tpu.memory_space<vmem>>, vector<16xi32>,
        %bitcast3A_281 = vector.bitcast %get3A_280 : vector<16xi32> to vector<32xbf16>
        %unpack3A_282 = tpu.unpack_subelements %bitcast3A_281, 0 {pack_format = #tpu.pack_format<interleaved>} : vector<32xbf16> -> vector<16xf32>
        %unpack3A_283 = tpu.unpack_subelements %bitcast3A_281, 1 {pack_format = #tpu.pack_format<interleaved>} : vector<32xbf16> -> vector<16xf32>
        %mul3A_284 = arith.mulf %unpack3A_276, %unpack3A_282 : vector<16xf32>
        %mul3A_285 = arith.mulf %unpack3A_277, %unpack3A_283 : vector<16xf32>
        %add3A_286 = arith.addf %mul3A_284, %mul3A_285 : vector<16xf32>
        %add3A_287 = arith.addf %add3A_271, %add3A_286 : vector<16xf32>
        %get3A_288 = arith.index_cast %scan3A_239 : i32 to index
        %get3A_289 = arith.constant 48 : index
        %get3A_290 = tpu.vector_load %arg16[%get3A_288, %get3A_289] {strides = array<i32>} : memref<64x128xi32, #tpu.memory_space<vmem>>, vector<16xi32>,
        %bitcast3A_291 = vector.bitcast %get3A_290 : vector<16xi32> to vector<32xbf16>
        %unpack3A_292 = tpu.unpack_subelements %bitcast3A_291, 0 {pack_format = #tpu.pack_format<interleaved>} : vector<32xbf16> -> vector<16xf32>
        %unpack3A_293 = tpu.unpack_subelements %bitcast3A_291, 1 {pack_format = #tpu.pack_format<interleaved>} : vector<32xbf16> -> vector<16xf32>
        %get3A_294 = arith.index_cast %scan3A_239 : i32 to index
        %get3A_295 = arith.constant 48 : index
        %get3A_296 = tpu.vector_load %arg17[%get3A_294, %get3A_295] {strides = array<i32>} : memref<64x128xi32, #tpu.memory_space<vmem>>, vector<16xi32>,
        %bitcast3A_297 = vector.bitcast %get3A_296 : vector<16xi32> to vector<32xbf16>
        %unpack3A_298 = tpu.unpack_subelements %bitcast3A_297, 0 {pack_format = #tpu.pack_format<interleaved>} : vector<32xbf16> -> vector<16xf32>
        %unpack3A_299 = tpu.unpack_subelements %bitcast3A_297, 1 {pack_format = #tpu.pack_format<interleaved>} : vector<32xbf16> -> vector<16xf32>
        %mul3A_300 = arith.mulf %unpack3A_292, %unpack3A_298 : vector<16xf32>
        %mul3A_301 = arith.mulf %unpack3A_293, %unpack3A_299 : vector<16xf32>
        %add3A_302 = arith.addf %mul3A_300, %mul3A_301 : vector<16xf32>
        %add3A_303 = arith.addf %add3A_287, %add3A_302 : vector<16xf32>
        %get3A_304 = arith.index_cast %scan3A_239 : i32 to index
        %get3A_305 = arith.constant 64 : index
        %get3A_306 = tpu.vector_load %arg16[%get3A_304, %get3A_305] {strides = array<i32>} : memref<64x128xi32, #tpu.memory_space<vmem>>, vector<16xi32>,
        %bitcast3A_307 = vector.bitcast %get3A_306 : vector<16xi32> to vector<32xbf16>
        %unpack3A_308 = tpu.unpack_subelements %bitcast3A_307, 0 {pack_format = #tpu.pack_format<interleaved>} : vector<32xbf16> -> vector<16xf32>
        %unpack3A_309 = tpu.unpack_subelements %bitcast3A_307, 1 {pack_format = #tpu.pack_format<interleaved>} : vector<32xbf16> -> vector<16xf32>
        %get3A_310 = arith.index_cast %scan3A_239 : i32 to index
        %get3A_311 = arith.constant 64 : index
        %get3A_312 = tpu.vector_load %arg17[%get3A_310, %get3A_311] {strides = array<i32>} : memref<64x128xi32, #tpu.memory_space<vmem>>, vector<16xi32>,
        %bitcast3A_313 = vector.bitcast %get3A_312 : vector<16xi32> to vector<32xbf16>
        %unpack3A_314 = tpu.unpack_subelements %bitcast3A_313, 0 {pack_format = #tpu.pack_format<interleaved>} : vector<32xbf16> -> vector<16xf32>
        %unpack3A_315 = tpu.unpack_subelements %bitcast3A_313, 1 {pack_format = #tpu.pack_format<interleaved>} : vector<32xbf16> -> vector<16xf32>
        %mul3A_316 = arith.mulf %unpack3A_308, %unpack3A_314 : vector<16xf32>
        %mul3A_317 = arith.mulf %unpack3A_309, %unpack3A_315 : vector<16xf32>
        %add3A_318 = arith.addf %mul3A_316, %mul3A_317 : vector<16xf32>
        %add3A_319 = arith.addf %add3A_303, %add3A_318 : vector<16xf32>
        %get3A_320 = arith.index_cast %scan3A_239 : i32 to index
        %get3A_321 = arith.constant 80 : index
        %get3A_322 = tpu.vector_load %arg16[%get3A_320, %get3A_321] {strides = array<i32>} : memref<64x128xi32, #tpu.memory_space<vmem>>, vector<16xi32>,
        %bitcast3A_323 = vector.bitcast %get3A_322 : vector<16xi32> to vector<32xbf16>
        %unpack3A_324 = tpu.unpack_subelements %bitcast3A_323, 0 {pack_format = #tpu.pack_format<interleaved>} : vector<32xbf16> -> vector<16xf32>
        %unpack3A_325 = tpu.unpack_subelements %bitcast3A_323, 1 {pack_format = #tpu.pack_format<interleaved>} : vector<32xbf16> -> vector<16xf32>
        %get3A_326 = arith.index_cast %scan3A_239 : i32 to index
        %get3A_327 = arith.constant 80 : index
        %get3A_328 = tpu.vector_load %arg17[%get3A_326, %get3A_327] {strides = array<i32>} : memref<64x128xi32, #tpu.memory_space<vmem>>, vector<16xi32>,
        %bitcast3A_329 = vector.bitcast %get3A_328 : vector<16xi32> to vector<32xbf16>
        %unpack3A_330 = tpu.unpack_subelements %bitcast3A_329, 0 {pack_format = #tpu.pack_format<interleaved>} : vector<32xbf16> -> vector<16xf32>
        %unpack3A_331 = tpu.unpack_subelements %bitcast3A_329, 1 {pack_format = #tpu.pack_format<interleaved>} : vector<32xbf16> -> vector<16xf32>
        %mul3A_332 = arith.mulf %unpack3A_324, %unpack3A_330 : vector<16xf32>
        %mul3A_333 = arith.mulf %unpack3A_325, %unpack3A_331 : vector<16xf32>
        %add3A_334 = arith.addf %mul3A_332, %mul3A_333 : vector<16xf32>
        %add3A_335 = arith.addf %add3A_319, %add3A_334 : vector<16xf32>
        %get3A_336 = arith.index_cast %scan3A_239 : i32 to index
        %get3A_337 = arith.constant 96 : index
        %get3A_338 = tpu.vector_load %arg16[%get3A_336, %get3A_337] {strides = array<i32>} : memref<64x128xi32, #tpu.memory_space<vmem>>, vector<16xi32>,
        %bitcast3A_339 = vector.bitcast %get3A_338 : vector<16xi32> to vector<32xbf16>
        %unpack3A_340 = tpu.unpack_subelements %bitcast3A_339, 0 {pack_format = #tpu.pack_format<interleaved>} : vector<32xbf16> -> vector<16xf32>
        %unpack3A_341 = tpu.unpack_subelements %bitcast3A_339, 1 {pack_format = #tpu.pack_format<interleaved>} : vector<32xbf16> -> vector<16xf32>
        %get3A_342 = arith.index_cast %scan3A_239 : i32 to index
        %get3A_343 = arith.constant 96 : index
        %get3A_344 = tpu.vector_load %arg17[%get3A_342, %get3A_343] {strides = array<i32>} : memref<64x128xi32, #tpu.memory_space<vmem>>, vector<16xi32>,
        %bitcast3A_345 = vector.bitcast %get3A_344 : vector<16xi32> to vector<32xbf16>
        %unpack3A_346 = tpu.unpack_subelements %bitcast3A_345, 0 {pack_format = #tpu.pack_format<interleaved>} : vector<32xbf16> -> vector<16xf32>
        %unpack3A_347 = tpu.unpack_subelements %bitcast3A_345, 1 {pack_format = #tpu.pack_format<interleaved>} : vector<32xbf16> -> vector<16xf32>
        %mul3A_348 = arith.mulf %unpack3A_340, %unpack3A_346 : vector<16xf32>
        %mul3A_349 = arith.mulf %unpack3A_341, %unpack3A_347 : vector<16xf32>
        %add3A_350 = arith.addf %mul3A_348, %mul3A_349 : vector<16xf32>
        %add3A_351 = arith.addf %add3A_335, %add3A_350 : vector<16xf32>
        %get3A_352 = arith.index_cast %scan3A_239 : i32 to index
        %get3A_353 = arith.constant 112 : index
        %get3A_354 = tpu.vector_load %arg16[%get3A_352, %get3A_353] {strides = array<i32>} : memref<64x128xi32, #tpu.memory_space<vmem>>, vector<16xi32>,
        %bitcast3A_355 = vector.bitcast %get3A_354 : vector<16xi32> to vector<32xbf16>
        %unpack3A_356 = tpu.unpack_subelements %bitcast3A_355, 0 {pack_format = #tpu.pack_format<interleaved>} : vector<32xbf16> -> vector<16xf32>
        %unpack3A_357 = tpu.unpack_subelements %bitcast3A_355, 1 {pack_format = #tpu.pack_format<interleaved>} : vector<32xbf16> -> vector<16xf32>
        %get3A_358 = arith.index_cast %scan3A_239 : i32 to index
        %get3A_359 = arith.constant 112 : index
        %get3A_360 = tpu.vector_load %arg17[%get3A_358, %get3A_359] {strides = array<i32>} : memref<64x128xi32, #tpu.memory_space<vmem>>, vector<16xi32>,
        %bitcast3A_361 = vector.bitcast %get3A_360 : vector<16xi32> to vector<32xbf16>
        %unpack3A_362 = tpu.unpack_subelements %bitcast3A_361, 0 {pack_format = #tpu.pack_format<interleaved>} : vector<32xbf16> -> vector<16xf32>
        %unpack3A_363 = tpu.unpack_subelements %bitcast3A_361, 1 {pack_format = #tpu.pack_format<interleaved>} : vector<32xbf16> -> vector<16xf32>
        %mul3A_364 = arith.mulf %unpack3A_356, %unpack3A_362 : vector<16xf32>
        %mul3A_365 = arith.mulf %unpack3A_357, %unpack3A_363 : vector<16xf32>
        %add3A_366 = arith.addf %mul3A_364, %mul3A_365 : vector<16xf32>
        %add3A_367 = arith.addf %add3A_351, %add3A_366 : vector<16xf32>
        %broadcast_in_dim3A_368 = arith.constant true
        %broadcast_in_dim3A_369 = vector.broadcast %broadcast_in_dim3A_368 : i1 to vector<16xi1>
        %masked_cumsum3A = tpu.scan <sum>, %add3A_367 masked %broadcast_in_dim3A_369 : vector<16xf32>, vector<16xi1> -> vector<16xf32>
        %exp3A = math.exp %masked_cumsum3A : vector<16xf32>
        %lt3A_370 = arith.cmpi slt, %scan3A_239, %scan3A_49#0 : i32
        %jit3A_371 = arith.constant 1.000000e+00 : f32
        %jit3A_372 = arith.constant 0.000000e+00 : f32
        %select_n3A_373 = arith.select %lt3A_370, %jit3A_371, %jit3A_372 : f32
        %mul3A_374 = vector.broadcast %select_n3A_373 : f32 to vector<16xf32>
        %mul3A_375 = arith.mulf %exp3A, %mul3A_374 : vector<16xf32>
        %get3A_376 = arith.constant 0 : index
        %get3A_377 = tpu.vector_load %arg20[%get3A_376] {strides = array<i32>} : memref<16xf32, #tpu.memory_space<vmem>>, vector<16xf32>,
        %jit3A_378 = arith.constant 0.000000e+00 : f32
        %broadcast_in_dim3A_379 = vector.broadcast %jit3A_378 : f32 to vector<16xf32>
        %select_n3A_380 = arith.select %eq3A_2, %mul3A_375, %broadcast_in_dim3A_379 : vector<16xi1>, vector<16xf32>
        %add3A_381 = arith.addf %get3A_377, %select_n3A_380 : vector<16xf32>
        %swap3A_382 = arith.constant 0 : index
        %swap3A_383 = tpu.vector_load %arg20[%swap3A_382] {strides = array<i32>} : memref<16xf32, #tpu.memory_space<vmem>>, vector<16xf32>,
        tpu.vector_store %arg20[%swap3A_382], %add3A_381 {strides = array<i32>} : memref<16xf32, #tpu.memory_space<vmem>>, vector<16xf32>,
        %swap3A_384 = arith.constant 0 : index
        %swap3A_385 = tpu.vector_load %arg19[%swap3A_384] {strides = array<i32>} : memref<16xf32, #tpu.memory_space<vmem>>, vector<16xf32>,
        tpu.vector_store %arg19[%swap3A_384], %mul3A_375 {strides = array<i32>} : memref<16xf32, #tpu.memory_space<vmem>>, vector<16xf32>,
        %broadcast_in_dim3A_386 = arith.constant 15 : i32
        %broadcast_in_dim3A_387 = vector.broadcast %broadcast_in_dim3A_386 : i32 to vector<16xi32>
        %gather3A_388 = tpu.vector_load_idx %arg19[%broadcast_in_dim3A_387] : memref<16xf32, #tpu.memory_space<vmem>>[vector<16xi32>], vector<16xf32>,
        %add3A_389 = arith.constant 0 : i32
        %add3A_390 = vector.broadcast %add3A_389 : i32 to vector<16xi32>
        %add3A_391 = arith.addi %iota3A, %add3A_390 : vector<16xi32>
        %mul3A_392 = arith.mulf %unpack3A, %gather3A_388 : vector<16xf32>
        tpu.vector_store_idx %arg18[%sub3A_242, %add3A_391], %mul3A_392 {add = true} : memref<320x256xf32, #tpu.memory_space<vmem>>[vector<16xi32>, vector<16xi32>], vector<16xf32>,
        %add3A_393 = arith.constant 0 : i32
        %add3A_394 = vector.broadcast %add3A_393 : i32 to vector<16xi32>
        %add3A_395 = arith.addi %iota3A, %add3A_394 : vector<16xi32>
        %add3A_396 = arith.constant 128 : i32
        %add3A_397 = vector.broadcast %add3A_396 : i32 to vector<16xi32>
        %add3A_398 = arith.addi %add3A_395, %add3A_397 : vector<16xi32>
        %mul3A_399 = arith.mulf %unpack3A_246, %gather3A_388 : vector<16xf32>
        tpu.vector_store_idx %arg18[%sub3A_242, %add3A_398], %mul3A_399 {add = true} : memref<320x256xf32, #tpu.memory_space<vmem>>[vector<16xi32>, vector<16xi32>], vector<16xf32>,
        %add3A_400 = arith.constant 16 : i32
        %add3A_401 = vector.broadcast %add3A_400 : i32 to vector<16xi32>
        %add3A_402 = arith.addi %iota3A, %add3A_401 : vector<16xi32>
        %mul3A_403 = arith.mulf %unpack3A_260, %gather3A_388 : vector<16xf32>
        tpu.vector_store_idx %arg18[%sub3A_242, %add3A_402], %mul3A_403 {add = true} : memref<320x256xf32, #tpu.memory_space<vmem>>[vector<16xi32>, vector<16xi32>], vector<16xf32>,
        %add3A_404 = arith.constant 16 : i32
        %add3A_405 = vector.broadcast %add3A_404 : i32 to vector<16xi32>
        %add3A_406 = arith.addi %iota3A, %add3A_405 : vector<16xi32>
        %add3A_407 = arith.constant 128 : i32
        %add3A_408 = vector.broadcast %add3A_407 : i32 to vector<16xi32>
        %add3A_409 = arith.addi %add3A_406, %add3A_408 : vector<16xi32>
        %mul3A_410 = arith.mulf %unpack3A_261, %gather3A_388 : vector<16xf32>
        tpu.vector_store_idx %arg18[%sub3A_242, %add3A_409], %mul3A_410 {add = true} : memref<320x256xf32, #tpu.memory_space<vmem>>[vector<16xi32>, vector<16xi32>], vector<16xf32>,
        %add3A_411 = arith.constant 32 : i32
        %add3A_412 = vector.broadcast %add3A_411 : i32 to vector<16xi32>
        %add3A_413 = arith.addi %iota3A, %add3A_412 : vector<16xi32>
        %mul3A_414 = arith.mulf %unpack3A_276, %gather3A_388 : vector<16xf32>
        tpu.vector_store_idx %arg18[%sub3A_242, %add3A_413], %mul3A_414 {add = true} : memref<320x256xf32, #tpu.memory_space<vmem>>[vector<16xi32>, vector<16xi32>], vector<16xf32>,
        %add3A_415 = arith.constant 32 : i32
        %add3A_416 = vector.broadcast %add3A_415 : i32 to vector<16xi32>
        %add3A_417 = arith.addi %iota3A, %add3A_416 : vector<16xi32>
        %add3A_418 = arith.constant 128 : i32
        %add3A_419 = vector.broadcast %add3A_418 : i32 to vector<16xi32>
        %add3A_420 = arith.addi %add3A_417, %add3A_419 : vector<16xi32>
        %mul3A_421 = arith.mulf %unpack3A_277, %gather3A_388 : vector<16xf32>
        tpu.vector_store_idx %arg18[%sub3A_242, %add3A_420], %mul3A_421 {add = true} : memref<320x256xf32, #tpu.memory_space<vmem>>[vector<16xi32>, vector<16xi32>], vector<16xf32>,
        %add3A_422 = arith.constant 48 : i32
        %add3A_423 = vector.broadcast %add3A_422 : i32 to vector<16xi32>
        %add3A_424 = arith.addi %iota3A, %add3A_423 : vector<16xi32>
        %mul3A_425 = arith.mulf %unpack3A_292, %gather3A_388 : vector<16xf32>
        tpu.vector_store_idx %arg18[%sub3A_242, %add3A_424], %mul3A_425 {add = true} : memref<320x256xf32, #tpu.memory_space<vmem>>[vector<16xi32>, vector<16xi32>], vector<16xf32>,
        %add3A_426 = arith.constant 48 : i32
        %add3A_427 = vector.broadcast %add3A_426 : i32 to vector<16xi32>
        %add3A_428 = arith.addi %iota3A, %add3A_427 : vector<16xi32>
        %add3A_429 = arith.constant 128 : i32
        %add3A_430 = vector.broadcast %add3A_429 : i32 to vector<16xi32>
        %add3A_431 = arith.addi %add3A_428, %add3A_430 : vector<16xi32>
        %mul3A_432 = arith.mulf %unpack3A_293, %gather3A_388 : vector<16xf32>
        tpu.vector_store_idx %arg18[%sub3A_242, %add3A_431], %mul3A_432 {add = true} : memref<320x256xf32, #tpu.memory_space<vmem>>[vector<16xi32>, vector<16xi32>], vector<16xf32>,
        %add3A_433 = arith.constant 64 : i32
        %add3A_434 = vector.broadcast %add3A_433 : i32 to vector<16xi32>
        %add3A_435 = arith.addi %iota3A, %add3A_434 : vector<16xi32>
        %mul3A_436 = arith.mulf %unpack3A_308, %gather3A_388 : vector<16xf32>
        tpu.vector_store_idx %arg18[%sub3A_242, %add3A_435], %mul3A_436 {add = true} : memref<320x256xf32, #tpu.memory_space<vmem>>[vector<16xi32>, vector<16xi32>], vector<16xf32>,
        %add3A_437 = arith.constant 64 : i32
        %add3A_438 = vector.broadcast %add3A_437 : i32 to vector<16xi32>
        %add3A_439 = arith.addi %iota3A, %add3A_438 : vector<16xi32>
        %add3A_440 = arith.constant 128 : i32
        %add3A_441 = vector.broadcast %add3A_440 : i32 to vector<16xi32>
        %add3A_442 = arith.addi %add3A_439, %add3A_441 : vector<16xi32>
        %mul3A_443 = arith.mulf %unpack3A_309, %gather3A_388 : vector<16xf32>
        tpu.vector_store_idx %arg18[%sub3A_242, %add3A_442], %mul3A_443 {add = true} : memref<320x256xf32, #tpu.memory_space<vmem>>[vector<16xi32>, vector<16xi32>], vector<16xf32>,
        %add3A_444 = arith.constant 80 : i32
        %add3A_445 = vector.broadcast %add3A_444 : i32 to vector<16xi32>
        %add3A_446 = arith.addi %iota3A, %add3A_445 : vector<16xi32>
        %mul3A_447 = arith.mulf %unpack3A_324, %gather3A_388 : vector<16xf32>
        tpu.vector_store_idx %arg18[%sub3A_242, %add3A_446], %mul3A_447 {add = true} : memref<320x256xf32, #tpu.memory_space<vmem>>[vector<16xi32>, vector<16xi32>], vector<16xf32>,
        %add3A_448 = arith.constant 80 : i32
        %add3A_449 = vector.broadcast %add3A_448 : i32 to vector<16xi32>
        %add3A_450 = arith.addi %iota3A, %add3A_449 : vector<16xi32>
        %add3A_451 = arith.constant 128 : i32
        %add3A_452 = vector.broadcast %add3A_451 : i32 to vector<16xi32>
        %add3A_453 = arith.addi %add3A_450, %add3A_452 : vector<16xi32>
        %mul3A_454 = arith.mulf %unpack3A_325, %gather3A_388 : vector<16xf32>
        tpu.vector_store_idx %arg18[%sub3A_242, %add3A_453], %mul3A_454 {add = true} : memref<320x256xf32, #tpu.memory_space<vmem>>[vector<16xi32>, vector<16xi32>], vector<16xf32>,
        %add3A_455 = arith.constant 96 : i32
        %add3A_456 = vector.broadcast %add3A_455 : i32 to vector<16xi32>
        %add3A_457 = arith.addi %iota3A, %add3A_456 : vector<16xi32>
        %mul3A_458 = arith.mulf %unpack3A_340, %gather3A_388 : vector<16xf32>
        tpu.vector_store_idx %arg18[%sub3A_242, %add3A_457], %mul3A_458 {add = true} : memref<320x256xf32, #tpu.memory_space<vmem>>[vector<16xi32>, vector<16xi32>], vector<16xf32>,
        %add3A_459 = arith.constant 96 : i32
        %add3A_460 = vector.broadcast %add3A_459 : i32 to vector<16xi32>
        %add3A_461 = arith.addi %iota3A, %add3A_460 : vector<16xi32>
        %add3A_462 = arith.constant 128 : i32
        %add3A_463 = vector.broadcast %add3A_462 : i32 to vector<16xi32>
        %add3A_464 = arith.addi %add3A_461, %add3A_463 : vector<16xi32>
        %mul3A_465 = arith.mulf %unpack3A_341, %gather3A_388 : vector<16xf32>
        tpu.vector_store_idx %arg18[%sub3A_242, %add3A_464], %mul3A_465 {add = true} : memref<320x256xf32, #tpu.memory_space<vmem>>[vector<16xi32>, vector<16xi32>], vector<16xf32>,
        %add3A_466 = arith.constant 112 : i32
        %add3A_467 = vector.broadcast %add3A_466 : i32 to vector<16xi32>
        %add3A_468 = arith.addi %iota3A, %add3A_467 : vector<16xi32>
        %mul3A_469 = arith.mulf %unpack3A_356, %gather3A_388 : vector<16xf32>
        tpu.vector_store_idx %arg18[%sub3A_242, %add3A_468], %mul3A_469 {add = true} : memref<320x256xf32, #tpu.memory_space<vmem>>[vector<16xi32>, vector<16xi32>], vector<16xf32>,
        %add3A_470 = arith.constant 112 : i32
        %add3A_471 = vector.broadcast %add3A_470 : i32 to vector<16xi32>
        %add3A_472 = arith.addi %iota3A, %add3A_471 : vector<16xi32>
        %add3A_473 = arith.constant 128 : i32
        %add3A_474 = vector.broadcast %add3A_473 : i32 to vector<16xi32>
        %add3A_475 = arith.addi %add3A_472, %add3A_474 : vector<16xi32>
        %mul3A_476 = arith.mulf %unpack3A_357, %gather3A_388 : vector<16xf32>
        tpu.vector_store_idx %arg18[%sub3A_242, %add3A_475], %mul3A_476 {add = true} : memref<320x256xf32, #tpu.memory_space<vmem>>[vector<16xi32>, vector<16xi32>], vector<16xf32>,
        %scan3A_477 = arith.constant 0 : i32
        scf.yield %scan3A_477 : i32
      }
      %scan3A_238 = arith.constant 64 : i32
    } else {
    }
    %mul3A_58 = arith.constant 16 : i32
    %mul3A_59 = arith.muli %add3A, %mul3A_58 : i32
    "tpu.region"() ({
      %run_scoped3A = tpu.sem_alloc : memref<!tpu.dma_semaphore, #tpu.memory_space<semaphore_mem>>
      %dma_start3A_70 = tpu.memref_slice %arg7[%mul3A_59] : memref<512xf32, #tpu.memory_space<hbm>> -> memref<16xf32, #tpu.memory_space<hbm>>
      %dma_start3A_71 = tpu.memref_slice %arg7[%mul3A_59] : memref<512xf32, #tpu.memory_space<hbm>> -> memref<16xf32, #tpu.memory_space<hbm>>
      tpu.enqueue_dma source(%arg20 : memref<16xf32, #tpu.memory_space<vmem>>) target(%dma_start3A_71 : memref<16xf32, #tpu.memory_space<hbm>>) target_semaphore(%run_scoped3A : memref<!tpu.dma_semaphore, #tpu.memory_space<semaphore_mem>>)
      %dma_wait3A = tpu.memref_slice %arg7[%mul3A_59] : memref<512xf32, #tpu.memory_space<hbm>> -> memref<16xf32, #tpu.memory_space<hbm>>
      %dma_wait3A_72 = tpu.memref_slice %arg7[%mul3A_59] : memref<512xf32, #tpu.memory_space<hbm>> -> memref<16xf32, #tpu.memory_space<hbm>>
      tpu.wait_dma2 semaphore(%run_scoped3A : memref<!tpu.dma_semaphore, #tpu.memory_space<semaphore_mem>>) src(%arg20 : memref<16xf32, #tpu.memory_space<vmem>>) dst(%dma_wait3A_72 : memref<16xf32, #tpu.memory_space<hbm>>)
      tpu.yield
    }) : () -> ()
    %lt3A_60 = arith.constant 31 : i32
    %lt3A_61 = arith.cmpi slt, %add3A, %lt3A_60 : i32
    %convert_element_type3A_62 = arith.extui %lt3A_61 : i1 to i32
    %cond3A_63 = arith.constant 0 : i32
    %cond3A_64 = arith.cmpi ne, %convert_element_type3A_62, %cond3A_63 : i32
    scf.if %cond3A_64 {
      "tpu.region"() ({
        %run_scoped3A = tpu.sem_alloc : memref<!tpu.dma_semaphore, #tpu.memory_space<semaphore_mem>>
        %dma_start3A_70 = arith.constant 0 : i32
        %dma_start3A_71 = tpu.memref_slice %arg6[%mul3A_4, %dma_start3A_70] : memref<10000x256xf32, #tpu.memory_space<hbm>> -> memref<320x256xf32, #tpu.memory_space<hbm>>
        %dma_start3A_72 = arith.constant 0 : i32
        %dma_start3A_73 = tpu.memref_slice %arg6[%mul3A_4, %dma_start3A_72] : memref<10000x256xf32, #tpu.memory_space<hbm>> -> memref<320x256xf32, #tpu.memory_space<hbm>>
        tpu.enqueue_dma source(%arg18 : memref<320x256xf32, #tpu.memory_space<vmem>>) target(%dma_start3A_73 : memref<320x256xf32, #tpu.memory_space<hbm>>) target_semaphore(%run_scoped3A : memref<!tpu.dma_semaphore, #tpu.memory_space<semaphore_mem>>)
        %dma_wait3A = arith.constant 0 : i32
        %dma_wait3A_74 = tpu.memref_slice %arg6[%mul3A_4, %dma_wait3A] : memref<10000x256xf32, #tpu.memory_space<hbm>> -> memref<320x256xf32, #tpu.memory_space<hbm>>
        %dma_wait3A_75 = arith.constant 0 : i32
        %dma_wait3A_76 = tpu.memref_slice %arg6[%mul3A_4, %dma_wait3A_75] : memref<10000x256xf32, #tpu.memory_space<hbm>> -> memref<320x256xf32, #tpu.memory_space<hbm>>
        tpu.wait_dma2 semaphore(%run_scoped3A : memref<!tpu.dma_semaphore, #tpu.memory_space<semaphore_mem>>) src(%arg18 : memref<320x256xf32, #tpu.memory_space<vmem>>) dst(%dma_wait3A_76 : memref<320x256xf32, #tpu.memory_space<hbm>>)
        tpu.yield
      }) : () -> ()
    } else {
    }
    %eq3A_65 = arith.constant 31 : i32
    %eq3A_66 = arith.cmpi eq, %add3A, %eq3A_65 : i32
    %convert_element_type3A_67 = arith.extui %eq3A_66 : i1 to i32
    %cond3A_68 = arith.constant 0 : i32
    %cond3A_69 = arith.cmpi ne, %convert_element_type3A_67, %cond3A_68 : i32
    scf.if %cond3A_69 {
      "tpu.region"() ({
        %run_scoped3A = tpu.sem_alloc : memref<!tpu.dma_semaphore, #tpu.memory_space<semaphore_mem>>
        %dma_start3A_70 = arith.constant 0 : i32
        %dma_start3A_71 = arith.constant 0 : i32
        %dma_start3A_72 = tpu.memref_slice %arg18[%dma_start3A_70, %dma_start3A_71] : memref<320x256xf32, #tpu.memory_space<vmem>> -> memref<80x256xf32, #tpu.memory_space<vmem>>
        %dma_start3A_73 = arith.constant 0 : i32
        %dma_start3A_74 = tpu.memref_slice %arg6[%mul3A_4, %dma_start3A_73] : memref<10000x256xf32, #tpu.memory_space<hbm>> -> memref<80x256xf32, #tpu.memory_space<hbm>>
        %dma_start3A_75 = arith.constant 0 : i32
        %dma_start3A_76 = tpu.memref_slice %arg6[%mul3A_4, %dma_start3A_75] : memref<10000x256xf32, #tpu.memory_space<hbm>> -> memref<80x256xf32, #tpu.memory_space<hbm>>
        %dma_start3A_77 = arith.constant 0 : i32
        %dma_start3A_78 = arith.constant 0 : i32
        %dma_start3A_79 = tpu.memref_slice %arg18[%dma_start3A_77, %dma_start3A_78] : memref<320x256xf32, #tpu.memory_space<vmem>> -> memref<80x256xf32, #tpu.memory_space<vmem>>
        tpu.enqueue_dma source(%dma_start3A_79 : memref<80x256xf32, #tpu.memory_space<vmem>>) target(%dma_start3A_76 : memref<80x256xf32, #tpu.memory_space<hbm>>) target_semaphore(%run_scoped3A : memref<!tpu.dma_semaphore, #tpu.memory_space<semaphore_mem>>)
        %dma_wait3A = arith.constant 0 : i32
        %dma_wait3A_80 = arith.constant 0 : i32
        %dma_wait3A_81 = tpu.memref_slice %arg18[%dma_wait3A, %dma_wait3A_80] : memref<320x256xf32, #tpu.memory_space<vmem>> -> memref<80x256xf32, #tpu.memory_space<vmem>>
        %dma_wait3A_82 = arith.constant 0 : i32
        %dma_wait3A_83 = tpu.memref_slice %arg6[%mul3A_4, %dma_wait3A_82] : memref<10000x256xf32, #tpu.memory_space<hbm>> -> memref<80x256xf32, #tpu.memory_space<hbm>>
        %dma_wait3A_84 = arith.constant 0 : i32
        %dma_wait3A_85 = tpu.memref_slice %arg6[%mul3A_4, %dma_wait3A_84] : memref<10000x256xf32, #tpu.memory_space<hbm>> -> memref<80x256xf32, #tpu.memory_space<hbm>>
        %dma_wait3A_86 = arith.constant 0 : i32
        %dma_wait3A_87 = arith.constant 0 : i32
        %dma_wait3A_88 = tpu.memref_slice %arg18[%dma_wait3A_86, %dma_wait3A_87] : memref<320x256xf32, #tpu.memory_space<vmem>> -> memref<80x256xf32, #tpu.memory_space<vmem>>
        tpu.wait_dma2 semaphore(%run_scoped3A : memref<!tpu.dma_semaphore, #tpu.memory_space<semaphore_mem>>) src(%dma_wait3A_88 : memref<80x256xf32, #tpu.memory_space<vmem>>) dst(%dma_wait3A_85 : memref<80x256xf32, #tpu.memory_space<hbm>>)
        tpu.yield
      }) : () -> ()
    } else {
    }
    return
  }
}

module attributes {stable_mosaic.version = 14 : i64} {
  func.func @_enc_j_body(%arg0: i32, %arg1: memref<2000x256xf32, #tpu.memory_space<vmem>>, %arg2: memref<256x256xf32, #tpu.memory_space<vmem>>, %arg3: memref<1x256xf32, #tpu.memory_space<vmem>>, %arg4: memref<256x256xf32, #tpu.memory_space<vmem>>, %arg5: memref<1x256xf32, #tpu.memory_space<vmem>>, %arg6: memref<2000x256xf32, #tpu.memory_space<vmem>>, %arg7: memref<2000x128xi32, #tpu.memory_space<vmem>>) attributes {dimension_semantics = [#tpu.dimension_semantics<arbitrary>], iteration_bounds = array<i64: 5>, scalar_prefetch = 0 : i64, scratch_operands = 0 : i64, tpu.core_type = #tpu.core_type<tc>, window_params = [{transform_indices = @transform_0, window_bounds = array<i64: 2000, 256>}, {pipeline_mode = #tpu.pipeline_mode<synchronous>, transform_indices = @transform_1, window_bounds = array<i64: 256, 256>}, {pipeline_mode = #tpu.pipeline_mode<synchronous>, transform_indices = @transform_2, window_bounds = array<i64: 1, 256>}, {pipeline_mode = #tpu.pipeline_mode<synchronous>, transform_indices = @transform_3, window_bounds = array<i64: 256, 256>}, {pipeline_mode = #tpu.pipeline_mode<synchronous>, transform_indices = @transform_4, window_bounds = array<i64: 1, 256>}, {transform_indices = @transform_5, window_bounds = array<i64: 2000, 256>}, {transform_indices = @transform_6, window_bounds = array<i64: 2000, 128>}]} {
    %get3A = arith.constant 0 : index
    %get3A_0 = arith.constant 0 : index
    %get3A_1 = vector.load %arg1[%get3A, %get3A_0] : memref<2000x256xf32, #tpu.memory_space<vmem>>, vector<2000x256xf32>
    %get3A_2 = arith.constant 0 : index
    %get3A_3 = arith.constant 0 : index
    %get3A_4 = vector.load %arg2[%get3A_2, %get3A_3] : memref<256x256xf32, #tpu.memory_space<vmem>>, vector<256x256xf32>
    %dot_general3A = arith.constant dense<0.000000e+00> : vector<2000x256xf32>
    %dot_general3A_5 = tpu.matmul %get3A_1, %get3A_4, %dot_general3A {dimension_numbers = #tpu.dot_dimension_numbers<[1], [0], [0], [1], [0, 0, 1, 1], [], []>, transpose_lhs_hint = false} : vector<2000x256xf32>, vector<256x256xf32>, vector<2000x256xf32> -> vector<2000x256xf32>
    %get3A_6 = arith.constant 0 : index
    %get3A_7 = arith.constant 0 : index
    %get3A_8 = vector.load %arg3[%get3A_6, %get3A_7] : memref<1x256xf32, #tpu.memory_space<vmem>>, vector<1x256xf32>
    %add3A = vector.broadcast %get3A_8 : vector<1x256xf32> to vector<2000x256xf32>
    %add3A_9 = arith.addf %dot_general3A_5, %add3A : vector<2000x256xf32>
    %max3A = arith.constant 0.000000e+00 : f32
    %max3A_10 = vector.broadcast %max3A : f32 to vector<2000x256xf32>
    %max3A_11 = arith.maximumf %add3A_9, %max3A_10 : vector<2000x256xf32>
    %swap3A = arith.constant 0 : index
    %swap3A_12 = arith.constant 0 : index
    %swap3A_13 = vector.load %arg6[%swap3A, %swap3A_12] : memref<2000x256xf32, #tpu.memory_space<vmem>>, vector<2000x256xf32>
    tpu.vector_store %arg6[%swap3A, %swap3A_12], %max3A_11 {strides = array<i32>} : memref<2000x256xf32, #tpu.memory_space<vmem>>, vector<2000x256xf32>,
    %get3A_14 = arith.constant 0 : index
    %get3A_15 = arith.constant 0 : index
    %get3A_16 = vector.load %arg4[%get3A_14, %get3A_15] : memref<256x256xf32, #tpu.memory_space<vmem>>, vector<256x256xf32>
    %dot_general3A_17 = arith.constant dense<0.000000e+00> : vector<2000x256xf32>
    %dot_general3A_18 = tpu.matmul %max3A_11, %get3A_16, %dot_general3A_17 {dimension_numbers = #tpu.dot_dimension_numbers<[1], [0], [0], [1], [0, 0, 1, 1], [], []>, transpose_lhs_hint = false} : vector<2000x256xf32>, vector<256x256xf32>, vector<2000x256xf32> -> vector<2000x256xf32>
    %get3A_19 = arith.constant 0 : index
    %get3A_20 = arith.constant 0 : index
    %get3A_21 = vector.load %arg5[%get3A_19, %get3A_20] : memref<1x256xf32, #tpu.memory_space<vmem>>, vector<1x256xf32>
    %add3A_22 = vector.broadcast %get3A_21 : vector<1x256xf32> to vector<2000x256xf32>
    %add3A_23 = arith.addf %dot_general3A_18, %add3A_22 : vector<2000x256xf32>
    %slice3A = vector.extract_strided_slice %add3A_23 {offsets = [0, 0], sizes = [2000, 128], strides = [1, 1]} : vector<2000x256xf32> to vector<2000x128xf32>
    %convert_element_type3A = arith.truncf %slice3A : vector<2000x128xf32> to vector<2000x128xbf16>
    %bitcast_convert_type3A = tpu.bitcast %convert_element_type3A : vector<2000x128xbf16> -> vector<2000x128xi16>
    %convert_element_type3A_24 = arith.extui %bitcast_convert_type3A : vector<2000x128xi16> to vector<2000x128xi32>
    %slice3A_25 = vector.extract_strided_slice %add3A_23 {offsets = [0, 128], sizes = [2000, 128], strides = [1, 1]} : vector<2000x256xf32> to vector<2000x128xf32>
    %convert_element_type3A_26 = arith.truncf %slice3A_25 : vector<2000x128xf32> to vector<2000x128xbf16>
    %bitcast_convert_type3A_27 = tpu.bitcast %convert_element_type3A_26 : vector<2000x128xbf16> -> vector<2000x128xi16>
    %convert_element_type3A_28 = arith.extui %bitcast_convert_type3A_27 : vector<2000x128xi16> to vector<2000x128xi32>
    %shift_left3A = arith.constant 16 : i32
    %shift_left3A_29 = vector.broadcast %shift_left3A : i32 to vector<2000x128xi32>
    %shift_left3A_30 = arith.shli %convert_element_type3A_28, %shift_left3A_29 : vector<2000x128xi32>
    %or3A = arith.ori %convert_element_type3A_24, %shift_left3A_30 : vector<2000x128xi32>
    %bitcast_convert_type3A_31 = tpu.bitcast %or3A : vector<2000x128xi32> -> vector<2000x128xi32>
    %swap3A_32 = arith.constant 0 : index
    %swap3A_33 = arith.constant 0 : index
    %swap3A_34 = vector.load %arg7[%swap3A_32, %swap3A_33] : memref<2000x128xi32, #tpu.memory_space<vmem>>, vector<2000x128xi32>
    tpu.vector_store %arg7[%swap3A_32, %swap3A_33], %bitcast_convert_type3A_31 {strides = array<i32>} : memref<2000x128xi32, #tpu.memory_space<vmem>>, vector<2000x128xi32>,
    return
  }
  func.func @transform_0(%arg0: i32) -> (i32, i32) {
    %c0_i32 = arith.constant 0 : i32
    %c0_i32_0 = arith.constant 0 : i32
    return %arg0, %c0_i32 : i32, i32
  }
  func.func @transform_1(%arg0: i32) -> (i32, i32) {
    %c0_i32 = arith.constant 0 : i32
    %c0_i32_0 = arith.constant 0 : i32
    %c0_i32_1 = arith.constant 0 : i32
    return %c0_i32, %c0_i32_0 : i32, i32
  }
  func.func @transform_2(%arg0: i32) -> (i32, i32) {
    %c0_i32 = arith.constant 0 : i32
    %c0_i32_0 = arith.constant 0 : i32
    %c0_i32_1 = arith.constant 0 : i32
    return %c0_i32, %c0_i32_0 : i32, i32
  }
  func.func @transform_3(%arg0: i32) -> (i32, i32) {
    %c0_i32 = arith.constant 0 : i32
    %c0_i32_0 = arith.constant 0 : i32
    %c0_i32_1 = arith.constant 0 : i32
    return %c0_i32, %c0_i32_0 : i32, i32
  }
  func.func @transform_4(%arg0: i32) -> (i32, i32) {
    %c0_i32 = arith.constant 0 : i32
    %c0_i32_0 = arith.constant 0 : i32
    %c0_i32_1 = arith.constant 0 : i32
    return %c0_i32, %c0_i32_0 : i32, i32
  }
  func.func @transform_5(%arg0: i32) -> (i32, i32) {
    %c0_i32 = arith.constant 0 : i32
    %c0_i32_0 = arith.constant 0 : i32
    return %arg0, %c0_i32 : i32, i32
  }
  func.func @transform_6(%arg0: i32) -> (i32, i32) {
    %c0_i32 = arith.constant 0 : i32
    %c0_i32_0 = arith.constant 0 : i32
    return %arg0, %c0_i32 : i32, i32
  }
}

module attributes {stable_mosaic.version = 14 : i64} {
  func.func @_gru_body(%arg0: i32, %arg1: memref<32x16xf32, #tpu.memory_space<vmem>>, %arg2: memref<2000x256xf32, #tpu.memory_space<vmem>>, %arg3: memref<2000x256xf32, #tpu.memory_space<vmem>>, %arg4: memref<2000x256xf32, #tpu.memory_space<vmem>>, %arg5: memref<256x768xf32, #tpu.memory_space<vmem>>, %arg6: memref<1x768xf32, #tpu.memory_space<vmem>>, %arg7: memref<256x768xf32, #tpu.memory_space<vmem>>, %arg8: memref<1x768xf32, #tpu.memory_space<vmem>>, %arg9: memref<256x4xf32, #tpu.memory_space<vmem>>, %arg10: memref<1x4xf32, #tpu.memory_space<vmem>>, %arg11: memref<2000x256xf32, #tpu.memory_space<vmem>>, %arg12: memref<2000x4xf32, #tpu.memory_space<vmem>>) attributes {dimension_semantics = [#tpu.dimension_semantics<arbitrary>], iteration_bounds = array<i64: 5>, scalar_prefetch = 0 : i64, scratch_operands = 0 : i64, tpu.core_type = #tpu.core_type<tc>, window_params = [{pipeline_mode = #tpu.pipeline_mode<synchronous>, transform_indices = @transform_0, window_bounds = array<i64: 32, 16>}, {transform_indices = @transform_1, window_bounds = array<i64: 2000, 256>}, {transform_indices = @transform_2, window_bounds = array<i64: 2000, 256>}, {transform_indices = @transform_3, window_bounds = array<i64: 2000, 256>}, {pipeline_mode = #tpu.pipeline_mode<synchronous>, transform_indices = @transform_4, window_bounds = array<i64: 256, 768>}, {pipeline_mode = #tpu.pipeline_mode<synchronous>, transform_indices = @transform_5, window_bounds = array<i64: 1, 768>}, {pipeline_mode = #tpu.pipeline_mode<synchronous>, transform_indices = @transform_6, window_bounds = array<i64: 256, 768>}, {pipeline_mode = #tpu.pipeline_mode<synchronous>, transform_indices = @transform_7, window_bounds = array<i64: 1, 768>}, {pipeline_mode = #tpu.pipeline_mode<synchronous>, transform_indices = @transform_8, window_bounds = array<i64: 256, 4>}, {pipeline_mode = #tpu.pipeline_mode<synchronous>, transform_indices = @transform_9, window_bounds = array<i64: 1, 4>}, {transform_indices = @transform_10, window_bounds = array<i64: 2000, 256>}, {transform_indices = @transform_11, window_bounds = array<i64: 2000, 4>}]} {
    %get3A = arith.constant 0 : index
    %get3A_0 = arith.constant 0 : index
    %get3A_1 = vector.load %arg1[%get3A, %get3A_0] : memref<32x16xf32, #tpu.memory_space<vmem>>, vector<32x16xf32>
    %reduce_sum3A = vector.shape_cast %get3A_1 : vector<32x16xf32> to vector<1x32x16xf32>
    %reduce_sum3A_2 = arith.constant dense<0.000000e+00> : vector<1xf32>
    %reduce_sum3A_3 = vector.multi_reduction <add>, %reduce_sum3A, %reduce_sum3A_2 [1, 2] : vector<1x32x16xf32> to vector<1xf32>
    %reduce_sum3A_4 = vector.shape_cast %reduce_sum3A_3 : vector<1xf32> to vector<1x1x1xf32>
    %reduce_sum3A_5 = vector.extract %reduce_sum3A_4[0, 0, 0] : f32 from vector<1x1x1xf32>
    %get3A_6 = arith.constant 0 : index
    %get3A_7 = arith.constant 0 : index
    %get3A_8 = vector.load %arg2[%get3A_6, %get3A_7] : memref<2000x256xf32, #tpu.memory_space<vmem>>, vector<2000x256xf32>
    %get3A_9 = arith.constant 0 : index
    %get3A_10 = arith.constant 0 : index
    %get3A_11 = vector.load %arg3[%get3A_9, %get3A_10] : memref<2000x256xf32, #tpu.memory_space<vmem>>, vector<2000x256xf32>
    %div3A = arith.constant 1.000000e+00 : f32
    %div3A_12 = arith.divf %div3A, %reduce_sum3A_5 : f32
    %mul3A = vector.broadcast %div3A_12 : f32 to vector<2000x256xf32>
    %mul3A_13 = arith.mulf %get3A_11, %mul3A : vector<2000x256xf32>
    %add3A = arith.addf %get3A_8, %mul3A_13 : vector<2000x256xf32>
    %get3A_14 = arith.constant 0 : index
    %get3A_15 = arith.constant 0 : index
    %get3A_16 = vector.load %arg4[%get3A_14, %get3A_15] : memref<2000x256xf32, #tpu.memory_space<vmem>>, vector<2000x256xf32>
    %get3A_17 = arith.constant 0 : index
    %get3A_18 = arith.constant 0 : index
    %get3A_19 = vector.load %arg5[%get3A_17, %get3A_18] : memref<256x768xf32, #tpu.memory_space<vmem>>, vector<256x768xf32>
    %dot_general3A = arith.constant dense<0.000000e+00> : vector<2000x768xf32>
    %dot_general3A_20 = tpu.matmul %add3A, %get3A_19, %dot_general3A {dimension_numbers = #tpu.dot_dimension_numbers<[1], [0], [0], [1], [0, 0, 1, 1], [], []>, transpose_lhs_hint = false} : vector<2000x256xf32>, vector<256x768xf32>, vector<2000x768xf32> -> vector<2000x768xf32>
    %get3A_21 = arith.constant 0 : index
    %get3A_22 = arith.constant 0 : index
    %get3A_23 = vector.load %arg6[%get3A_21, %get3A_22] : memref<1x768xf32, #tpu.memory_space<vmem>>, vector<1x768xf32>
    %add3A_24 = vector.broadcast %get3A_23 : vector<1x768xf32> to vector<2000x768xf32>
    %add3A_25 = arith.addf %dot_general3A_20, %add3A_24 : vector<2000x768xf32>
    %get3A_26 = arith.constant 0 : index
    %get3A_27 = arith.constant 0 : index
    %get3A_28 = vector.load %arg7[%get3A_26, %get3A_27] : memref<256x768xf32, #tpu.memory_space<vmem>>, vector<256x768xf32>
    %dot_general3A_29 = arith.constant dense<0.000000e+00> : vector<2000x768xf32>
    %dot_general3A_30 = tpu.matmul %get3A_16, %get3A_28, %dot_general3A_29 {dimension_numbers = #tpu.dot_dimension_numbers<[1], [0], [0], [1], [0, 0, 1, 1], [], []>, transpose_lhs_hint = false} : vector<2000x256xf32>, vector<256x768xf32>, vector<2000x768xf32> -> vector<2000x768xf32>
    %get3A_31 = arith.constant 0 : index
    %get3A_32 = arith.constant 0 : index
    %get3A_33 = vector.load %arg8[%get3A_31, %get3A_32] : memref<1x768xf32, #tpu.memory_space<vmem>>, vector<1x768xf32>
    %add3A_34 = vector.broadcast %get3A_33 : vector<1x768xf32> to vector<2000x768xf32>
    %add3A_35 = arith.addf %dot_general3A_30, %add3A_34 : vector<2000x768xf32>
    %slice3A = vector.extract_strided_slice %add3A_25 {offsets = [0, 0], sizes = [2000, 256], strides = [1, 1]} : vector<2000x768xf32> to vector<2000x256xf32>
    %slice3A_36 = vector.extract_strided_slice %add3A_25 {offsets = [0, 256], sizes = [2000, 256], strides = [1, 1]} : vector<2000x768xf32> to vector<2000x256xf32>
    %slice3A_37 = vector.extract_strided_slice %add3A_25 {offsets = [0, 512], sizes = [2000, 256], strides = [1, 1]} : vector<2000x768xf32> to vector<2000x256xf32>
    %slice3A_38 = vector.extract_strided_slice %add3A_35 {offsets = [0, 0], sizes = [2000, 256], strides = [1, 1]} : vector<2000x768xf32> to vector<2000x256xf32>
    %slice3A_39 = vector.extract_strided_slice %add3A_35 {offsets = [0, 256], sizes = [2000, 256], strides = [1, 1]} : vector<2000x768xf32> to vector<2000x256xf32>
    %slice3A_40 = vector.extract_strided_slice %add3A_35 {offsets = [0, 512], sizes = [2000, 256], strides = [1, 1]} : vector<2000x768xf32> to vector<2000x256xf32>
    %add3A_41 = arith.addf %slice3A, %slice3A_38 : vector<2000x256xf32>
    %logistic3A = arith.negf %add3A_41 : vector<2000x256xf32>
    %logistic3A_42 = math.exp %logistic3A : vector<2000x256xf32>
    %logistic3A_43 = arith.constant 1.000000e+00 : f32
    %logistic3A_44 = vector.broadcast %logistic3A_43 : f32 to vector<2000x256xf32>
    %logistic3A_45 = arith.addf %logistic3A_44, %logistic3A_42 : vector<2000x256xf32>
    %logistic3A_46 = arith.divf %logistic3A_44, %logistic3A_45 : vector<2000x256xf32>
    %add3A_47 = arith.addf %slice3A_36, %slice3A_39 : vector<2000x256xf32>
    %logistic3A_48 = arith.negf %add3A_47 : vector<2000x256xf32>
    %logistic3A_49 = math.exp %logistic3A_48 : vector<2000x256xf32>
    %logistic3A_50 = arith.constant 1.000000e+00 : f32
    %logistic3A_51 = vector.broadcast %logistic3A_50 : f32 to vector<2000x256xf32>
    %logistic3A_52 = arith.addf %logistic3A_51, %logistic3A_49 : vector<2000x256xf32>
    %logistic3A_53 = arith.divf %logistic3A_51, %logistic3A_52 : vector<2000x256xf32>
    %mul3A_54 = arith.mulf %logistic3A_46, %slice3A_40 : vector<2000x256xf32>
    %add3A_55 = arith.addf %slice3A_37, %mul3A_54 : vector<2000x256xf32>
    %tanh3A = math.tanh %add3A_55 : vector<2000x256xf32>
    %sub3A = arith.constant 1.000000e+00 : f32
    %sub3A_56 = vector.broadcast %sub3A : f32 to vector<2000x256xf32>
    %sub3A_57 = arith.subf %sub3A_56, %logistic3A_53 : vector<2000x256xf32>
    %mul3A_58 = arith.mulf %sub3A_57, %tanh3A : vector<2000x256xf32>
    %mul3A_59 = arith.mulf %logistic3A_53, %get3A_16 : vector<2000x256xf32>
    %add3A_60 = arith.addf %mul3A_58, %mul3A_59 : vector<2000x256xf32>
    %swap3A = arith.constant 0 : index
    %swap3A_61 = arith.constant 0 : index
    %swap3A_62 = vector.load %arg11[%swap3A, %swap3A_61] : memref<2000x256xf32, #tpu.memory_space<vmem>>, vector<2000x256xf32>
    tpu.vector_store %arg11[%swap3A, %swap3A_61], %add3A_60 {strides = array<i32>} : memref<2000x256xf32, #tpu.memory_space<vmem>>, vector<2000x256xf32>,
    %get3A_63 = arith.constant 0 : index
    %get3A_64 = arith.constant 0 : index
    %get3A_65 = vector.load %arg9[%get3A_63, %get3A_64] : memref<256x4xf32, #tpu.memory_space<vmem>>, vector<256x4xf32>
    %dot_general3A_66 = arith.constant dense<0.000000e+00> : vector<2000x4xf32>
    %dot_general3A_67 = tpu.matmul %add3A_60, %get3A_65, %dot_general3A_66 {dimension_numbers = #tpu.dot_dimension_numbers<[1], [0], [0], [1], [0, 0, 1, 1], [], []>, transpose_lhs_hint = false} : vector<2000x256xf32>, vector<256x4xf32>, vector<2000x4xf32> -> vector<2000x4xf32>
    %get3A_68 = arith.constant 0 : index
    %get3A_69 = arith.constant 0 : index
    %get3A_70 = vector.load %arg10[%get3A_68, %get3A_69] : memref<1x4xf32, #tpu.memory_space<vmem>>, vector<1x4xf32>
    %add3A_71 = vector.broadcast %get3A_70 : vector<1x4xf32> to vector<2000x4xf32>
    %add3A_72 = arith.addf %dot_general3A_67, %add3A_71 : vector<2000x4xf32>
    %swap3A_73 = arith.constant 0 : index
    %swap3A_74 = arith.constant 0 : index
    %swap3A_75 = vector.load %arg12[%swap3A_73, %swap3A_74] : memref<2000x4xf32, #tpu.memory_space<vmem>>, vector<2000x4xf32>
    tpu.vector_store %arg12[%swap3A_73, %swap3A_74], %add3A_72 {strides = array<i32>} : memref<2000x4xf32, #tpu.memory_space<vmem>>, vector<2000x4xf32>,
    return
  }
  func.func @transform_0(%arg0: i32) -> (i32, i32) {
    %c0_i32 = arith.constant 0 : i32
    %c0_i32_0 = arith.constant 0 : i32
    %c0_i32_1 = arith.constant 0 : i32
    return %c0_i32, %c0_i32_0 : i32, i32
  }
  func.func @transform_1(%arg0: i32) -> (i32, i32) {
    %c0_i32 = arith.constant 0 : i32
    %c0_i32_0 = arith.constant 0 : i32
    return %arg0, %c0_i32 : i32, i32
  }
  func.func @transform_2(%arg0: i32) -> (i32, i32) {
    %c0_i32 = arith.constant 0 : i32
    %c0_i32_0 = arith.constant 0 : i32
    return %arg0, %c0_i32 : i32, i32
  }
  func.func @transform_3(%arg0: i32) -> (i32, i32) {
    %c0_i32 = arith.constant 0 : i32
    %c0_i32_0 = arith.constant 0 : i32
    return %arg0, %c0_i32 : i32, i32
  }
  func.func @transform_4(%arg0: i32) -> (i32, i32) {
    %c0_i32 = arith.constant 0 : i32
    %c0_i32_0 = arith.constant 0 : i32
    %c0_i32_1 = arith.constant 0 : i32
    return %c0_i32, %c0_i32_0 : i32, i32
  }
  func.func @transform_5(%arg0: i32) -> (i32, i32) {
    %c0_i32 = arith.constant 0 : i32
    %c0_i32_0 = arith.constant 0 : i32
    %c0_i32_1 = arith.constant 0 : i32
    return %c0_i32, %c0_i32_0 : i32, i32
  }
  func.func @transform_6(%arg0: i32) -> (i32, i32) {
    %c0_i32 = arith.constant 0 : i32
    %c0_i32_0 = arith.constant 0 : i32
    %c0_i32_1 = arith.constant 0 : i32
    return %c0_i32, %c0_i32_0 : i32, i32
  }
  func.func @transform_7(%arg0: i32) -> (i32, i32) {
    %c0_i32 = arith.constant 0 : i32
    %c0_i32_0 = arith.constant 0 : i32
    %c0_i32_1 = arith.constant 0 : i32
    return %c0_i32, %c0_i32_0 : i32, i32
  }
  func.func @transform_8(%arg0: i32) -> (i32, i32) {
    %c0_i32 = arith.constant 0 : i32
    %c0_i32_0 = arith.constant 0 : i32
    %c0_i32_1 = arith.constant 0 : i32
    return %c0_i32, %c0_i32_0 : i32, i32
  }
  func.func @transform_9(%arg0: i32) -> (i32, i32) {
    %c0_i32 = arith.constant 0 : i32
    %c0_i32_0 = arith.constant 0 : i32
    %c0_i32_1 = arith.constant 0 : i32
    return %c0_i32, %c0_i32_0 : i32, i32
  }
  func.func @transform_10(%arg0: i32) -> (i32, i32) {
    %c0_i32 = arith.constant 0 : i32
    %c0_i32_0 = arith.constant 0 : i32
    return %arg0, %c0_i32 : i32, i32
  }
  func.func @transform_11(%arg0: i32) -> (i32, i32) {
    %c0_i32 = arith.constant 0 : i32
    %c0_i32_0 = arith.constant 0 : i32
    return %arg0, %c0_i32 : i32, i32
  }
}

module attributes {stable_mosaic.version = 14 : i64} {
  func.func @_enc_l_body(%arg0: i32, %arg1: memref<2000x256xf32, #tpu.memory_space<vmem>>, %arg2: memref<256x256xf32, #tpu.memory_space<vmem>>, %arg3: memref<1x256xf32, #tpu.memory_space<vmem>>, %arg4: memref<256x256xf32, #tpu.memory_space<vmem>>, %arg5: memref<1x256xf32, #tpu.memory_space<vmem>>, %arg6: memref<2000x128xi32, #tpu.memory_space<vmem>>) attributes {dimension_semantics = [#tpu.dimension_semantics<arbitrary>], iteration_bounds = array<i64: 25>, scalar_prefetch = 0 : i64, scratch_operands = 0 : i64, tpu.core_type = #tpu.core_type<tc>, window_params = [{transform_indices = @transform_0, window_bounds = array<i64: 2000, 256>}, {pipeline_mode = #tpu.pipeline_mode<synchronous>, transform_indices = @transform_1, window_bounds = array<i64: 256, 256>}, {pipeline_mode = #tpu.pipeline_mode<synchronous>, transform_indices = @transform_2, window_bounds = array<i64: 1, 256>}, {pipeline_mode = #tpu.pipeline_mode<synchronous>, transform_indices = @transform_3, window_bounds = array<i64: 256, 256>}, {pipeline_mode = #tpu.pipeline_mode<synchronous>, transform_indices = @transform_4, window_bounds = array<i64: 1, 256>}, {transform_indices = @transform_5, window_bounds = array<i64: 2000, 128>}]} {
    %get3A = arith.constant 0 : index
    %get3A_0 = arith.constant 0 : index
    %get3A_1 = vector.load %arg1[%get3A, %get3A_0] : memref<2000x256xf32, #tpu.memory_space<vmem>>, vector<2000x256xf32>
    %get3A_2 = arith.constant 0 : index
    %get3A_3 = arith.constant 0 : index
    %get3A_4 = vector.load %arg2[%get3A_2, %get3A_3] : memref<256x256xf32, #tpu.memory_space<vmem>>, vector<256x256xf32>
    %dot_general3A = arith.constant dense<0.000000e+00> : vector<2000x256xf32>
    %dot_general3A_5 = tpu.matmul %get3A_1, %get3A_4, %dot_general3A {dimension_numbers = #tpu.dot_dimension_numbers<[1], [0], [0], [1], [0, 0, 1, 1], [], []>, transpose_lhs_hint = false} : vector<2000x256xf32>, vector<256x256xf32>, vector<2000x256xf32> -> vector<2000x256xf32>
    %get3A_6 = arith.constant 0 : index
    %get3A_7 = arith.constant 0 : index
    %get3A_8 = vector.load %arg3[%get3A_6, %get3A_7] : memref<1x256xf32, #tpu.memory_space<vmem>>, vector<1x256xf32>
    %add3A = vector.broadcast %get3A_8 : vector<1x256xf32> to vector<2000x256xf32>
    %add3A_9 = arith.addf %dot_general3A_5, %add3A : vector<2000x256xf32>
    %max3A = arith.constant 0.000000e+00 : f32
    %max3A_10 = vector.broadcast %max3A : f32 to vector<2000x256xf32>
    %max3A_11 = arith.maximumf %add3A_9, %max3A_10 : vector<2000x256xf32>
    %get3A_12 = arith.constant 0 : index
    %get3A_13 = arith.constant 0 : index
    %get3A_14 = vector.load %arg4[%get3A_12, %get3A_13] : memref<256x256xf32, #tpu.memory_space<vmem>>, vector<256x256xf32>
    %dot_general3A_15 = arith.constant dense<0.000000e+00> : vector<2000x256xf32>
    %dot_general3A_16 = tpu.matmul %max3A_11, %get3A_14, %dot_general3A_15 {dimension_numbers = #tpu.dot_dimension_numbers<[1], [0], [0], [1], [0, 0, 1, 1], [], []>, transpose_lhs_hint = false} : vector<2000x256xf32>, vector<256x256xf32>, vector<2000x256xf32> -> vector<2000x256xf32>
    %get3A_17 = arith.constant 0 : index
    %get3A_18 = arith.constant 0 : index
    %get3A_19 = vector.load %arg5[%get3A_17, %get3A_18] : memref<1x256xf32, #tpu.memory_space<vmem>>, vector<1x256xf32>
    %add3A_20 = vector.broadcast %get3A_19 : vector<1x256xf32> to vector<2000x256xf32>
    %add3A_21 = arith.addf %dot_general3A_16, %add3A_20 : vector<2000x256xf32>
    %slice3A = vector.extract_strided_slice %add3A_21 {offsets = [0, 0], sizes = [2000, 128], strides = [1, 1]} : vector<2000x256xf32> to vector<2000x128xf32>
    %convert_element_type3A = arith.truncf %slice3A : vector<2000x128xf32> to vector<2000x128xbf16>
    %bitcast_convert_type3A = tpu.bitcast %convert_element_type3A : vector<2000x128xbf16> -> vector<2000x128xi16>
    %convert_element_type3A_22 = arith.extui %bitcast_convert_type3A : vector<2000x128xi16> to vector<2000x128xi32>
    %slice3A_23 = vector.extract_strided_slice %add3A_21 {offsets = [0, 128], sizes = [2000, 128], strides = [1, 1]} : vector<2000x256xf32> to vector<2000x128xf32>
    %convert_element_type3A_24 = arith.truncf %slice3A_23 : vector<2000x128xf32> to vector<2000x128xbf16>
    %bitcast_convert_type3A_25 = tpu.bitcast %convert_element_type3A_24 : vector<2000x128xbf16> -> vector<2000x128xi16>
    %convert_element_type3A_26 = arith.extui %bitcast_convert_type3A_25 : vector<2000x128xi16> to vector<2000x128xi32>
    %shift_left3A = arith.constant 16 : i32
    %shift_left3A_27 = vector.broadcast %shift_left3A : i32 to vector<2000x128xi32>
    %shift_left3A_28 = arith.shli %convert_element_type3A_26, %shift_left3A_27 : vector<2000x128xi32>
    %or3A = arith.ori %convert_element_type3A_22, %shift_left3A_28 : vector<2000x128xi32>
    %bitcast_convert_type3A_29 = tpu.bitcast %or3A : vector<2000x128xi32> -> vector<2000x128xi32>
    %swap3A = arith.constant 0 : index
    %swap3A_30 = arith.constant 0 : index
    %swap3A_31 = vector.load %arg6[%swap3A, %swap3A_30] : memref<2000x128xi32, #tpu.memory_space<vmem>>, vector<2000x128xi32>
    tpu.vector_store %arg6[%swap3A, %swap3A_30], %bitcast_convert_type3A_29 {strides = array<i32>} : memref<2000x128xi32, #tpu.memory_space<vmem>>, vector<2000x128xi32>,
    return
  }
  func.func @transform_0(%arg0: i32) -> (i32, i32) {
    %c0_i32 = arith.constant 0 : i32
    %c0_i32_0 = arith.constant 0 : i32
    return %arg0, %c0_i32 : i32, i32
  }
  func.func @transform_1(%arg0: i32) -> (i32, i32) {
    %c0_i32 = arith.constant 0 : i32
    %c0_i32_0 = arith.constant 0 : i32
    %c0_i32_1 = arith.constant 0 : i32
    return %c0_i32, %c0_i32_0 : i32, i32
  }
  func.func @transform_2(%arg0: i32) -> (i32, i32) {
    %c0_i32 = arith.constant 0 : i32
    %c0_i32_0 = arith.constant 0 : i32
    %c0_i32_1 = arith.constant 0 : i32
    return %c0_i32, %c0_i32_0 : i32, i32
  }
  func.func @transform_3(%arg0: i32) -> (i32, i32) {
    %c0_i32 = arith.constant 0 : i32
    %c0_i32_0 = arith.constant 0 : i32
    %c0_i32_1 = arith.constant 0 : i32
    return %c0_i32, %c0_i32_0 : i32, i32
  }
  func.func @transform_4(%arg0: i32) -> (i32, i32) {
    %c0_i32 = arith.constant 0 : i32
    %c0_i32_0 = arith.constant 0 : i32
    %c0_i32_1 = arith.constant 0 : i32
    return %c0_i32, %c0_i32_0 : i32, i32
  }
  func.func @transform_5(%arg0: i32) -> (i32, i32) {
    %c0_i32 = arith.constant 0 : i32
    %c0_i32_0 = arith.constant 0 : i32
    return %arg0, %c0_i32 : i32, i32
  }
}

</mosaic_0001>

<sc_bundles>
// kernel: kernel.6.cloned.1.call-start
scs
__scs_entry_jumppad:
0x0: {  	(pc) =	sbr.rel $0x88, $3  }
0x1: {  	(tag) =	ssettag $0x0;
	lr =	simm.s32 $0x1  }
0x2: {  	[smem:$0x3F8E] =	sst lr;
	_ =	strace $0xD0000000  }
0x3: {  	_ = 	snop  }
0x4: {  	_ = 	snop  }
0x5: {  	_ = 	snop  }
0x6: {  	_ = 	snop  }
0x7: {  	_ = 	snop  }
__scs_overlays_trampoline_lowered:
0x8: {  	[smem:$0x3F9D] =	sst s0  }
0x9: {  	[smem:$0x3F9E] =	sst s1  }
0xa: {  	[smem:$0x3F9F] =	sst s2  }
0xb: {  	[smem:$0x3FA0] =	sst s3  }
0xc: {  	[smem:$0x3FA1] =	sst s4  }
0xd: {  	[smem:$0x3FA2] =	sst s5  }
0xe: {  	[smem:$0x3FA3] =	sst s6  }
0xf: {  	[smem:$0x3FA4] =	sst s7  }
0x10: {  	[smem:$0x3FA5] =	sst s8  }
0x11: {  	[smem:$0x3FA6] =	sst s9;
	s0 =	simm.s32 @!p0 $0x0  }
0x12: {  	s1 =	sld [smem:$0x3F8C];
	s0 =	simm.s32 @p0 $0x1  }
0x13: {  	[smem:$0x3FA7] =	sst s0;
	s0 =	simm.s32 @!p1 $0x0  }
0x14: {  	s2 =	sld [smem:$0x3F8B];
	s0 =	simm.s32 @p1 $0x1  }
0x15: {  	[smem:$0x3FA8] =	sst s0;
	s0 =	simm.s32 @!p2 $0x0  }
0x16: {  	s3 =	sld [smem:$0x3FDB];
	s0 =	simm.s32 @p2 $0x1  }
0x17: {  	s4 =	simm.s32 $0x1BF5;
	[smem:$0x3FAA] =	sst s0  }
0x18: {  	s0 =	sld [smem:$0x3F8D];
	_ =	swait.ge [sflag:s4], $0x0  }
0x19: {  	s7 =	sld [smem:$0x3F8E]  }
0x1a: {  	s8 =	sadd.s32 $0xFFFFE003, lr  }
0x1b: {  	s9 =	sadd.s32 $0xFFFFFEF7, lr;
	s5 =	simm.s32 $0xFFFFFFFF;
	p2 =	slt.u32 s8, $0xFFFFF086  }
0x1c: {  	p1 =	slt.u32 s9, $0xF7A;
	s5 =	simm.s32 @!p2 $0x0  }
0x1d: {  	s5 =	simm.s32 @p1 $0x1;
	p0 =	seq.s32 s7, s2  }
0x1e: {  	s7 =	smul.u32 @!p0 $0xF7A, s2;
	p2 =	seq.s32 @!p0 s5, $0x0  }
0x1f: {  	s9 =	smul.u32 $0xF7A, s1;
	s8 =	simm.s32 @!p0 $0x1BF5;
	p2 =	por !p2, p0  }
0x20: {  	[sflag:s8] =	ssyncset.s32 @!p0 $0xFFFFF086;
	s6 =	sadd.s32 @!p0 s3, s7;
	s7 =	simm.s32 @!p0 $0x108  }
0x21: {  	s3 =	sadd.s32 s3, s9;
	s6 =	sadd.s32 @!p0 $0x88, s6;
	s7 =	simm.s32 @p2 $0x1082  }
0x22: {  	[simem:s7], [sflag:s8] =	dma.local @!p0 [hbm:s6], $0xF7A  }
0x23: {  	s9 =	sor.u32 $0xD0000000, s2;
	s6 =	simm.s32 $0x108;
	_ =	swait.ge @!p0 [sflag:s8], $0x0  }
0x24: {  	s3 =	sadd.s32 $0x88, s3;
	s6 =	simm.s32 @!p1 $0x1082;
	[sflag:s4] =	ssyncset.s32 $0xFFFFF086  }
0x25: {  	[simem:s6], [sflag:s4] =	dma.local [hbm:s3], $0xF7A  }
0x26: {  	[smem:$0x3F8E] =	sst s1;
	(tag) =	ssettag s2;
	_ =	strace s9  }
0x27: {  	s1 =	sld [smem:$0x3F9E]  }
0x28: {  	s2 =	sld [smem:$0x3F9F]  }
0x29: {  	s4 =	sld [smem:$0x3FA1]  }
0x2a: {  	p0 =	seq.s32 s5, $0x0;
	s5 =	sld [smem:$0x3FA2]  }
0x2b: {  	s6 =	sld [smem:$0x3FA3]  }
0x2c: {  	s7 =	sld [smem:$0x3FA4]  }
0x2d: {  	s3 =	simm.s32 $0x108;
	s8 =	sld [smem:$0x3FA5]  }
0x2e: {  	s3 =	simm.s32 @!p0 $0x1082;
	s9 =	sld [smem:$0x3FA6]  }
0x2f: {  	lr =	sadd.s32 s0, s3;
	s0 =	sld [smem:$0x3F9D]  }
0x30: {  	s3 =	sld [smem:$0x3FA0]  }
0x31: {  	[smem:$0x3FA9] =	sst s10  }
0x32: {  	s10 =	sld [smem:$0x3FA7];
	_ =	sdelay $0x3  }
0x33: {  	p0 =	seq.s32 s10, $0x1;
	s10 =	sld [smem:$0x3FA9];
	_ =	sdelay $0x3  }
0x34: {  	[smem:$0x3FA9] =	sst s10  }
0x35: {  	s10 =	sld [smem:$0x3FA8];
	_ =	sdelay $0x3  }
0x36: {  	p1 =	seq.s32 s10, $0x1;
	s10 =	sld [smem:$0x3FA9];
	_ =	sdelay $0x3  }
0x37: {  	[smem:$0x3FA9] =	sst s10  }
0x38: {  	s10 =	sld [smem:$0x3FAA]  }
0x39: {  	_ = 	snop;
	(pc) =	sbr.ind lr, $3  }
0x3a: {  	_ = 	snop  }
0x3b: {  	_ = 	snop  }
0x3c: {  	p2 =	seq.s32 s10, $0x1;
	s10 =	sld [smem:$0x3FA9]  }
0x3d: {  	_ =	shalt  }
0x3e: {  	_ =	shalt  }
0x3f: {  	_ =	shalt  }
0x40: {  	_ =	shalt  }
0x41: {  	_ =	shalt  }
0x42: {  	_ =	shalt  }
0x43: {  	_ =	shalt  }
0x44: {  	_ =	shalt  }
0x45: {  	_ =	shalt  }
0x46: {  	_ =	shalt  }
0x47: {  	_ =	shalt  }
0x48: {  	_ =	shalt  }
0x49: {  	_ =	shalt  }
0x4a: {  	_ =	shalt  }
0x4b: {  	_ =	shalt  }
0x4c: {  	_ =	shalt  }
0x4d: {  	_ =	shalt  }
0x4e: {  	_ =	shalt  }
0x4f: {  	_ =	shalt  }
0x50: {  	_ =	shalt  }
0x51: {  	_ =	shalt  }
0x52: {  	_ =	shalt  }
0x53: {  	_ =	shalt  }
0x54: {  	_ =	shalt  }
0x55: {  	_ =	shalt  }
0x56: {  	_ =	shalt  }
0x57: {  	_ =	shalt  }
0x58: {  	_ =	shalt  }
0x59: {  	_ =	shalt  }
0x5a: {  	_ =	shalt  }
0x5b: {  	_ =	shalt  }
0x5c: {  	_ =	shalt  }
0x5d: {  	_ =	shalt  }
0x5e: {  	_ =	shalt  }
0x5f: {  	_ =	shalt  }
0x60: {  	_ =	shalt  }
0x61: {  	_ =	shalt  }
0x62: {  	_ =	shalt  }
0x63: {  	_ =	shalt  }
0x64: {  	_ =	shalt  }
0x65: {  	_ =	shalt  }
0x66: {  	_ =	shalt  }
0x67: {  	_ =	shalt  }
0x68: {  	_ =	shalt  }
0x69: {  	_ =	shalt  }
0x6a: {  	_ =	shalt  }
0x6b: {  	_ =	shalt  }
0x6c: {  	_ =	shalt  }
0x6d: {  	_ =	shalt  }
0x6e: {  	_ =	shalt  }
0x6f: {  	_ =	shalt  }
0x70: {  	_ =	shalt  }
0x71: {  	_ =	shalt  }
0x72: {  	_ =	shalt  }
0x73: {  	_ =	shalt  }
0x74: {  	_ =	shalt  }
0x75: {  	_ =	shalt  }
0x76: {  	_ =	shalt  }
0x77: {  	_ =	shalt  }
0x78: {  	_ =	shalt  }
0x79: {  	_ =	shalt  }
0x7a: {  	_ =	shalt  }
0x7b: {  	_ =	shalt  }
0x7c: {  	_ =	shalt  }
0x7d: {  	_ =	shalt  }
0x7e: {  	_ =	shalt  }
0x7f: {  	_ =	shalt  }
0x80: {  	_ =	shalt  }
0x81: {  	_ =	shalt  }
0x82: {  	_ =	shalt  }
0x83: {  	_ =	shalt  }
0x84: {  	_ =	shalt  }
0x85: {  	_ =	shalt  }
0x86: {  	_ =	shalt  }
0x87: {  	_ =	shalt  }
.Lfunc_end0:
.L_simem_size_0:
called_computation_lowered:
.L_overlay_start_0:
0x88: {  	s2 =	sld [smem:$0x3FD9]  }
0x89: {  	s3 =	sld [smem:$0x3FFE];
	_ =	sdelay $0x1  }
0x8a: {  	s1 =	srdreg.scid  }
0x8b: {  	s0 =	sand.u32 $0x1, s1  }
0x8c: {  	s14 =	sshll.u32 s0, $0xA;
	s2 =	sadd.s32 s3, s2  }
0x8d: {  	s2 =	sadd.s32 s2, s14  }
0x8e: {  	[smem:$0x3FB5] =	sst s2  }
0x8f: {  	_ = 	snop  }
0x90: {  	s2 =	sld [smem:$0x3FD0];
	_ =	sdelay $0x1  }
0x91: {  	s15 =	sld [smem:$0x3FC7]  }
0x92: {  	s5 =	simm.s32 $0xA;
	s6 =	simm.s32 $0x10;
	s4 =	sld [smem:$0x3FC6]  }
0x93: {  	[smem:s6], [sflag:s5] =	dma.local [hbm:s2], $0x1  }
0x94: {  	_ =	swait.eq [sflag:s5], $0x1  }
0x95: {  	[sflag:s5] =	ssyncset.done $0x0  }
0x96: {  	s16 =	sld [smem:$0x10];
	[sflag:s5] =	ssyncadd.s32 $0xFFFFFFFF  }
0x97: {  	s17 =	sld [smem:$0x11];
	(tm) =	ssettm $0x1  }
0x98: {  	s18 =	sld [smem:$0x3FFB];
	_ =	sdelay $0x3  }
0x99: {  	_ =	strace s18  }
0x9a: {  	s6 =	sld [smem:$0x3FFC];
	_ =	sdelay $0x3  }
0x9b: {  	_ =	strace s6  }
0x9c: {  	s6 =	sld [smem:$0x3FFD];
	_ =	sdelay $0x3  }
0x9d: {  	_ =	strace s6  }
0x9e: {  	_ =	strace $0x8FFFFFFF  }
0x9f: {  	s19 =	sld [smem:$0x3FDB];
	_ =	sdelay $0x1  }
0xa0: {  	s7 =	simm.s32 $_scs_section_size  }
0xa1: {  	s8 =	simm.s32 $_size__tile_overlayer_lowered;
	s9 =	simm.s32 $_tile_overlayer_lowered  }
0xa2: {  	s22 =	simm.s32 $0x1BFF;
	s21 =	sshll.u32 s9, $0x1;
	s6 =	sadd.s32 s7, s19  }
0xa3: {  	s10 =	simm.s32 $0x0;
	s20 =	sshll.u32 s8, $0x1;
	s8 =	sadd.s32 s21, s6  }
0xa4: {  	[timem:s10], [sflag:s22] =	dma.local [hbm:s8], s20  }
0xa5: {  	_ =	swait.ge [sflag:s22], s20  }
0xa6: {  	s7 =	ssub.s32 $0x0, s20;
	[sflag:s22] =	ssyncset.done $0x0  }
0xa7: {  	[sflag:s22] =	ssyncadd.s32 s7;
	_ =	sdelay $0x1  }
0xa8: {  	s23 =	simm.s32 $0x1B8B  }
0xa9: {  	_ =	swait.ge [sflag:s23], $0x1  }
0xaa: {  	[sflag:s23] =	ssyncset.done $0x0  }
0xab: {  	s25 =	simm.s32 $0x1B8E;
	s24 =	sld [smem:$0x3FFE];
	[sflag:s23] =	ssyncadd.s32 $0xFFFFFFFF  }
0xac: {  	s26 =	simm.s32 $execute0_lowered;
	[smem:$0x3FD2] =	sst s25  }
0xad: {  	s8 =	sshll.u32 s26, $0x1;
	_ =	strace $0x80000046;
	[dreg:$0x1] =	wrdreg $0xFFFFFFFF  }
0xae: {  	s28 =	simm.s32 $_size_execute0_lowered;
	s6 =	sadd.s32 s6, s8;
	[dreg:$0x0] =	wrdreg $0x0  }
0xaf: {  	s8 =	sshll.u32 s28, $0x1;
	[dreg:$0x2] =	wrdreg s6  }
0xb0: {  	[dreg:$0x3] =	wrdreg s8  }
0xb1: {  	[dreg:$0x4] =	wrdreg $0xC0  }
0xb2: {  	_ =	task [dreg:s10], $0x5FFFF  }
0xb3: {  	[dreg:$0x1] =	wrdreg $0xFFFFFFFF  }
0xb4: {  	[dreg:$0x0] =	wrdreg $0x60  }
0xb5: {  	[dreg:$0x2] =	wrdreg s24  }
0xb6: {  	[dreg:$0x3] =	wrdreg s17  }
0xb7: {  	[dreg:$0x4] =	wrdreg s15  }
0xb8: {  	[dreg:$0x5] =	wrdreg s4  }
0xb9: {  	[dreg:$0x6] =	wrdreg s16  }
0xba: {  	[dreg:$0x7] =	wrdreg $0x9  }
0xbb: {  	_ =	task.clear_ibuf [dreg:s10], $0x8FFFF;
	_ =	strace $0x90000046  }
0xbc: {  	s29 =	simm.s32 $0x9;
	_ =	strace $0x80000048  }
0xbd: {  	_ =	swait.ge [sflag:s29], $0x1  }
0xbe: {  	[sflag:s29] =	ssyncadd.s32 $0xFFFFFFFF  }
0xbf: {  	_ =	strace $0x90000048  }
0xc0: {  	_ =	sfence  }
0xc1: {  	s30 =	sld [smem:$0x0];
	_ =	sdelay $0x2  }
0xc2: {  	s31 =	sshll.u32 s1, $0xD;
	s1 =	sshrl.u32 s1, $0x2  }
0xc3: {  	s3 =	sand.u32 $0x4000, s31;
	s1 =	sadd.s32 s1, s30  }
0xc4: {  	s0 =	sor.u32 s3, s0;
	s1 =	sshll.u32 s1, $0x11  }
0xc5: {  	s0 =	sor.u32 s1, s0  }
0xc6: {  	s0 =	sadd.s32 $0x8F2B, s0  }
0xc7: {  	[sflag:s0] =	ssyncadd.remote.s32 $0x1  }
0xc8: {  	_ =	sfence.sel $0xFFFF  }
0xc9: {  	[dreg:$0x0] =	wrdreg $0xFFFFFFFF;
	(pc) =	sbr.abs _section_cstart, $3  }
0xca: {  	[dreg:$0x1] =	wrdreg $0xFFFFFFFF  }
0xcb: {  	_ =	task.clear_ibuf [dreg:s10], $0x2FFFF;
	_ =	strace $0x9FFFFFFF  }
0xcc: {  	(tm) =	ssettm $0x7FFFFFFF  }
0xcd: {  	_ =	shalt  }
tec
execute0_lowered:
.L_overlay_start_1:
0x0: {  	(tag) =	ssettag $0x1  }
0x1: {  	s0 =	rddreg [dreg:$0x0]  }
0x2: {  	s1 =	rddreg [dreg:$0x1]  }
0x3: {  	s2 =	rddreg [dreg:$0x2]  }
0x4: {  	s4 =	rddreg [dreg:$0x3]  }
0x5: {  	s3 =	rddreg [dreg:$0x4];
	s6 =	srdreg.scid  }
0x6: {  	s8 =	stileid.u32;
	s5 =	simm.s32 $0x0;
	s14 =	simm.s32 $0x3  }
0x7: {  	s15 =	simm.s32 $0x4;
	s16 =	simm.s32 $0x40;
	s17 =	simm.s32 $0x3200  }
0x8: {  	s18 =	simm.s32 $0x3300;
	s19 =	simm.s32 $0x3280;
	s20 =	simm.s32 $0x5300  }
0x9: {  	s21 =	simm.s32 $0x1;
	s22 =	simm.s32 $0x2;
	s23 =	simm.s32 $0x1B300  }
0xa: {  	s29 =	simm.s32 $0x7;
	s7 =	sand.u32 $0x1, s6;
	s24 =	sshll.u32 s8, $0x1  }
0xb: {  	s30 =	simm.s32 $0x0;
	s31 =	simm.s32 $0x0;
	s8 =	sor.u32 s7, s24  }
0xc: {  	v0 =	vlaneseq.u32;
	[smem:$0x7FF] =	sst s5;
	s6 =	sadd.s32 $0x2A00, s0;
	s9 =	smul.u32 $0x2800, s8  }
0xd: {  	v5 =	vimm.f32 $0.0e+00;
	v6 =	vimm.s32 $0x0;
	vm0 =	vmmov $0x7fff;
	_ =	strace $0x80000047;
	s7 =	ssub.s32 $0x2, s7;
	s10 =	smul.u32 $0x140, s8  }
0xe: {  	v7 =	vimm.s32 $0xF;
	v1 =	vmul.u32 $0x3E5, v0;
	v8 =	vor.u32 $0x400, v0;
	s24 =	simm.s32 $0x7300;
	s11 =	sshrl.u32 s7, $0x1;
	s12 =	smul.u32 $0x83, s8  }
0xf: {  	v9 =	vor.u32 $0x10, v0;
	v10 =	vor.u32 $0x410, v0;
	v11 =	vor.u32 $0x20, v0;
	s13 =	sshll.u32 s8, $0x1;
	p0 =	seq.s32 s8, $0x1F;
	s7 =	ssub.s32 s7, s11  }
.Ltmp0:
0x10: {  	v12 =	vor.u32 $0x420, v0;
	v13 =	vor.u32 $0x30, v0;
	v14 =	vor.u32 $0x430, v0;
	s3 =	sadd.s32 s3, s13;
	s13 =	simm.s32 $0x1800;
	(pc) =	sbr.rel .LBB2_1-.Ltmp0, $4  }
0x11: {  	v15 =	vor.u32 $0x40, v0;
	v16 =	vor.u32 $0x440, v0;
	v17 =	vor.u32 $0x50, v0;
	s9 =	sadd.s32 s9, s0;
	[dreg:$0x6] =	wrdreg s3;
	s0 =	sadd.s32 $0x113800, s0  }
0x12: {  	v18 =	vor.u32 $0x450, v0;
	v19 =	vor.u32 $0x60, v0;
	v20 =	vor.u32 $0x460, v0;
	s25 =	sadd.s32 $0x140, s10;
	s28 =	smax.u32 s7, $0x1;
	[dreg:$0x8] =	wrdreg s0  }
0x13: {  	v21 =	vor.u32 $0x70, v0;
	v22 =	vor.u32 $0x470, v0;
	v1 =	vadd.s32 s12, v1;
	s12 =	simm.s32 $0x1000;
	s26 =	sadd.s32 $0xC6000, s9;
	[dreg:$0x9] =	wrdreg s28  }
0x14: {  	v2 =	vmov s10;
	v4 =	vor.u32 s10, v0;
	v3 =	vmov s25;
	s25 =	simm.s32 $0x5;
	[dreg:$0x7] =	wrdreg s26;
	s26 =	simm.s32 $0x6  }
.LBB2_31:
0x15: {  	s0 =	rddreg [dreg:$0x6];
	s3 =	simm.s32 $0x1B380  }
0x16: {  	[hbm4b:s0+s5] =	stream.linear.scatter [tilespmem:s3], [sflag:$0x7], $0x10, $0x38;
	[tilespmem:$0x1B400] =	vst v63  }
0x17: {  	_ =	swait.ge [sflag:s29], $0x10  }
0x18: {  	s0 =	simm.s32 @p0 $0x0;
	[sflag:s29] =	ssyncset.done $0x0  }
0x19: {  	s3 =	simm.s32 @p0 $0x7300;
	s7 =	rddreg [dreg:$0x8];
	[sflag:s29] =	ssyncadd.s32 $0xFFFFFFF0  }
0x1a: {  	[hbm4b:s7+s0] =	stream.linear.scatter @p0 [tilespmem:s3], [sflag:$0x7], $0x5000, $0x38;
	[tilespmem:$0x1B400] =	vst v63  }
0x1b: {  	s0 =	simm.s32 @p0 $0x7  }
0x1c: {  	_ =	swait.ge @p0 [sflag:s0], $0x5000  }
0x1d: {  	s3 =	simm.s32 @!p0 $0x7300;
	[sflag:s0] =	ssyncset.done @p0 $0x0  }
0x1e: {  	s7 =	rddreg [dreg:$0x7];
	[sflag:s0] =	ssyncadd.s32 @p0 $0xFFFFB000;
	s0 =	simm.s32 @!p0 $0x0  }
0x1f: {  	[hbm4b:s7+s0] =	stream.linear.scatter @!p0 [tilespmem:s3], [sflag:$0x7], $0x14000, $0x38;
	[tilespmem:$0x1B400] =	vst v63  }
0x20: {  	s0 =	simm.s32 @!p0 $0x7  }
0x21: {  	_ =	swait.ge @!p0 [sflag:s0], $0x14000  }
0x22: {  	s30 =	sadd.s32 $0x1, s30;
	s28 =	rddreg [dreg:$0x9]  }
0x23: {  	p1 =	sne.s32 s30, s28  }
.Ltmp1:
0x24: {  	_ = 	snop;
	(pc) =	sbr.rel @!p1 .LBB2_32-.Ltmp1, $3  }
0x25: {  	_ =	sdelay $0x1  }
0x26: {  	[sflag:s0] =	ssyncset.done @!p0 $0x0  }
0x27: {  	[sflag:s0] =	ssyncadd.s32 @!p0 $0xFFFEC000  }
.LBB2_1:
0x28: {  	s0 =	sand.u32 $0x1F800, s5;
	s3 =	sand.u32 $0x380, s5  }
0x29: {  	s0 =	sor.u32 s3, s0  }
0x2a: {  	[tilespmem:s0+$0x7770] =	vst v5  }
0x2b: {  	[tilespmem:s0+$0x7300] =	vst v5  }
0x2c: {  	[tilespmem:s0+$0x7310] =	vst v5  }
0x2d: {  	[tilespmem:s0+$0x7320] =	vst v5  }
0x2e: {  	[tilespmem:s0+$0x7330] =	vst v5  }
0x2f: {  	[tilespmem:s0+$0x7340] =	vst v5  }
0x30: {  	[tilespmem:s0+$0x7350] =	vst v5  }
0x31: {  	[tilespmem:s0+$0x7360] =	vst v5  }
0x32: {  	[tilespmem:s0+$0x7370] =	vst v5  }
0x33: {  	[tilespmem:s0+$0x7700] =	vst v5  }
0x34: {  	[tilespmem:s0+$0x7710] =	vst v5  }
0x35: {  	[tilespmem:s0+$0x7720] =	vst v5  }
0x36: {  	[tilespmem:s0+$0x7730] =	vst v5  }
0x37: {  	s7 =	simm.s32 $0x100;
	s3 =	simm.s32 $0x80;
	[tilespmem:s0+$0x7740] =	vst v5  }
0x38: {  	s8 =	sand.u32 $0x1F800, s7;
	s7 =	simm.s32 $0x200;
	s9 =	sand.u32 $0x380, s3;
	[tilespmem:s0+$0x7750] =	vst v5  }
.LBB2_2:
0x39: {  	p1 =	sne.s32 s7, $0x13F00;
	[tilespmem:s0+$0x7760] =	vst v5;
	s0 =	sor.u32 s9, s8  }
0x3a: {  	[tilespmem:s0+$0x7770] =	vst v5  }
0x3b: {  	[tilespmem:s0+$0x7300] =	vst v5  }
0x3c: {  	[tilespmem:s0+$0x7310] =	vst v5  }
0x3d: {  	[tilespmem:s0+$0x7320] =	vst v5  }
0x3e: {  	[tilespmem:s0+$0x7330] =	vst v5  }
0x3f: {  	[tilespmem:s0+$0x7340] =	vst v5  }
0x40: {  	[tilespmem:s0+$0x7350] =	vst v5  }
0x41: {  	[tilespmem:s0+$0x7360] =	vst v5  }
0x42: {  	[tilespmem:s0+$0x7370] =	vst v5  }
0x43: {  	[tilespmem:s0+$0x7700] =	vst v5  }
.Ltmp2:
0x44: {  	[tilespmem:s0+$0x7710] =	vst v5;
	(pc) =	sbr.rel @p1 .LBB2_2-.Ltmp2, $4  }
0x45: {  	[tilespmem:s0+$0x7720] =	vst v5  }
0x46: {  	[tilespmem:s0+$0x7730] =	vst v5  }
0x47: {  	s3 =	sadd.s32 $0x80, s3;
	[tilespmem:s0+$0x7740] =	vst v5  }
0x48: {  	s8 =	sand.u32 $0x1F800, s7;
	s7 =	sadd.s32 $0x100, s7;
	s9 =	sand.u32 $0x380, s3;
	[tilespmem:s0+$0x7750] =	vst v5  }
0x49: {  	s3 =	sor.u32 s9, s8;
	[tilespmem:s0+$0x7760] =	vst v5  }
0x4a: {  	[tilespmem:s3+$0x7770] =	vst v5  }
0x4b: {  	[tilespmem:s3+$0x7300] =	vst v5  }
0x4c: {  	[tilespmem:s3+$0x7310] =	vst v5  }
0x4d: {  	[tilespmem:s3+$0x7320] =	vst v5  }
0x4e: {  	[tilespmem:s3+$0x7330] =	vst v5  }
0x4f: {  	[tilespmem:s3+$0x7340] =	vst v5  }
0x50: {  	[tilespmem:s3+$0x7350] =	vst v5  }
0x51: {  	[tilespmem:s3+$0x7360] =	vst v5  }
0x52: {  	[tilespmem:s3+$0x7370] =	vst v5  }
0x53: {  	[tilespmem:s3+$0x7700] =	vst v5  }
0x54: {  	[tilespmem:s3+$0x7710] =	vst v5  }
0x55: {  	[tilespmem:s3+$0x7720] =	vst v5  }
0x56: {  	[tilespmem:s3+$0x7730] =	vst v5  }
0x57: {  	[tilespmem:s3+$0x7740] =	vst v5  }
0x58: {  	[tilespmem:s3+$0x7750] =	vst v5  }
.Ltmp3:
0x59: {  	[tilespmem:s3+$0x7760] =	vst v5;
	(pc) =	sbr.rel .LBB2_4-.Ltmp3, $4  }
0x5a: {  	s28 =	simm.s32 $0x800;
	[tilespmem:$0x1B380] =	vst v5  }
0x5b: {  	[tilespmem:s31], [sflag:$0x3] =	stream.linear.gather [hbm4b:s2+s31], $0x7D0, $0x38;
	[tilespmem:$0x1B400] =	vst v63  }
0x5c: {  	p1 =	por $0x1, $0x1;
	s0 =	simm.s32 $0x0;
	s3 =	simm.s32 $0x0  }
0x5d: {  	[tilespmem:s28], [sflag:$0x4] =	stream.linear.gather [hbm4b:s4+s31], $0x7D0, $0x38;
	[tilespmem:$0x1B400] =	vst v63  }
.LBB2_21:
0x5e: {  	v23 =	vld [tilespmem:s3+$0x1FC0];
	_ =	sdelay $0x4  }
0x5f: {  	[tilespmem:$0x3200] =	vst v23  }
0x60: {  	v23 =	vld [tilespmem:s3+$0x28C0];
	_ =	sdelay $0x4  }
0x61: {  	[tilespmem:$0x3280] =	vst v23  }
0x62: {  	v23 =	vld [tilespmem:s3+$0x1FD0];
	_ =	sdelay $0x4  }
0x63: {  	[tilespmem:$0x3210] =	vst v23  }
0x64: {  	v23 =	vld [tilespmem:s3+$0x28D0];
	_ =	sdelay $0x4  }
0x65: {  	[tilespmem:$0x3290] =	vst v23  }
0x66: {  	v23 =	vld [tilespmem:s3+$0x1FE0];
	_ =	sdelay $0x4  }
0x67: {  	[tilespmem:$0x3220] =	vst v23  }
0x68: {  	v23 =	vld [tilespmem:s3+$0x28E0];
	_ =	sdelay $0x4  }
0x69: {  	[tilespmem:$0x32A0] =	vst v23  }
0x6a: {  	v23 =	vld [tilespmem:s3+$0x1FF0];
	_ =	sdelay $0x4  }
0x6b: {  	[tilespmem:$0x3230] =	vst v23  }
0x6c: {  	v23 =	vld [tilespmem:s3+$0x28F0];
	_ =	sdelay $0x4  }
0x6d: {  	[tilespmem:$0x32B0] =	vst v23  }
0x6e: {  	[tilespmem:s18], [sflag:$0x1] =	stream.indirect.gather [hbm4b:s6+s16], $0x80, s17, s16, $0xb8;
	[tilespmem:$0x1B400] =	vst v63  }
0x6f: {  	p1 =	por $0x0, $0x0;
	s3 =	sadd.s32 $0xFFFFFFC0, s3  }
0x70: {  	[tilespmem:s20], [sflag:$0x2] =	stream.indirect.gather [hbm4b:s1+s16], $0x80, s19, s16, $0xb8;
	[tilespmem:$0x1B400] =	vst v63  }
.LBB2_22:
0x71: {  	s0 =	sadd.s32 $0x1, s0  }
0x72: {  	p2 =	sne.s32 s0, $0x28  }
.Ltmp4:
0x73: {  	_ = 	snop;
	(pc) =	sbr.rel @!p2 .LBB2_23-.Ltmp4, $1  }
0x74: {  	_ =	sdelay $0x3  }
.LBB2_4:
0x75: {  	s11 =	smul.u32 $0xFA0, s0;
	_ =	sdelay $0x1  }
0x76: {  	s7 =	sshrl.u32 s11, $0x3  }
0x77: {  	s7 =	sadd.s32 $0xFA, s7  }
0x78: {  	s8 =	sadd.s32 s2, s7  }
0x79: {  	[tilespmem:s12], [sflag:$0x5] =	stream.linear.gather [hbm4b:s8+s31], $0x7D0, $0x38;
	[tilespmem:$0x1B400] =	vst v63  }
0x7a: {  	s7 =	sadd.s32 s4, s7  }
0x7b: {  	[tilespmem:s13], [sflag:$0x6] =	stream.linear.gather [hbm4b:s7+s31], $0x7D0, $0x38;
	[tilespmem:$0x1B400] =	vst v63  }
0x7c: {  	_ =	swait.ge [sflag:s14], $0x7D0  }
0x7d: {  	[sflag:s14] =	ssyncset.done $0x0  }
0x7e: {  	[sflag:s14] =	ssyncadd.s32 $0xFFFFF830  }
0x7f: {  	_ =	swait.ge [sflag:s15], $0x7D0  }
0x80: {  	[sflag:s15] =	ssyncset.done $0x0  }
0x81: {  	s28 =	simm.s32 $0x0;
	[sflag:s15] =	ssyncadd.s32 $0xFFFFF830  }
0x82: {  	v23 =	vld [tilespmem:s28+$0x800];
	_ =	sdelay $0x4  }
0x83: {  	vm1 =	vge.s32 v23, v2;
	vm2 =	vlt.s32 v23, v3  }
0x84: {  	vm1 =	vmand vm1, vm2  }
0x85: {  	v24 =	vsel vm1, $0x1, v6  }
0x86: {  	(xrf0) =	vadd.scan.msk.s32 $0xffff, v24;
	_ =	sdelay $0x1  }
0x87: {  	v63 =	vld [tilespmem:s28+$0x0];
	_ =	sdelay $0x3  }
0x88: {  	v25, _, _ =	vpop (xrf0)  }
0x89: {  	[tilespmem:s3+$0x2000] =	vst.msk vm1, v63;
	(v2sf) =	vpush v25, $0xF  }
0x8a: {  	s8 =	simm.s32 $0x10;
	s7 =	simm.s32 $0x80;
	[tilespmem:s3+$0x2900] =	vst.msk vm1, v23  }
.LBB2_5:
0x8b: {  	p2 =	sne.s32 s7, $0x1F00;
	v23 =	vld [tilespmem:s8+$0x800];
	_ =	sdelay $0x4  }
0x8c: {  	vm1 =	vge.s32 v23, v2;
	vm2 =	vlt.s32 v23, v3  }
0x8d: {  	vm1 =	vmand vm1, vm2  }
0x8e: {  	v24 =	vsel vm1, $0x1, v6  }
0x8f: {  	(xrf0) =	vadd.scan.msk.s32 $0xffff, v24;
	_ =	sdelay $0x1  }
0x90: {  	v24 =	vld [tilespmem:s8+$0x0];
	_ =	sdelay $0x1  }
.Ltmp5:
0x91: {  	(pc) =	sbr.rel @p2 .LBB2_5-.Ltmp5, $4  }
0x92: {  	s8 =	spop (v2sf)  }
0x93: {  	v25, _, _ =	vpop (xrf0);
	s3 =	sadd.s32 s3, s8  }
0x94: {  	[tilespmem:s3+$0x2000] =	vst.msk vm1, v24;
	(v2sf) =	vpush v25, $0xF  }
0x95: {  	s8 =	sshra.s32 s7, $0x2;
	s7 =	sadd.s32 $0x40, s7;
	[tilespmem:s3+$0x2900] =	vst.msk vm1, v23  }
0x96: {  	v23 =	vld [tilespmem:s8+$0x800];
	_ =	sdelay $0x4  }
0x97: {  	vm1 =	vge.s32 v23, v2;
	vm2 =	vlt.s32 v23, v3  }
0x98: {  	vm1 =	vmand vm1, vm2  }
0x99: {  	v24 =	vsel vm1, $0x1, v6  }
0x9a: {  	(xrf0) =	vadd.scan.msk.s32 $0xffff, v24;
	_ =	sdelay $0x5  }
0x9b: {  	v24, _, _ =	vpop (xrf0)  }
0x9c: {  	(v2sf) =	vpush v24, $0xF;
	_ =	sdelay $0x9  }
0x9d: {  	v63 =	vld [tilespmem:s8+$0x0];
	_ =	sdelay $0x1  }
.Ltmp6:
0x9e: {  	_ = 	snop;
	(pc) =	sbr.rel @p1 .LBB2_10-.Ltmp6, $4  }
0x9f: {  	s7 =	spop (v2sf)  }
0xa0: {  	s3 =	sadd.s32 s3, s7  }
0xa1: {  	[tilespmem:s3+$0x2000] =	vst.msk vm1, v63;
	s28 =	spop (v2sf)  }
0xa2: {  	[tilespmem:s3+$0x2900] =	vst.msk vm1, v23;
	s3 =	sadd.s32 s3, s28  }
0xa3: {  	_ =	swait.ge [sflag:s21], $0x2000  }
0xa4: {  	[sflag:s21] =	ssyncset.done $0x0  }
0xa5: {  	[sflag:s21] =	ssyncadd.s32 $0xFFFFE000  }
0xa6: {  	_ =	swait.ge [sflag:s22], $0x2000  }
0xa7: {  	[sflag:s22] =	ssyncset.done $0x0  }
0xa8: {  	s7 =	simm.s32 $0x3340;
	[sflag:s22] =	ssyncadd.s32 $0xFFFFE000  }
0xa9: {  	s8 =	simm.s32 $0x5340;
	v23 =	vld [tilespmem:s7+$0xFFFFFFC0]  }
0xaa: {  	v24 =	vld [tilespmem:s8+$0xFFFFFFD0]  }
0xab: {  	v25 =	vld [tilespmem:s8+$0xFFFFFFC0]  }
0xac: {  	v26 =	vld [tilespmem:s7+$0xFFFFFFD0]  }
0xad: {  	v27 =	vld [tilespmem:s8+$0xFFFFFFE0]  }
0xae: {  	v28 =	vld [tilespmem:s7+$0xFFFFFFE0]  }
0xaf: {  	v30 =	vld [tilespmem:s8+$0xFFFFFFF0]  }
0xb0: {  	v33 =	vld [tilespmem:s7+$0xFFFFFFF0]  }
0xb1: {  	v38 =	vld [tilespmem:s7+$0x0];
	v29 =	vunpack.i.u.bf16.f32 v24;
	v24 =	vunpack.i.l.bf16.f32 v24;
	v31 =	vunpack.i.l.bf16.f32 v23  }
0xb2: {  	v39 =	vld [tilespmem:s8+$0x10];
	v32 =	vunpack.i.l.bf16.f32 v25;
	v25 =	vunpack.i.u.bf16.f32 v25;
	v35 =	vunpack.i.u.bf16.f32 v23  }
0xb3: {  	v42 =	vld [tilespmem:s7+$0x10];
	v56 =	vunpack.i.l.bf16.f32 v26;
	v34 =	vunpack.i.u.bf16.f32 v27;
	v27 =	vunpack.i.l.bf16.f32 v27  }
0xb4: {  	v40 =	vunpack.i.u.bf16.f32 v28;
	v28 =	vunpack.i.l.bf16.f32 v28;
	v26 =	vunpack.i.u.bf16.f32 v26  }
0xb5: {  	v37 =	vunpack.i.l.bf16.f32 v30;
	v41 =	vunpack.i.u.bf16.f32 v33;
	v30 =	vunpack.i.u.bf16.f32 v30  }
0xb6: {  	v36 =	vld [tilespmem:s8+$0x0];
	v33 =	vunpack.i.l.bf16.f32 v33;
	v43 =	vunpack.i.u.bf16.f32 v38;
	v44 =	vunpack.i.l.bf16.f32 v38  }
0xb7: {  	v58 =	vunpack.i.l.bf16.f32 v39;
	v23 =	vmul.f32 v32, v31;
	v25 =	vmul.f32 v25, v35  }
0xb8: {  	v57 =	vld [tilespmem:s7+$0x20];
	v45 =	vunpack.i.u.bf16.f32 v42;
	v24 =	vmul.f32 v24, v56;
	v29 =	vmul.f32 v29, v26  }
0xb9: {  	v42 =	vunpack.i.l.bf16.f32 v42;
	v59 =	vunpack.i.u.bf16.f32 v39;
	v34 =	vmul.f32 v34, v40  }
0xba: {  	v27 =	vmul.f32 v27, v28;
	v23 =	vadd.f32 v23, v25;
	v24 =	vadd.f32 v24, v29;
	v29 =	vld [tilespmem:s8+$0x20]  }
0xbb: {  	v30 =	vmul.f32 v30, v41;
	v37 =	vmul.f32 v37, v33;
	v25 =	vunpack.i.u.bf16.f32 v36  }
0xbc: {  	v27 =	vadd.f32 v27, v34;
	v36 =	vunpack.i.l.bf16.f32 v36;
	v23 =	vadd.f32 v24, v23  }
0xbd: {  	v46 =	vunpack.i.u.bf16.f32 v57;
	v25 =	vmul.f32 v25, v43;
	v24 =	vmul.f32 v36, v44  }
0xbe: {  	v60 =	vld [tilespmem:s7+$0x30];
	v47 =	vunpack.i.l.bf16.f32 v57;
	v30 =	vadd.f32 v37, v30;
	v23 =	vadd.f32 v27, v23  }
0xbf: {  	v24 =	vadd.f32 v24, v25;
	v27 =	vld [tilespmem:s8+$0x30];
	v25 =	vunpack.i.l.bf16.f32 v29;
	v29 =	vunpack.i.u.bf16.f32 v29  }
0xc0: {  	v37 =	vmul.f32 v59, v45;
	v23 =	vadd.f32 v30, v23;
	v29 =	vmul.f32 v29, v46  }
0xc1: {  	v30 =	vmul.f32 v58, v42;
	v25 =	vmul.f32 v25, v47  }
0xc2: {  	v61 =	vadd.f32 v24, v23  }
0xc3: {  	v30 =	vadd.f32 v30, v37;
	v25 =	vadd.f32 v25, v29;
	v23 =	vunpack.i.u.bf16.f32 v60  }
0xc4: {  	v24 =	vunpack.i.l.bf16.f32 v60;
	v29 =	vunpack.i.u.bf16.f32 v27;
	v27 =	vunpack.i.l.bf16.f32 v27  }
0xc5: {  	v30 =	vadd.f32 v30, v61;
	v27 =	vmul.f32 v27, v24;
	v29 =	vmul.f32 v29, v23;
	_ =	sdelay $0x1  }
0xc6: {  	v25 =	vadd.f32 v25, v30;
	v27 =	vadd.f32 v27, v29;
	_ =	sdelay $0x1  }
0xc7: {  	v25 =	vadd.f32 v27, v25;
	_ =	sdelay $0x1  }
0xc8: {  	(xrf2) =	vadd.scan.msk.f32 $0xffff, v25;
	_ =	sdelay $0x9  }
0xc9: {  	v25, _, _ =	vpop (xrf2)  }
0xca: {  	v25 =	vmul.f32 $1.442695020e+00, v25;
	_ =	sdelay $0x1  }
0xcb: {  	(erf) = vpow2.f32 v25  }
0xcc: {  	s9 =	simm.s32 $0x0  }
0xcd: {  	v25 =	vmov s9;
	_ =	sdelay $0x3  }
0xce: {  	v27 =	vld [tilespmem:$0x1B380]  }
0xcf: {  	v25 =	vld.idx.msk [tilespmem:v25+s19+$0x0], $0xffff;
	_ =	sdelay $0x1  }
0xd0: {  	v29 =	vpop (erf)  }
0xd1: {  	v30 =	vsel vm0, $0x0, v29  }
0xd2: {  	v27 =	vadd.f32 v30, v27  }
0xd3: {  	[tilespmem:$0x1B300] =	vst v29;
	v29 =	vsub.s32 v25, v2  }
0xd4: {  	v25 =	vshll.u32 v25, $0x7;
	[tilespmem:$0x1B380] =	vst v27;
	v27 =	vshll.u32 v29, $0x8  }
0xd5: {  	v25 =	vand.u32 $0x380, v25;
	v34 =	vld.idx.msk [tilespmem:v7+s23+$0x0], $0xffff;
	v27 =	vand.u32 $0xFFFFF800, v27  }
0xd6: {  	v37 =	vor.u32 v25, v27  }
0xd7: {  	v25 =	vor.u32 v0, v37  }
0xd8: {  	v38 =	vor.u32 v16, v37;
	v27 =	vor.u32 v8, v37  }
0xd9: {  	v36 =	vor.u32 v20, v37;
	v48 =	vor.u32 v14, v37;
	v29 =	vor.u32 v9, v37  }
0xda: {  	v39 =	vor.u32 v15, v37;
	v30 =	vmul.f32 v34, v31;
	v31 =	vor.u32 v10, v37  }
0xdb: {  	v49 =	vor.u32 v12, v37;
	v50 =	vor.u32 v11, v37;
	v35 =	vmul.f32 v34, v35  }
0xdc: {  	v51 =	vor.u32 v13, v37;
	v32 =	vmul.f32 v34, v56;
	[tilespmem:v25+s24+$0x0] =	vst.idx.add.f32.msk $0xffff, v30  }
0xdd: {  	v62 =	vmul.f32 v34, v40;
	v25 =	vmul.f32 v34, v26;
	[tilespmem:v27+s24+$0x0] =	vst.idx.add.f32.msk $0xffff, v35  }
0xde: {  	v33 =	vmul.f32 v34, v33;
	v26 =	vmul.f32 v34, v28;
	[tilespmem:v29+s24+$0x0] =	vst.idx.add.f32.msk $0xffff, v32  }
0xdf: {  	v63 =	vmul.f32 v34, v41;
	v30 =	vmul.f32 v34, v44;
	[tilespmem:v31+s24+$0x0] =	vst.idx.add.f32.msk $0xffff, v25  }
0xe0: {  	v28 =	vmul.f32 v34, v42;
	v27 =	vmul.f32 v34, v47;
	[tilespmem:v50+s24+$0x0] =	vst.idx.add.f32.msk $0xffff, v26  }
0xe1: {  	v29 =	vmul.f32 v34, v43;
	v31 =	vor.u32 v17, v37;
	[tilespmem:v49+s24+$0x0] =	vst.idx.add.f32.msk $0xffff, v62  }
0xe2: {  	v32 =	vor.u32 v18, v37;
	v25 =	vmul.f32 v34, v46;
	[tilespmem:v51+s24+$0x0] =	vst.idx.add.f32.msk $0xffff, v33  }
0xe3: {  	s28 =	simm.s32 $0x1;
	v26 =	vmul.f32 v34, v45;
	v33 =	vor.u32 v19, v37;
	[tilespmem:v48+s24+$0x0] =	vst.idx.add.f32.msk $0xffff, v63  }
.LBB2_8:
0xe4: {  	p1 =	sne.s32 s28, $0x3F;
	[tilespmem:v39+s24+$0x0] =	vst.idx.add.f32.msk $0xffff, v30;
	s8 =	sadd.s32 $0x80, s8;
	s7 =	sadd.s32 $0x80, s7  }
0xe5: {  	s9 =	smov.u32 s28;
	s28 =	sadd.s32 $0x1, s28;
	[tilespmem:v38+s24+$0x0] =	vst.idx.add.f32.msk $0xffff, v29;
	v29 =	vor.u32 v21, v37  }
0xe6: {  	[tilespmem:v31+s24+$0x0] =	vst.idx.add.f32.msk $0xffff, v28;
	v28 =	vor.u32 v22, v37  }
0xe7: {  	[tilespmem:v32+s24+$0x0] =	vst.idx.add.f32.msk $0xffff, v26  }
0xe8: {  	v24 =	vmul.f32 v34, v24;
	[tilespmem:v33+s24+$0x0] =	vst.idx.add.f32.msk $0xffff, v27  }
0xe9: {  	v23 =	vmul.f32 v34, v23;
	[tilespmem:v36+s24+$0x0] =	vst.idx.add.f32.msk $0xffff, v25  }
0xea: {  	[tilespmem:v29+s24+$0x0] =	vst.idx.add.f32.msk $0xffff, v24  }
0xeb: {  	[tilespmem:v28+s24+$0x0] =	vst.idx.add.f32.msk $0xffff, v23  }
0xec: {  	v23 =	vld [tilespmem:s7+$0xFFFFFFC0]  }
0xed: {  	v24 =	vld [tilespmem:s8+$0xFFFFFFD0]  }
0xee: {  	v26 =	vld [tilespmem:s8+$0xFFFFFFC0]  }
0xef: {  	v30 =	vld [tilespmem:s7+$0xFFFFFFD0]  }
0xf0: {  	v28 =	vld [tilespmem:s8+$0xFFFFFFE0]  }
0xf1: {  	v29 =	vld [tilespmem:s7+$0xFFFFFFE0]  }
0xf2: {  	v32 =	vunpack.i.u.bf16.f32 v24;
	v24 =	vunpack.i.l.bf16.f32 v24;
	v33 =	vld [tilespmem:s8+$0xFFFFFFF0]  }
0xf3: {  	v25 =	vunpack.i.l.bf16.f32 v23;
	v31 =	vunpack.i.u.bf16.f32 v26;
	v26 =	vunpack.i.l.bf16.f32 v26;
	v34 =	vld [tilespmem:s7+$0xFFFFFFF0]  }
0xf4: {  	v27 =	vunpack.i.u.bf16.f32 v23;
	v23 =	vmul.f32 v26, v25;
	v26 =	vunpack.i.l.bf16.f32 v30  }
0xf5: {  	v31 =	vmul.f32 v31, v27;
	v35 =	vunpack.i.u.bf16.f32 v28;
	v36 =	vunpack.i.l.bf16.f32 v28  }
0xf6: {  	v24 =	vmul.f32 v24, v26;
	v28 =	vunpack.i.u.bf16.f32 v29;
	v29 =	vunpack.i.l.bf16.f32 v29;
	v37 =	vld [tilespmem:s8+$0x0]  }
0xf7: {  	v23 =	vadd.f32 v23, v31;
	v31 =	vunpack.i.u.bf16.f32 v30;
	v38 =	vunpack.i.l.bf16.f32 v33;
	v39 =	vld [tilespmem:s7+$0x0]  }
0xf8: {  	v35 =	vmul.f32 v35, v28;
	v33 =	vunpack.i.u.bf16.f32 v33;
	v30 =	vunpack.i.u.bf16.f32 v34  }
0xf9: {  	v40 =	vmul.f32 v32, v31;
	v32 =	vunpack.i.l.bf16.f32 v34;
	v33 =	vmul.f32 v33, v30;
	v34 =	vld [tilespmem:s8+$0x10]  }
0xfa: {  	v36 =	vmul.f32 v36, v29;
	v38 =	vmul.f32 v38, v32;
	v41 =	vld [tilespmem:s7+$0x10]  }
0xfb: {  	v24 =	vadd.f32 v24, v40;
	v40 =	vunpack.i.u.bf16.f32 v37;
	v42 =	vld [tilespmem:s8+$0x20]  }
0xfc: {  	v36 =	vadd.f32 v36, v35;
	v38 =	vadd.f32 v38, v33;
	v33 =	vunpack.i.u.bf16.f32 v39;
	v43 =	vld [tilespmem:s7+$0x20]  }
0xfd: {  	v37 =	vunpack.i.l.bf16.f32 v37;
	v35 =	vunpack.i.l.bf16.f32 v39;
	v39 =	vmul.f32 v40, v33  }
0xfe: {  	v23 =	vadd.f32 v24, v23;
	v24 =	vmul.f32 v37, v35;
	v37 =	vunpack.i.l.bf16.f32 v34  }
0xff: {  	v34 =	vunpack.i.u.bf16.f32 v34;
	v40 =	vunpack.i.u.bf16.f32 v41;
	v41 =	vunpack.i.l.bf16.f32 v41  }
0x100: {  	v23 =	vadd.f32 v36, v23;
	v24 =	vadd.f32 v24, v39;
	v36 =	vunpack.i.l.bf16.f32 v42;
	v39 =	vld [tilespmem:s8+$0x30]  }
0x101: {  	v34 =	vmul.f32 v34, v40;
	v42 =	vunpack.i.u.bf16.f32 v42;
	v44 =	vunpack.i.u.bf16.f32 v43;
	v45 =	vld [tilespmem:s7+$0x30]  }
0x102: {  	v23 =	vadd.f32 v38, v23;
	v43 =	vunpack.i.l.bf16.f32 v43;
	v38 =	vmul.f32 v42, v44  }
0x103: {  	v37 =	vmul.f32 v37, v41;
	v36 =	vmul.f32 v36, v43  }
0x104: {  	v42 =	vadd.f32 v24, v23  }
0x105: {  	v34 =	vadd.f32 v37, v34;
	v36 =	vadd.f32 v36, v38;
	v37 =	vunpack.i.u.bf16.f32 v39  }
0x106: {  	v38 =	vunpack.i.l.bf16.f32 v39;
	v23 =	vunpack.i.u.bf16.f32 v45;
	v24 =	vunpack.i.l.bf16.f32 v45  }
0x107: {  	v34 =	vadd.f32 v34, v42;
	v38 =	vmul.f32 v38, v24;
	v37 =	vmul.f32 v37, v23;
	_ =	sdelay $0x1  }
0x108: {  	v34 =	vadd.f32 v36, v34;
	v36 =	vadd.f32 v38, v37;
	_ =	sdelay $0x1  }
0x109: {  	v34 =	vadd.f32 v36, v34;
	_ =	sdelay $0x1  }
0x10a: {  	(xrf2) =	vadd.scan.msk.f32 $0xffff, v34;
	_ =	sdelay $0x9  }
0x10b: {  	v34, _, _ =	vpop (xrf2)  }
0x10c: {  	v34 =	vmul.f32 $1.442695020e+00, v34;
	_ =	sdelay $0x1  }
0x10d: {  	(erf) = vpow2.f32 v34;
	_ =	sdelay $0x1  }
0x10e: {  	v34 =	vmov s9;
	_ =	sdelay $0x3  }
0x10f: {  	v36 =	vld [tilespmem:$0x1B380]  }
0x110: {  	v34 =	vld.idx.msk [tilespmem:v34+s19+$0x0], $0xffff;
	_ =	sdelay $0x1  }
0x111: {  	v37 =	vpop (erf)  }
0x112: {  	v38 =	vsel vm0, $0x0, v37  }
0x113: {  	v36 =	vadd.f32 v38, v36  }
0x114: {  	[tilespmem:$0x1B300] =	vst v37  }
0x115: {  	v37 =	vsub.s32 v34, v2;
	[tilespmem:$0x1B380] =	vst v36;
	v36 =	vshll.u32 v34, $0x7  }
0x116: {  	v37 =	vshll.u32 v37, $0x8;
	v34 =	vld.idx.msk [tilespmem:v7+s23+$0x0], $0xffff  }
0x117: {  	v37 =	vand.u32 $0xFFFFF800, v37;
	v36 =	vand.u32 $0x380, v36  }
0x118: {  	v37 =	vor.u32 v36, v37  }
0x119: {  	v42 =	vor.u32 v0, v37;
	v38 =	vor.u32 v16, v37;
	v36 =	vor.u32 v20, v37  }
0x11a: {  	v45 =	vor.u32 v8, v37;
	v46 =	vor.u32 v14, v37;
	v39 =	vor.u32 v15, v37  }
0x11b: {  	v47 =	vor.u32 v9, v37;
	v48 =	vor.u32 v12, v37;
	v49 =	vor.u32 v13, v37  }
0x11c: {  	v50 =	vor.u32 v10, v37;
	v25 =	vmul.f32 v34, v25;
	v27 =	vmul.f32 v34, v27  }
0x11d: {  	v51 =	vor.u32 v11, v37;
	v26 =	vmul.f32 v34, v26;
	v31 =	vmul.f32 v34, v31  }
0x11e: {  	[tilespmem:v42+s24+$0x0] =	vst.idx.add.f32.msk $0xffff, v25;
	v25 =	vmul.f32 v34, v29;
	v42 =	vmul.f32 v34, v28  }
0x11f: {  	v32 =	vmul.f32 v34, v32;
	[tilespmem:v45+s24+$0x0] =	vst.idx.add.f32.msk $0xffff, v27;
	v45 =	vmul.f32 v34, v30  }
0x120: {  	v29 =	vmul.f32 v34, v33;
	v30 =	vmul.f32 v34, v35;
	[tilespmem:v47+s24+$0x0] =	vst.idx.add.f32.msk $0xffff, v26  }
.Ltmp7:
0x121: {  	v28 =	vmul.f32 v34, v41;
	v26 =	vmul.f32 v34, v40;
	[tilespmem:v50+s24+$0x0] =	vst.idx.add.f32.msk $0xffff, v31;
	(pc) =	sbr.rel @p1 .LBB2_8-.Ltmp7, $4  }
0x122: {  	v27 =	vmul.f32 v34, v43;
	[tilespmem:v51+s24+$0x0] =	vst.idx.add.f32.msk $0xffff, v25;
	v25 =	vmul.f32 v34, v44  }
0x123: {  	v31 =	vor.u32 v17, v37;
	[tilespmem:v48+s24+$0x0] =	vst.idx.add.f32.msk $0xffff, v42  }
0x124: {  	[tilespmem:v49+s24+$0x0] =	vst.idx.add.f32.msk $0xffff, v32;
	v32 =	vor.u32 v18, v37  }
0x125: {  	v33 =	vor.u32 v19, v37;
	[tilespmem:v46+s24+$0x0] =	vst.idx.add.f32.msk $0xffff, v45  }
0x126: {  	_ =	sdelay $0x3  }
0x127: {  	[tilespmem:v39+s24+$0x0] =	vst.idx.add.f32.msk $0xffff, v30  }
0x128: {  	v62 =	vor.u32 v21, v37;
	[tilespmem:v38+s24+$0x0] =	vst.idx.add.f32.msk $0xffff, v29  }
0x129: {  	v63 =	vor.u32 v22, v37;
	[tilespmem:v31+s24+$0x0] =	vst.idx.add.f32.msk $0xffff, v28  }
0x12a: {  	[tilespmem:v32+s24+$0x0] =	vst.idx.add.f32.msk $0xffff, v26  }
0x12b: {  	v24 =	vmul.f32 v34, v24;
	[tilespmem:v33+s24+$0x0] =	vst.idx.add.f32.msk $0xffff, v27  }
0x12c: {  	v23 =	vmul.f32 v34, v23;
	[tilespmem:v36+s24+$0x0] =	vst.idx.add.f32.msk $0xffff, v25  }
0x12d: {  	[tilespmem:v62+s24+$0x0] =	vst.idx.add.f32.msk $0xffff, v24  }
0x12e: {  	[tilespmem:v63+s24+$0x0] =	vst.idx.add.f32.msk $0xffff, v23  }
.LBB2_10:
0x12f: {  	p1 =	sgt.s32 s3, $0x7F  }
.Ltmp8:
0x130: {  	_ = 	snop;
	(pc) =	sbr.rel @!p1 .LBB2_11-.Ltmp8, $1  }
0x131: {  	_ =	sdelay $0x3  }
.LBB2_34:
0x132: {  	v23 =	vld [tilespmem:s3+$0x1FC0];
	_ =	sdelay $0x4  }
0x133: {  	[tilespmem:$0x3200] =	vst v23  }
0x134: {  	v23 =	vld [tilespmem:s3+$0x28C0];
	_ =	sdelay $0x4  }
0x135: {  	[tilespmem:$0x3280] =	vst v23  }
0x136: {  	v23 =	vld [tilespmem:s3+$0x1FD0];
	_ =	sdelay $0x4  }
0x137: {  	[tilespmem:$0x3210] =	vst v23  }
0x138: {  	v23 =	vld [tilespmem:s3+$0x28D0];
	_ =	sdelay $0x4  }
0x139: {  	[tilespmem:$0x3290] =	vst v23  }
0x13a: {  	v23 =	vld [tilespmem:s3+$0x1FE0];
	_ =	sdelay $0x4  }
0x13b: {  	[tilespmem:$0x3220] =	vst v23  }
0x13c: {  	v23 =	vld [tilespmem:s3+$0x28E0];
	_ =	sdelay $0x4  }
0x13d: {  	[tilespmem:$0x32A0] =	vst v23  }
0x13e: {  	v23 =	vld [tilespmem:s3+$0x1FF0];
	_ =	sdelay $0x4  }
0x13f: {  	[tilespmem:$0x3230] =	vst v23  }
0x140: {  	v23 =	vld [tilespmem:s3+$0x28F0];
	_ =	sdelay $0x4  }
0x141: {  	[tilespmem:$0x32B0] =	vst v23  }
0x142: {  	[tilespmem:s18], [sflag:$0x1] =	stream.indirect.gather [hbm4b:s6+s16], $0x80, s17, s16, $0xb8;
	[tilespmem:$0x1B400] =	vst v63  }
0x143: {  	_ = 	snop  }
0x144: {  	[tilespmem:s20], [sflag:$0x2] =	stream.indirect.gather [hbm4b:s1+s16], $0x80, s19, s16, $0xb8;
	[tilespmem:$0x1B400] =	vst v63  }
0x145: {  	_ =	swait.ge [sflag:s21], $0x2000  }
0x146: {  	[sflag:s21] =	ssyncset.done $0x0  }
0x147: {  	[sflag:s21] =	ssyncadd.s32 $0xFFFFE000  }
0x148: {  	_ =	swait.ge [sflag:s22], $0x2000  }
0x149: {  	[sflag:s22] =	ssyncset.done $0x0  }
0x14a: {  	s7 =	simm.s32 $0x3340;
	[sflag:s22] =	ssyncadd.s32 $0xFFFFE000  }
0x14b: {  	s8 =	simm.s32 $0x5340;
	v23 =	vld [tilespmem:s7+$0xFFFFFFC0]  }
0x14c: {  	v24 =	vld [tilespmem:s8+$0xFFFFFFD0]  }
0x14d: {  	v25 =	vld [tilespmem:s8+$0xFFFFFFC0]  }
0x14e: {  	v26 =	vld [tilespmem:s7+$0xFFFFFFD0]  }
0x14f: {  	v27 =	vld [tilespmem:s8+$0xFFFFFFE0]  }
0x150: {  	v28 =	vld [tilespmem:s7+$0xFFFFFFE0]  }
0x151: {  	v30 =	vld [tilespmem:s8+$0xFFFFFFF0]  }
0x152: {  	v33 =	vld [tilespmem:s7+$0xFFFFFFF0]  }
0x153: {  	v38 =	vld [tilespmem:s7+$0x0];
	v29 =	vunpack.i.u.bf16.f32 v24;
	v24 =	vunpack.i.l.bf16.f32 v24;
	v31 =	vunpack.i.l.bf16.f32 v23  }
0x154: {  	v39 =	vld [tilespmem:s8+$0x10];
	v32 =	vunpack.i.l.bf16.f32 v25;
	v25 =	vunpack.i.u.bf16.f32 v25;
	v35 =	vunpack.i.u.bf16.f32 v23  }
0x155: {  	v42 =	vld [tilespmem:s7+$0x10];
	v56 =	vunpack.i.l.bf16.f32 v26;
	v34 =	vunpack.i.u.bf16.f32 v27;
	v27 =	vunpack.i.l.bf16.f32 v27  }
0x156: {  	v40 =	vunpack.i.u.bf16.f32 v28;
	v28 =	vunpack.i.l.bf16.f32 v28;
	v26 =	vunpack.i.u.bf16.f32 v26  }
0x157: {  	v37 =	vunpack.i.l.bf16.f32 v30;
	v41 =	vunpack.i.u.bf16.f32 v33;
	v30 =	vunpack.i.u.bf16.f32 v30  }
0x158: {  	v36 =	vld [tilespmem:s8+$0x0];
	v33 =	vunpack.i.l.bf16.f32 v33;
	v43 =	vunpack.i.u.bf16.f32 v38;
	v44 =	vunpack.i.l.bf16.f32 v38  }
0x159: {  	v58 =	vunpack.i.l.bf16.f32 v39;
	v23 =	vmul.f32 v32, v31;
	v25 =	vmul.f32 v25, v35  }
0x15a: {  	v57 =	vld [tilespmem:s7+$0x20];
	v45 =	vunpack.i.u.bf16.f32 v42;
	v24 =	vmul.f32 v24, v56;
	v29 =	vmul.f32 v29, v26  }
0x15b: {  	v42 =	vunpack.i.l.bf16.f32 v42;
	v59 =	vunpack.i.u.bf16.f32 v39;
	v34 =	vmul.f32 v34, v40  }
0x15c: {  	v27 =	vmul.f32 v27, v28;
	v23 =	vadd.f32 v23, v25;
	v24 =	vadd.f32 v24, v29;
	v29 =	vld [tilespmem:s8+$0x20]  }
0x15d: {  	v30 =	vmul.f32 v30, v41;
	v37 =	vmul.f32 v37, v33;
	v25 =	vunpack.i.u.bf16.f32 v36  }
0x15e: {  	v27 =	vadd.f32 v27, v34;
	v36 =	vunpack.i.l.bf16.f32 v36;
	v23 =	vadd.f32 v24, v23  }
0x15f: {  	v46 =	vunpack.i.u.bf16.f32 v57;
	v25 =	vmul.f32 v25, v43;
	v24 =	vmul.f32 v36, v44  }
0x160: {  	v60 =	vld [tilespmem:s7+$0x30];
	v47 =	vunpack.i.l.bf16.f32 v57;
	v30 =	vadd.f32 v37, v30;
	v23 =	vadd.f32 v27, v23  }
0x161: {  	v24 =	vadd.f32 v24, v25;
	v27 =	vld [tilespmem:s8+$0x30];
	v25 =	vunpack.i.l.bf16.f32 v29;
	v29 =	vunpack.i.u.bf16.f32 v29  }
0x162: {  	v37 =	vmul.f32 v59, v45;
	v23 =	vadd.f32 v30, v23;
	v29 =	vmul.f32 v29, v46  }
0x163: {  	v30 =	vmul.f32 v58, v42;
	v25 =	vmul.f32 v25, v47  }
0x164: {  	v61 =	vadd.f32 v24, v23  }
0x165: {  	v30 =	vadd.f32 v30, v37;
	v25 =	vadd.f32 v25, v29;
	v23 =	vunpack.i.u.bf16.f32 v60  }
0x166: {  	v24 =	vunpack.i.l.bf16.f32 v60;
	v29 =	vunpack.i.u.bf16.f32 v27;
	v27 =	vunpack.i.l.bf16.f32 v27  }
0x167: {  	v30 =	vadd.f32 v30, v61;
	v27 =	vmul.f32 v27, v24;
	v29 =	vmul.f32 v29, v23;
	_ =	sdelay $0x1  }
0x168: {  	v25 =	vadd.f32 v25, v30;
	v27 =	vadd.f32 v27, v29;
	_ =	sdelay $0x1  }
0x169: {  	v25 =	vadd.f32 v27, v25;
	_ =	sdelay $0x1  }
0x16a: {  	(xrf2) =	vadd.scan.msk.f32 $0xffff, v25;
	_ =	sdelay $0x9  }
0x16b: {  	v25, _, _ =	vpop (xrf2)  }
0x16c: {  	v25 =	vmul.f32 $1.442695020e+00, v25;
	_ =	sdelay $0x1  }
0x16d: {  	(erf) = vpow2.f32 v25  }
0x16e: {  	s10 =	simm.s32 $0x0  }
0x16f: {  	v25 =	vmov s10;
	_ =	sdelay $0x3  }
0x170: {  	v27 =	vld [tilespmem:$0x1B380]  }
0x171: {  	v25 =	vld.idx.msk [tilespmem:v25+s19+$0x0], $0xffff;
	_ =	sdelay $0x1  }
0x172: {  	v29 =	vpop (erf)  }
0x173: {  	v30 =	vsel vm0, $0x0, v29  }
0x174: {  	v27 =	vadd.f32 v30, v27  }
0x175: {  	[tilespmem:$0x1B300] =	vst v29;
	v29 =	vsub.s32 v25, v2  }
0x176: {  	v25 =	vshll.u32 v25, $0x7;
	[tilespmem:$0x1B380] =	vst v27;
	v27 =	vshll.u32 v29, $0x8  }
0x177: {  	v25 =	vand.u32 $0x380, v25;
	v34 =	vld.idx.msk [tilespmem:v7+s23+$0x0], $0xffff;
	v27 =	vand.u32 $0xFFFFF800, v27  }
0x178: {  	v37 =	vor.u32 v25, v27  }
0x179: {  	v25 =	vor.u32 v0, v37  }
0x17a: {  	v38 =	vor.u32 v16, v37;
	v27 =	vor.u32 v8, v37  }
0x17b: {  	v36 =	vor.u32 v20, v37;
	v48 =	vor.u32 v14, v37;
	v29 =	vor.u32 v9, v37  }
0x17c: {  	v39 =	vor.u32 v15, v37;
	v30 =	vmul.f32 v34, v31;
	v31 =	vor.u32 v10, v37  }
0x17d: {  	v49 =	vor.u32 v12, v37;
	v50 =	vor.u32 v11, v37;
	v35 =	vmul.f32 v34, v35  }
0x17e: {  	v51 =	vor.u32 v13, v37;
	v32 =	vmul.f32 v34, v56;
	[tilespmem:v25+s24+$0x0] =	vst.idx.add.f32.msk $0xffff, v30  }
0x17f: {  	v62 =	vmul.f32 v34, v40;
	v25 =	vmul.f32 v34, v26;
	[tilespmem:v27+s24+$0x0] =	vst.idx.add.f32.msk $0xffff, v35  }
0x180: {  	v33 =	vmul.f32 v34, v33;
	v26 =	vmul.f32 v34, v28;
	[tilespmem:v29+s24+$0x0] =	vst.idx.add.f32.msk $0xffff, v32  }
0x181: {  	v63 =	vmul.f32 v34, v41;
	v30 =	vmul.f32 v34, v44;
	[tilespmem:v31+s24+$0x0] =	vst.idx.add.f32.msk $0xffff, v25  }
0x182: {  	v28 =	vmul.f32 v34, v42;
	v27 =	vmul.f32 v34, v47;
	[tilespmem:v50+s24+$0x0] =	vst.idx.add.f32.msk $0xffff, v26  }
0x183: {  	v29 =	vmul.f32 v34, v43;
	v31 =	vor.u32 v17, v37;
	[tilespmem:v49+s24+$0x0] =	vst.idx.add.f32.msk $0xffff, v62  }
0x184: {  	s28 =	smov.u32 s3;
	v32 =	vor.u32 v18, v37;
	v25 =	vmul.f32 v34, v46;
	[tilespmem:v51+s24+$0x0] =	vst.idx.add.f32.msk $0xffff, v33  }
0x185: {  	s9 =	simm.s32 $0x1;
	s3 =	sadd.s32 $0xFFFFFFC0, s28;
	v26 =	vmul.f32 v34, v45;
	v33 =	vor.u32 v19, v37;
	[tilespmem:v48+s24+$0x0] =	vst.idx.add.f32.msk $0xffff, v63  }
.LBB2_35:
0x186: {  	p1 =	seq.s32 s9, $0x3F;
	[tilespmem:v39+s24+$0x0] =	vst.idx.add.f32.msk $0xffff, v30;
	s8 =	sadd.s32 $0x80, s8;
	s7 =	sadd.s32 $0x80, s7  }
0x187: {  	s10 =	smov.u32 s9;
	s9 =	sadd.s32 $0x1, s9;
	[tilespmem:v38+s24+$0x0] =	vst.idx.add.f32.msk $0xffff, v29;
	v29 =	vor.u32 v21, v37  }
0x188: {  	[tilespmem:v31+s24+$0x0] =	vst.idx.add.f32.msk $0xffff, v28;
	v28 =	vor.u32 v22, v37  }
0x189: {  	[tilespmem:v32+s24+$0x0] =	vst.idx.add.f32.msk $0xffff, v26  }
0x18a: {  	v24 =	vmul.f32 v34, v24;
	[tilespmem:v33+s24+$0x0] =	vst.idx.add.f32.msk $0xffff, v27  }
0x18b: {  	v23 =	vmul.f32 v34, v23;
	[tilespmem:v36+s24+$0x0] =	vst.idx.add.f32.msk $0xffff, v25  }
0x18c: {  	[tilespmem:v29+s24+$0x0] =	vst.idx.add.f32.msk $0xffff, v24  }
0x18d: {  	[tilespmem:v28+s24+$0x0] =	vst.idx.add.f32.msk $0xffff, v23  }
0x18e: {  	v23 =	vld [tilespmem:s7+$0xFFFFFFC0]  }
0x18f: {  	v24 =	vld [tilespmem:s8+$0xFFFFFFD0]  }
0x190: {  	v26 =	vld [tilespmem:s8+$0xFFFFFFC0]  }
0x191: {  	v30 =	vld [tilespmem:s7+$0xFFFFFFD0]  }
0x192: {  	v28 =	vld [tilespmem:s8+$0xFFFFFFE0]  }
0x193: {  	v29 =	vld [tilespmem:s7+$0xFFFFFFE0]  }
0x194: {  	v32 =	vunpack.i.u.bf16.f32 v24;
	v24 =	vunpack.i.l.bf16.f32 v24;
	v33 =	vld [tilespmem:s8+$0xFFFFFFF0]  }
0x195: {  	v25 =	vunpack.i.l.bf16.f32 v23;
	v31 =	vunpack.i.u.bf16.f32 v26;
	v26 =	vunpack.i.l.bf16.f32 v26;
	v34 =	vld [tilespmem:s7+$0xFFFFFFF0]  }
0x196: {  	v27 =	vunpack.i.u.bf16.f32 v23;
	v23 =	vmul.f32 v26, v25;
	v26 =	vunpack.i.l.bf16.f32 v30  }
0x197: {  	v31 =	vmul.f32 v31, v27;
	v35 =	vunpack.i.u.bf16.f32 v28;
	v36 =	vunpack.i.l.bf16.f32 v28  }
0x198: {  	v24 =	vmul.f32 v24, v26;
	v28 =	vunpack.i.u.bf16.f32 v29;
	v29 =	vunpack.i.l.bf16.f32 v29;
	v37 =	vld [tilespmem:s8+$0x0]  }
0x199: {  	v23 =	vadd.f32 v23, v31;
	v31 =	vunpack.i.u.bf16.f32 v30;
	v38 =	vunpack.i.l.bf16.f32 v33;
	v39 =	vld [tilespmem:s7+$0x0]  }
0x19a: {  	v35 =	vmul.f32 v35, v28;
	v33 =	vunpack.i.u.bf16.f32 v33;
	v30 =	vunpack.i.u.bf16.f32 v34  }
0x19b: {  	v40 =	vmul.f32 v32, v31;
	v32 =	vunpack.i.l.bf16.f32 v34;
	v33 =	vmul.f32 v33, v30;
	v34 =	vld [tilespmem:s8+$0x10]  }
0x19c: {  	v36 =	vmul.f32 v36, v29;
	v38 =	vmul.f32 v38, v32;
	v41 =	vld [tilespmem:s7+$0x10]  }
0x19d: {  	v24 =	vadd.f32 v24, v40;
	v40 =	vunpack.i.u.bf16.f32 v37;
	v42 =	vld [tilespmem:s8+$0x20]  }
0x19e: {  	v36 =	vadd.f32 v36, v35;
	v38 =	vadd.f32 v38, v33;
	v33 =	vunpack.i.u.bf16.f32 v39;
	v43 =	vld [tilespmem:s7+$0x20]  }
0x19f: {  	v37 =	vunpack.i.l.bf16.f32 v37;
	v35 =	vunpack.i.l.bf16.f32 v39;
	v39 =	vmul.f32 v40, v33  }
0x1a0: {  	v23 =	vadd.f32 v24, v23;
	v24 =	vmul.f32 v37, v35;
	v37 =	vunpack.i.l.bf16.f32 v34  }
0x1a1: {  	v34 =	vunpack.i.u.bf16.f32 v34;
	v40 =	vunpack.i.u.bf16.f32 v41;
	v41 =	vunpack.i.l.bf16.f32 v41  }
0x1a2: {  	v23 =	vadd.f32 v36, v23;
	v24 =	vadd.f32 v24, v39;
	v36 =	vunpack.i.l.bf16.f32 v42;
	v39 =	vld [tilespmem:s8+$0x30]  }
0x1a3: {  	v34 =	vmul.f32 v34, v40;
	v42 =	vunpack.i.u.bf16.f32 v42;
	v44 =	vunpack.i.u.bf16.f32 v43;
	v45 =	vld [tilespmem:s7+$0x30]  }
0x1a4: {  	v23 =	vadd.f32 v38, v23;
	v43 =	vunpack.i.l.bf16.f32 v43;
	v38 =	vmul.f32 v42, v44  }
0x1a5: {  	v37 =	vmul.f32 v37, v41;
	v36 =	vmul.f32 v36, v43  }
0x1a6: {  	v42 =	vadd.f32 v24, v23  }
0x1a7: {  	v34 =	vadd.f32 v37, v34;
	v36 =	vadd.f32 v36, v38;
	v37 =	vunpack.i.u.bf16.f32 v39  }
0x1a8: {  	v38 =	vunpack.i.l.bf16.f32 v39;
	v23 =	vunpack.i.u.bf16.f32 v45;
	v24 =	vunpack.i.l.bf16.f32 v45  }
0x1a9: {  	v34 =	vadd.f32 v34, v42;
	v38 =	vmul.f32 v38, v24;
	v37 =	vmul.f32 v37, v23;
	_ =	sdelay $0x1  }
0x1aa: {  	v34 =	vadd.f32 v36, v34;
	v36 =	vadd.f32 v38, v37;
	_ =	sdelay $0x1  }
0x1ab: {  	v34 =	vadd.f32 v36, v34;
	_ =	sdelay $0x1  }
0x1ac: {  	(xrf2) =	vadd.scan.msk.f32 $0xffff, v34;
	_ =	sdelay $0x9  }
0x1ad: {  	v34, _, _ =	vpop (xrf2)  }
0x1ae: {  	v34 =	vmul.f32 $1.442695020e+00, v34;
	_ =	sdelay $0x1  }
0x1af: {  	(erf) = vpow2.f32 v34;
	_ =	sdelay $0x1  }
0x1b0: {  	v34 =	vmov s10;
	_ =	sdelay $0x3  }
0x1b1: {  	v36 =	vld [tilespmem:$0x1B380]  }
0x1b2: {  	v34 =	vld.idx.msk [tilespmem:v34+s19+$0x0], $0xffff;
	_ =	sdelay $0x1  }
0x1b3: {  	v37 =	vpop (erf)  }
0x1b4: {  	v38 =	vsel vm0, $0x0, v37  }
0x1b5: {  	v36 =	vadd.f32 v38, v36  }
0x1b6: {  	[tilespmem:$0x1B300] =	vst v37  }
0x1b7: {  	v37 =	vsub.s32 v34, v2;
	[tilespmem:$0x1B380] =	vst v36;
	v36 =	vshll.u32 v34, $0x7  }
0x1b8: {  	v37 =	vshll.u32 v37, $0x8;
	v34 =	vld.idx.msk [tilespmem:v7+s23+$0x0], $0xffff  }
0x1b9: {  	v37 =	vand.u32 $0xFFFFF800, v37;
	v36 =	vand.u32 $0x380, v36  }
0x1ba: {  	v37 =	vor.u32 v36, v37  }
0x1bb: {  	v42 =	vor.u32 v0, v37;
	v38 =	vor.u32 v16, v37;
	v36 =	vor.u32 v20, v37  }
0x1bc: {  	v45 =	vor.u32 v8, v37;
	v46 =	vor.u32 v14, v37;
	v39 =	vor.u32 v15, v37  }
0x1bd: {  	v47 =	vor.u32 v9, v37;
	v48 =	vor.u32 v12, v37;
	v49 =	vor.u32 v13, v37  }
0x1be: {  	v50 =	vor.u32 v10, v37;
	v25 =	vmul.f32 v34, v25;
	v27 =	vmul.f32 v34, v27  }
0x1bf: {  	v51 =	vor.u32 v11, v37;
	v26 =	vmul.f32 v34, v26;
	v31 =	vmul.f32 v34, v31  }
0x1c0: {  	[tilespmem:v42+s24+$0x0] =	vst.idx.add.f32.msk $0xffff, v25;
	v25 =	vmul.f32 v34, v29;
	v42 =	vmul.f32 v34, v28  }
0x1c1: {  	v32 =	vmul.f32 v34, v32;
	[tilespmem:v45+s24+$0x0] =	vst.idx.add.f32.msk $0xffff, v27;
	v45 =	vmul.f32 v34, v30  }
0x1c2: {  	v29 =	vmul.f32 v34, v33;
	v30 =	vmul.f32 v34, v35;
	[tilespmem:v47+s24+$0x0] =	vst.idx.add.f32.msk $0xffff, v26  }
.Ltmp9:
0x1c3: {  	v28 =	vmul.f32 v34, v41;
	v26 =	vmul.f32 v34, v40;
	[tilespmem:v50+s24+$0x0] =	vst.idx.add.f32.msk $0xffff, v31;
	(pc) =	sbr.rel @!p1 .LBB2_35-.Ltmp9, $4  }
0x1c4: {  	v27 =	vmul.f32 v34, v43;
	[tilespmem:v51+s24+$0x0] =	vst.idx.add.f32.msk $0xffff, v25;
	v25 =	vmul.f32 v34, v44  }
0x1c5: {  	v31 =	vor.u32 v17, v37;
	[tilespmem:v48+s24+$0x0] =	vst.idx.add.f32.msk $0xffff, v42  }
0x1c6: {  	[tilespmem:v49+s24+$0x0] =	vst.idx.add.f32.msk $0xffff, v32;
	v32 =	vor.u32 v18, v37  }
0x1c7: {  	v33 =	vor.u32 v19, v37;
	[tilespmem:v46+s24+$0x0] =	vst.idx.add.f32.msk $0xffff, v45  }
0x1c8: {  	_ =	sdelay $0x3  }
0x1c9: {  	[tilespmem:v39+s24+$0x0] =	vst.idx.add.f32.msk $0xffff, v30  }
0x1ca: {  	v62 =	vor.u32 v21, v37;
	[tilespmem:v38+s24+$0x0] =	vst.idx.add.f32.msk $0xffff, v29  }
0x1cb: {  	v63 =	vor.u32 v22, v37;
	[tilespmem:v31+s24+$0x0] =	vst.idx.add.f32.msk $0xffff, v28  }
0x1cc: {  	[tilespmem:v32+s24+$0x0] =	vst.idx.add.f32.msk $0xffff, v26  }
0x1cd: {  	v24 =	vmul.f32 v34, v24;
	[tilespmem:v33+s24+$0x0] =	vst.idx.add.f32.msk $0xffff, v27  }
0x1ce: {  	v23 =	vmul.f32 v34, v23;
	[tilespmem:v36+s24+$0x0] =	vst.idx.add.f32.msk $0xffff, v25  }
0x1cf: {  	[tilespmem:v62+s24+$0x0] =	vst.idx.add.f32.msk $0xffff, v24  }
0x1d0: {  	[tilespmem:v63+s24+$0x0] =	vst.idx.add.f32.msk $0xffff, v23  }
0x1d1: {  	p1 =	slt.u32 s28, $0xC0  }
.Ltmp10:
0x1d2: {  	_ = 	snop;
	(pc) =	sbr.rel @!p1 .LBB2_34-.Ltmp10, $4  }
.Ltmp11:
0x1d3: {  	_ = 	snop;
	(pc) =	sbr.rel @p1 .LBB2_12-.Ltmp11, $4  }
0x1d4: {  	_ = 	snop  }
0x1d5: {  	_ = 	snop  }
0x1d6: {  	_ = 	snop  }
0x1d7: {  	_ = 	snop  }
.LBB2_11:
0x1d8: {  	p2 =	slt.s32 s3, $0x40  }
.Ltmp12:
0x1d9: {  	_ = 	snop;
	(pc) =	sbr.rel @p2 .LBB2_13-.Ltmp12, $2  }
0x1da: {  	_ =	sdelay $0x2  }
0x1db: {  	p1 =	por $0x0, $0x0  }
.LBB2_12:
0x1dc: {  	v23 =	vld [tilespmem:s3+$0x1FC0];
	_ =	sdelay $0x4  }
0x1dd: {  	[tilespmem:$0x3200] =	vst v23  }
0x1de: {  	v23 =	vld [tilespmem:s3+$0x28C0];
	_ =	sdelay $0x4  }
0x1df: {  	[tilespmem:$0x3280] =	vst v23  }
0x1e0: {  	v23 =	vld [tilespmem:s3+$0x1FD0];
	_ =	sdelay $0x4  }
0x1e1: {  	[tilespmem:$0x3210] =	vst v23  }
0x1e2: {  	v23 =	vld [tilespmem:s3+$0x28D0];
	_ =	sdelay $0x4  }
0x1e3: {  	[tilespmem:$0x3290] =	vst v23  }
0x1e4: {  	v23 =	vld [tilespmem:s3+$0x1FE0];
	_ =	sdelay $0x4  }
0x1e5: {  	[tilespmem:$0x3220] =	vst v23  }
0x1e6: {  	v23 =	vld [tilespmem:s3+$0x28E0];
	_ =	sdelay $0x4  }
0x1e7: {  	[tilespmem:$0x32A0] =	vst v23  }
0x1e8: {  	v23 =	vld [tilespmem:s3+$0x1FF0];
	_ =	sdelay $0x4  }
0x1e9: {  	[tilespmem:$0x3230] =	vst v23  }
0x1ea: {  	v23 =	vld [tilespmem:s3+$0x28F0];
	_ =	sdelay $0x4  }
0x1eb: {  	[tilespmem:$0x32B0] =	vst v23  }
0x1ec: {  	[tilespmem:s18], [sflag:$0x1] =	stream.indirect.gather [hbm4b:s6+s16], $0x80, s17, s16, $0xb8;
	[tilespmem:$0x1B400] =	vst v63  }
0x1ed: {  	p1 =	por $0x1, $0x1;
	s3 =	sadd.s32 $0xFFFFFFC0, s3  }
0x1ee: {  	[tilespmem:s20], [sflag:$0x2] =	stream.indirect.gather [hbm4b:s1+s16], $0x80, s19, s16, $0xb8;
	[tilespmem:$0x1B400] =	vst v63  }
.LBB2_13:
0x1ef: {  	p2 =	seq.s32 s0, $0x27  }
0x1f0: {  	s7 =	sshrl.u32 @!p2 s11, $0x3  }
0x1f1: {  	s7 =	sadd.s32 @!p2 $0x1F4, s7  }
0x1f2: {  	s9 =	simm.s32 @!p2 $0x0;
	s8 =	sadd.s32 @!p2 s2, s7  }
0x1f3: {  	[tilespmem:s9], [sflag:$0x3] =	stream.linear.gather @!p2 [hbm4b:s8+s9], $0x7D0, $0x38;
	[tilespmem:$0x1B400] =	vst v63  }
0x1f4: {  	s7 =	sadd.s32 @!p2 s4, s7;
	s8 =	simm.s32 @!p2 $0x800  }
0x1f5: {  	[tilespmem:s8], [sflag:$0x4] =	stream.linear.gather @!p2 [hbm4b:s7+s9], $0x7D0, $0x38;
	[tilespmem:$0x1B400] =	vst v63  }
0x1f6: {  	_ =	swait.ge [sflag:s25], $0x7D0  }
0x1f7: {  	[sflag:s25] =	ssyncset.done $0x0  }
0x1f8: {  	[sflag:s25] =	ssyncadd.s32 $0xFFFFF830  }
0x1f9: {  	_ =	swait.ge [sflag:s26], $0x7D0  }
0x1fa: {  	[sflag:s26] =	ssyncset.done $0x0  }
0x1fb: {  	s28 =	simm.s32 $0x0;
	[sflag:s26] =	ssyncadd.s32 $0xFFFFF830  }
0x1fc: {  	v23 =	vld [tilespmem:s28+$0x1800];
	_ =	sdelay $0x4  }
0x1fd: {  	vm1 =	vge.s32 v23, v2;
	vm2 =	vlt.s32 v23, v3  }
0x1fe: {  	vm1 =	vmand vm1, vm2  }
0x1ff: {  	v24 =	vsel vm1, $0x1, v6  }
0x200: {  	(xrf0) =	vadd.scan.msk.s32 $0xffff, v24;
	_ =	sdelay $0x1  }
0x201: {  	v63 =	vld [tilespmem:s28+$0x1000];
	_ =	sdelay $0x3  }
0x202: {  	v25, _, _ =	vpop (xrf0)  }
0x203: {  	[tilespmem:s3+$0x2000] =	vst.msk vm1, v63;
	(v2sf) =	vpush v25, $0xF  }
0x204: {  	s8 =	simm.s32 $0x10;
	s7 =	simm.s32 $0x80;
	[tilespmem:s3+$0x2900] =	vst.msk vm1, v23  }
.LBB2_14:
0x205: {  	p2 =	sne.s32 s7, $0x1F00;
	v23 =	vld [tilespmem:s8+$0x1800];
	_ =	sdelay $0x4  }
0x206: {  	vm1 =	vge.s32 v23, v2;
	vm2 =	vlt.s32 v23, v3  }
0x207: {  	vm1 =	vmand vm1, vm2  }
0x208: {  	v24 =	vsel vm1, $0x1, v6  }
0x209: {  	(xrf0) =	vadd.scan.msk.s32 $0xffff, v24;
	_ =	sdelay $0x1  }
0x20a: {  	v24 =	vld [tilespmem:s8+$0x1000];
	_ =	sdelay $0x1  }
.Ltmp13:
0x20b: {  	(pc) =	sbr.rel @p2 .LBB2_14-.Ltmp13, $4  }
0x20c: {  	s8 =	spop (v2sf)  }
0x20d: {  	v25, _, _ =	vpop (xrf0);
	s3 =	sadd.s32 s3, s8  }
0x20e: {  	[tilespmem:s3+$0x2000] =	vst.msk vm1, v24;
	(v2sf) =	vpush v25, $0xF  }
0x20f: {  	s8 =	sshra.s32 s7, $0x2;
	s7 =	sadd.s32 $0x40, s7;
	[tilespmem:s3+$0x2900] =	vst.msk vm1, v23  }
0x210: {  	v23 =	vld [tilespmem:s8+$0x1800];
	_ =	sdelay $0x4  }
0x211: {  	vm1 =	vge.s32 v23, v2;
	vm2 =	vlt.s32 v23, v3  }
0x212: {  	vm1 =	vmand vm1, vm2  }
0x213: {  	v24 =	vsel vm1, $0x1, v6  }
0x214: {  	(xrf0) =	vadd.scan.msk.s32 $0xffff, v24;
	_ =	sdelay $0x5  }
0x215: {  	v24, _, _ =	vpop (xrf0)  }
0x216: {  	(v2sf) =	vpush v24, $0xF;
	_ =	sdelay $0x9  }
0x217: {  	v63 =	vld [tilespmem:s8+$0x1000];
	_ =	sdelay $0x1  }
.Ltmp14:
0x218: {  	_ = 	snop;
	(pc) =	sbr.rel @!p1 .LBB2_19-.Ltmp14, $4  }
0x219: {  	s7 =	spop (v2sf)  }
0x21a: {  	s3 =	sadd.s32 s3, s7  }
0x21b: {  	[tilespmem:s3+$0x2000] =	vst.msk vm1, v63;
	s28 =	spop (v2sf)  }
0x21c: {  	[tilespmem:s3+$0x2900] =	vst.msk vm1, v23;
	s3 =	sadd.s32 s3, s28  }
0x21d: {  	_ =	swait.ge [sflag:s21], $0x2000  }
0x21e: {  	[sflag:s21] =	ssyncset.done $0x0  }
0x21f: {  	[sflag:s21] =	ssyncadd.s32 $0xFFFFE000  }
0x220: {  	_ =	swait.ge [sflag:s22], $0x2000  }
0x221: {  	[sflag:s22] =	ssyncset.done $0x0  }
0x222: {  	s7 =	simm.s32 $0x3340;
	[sflag:s22] =	ssyncadd.s32 $0xFFFFE000  }
0x223: {  	s8 =	simm.s32 $0x5340;
	v23 =	vld [tilespmem:s7+$0xFFFFFFC0]  }
0x224: {  	v24 =	vld [tilespmem:s8+$0xFFFFFFD0]  }
0x225: {  	v25 =	vld [tilespmem:s8+$0xFFFFFFC0]  }
0x226: {  	v26 =	vld [tilespmem:s7+$0xFFFFFFD0]  }
0x227: {  	v27 =	vld [tilespmem:s8+$0xFFFFFFE0]  }
0x228: {  	v28 =	vld [tilespmem:s7+$0xFFFFFFE0]  }
0x229: {  	v30 =	vld [tilespmem:s8+$0xFFFFFFF0]  }
0x22a: {  	v33 =	vld [tilespmem:s7+$0xFFFFFFF0]  }
0x22b: {  	v38 =	vld [tilespmem:s7+$0x0];
	v29 =	vunpack.i.u.bf16.f32 v24;
	v24 =	vunpack.i.l.bf16.f32 v24;
	v31 =	vunpack.i.l.bf16.f32 v23  }
0x22c: {  	v39 =	vld [tilespmem:s8+$0x10];
	v32 =	vunpack.i.l.bf16.f32 v25;
	v25 =	vunpack.i.u.bf16.f32 v25;
	v35 =	vunpack.i.u.bf16.f32 v23  }
0x22d: {  	v42 =	vld [tilespmem:s7+$0x10];
	v56 =	vunpack.i.l.bf16.f32 v26;
	v34 =	vunpack.i.u.bf16.f32 v27;
	v27 =	vunpack.i.l.bf16.f32 v27  }
0x22e: {  	v40 =	vunpack.i.u.bf16.f32 v28;
	v28 =	vunpack.i.l.bf16.f32 v28;
	v26 =	vunpack.i.u.bf16.f32 v26  }
0x22f: {  	v37 =	vunpack.i.l.bf16.f32 v30;
	v41 =	vunpack.i.u.bf16.f32 v33;
	v30 =	vunpack.i.u.bf16.f32 v30  }
0x230: {  	v36 =	vld [tilespmem:s8+$0x0];
	v33 =	vunpack.i.l.bf16.f32 v33;
	v43 =	vunpack.i.u.bf16.f32 v38;
	v44 =	vunpack.i.l.bf16.f32 v38  }
0x231: {  	v58 =	vunpack.i.l.bf16.f32 v39;
	v23 =	vmul.f32 v32, v31;
	v25 =	vmul.f32 v25, v35  }
0x232: {  	v57 =	vld [tilespmem:s7+$0x20];
	v45 =	vunpack.i.u.bf16.f32 v42;
	v24 =	vmul.f32 v24, v56;
	v29 =	vmul.f32 v29, v26  }
0x233: {  	v42 =	vunpack.i.l.bf16.f32 v42;
	v59 =	vunpack.i.u.bf16.f32 v39;
	v34 =	vmul.f32 v34, v40  }
0x234: {  	v27 =	vmul.f32 v27, v28;
	v23 =	vadd.f32 v23, v25;
	v24 =	vadd.f32 v24, v29;
	v29 =	vld [tilespmem:s8+$0x20]  }
0x235: {  	v30 =	vmul.f32 v30, v41;
	v37 =	vmul.f32 v37, v33;
	v25 =	vunpack.i.u.bf16.f32 v36  }
0x236: {  	v27 =	vadd.f32 v27, v34;
	v36 =	vunpack.i.l.bf16.f32 v36;
	v23 =	vadd.f32 v24, v23  }
0x237: {  	v46 =	vunpack.i.u.bf16.f32 v57;
	v25 =	vmul.f32 v25, v43;
	v24 =	vmul.f32 v36, v44  }
0x238: {  	v60 =	vld [tilespmem:s7+$0x30];
	v47 =	vunpack.i.l.bf16.f32 v57;
	v30 =	vadd.f32 v37, v30;
	v23 =	vadd.f32 v27, v23  }
0x239: {  	v24 =	vadd.f32 v24, v25;
	v27 =	vld [tilespmem:s8+$0x30];
	v25 =	vunpack.i.l.bf16.f32 v29;
	v29 =	vunpack.i.u.bf16.f32 v29  }
0x23a: {  	v37 =	vmul.f32 v59, v45;
	v23 =	vadd.f32 v30, v23;
	v29 =	vmul.f32 v29, v46  }
0x23b: {  	v30 =	vmul.f32 v58, v42;
	v25 =	vmul.f32 v25, v47  }
0x23c: {  	v61 =	vadd.f32 v24, v23  }
0x23d: {  	v30 =	vadd.f32 v30, v37;
	v25 =	vadd.f32 v25, v29;
	v23 =	vunpack.i.u.bf16.f32 v60  }
0x23e: {  	v24 =	vunpack.i.l.bf16.f32 v60;
	v29 =	vunpack.i.u.bf16.f32 v27;
	v27 =	vunpack.i.l.bf16.f32 v27  }
0x23f: {  	v30 =	vadd.f32 v30, v61;
	v27 =	vmul.f32 v27, v24;
	v29 =	vmul.f32 v29, v23;
	_ =	sdelay $0x1  }
0x240: {  	v25 =	vadd.f32 v25, v30;
	v27 =	vadd.f32 v27, v29;
	_ =	sdelay $0x1  }
0x241: {  	v25 =	vadd.f32 v27, v25;
	_ =	sdelay $0x1  }
0x242: {  	(xrf2) =	vadd.scan.msk.f32 $0xffff, v25;
	_ =	sdelay $0x9  }
0x243: {  	v25, _, _ =	vpop (xrf2)  }
0x244: {  	v25 =	vmul.f32 $1.442695020e+00, v25;
	_ =	sdelay $0x1  }
0x245: {  	(erf) = vpow2.f32 v25  }
0x246: {  	s9 =	simm.s32 $0x0  }
0x247: {  	v25 =	vmov s9;
	_ =	sdelay $0x3  }
0x248: {  	v27 =	vld [tilespmem:$0x1B380]  }
0x249: {  	v25 =	vld.idx.msk [tilespmem:v25+s19+$0x0], $0xffff;
	_ =	sdelay $0x1  }
0x24a: {  	v29 =	vpop (erf)  }
0x24b: {  	v30 =	vsel vm0, $0x0, v29  }
0x24c: {  	v27 =	vadd.f32 v30, v27  }
0x24d: {  	[tilespmem:$0x1B300] =	vst v29;
	v29 =	vsub.s32 v25, v2  }
0x24e: {  	v25 =	vshll.u32 v25, $0x7;
	[tilespmem:$0x1B380] =	vst v27;
	v27 =	vshll.u32 v29, $0x8  }
0x24f: {  	v25 =	vand.u32 $0x380, v25;
	v34 =	vld.idx.msk [tilespmem:v7+s23+$0x0], $0xffff;
	v27 =	vand.u32 $0xFFFFF800, v27  }
0x250: {  	v37 =	vor.u32 v25, v27  }
0x251: {  	v25 =	vor.u32 v0, v37  }
0x252: {  	v38 =	vor.u32 v16, v37;
	v27 =	vor.u32 v8, v37  }
0x253: {  	v36 =	vor.u32 v20, v37;
	v48 =	vor.u32 v14, v37;
	v29 =	vor.u32 v9, v37  }
0x254: {  	v39 =	vor.u32 v15, v37;
	v30 =	vmul.f32 v34, v31;
	v31 =	vor.u32 v10, v37  }
0x255: {  	v49 =	vor.u32 v12, v37;
	v50 =	vor.u32 v11, v37;
	v35 =	vmul.f32 v34, v35  }
0x256: {  	v51 =	vor.u32 v13, v37;
	v32 =	vmul.f32 v34, v56;
	[tilespmem:v25+s24+$0x0] =	vst.idx.add.f32.msk $0xffff, v30  }
0x257: {  	v62 =	vmul.f32 v34, v40;
	v25 =	vmul.f32 v34, v26;
	[tilespmem:v27+s24+$0x0] =	vst.idx.add.f32.msk $0xffff, v35  }
0x258: {  	v33 =	vmul.f32 v34, v33;
	v26 =	vmul.f32 v34, v28;
	[tilespmem:v29+s24+$0x0] =	vst.idx.add.f32.msk $0xffff, v32  }
0x259: {  	v63 =	vmul.f32 v34, v41;
	v30 =	vmul.f32 v34, v44;
	[tilespmem:v31+s24+$0x0] =	vst.idx.add.f32.msk $0xffff, v25  }
0x25a: {  	v28 =	vmul.f32 v34, v42;
	v27 =	vmul.f32 v34, v47;
	[tilespmem:v50+s24+$0x0] =	vst.idx.add.f32.msk $0xffff, v26  }
0x25b: {  	v29 =	vmul.f32 v34, v43;
	v31 =	vor.u32 v17, v37;
	[tilespmem:v49+s24+$0x0] =	vst.idx.add.f32.msk $0xffff, v62  }
0x25c: {  	v32 =	vor.u32 v18, v37;
	v25 =	vmul.f32 v34, v46;
	[tilespmem:v51+s24+$0x0] =	vst.idx.add.f32.msk $0xffff, v33  }
0x25d: {  	s9 =	simm.s32 $0x1;
	v26 =	vmul.f32 v34, v45;
	v33 =	vor.u32 v19, v37;
	[tilespmem:v48+s24+$0x0] =	vst.idx.add.f32.msk $0xffff, v63  }
.LBB2_17:
0x25e: {  	p1 =	sne.s32 s9, $0x3F;
	[tilespmem:v39+s24+$0x0] =	vst.idx.add.f32.msk $0xffff, v30;
	s8 =	sadd.s32 $0x80, s8;
	s7 =	sadd.s32 $0x80, s7  }
0x25f: {  	s10 =	smov.u32 s9;
	s9 =	sadd.s32 $0x1, s9;
	[tilespmem:v38+s24+$0x0] =	vst.idx.add.f32.msk $0xffff, v29;
	v29 =	vor.u32 v21, v37  }
0x260: {  	[tilespmem:v31+s24+$0x0] =	vst.idx.add.f32.msk $0xffff, v28;
	v28 =	vor.u32 v22, v37  }
0x261: {  	[tilespmem:v32+s24+$0x0] =	vst.idx.add.f32.msk $0xffff, v26  }
0x262: {  	v24 =	vmul.f32 v34, v24;
	[tilespmem:v33+s24+$0x0] =	vst.idx.add.f32.msk $0xffff, v27  }
0x263: {  	v23 =	vmul.f32 v34, v23;
	[tilespmem:v36+s24+$0x0] =	vst.idx.add.f32.msk $0xffff, v25  }
0x264: {  	[tilespmem:v29+s24+$0x0] =	vst.idx.add.f32.msk $0xffff, v24  }
0x265: {  	[tilespmem:v28+s24+$0x0] =	vst.idx.add.f32.msk $0xffff, v23  }
0x266: {  	v23 =	vld [tilespmem:s7+$0xFFFFFFC0]  }
0x267: {  	v24 =	vld [tilespmem:s8+$0xFFFFFFD0]  }
0x268: {  	v26 =	vld [tilespmem:s8+$0xFFFFFFC0]  }
0x269: {  	v30 =	vld [tilespmem:s7+$0xFFFFFFD0]  }
0x26a: {  	v28 =	vld [tilespmem:s8+$0xFFFFFFE0]  }
0x26b: {  	v29 =	vld [tilespmem:s7+$0xFFFFFFE0]  }
0x26c: {  	v32 =	vunpack.i.u.bf16.f32 v24;
	v24 =	vunpack.i.l.bf16.f32 v24;
	v33 =	vld [tilespmem:s8+$0xFFFFFFF0]  }
0x26d: {  	v25 =	vunpack.i.l.bf16.f32 v23;
	v31 =	vunpack.i.u.bf16.f32 v26;
	v26 =	vunpack.i.l.bf16.f32 v26;
	v34 =	vld [tilespmem:s7+$0xFFFFFFF0]  }
0x26e: {  	v27 =	vunpack.i.u.bf16.f32 v23;
	v23 =	vmul.f32 v26, v25;
	v26 =	vunpack.i.l.bf16.f32 v30  }
0x26f: {  	v31 =	vmul.f32 v31, v27;
	v35 =	vunpack.i.u.bf16.f32 v28;
	v36 =	vunpack.i.l.bf16.f32 v28  }
0x270: {  	v24 =	vmul.f32 v24, v26;
	v28 =	vunpack.i.u.bf16.f32 v29;
	v29 =	vunpack.i.l.bf16.f32 v29;
	v37 =	vld [tilespmem:s8+$0x0]  }
0x271: {  	v23 =	vadd.f32 v23, v31;
	v31 =	vunpack.i.u.bf16.f32 v30;
	v38 =	vunpack.i.l.bf16.f32 v33;
	v39 =	vld [tilespmem:s7+$0x0]  }
0x272: {  	v35 =	vmul.f32 v35, v28;
	v33 =	vunpack.i.u.bf16.f32 v33;
	v30 =	vunpack.i.u.bf16.f32 v34  }
0x273: {  	v40 =	vmul.f32 v32, v31;
	v32 =	vunpack.i.l.bf16.f32 v34;
	v33 =	vmul.f32 v33, v30;
	v34 =	vld [tilespmem:s8+$0x10]  }
0x274: {  	v36 =	vmul.f32 v36, v29;
	v38 =	vmul.f32 v38, v32;
	v41 =	vld [tilespmem:s7+$0x10]  }
0x275: {  	v24 =	vadd.f32 v24, v40;
	v40 =	vunpack.i.u.bf16.f32 v37;
	v42 =	vld [tilespmem:s8+$0x20]  }
0x276: {  	v36 =	vadd.f32 v36, v35;
	v38 =	vadd.f32 v38, v33;
	v33 =	vunpack.i.u.bf16.f32 v39;
	v43 =	vld [tilespmem:s7+$0x20]  }
0x277: {  	v37 =	vunpack.i.l.bf16.f32 v37;
	v35 =	vunpack.i.l.bf16.f32 v39;
	v39 =	vmul.f32 v40, v33  }
0x278: {  	v23 =	vadd.f32 v24, v23;
	v24 =	vmul.f32 v37, v35;
	v37 =	vunpack.i.l.bf16.f32 v34  }
0x279: {  	v34 =	vunpack.i.u.bf16.f32 v34;
	v40 =	vunpack.i.u.bf16.f32 v41;
	v41 =	vunpack.i.l.bf16.f32 v41  }
0x27a: {  	v23 =	vadd.f32 v36, v23;
	v24 =	vadd.f32 v24, v39;
	v36 =	vunpack.i.l.bf16.f32 v42;
	v39 =	vld [tilespmem:s8+$0x30]  }
0x27b: {  	v34 =	vmul.f32 v34, v40;
	v42 =	vunpack.i.u.bf16.f32 v42;
	v44 =	vunpack.i.u.bf16.f32 v43;
	v45 =	vld [tilespmem:s7+$0x30]  }
0x27c: {  	v23 =	vadd.f32 v38, v23;
	v43 =	vunpack.i.l.bf16.f32 v43;
	v38 =	vmul.f32 v42, v44  }
0x27d: {  	v37 =	vmul.f32 v37, v41;
	v36 =	vmul.f32 v36, v43  }
0x27e: {  	v42 =	vadd.f32 v24, v23  }
0x27f: {  	v34 =	vadd.f32 v37, v34;
	v36 =	vadd.f32 v36, v38;
	v37 =	vunpack.i.u.bf16.f32 v39  }
0x280: {  	v38 =	vunpack.i.l.bf16.f32 v39;
	v23 =	vunpack.i.u.bf16.f32 v45;
	v24 =	vunpack.i.l.bf16.f32 v45  }
0x281: {  	v34 =	vadd.f32 v34, v42;
	v38 =	vmul.f32 v38, v24;
	v37 =	vmul.f32 v37, v23;
	_ =	sdelay $0x1  }
0x282: {  	v34 =	vadd.f32 v36, v34;
	v36 =	vadd.f32 v38, v37;
	_ =	sdelay $0x1  }
0x283: {  	v34 =	vadd.f32 v36, v34;
	_ =	sdelay $0x1  }
0x284: {  	(xrf2) =	vadd.scan.msk.f32 $0xffff, v34;
	_ =	sdelay $0x9  }
0x285: {  	v34, _, _ =	vpop (xrf2)  }
0x286: {  	v34 =	vmul.f32 $1.442695020e+00, v34;
	_ =	sdelay $0x1  }
0x287: {  	(erf) = vpow2.f32 v34;
	_ =	sdelay $0x1  }
0x288: {  	v34 =	vmov s10;
	_ =	sdelay $0x3  }
0x289: {  	v36 =	vld [tilespmem:$0x1B380]  }
0x28a: {  	v34 =	vld.idx.msk [tilespmem:v34+s19+$0x0], $0xffff;
	_ =	sdelay $0x1  }
0x28b: {  	v37 =	vpop (erf)  }
0x28c: {  	v38 =	vsel vm0, $0x0, v37  }
0x28d: {  	v36 =	vadd.f32 v38, v36  }
0x28e: {  	[tilespmem:$0x1B300] =	vst v37  }
0x28f: {  	v37 =	vsub.s32 v34, v2;
	[tilespmem:$0x1B380] =	vst v36;
	v36 =	vshll.u32 v34, $0x7  }
0x290: {  	v37 =	vshll.u32 v37, $0x8;
	v34 =	vld.idx.msk [tilespmem:v7+s23+$0x0], $0xffff  }
0x291: {  	v37 =	vand.u32 $0xFFFFF800, v37;
	v36 =	vand.u32 $0x380, v36  }
0x292: {  	v37 =	vor.u32 v36, v37  }
0x293: {  	v42 =	vor.u32 v0, v37;
	v38 =	vor.u32 v16, v37;
	v36 =	vor.u32 v20, v37  }
0x294: {  	v45 =	vor.u32 v8, v37;
	v46 =	vor.u32 v14, v37;
	v39 =	vor.u32 v15, v37  }
0x295: {  	v47 =	vor.u32 v9, v37;
	v48 =	vor.u32 v12, v37;
	v49 =	vor.u32 v13, v37  }
0x296: {  	v50 =	vor.u32 v10, v37;
	v25 =	vmul.f32 v34, v25;
	v27 =	vmul.f32 v34, v27  }
0x297: {  	v51 =	vor.u32 v11, v37;
	v26 =	vmul.f32 v34, v26;
	v31 =	vmul.f32 v34, v31  }
0x298: {  	[tilespmem:v42+s24+$0x0] =	vst.idx.add.f32.msk $0xffff, v25;
	v25 =	vmul.f32 v34, v29;
	v42 =	vmul.f32 v34, v28  }
0x299: {  	v32 =	vmul.f32 v34, v32;
	[tilespmem:v45+s24+$0x0] =	vst.idx.add.f32.msk $0xffff, v27;
	v45 =	vmul.f32 v34, v30  }
0x29a: {  	v29 =	vmul.f32 v34, v33;
	v30 =	vmul.f32 v34, v35;
	[tilespmem:v47+s24+$0x0] =	vst.idx.add.f32.msk $0xffff, v26  }
.Ltmp15:
0x29b: {  	v28 =	vmul.f32 v34, v41;
	v26 =	vmul.f32 v34, v40;
	[tilespmem:v50+s24+$0x0] =	vst.idx.add.f32.msk $0xffff, v31;
	(pc) =	sbr.rel @p1 .LBB2_17-.Ltmp15, $4  }
0x29c: {  	v27 =	vmul.f32 v34, v43;
	[tilespmem:v51+s24+$0x0] =	vst.idx.add.f32.msk $0xffff, v25;
	v25 =	vmul.f32 v34, v44  }
0x29d: {  	v31 =	vor.u32 v17, v37;
	[tilespmem:v48+s24+$0x0] =	vst.idx.add.f32.msk $0xffff, v42  }
0x29e: {  	[tilespmem:v49+s24+$0x0] =	vst.idx.add.f32.msk $0xffff, v32;
	v32 =	vor.u32 v18, v37  }
0x29f: {  	v33 =	vor.u32 v19, v37;
	[tilespmem:v46+s24+$0x0] =	vst.idx.add.f32.msk $0xffff, v45  }
0x2a0: {  	_ =	sdelay $0x3  }
0x2a1: {  	[tilespmem:v39+s24+$0x0] =	vst.idx.add.f32.msk $0xffff, v30  }
0x2a2: {  	v62 =	vor.u32 v21, v37;
	[tilespmem:v38+s24+$0x0] =	vst.idx.add.f32.msk $0xffff, v29  }
0x2a3: {  	v63 =	vor.u32 v22, v37;
	[tilespmem:v31+s24+$0x0] =	vst.idx.add.f32.msk $0xffff, v28  }
0x2a4: {  	[tilespmem:v32+s24+$0x0] =	vst.idx.add.f32.msk $0xffff, v26  }
0x2a5: {  	v24 =	vmul.f32 v34, v24;
	[tilespmem:v33+s24+$0x0] =	vst.idx.add.f32.msk $0xffff, v27  }
0x2a6: {  	v23 =	vmul.f32 v34, v23;
	[tilespmem:v36+s24+$0x0] =	vst.idx.add.f32.msk $0xffff, v25  }
0x2a7: {  	[tilespmem:v62+s24+$0x0] =	vst.idx.add.f32.msk $0xffff, v24  }
0x2a8: {  	[tilespmem:v63+s24+$0x0] =	vst.idx.add.f32.msk $0xffff, v23  }
.LBB2_19:
0x2a9: {  	p1 =	sgt.s32 s3, $0x7F  }
.Ltmp16:
0x2aa: {  	_ = 	snop;
	(pc) =	sbr.rel @!p1 .LBB2_20-.Ltmp16, $1  }
0x2ab: {  	_ =	sdelay $0x3  }
.LBB2_38:
0x2ac: {  	v23 =	vld [tilespmem:s3+$0x1FC0];
	_ =	sdelay $0x4  }
0x2ad: {  	[tilespmem:$0x3200] =	vst v23  }
0x2ae: {  	v23 =	vld [tilespmem:s3+$0x28C0];
	_ =	sdelay $0x4  }
0x2af: {  	[tilespmem:$0x3280] =	vst v23  }
0x2b0: {  	v23 =	vld [tilespmem:s3+$0x1FD0];
	_ =	sdelay $0x4  }
0x2b1: {  	[tilespmem:$0x3210] =	vst v23  }
0x2b2: {  	v23 =	vld [tilespmem:s3+$0x28D0];
	_ =	sdelay $0x4  }
0x2b3: {  	[tilespmem:$0x3290] =	vst v23  }
0x2b4: {  	v23 =	vld [tilespmem:s3+$0x1FE0];
	_ =	sdelay $0x4  }
0x2b5: {  	[tilespmem:$0x3220] =	vst v23  }
0x2b6: {  	v23 =	vld [tilespmem:s3+$0x28E0];
	_ =	sdelay $0x4  }
0x2b7: {  	[tilespmem:$0x32A0] =	vst v23  }
0x2b8: {  	v23 =	vld [tilespmem:s3+$0x1FF0];
	_ =	sdelay $0x4  }
0x2b9: {  	[tilespmem:$0x3230] =	vst v23  }
0x2ba: {  	v23 =	vld [tilespmem:s3+$0x28F0];
	_ =	sdelay $0x4  }
0x2bb: {  	[tilespmem:$0x32B0] =	vst v23  }
0x2bc: {  	[tilespmem:s18], [sflag:$0x1] =	stream.indirect.gather [hbm4b:s6+s16], $0x80, s17, s16, $0xb8;
	[tilespmem:$0x1B400] =	vst v63  }
0x2bd: {  	_ = 	snop  }
0x2be: {  	[tilespmem:s20], [sflag:$0x2] =	stream.indirect.gather [hbm4b:s1+s16], $0x80, s19, s16, $0xb8;
	[tilespmem:$0x1B400] =	vst v63  }
0x2bf: {  	_ =	swait.ge [sflag:s21], $0x2000  }
0x2c0: {  	[sflag:s21] =	ssyncset.done $0x0  }
0x2c1: {  	[sflag:s21] =	ssyncadd.s32 $0xFFFFE000  }
0x2c2: {  	_ =	swait.ge [sflag:s22], $0x2000  }
0x2c3: {  	[sflag:s22] =	ssyncset.done $0x0  }
0x2c4: {  	s7 =	simm.s32 $0x3340;
	[sflag:s22] =	ssyncadd.s32 $0xFFFFE000  }
0x2c5: {  	s8 =	simm.s32 $0x5340;
	v23 =	vld [tilespmem:s7+$0xFFFFFFC0]  }
0x2c6: {  	v24 =	vld [tilespmem:s8+$0xFFFFFFD0]  }
0x2c7: {  	v25 =	vld [tilespmem:s8+$0xFFFFFFC0]  }
0x2c8: {  	v26 =	vld [tilespmem:s7+$0xFFFFFFD0]  }
0x2c9: {  	v27 =	vld [tilespmem:s8+$0xFFFFFFE0]  }
0x2ca: {  	v28 =	vld [tilespmem:s7+$0xFFFFFFE0]  }
0x2cb: {  	v30 =	vld [tilespmem:s8+$0xFFFFFFF0]  }
0x2cc: {  	v33 =	vld [tilespmem:s7+$0xFFFFFFF0]  }
0x2cd: {  	v38 =	vld [tilespmem:s7+$0x0];
	v29 =	vunpack.i.u.bf16.f32 v24;
	v24 =	vunpack.i.l.bf16.f32 v24;
	v31 =	vunpack.i.l.bf16.f32 v23  }
0x2ce: {  	v39 =	vld [tilespmem:s8+$0x10];
	v32 =	vunpack.i.l.bf16.f32 v25;
	v25 =	vunpack.i.u.bf16.f32 v25;
	v35 =	vunpack.i.u.bf16.f32 v23  }
0x2cf: {  	v42 =	vld [tilespmem:s7+$0x10];
	v56 =	vunpack.i.l.bf16.f32 v26;
	v34 =	vunpack.i.u.bf16.f32 v27;
	v27 =	vunpack.i.l.bf16.f32 v27  }
0x2d0: {  	v40 =	vunpack.i.u.bf16.f32 v28;
	v28 =	vunpack.i.l.bf16.f32 v28;
	v26 =	vunpack.i.u.bf16.f32 v26  }
0x2d1: {  	v37 =	vunpack.i.l.bf16.f32 v30;
	v41 =	vunpack.i.u.bf16.f32 v33;
	v30 =	vunpack.i.u.bf16.f32 v30  }
0x2d2: {  	v36 =	vld [tilespmem:s8+$0x0];
	v33 =	vunpack.i.l.bf16.f32 v33;
	v43 =	vunpack.i.u.bf16.f32 v38;
	v44 =	vunpack.i.l.bf16.f32 v38  }
0x2d3: {  	v58 =	vunpack.i.l.bf16.f32 v39;
	v23 =	vmul.f32 v32, v31;
	v25 =	vmul.f32 v25, v35  }
0x2d4: {  	v57 =	vld [tilespmem:s7+$0x20];
	v45 =	vunpack.i.u.bf16.f32 v42;
	v24 =	vmul.f32 v24, v56;
	v29 =	vmul.f32 v29, v26  }
0x2d5: {  	v42 =	vunpack.i.l.bf16.f32 v42;
	v59 =	vunpack.i.u.bf16.f32 v39;
	v34 =	vmul.f32 v34, v40  }
0x2d6: {  	v27 =	vmul.f32 v27, v28;
	v23 =	vadd.f32 v23, v25;
	v24 =	vadd.f32 v24, v29;
	v29 =	vld [tilespmem:s8+$0x20]  }
0x2d7: {  	v30 =	vmul.f32 v30, v41;
	v37 =	vmul.f32 v37, v33;
	v25 =	vunpack.i.u.bf16.f32 v36  }
0x2d8: {  	v27 =	vadd.f32 v27, v34;
	v36 =	vunpack.i.l.bf16.f32 v36;
	v23 =	vadd.f32 v24, v23  }
0x2d9: {  	v46 =	vunpack.i.u.bf16.f32 v57;
	v25 =	vmul.f32 v25, v43;
	v24 =	vmul.f32 v36, v44  }
0x2da: {  	v60 =	vld [tilespmem:s7+$0x30];
	v47 =	vunpack.i.l.bf16.f32 v57;
	v30 =	vadd.f32 v37, v30;
	v23 =	vadd.f32 v27, v23  }
0x2db: {  	v24 =	vadd.f32 v24, v25;
	v27 =	vld [tilespmem:s8+$0x30];
	v25 =	vunpack.i.l.bf16.f32 v29;
	v29 =	vunpack.i.u.bf16.f32 v29  }
0x2dc: {  	v37 =	vmul.f32 v59, v45;
	v23 =	vadd.f32 v30, v23;
	v29 =	vmul.f32 v29, v46  }
0x2dd: {  	v30 =	vmul.f32 v58, v42;
	v25 =	vmul.f32 v25, v47  }
0x2de: {  	v61 =	vadd.f32 v24, v23  }
0x2df: {  	v30 =	vadd.f32 v30, v37;
	v25 =	vadd.f32 v25, v29;
	v23 =	vunpack.i.u.bf16.f32 v60  }
0x2e0: {  	v24 =	vunpack.i.l.bf16.f32 v60;
	v29 =	vunpack.i.u.bf16.f32 v27;
	v27 =	vunpack.i.l.bf16.f32 v27  }
0x2e1: {  	v30 =	vadd.f32 v30, v61;
	v27 =	vmul.f32 v27, v24;
	v29 =	vmul.f32 v29, v23;
	_ =	sdelay $0x1  }
0x2e2: {  	v25 =	vadd.f32 v25, v30;
	v27 =	vadd.f32 v27, v29;
	_ =	sdelay $0x1  }
0x2e3: {  	v25 =	vadd.f32 v27, v25;
	_ =	sdelay $0x1  }
0x2e4: {  	(xrf2) =	vadd.scan.msk.f32 $0xffff, v25;
	_ =	sdelay $0x9  }
0x2e5: {  	v25, _, _ =	vpop (xrf2)  }
0x2e6: {  	v25 =	vmul.f32 $1.442695020e+00, v25;
	_ =	sdelay $0x1  }
0x2e7: {  	(erf) = vpow2.f32 v25  }
0x2e8: {  	s28 =	simm.s32 $0x0  }
0x2e9: {  	v25 =	vmov s28;
	_ =	sdelay $0x3  }
0x2ea: {  	v27 =	vld [tilespmem:$0x1B380]  }
0x2eb: {  	v25 =	vld.idx.msk [tilespmem:v25+s19+$0x0], $0xffff;
	_ =	sdelay $0x1  }
0x2ec: {  	v29 =	vpop (erf)  }
0x2ed: {  	v30 =	vsel vm0, $0x0, v29  }
0x2ee: {  	v27 =	vadd.f32 v30, v27  }
0x2ef: {  	[tilespmem:$0x1B300] =	vst v29;
	v29 =	vsub.s32 v25, v2  }
0x2f0: {  	v25 =	vshll.u32 v25, $0x7;
	[tilespmem:$0x1B380] =	vst v27;
	v27 =	vshll.u32 v29, $0x8  }
0x2f1: {  	v25 =	vand.u32 $0x380, v25;
	v34 =	vld.idx.msk [tilespmem:v7+s23+$0x0], $0xffff;
	v27 =	vand.u32 $0xFFFFF800, v27  }
0x2f2: {  	v37 =	vor.u32 v25, v27  }
0x2f3: {  	v25 =	vor.u32 v0, v37  }
0x2f4: {  	v38 =	vor.u32 v16, v37;
	v27 =	vor.u32 v8, v37  }
0x2f5: {  	v36 =	vor.u32 v20, v37;
	v48 =	vor.u32 v14, v37;
	v29 =	vor.u32 v9, v37  }
0x2f6: {  	v39 =	vor.u32 v15, v37;
	v30 =	vmul.f32 v34, v31;
	v31 =	vor.u32 v10, v37  }
0x2f7: {  	v49 =	vor.u32 v12, v37;
	v50 =	vor.u32 v11, v37;
	v35 =	vmul.f32 v34, v35  }
0x2f8: {  	v51 =	vor.u32 v13, v37;
	v32 =	vmul.f32 v34, v56;
	[tilespmem:v25+s24+$0x0] =	vst.idx.add.f32.msk $0xffff, v30  }
0x2f9: {  	v62 =	vmul.f32 v34, v40;
	v25 =	vmul.f32 v34, v26;
	[tilespmem:v27+s24+$0x0] =	vst.idx.add.f32.msk $0xffff, v35  }
0x2fa: {  	v33 =	vmul.f32 v34, v33;
	v26 =	vmul.f32 v34, v28;
	[tilespmem:v29+s24+$0x0] =	vst.idx.add.f32.msk $0xffff, v32  }
0x2fb: {  	v63 =	vmul.f32 v34, v41;
	v30 =	vmul.f32 v34, v44;
	[tilespmem:v31+s24+$0x0] =	vst.idx.add.f32.msk $0xffff, v25  }
0x2fc: {  	v28 =	vmul.f32 v34, v42;
	v27 =	vmul.f32 v34, v47;
	[tilespmem:v50+s24+$0x0] =	vst.idx.add.f32.msk $0xffff, v26  }
0x2fd: {  	v29 =	vmul.f32 v34, v43;
	v31 =	vor.u32 v17, v37;
	[tilespmem:v49+s24+$0x0] =	vst.idx.add.f32.msk $0xffff, v62  }
0x2fe: {  	s11 =	smov.u32 s3;
	v32 =	vor.u32 v18, v37;
	v25 =	vmul.f32 v34, v46;
	[tilespmem:v51+s24+$0x0] =	vst.idx.add.f32.msk $0xffff, v33  }
0x2ff: {  	s9 =	simm.s32 $0x1;
	s3 =	sadd.s32 $0xFFFFFFC0, s11;
	v26 =	vmul.f32 v34, v45;
	v33 =	vor.u32 v19, v37;
	[tilespmem:v48+s24+$0x0] =	vst.idx.add.f32.msk $0xffff, v63  }
.LBB2_39:
0x300: {  	p1 =	seq.s32 s9, $0x3F;
	[tilespmem:v39+s24+$0x0] =	vst.idx.add.f32.msk $0xffff, v30;
	s8 =	sadd.s32 $0x80, s8;
	s7 =	sadd.s32 $0x80, s7  }
0x301: {  	s10 =	smov.u32 s9;
	s9 =	sadd.s32 $0x1, s9;
	[tilespmem:v38+s24+$0x0] =	vst.idx.add.f32.msk $0xffff, v29;
	v29 =	vor.u32 v21, v37  }
0x302: {  	[tilespmem:v31+s24+$0x0] =	vst.idx.add.f32.msk $0xffff, v28;
	v28 =	vor.u32 v22, v37  }
0x303: {  	[tilespmem:v32+s24+$0x0] =	vst.idx.add.f32.msk $0xffff, v26  }
0x304: {  	v24 =	vmul.f32 v34, v24;
	[tilespmem:v33+s24+$0x0] =	vst.idx.add.f32.msk $0xffff, v27  }
0x305: {  	v23 =	vmul.f32 v34, v23;
	[tilespmem:v36+s24+$0x0] =	vst.idx.add.f32.msk $0xffff, v25  }
0x306: {  	[tilespmem:v29+s24+$0x0] =	vst.idx.add.f32.msk $0xffff, v24  }
0x307: {  	[tilespmem:v28+s24+$0x0] =	vst.idx.add.f32.msk $0xffff, v23  }
0x308: {  	v23 =	vld [tilespmem:s7+$0xFFFFFFC0]  }
0x309: {  	v24 =	vld [tilespmem:s8+$0xFFFFFFD0]  }
0x30a: {  	v26 =	vld [tilespmem:s8+$0xFFFFFFC0]  }
0x30b: {  	v30 =	vld [tilespmem:s7+$0xFFFFFFD0]  }
0x30c: {  	v28 =	vld [tilespmem:s8+$0xFFFFFFE0]  }
0x30d: {  	v29 =	vld [tilespmem:s7+$0xFFFFFFE0]  }
0x30e: {  	v32 =	vunpack.i.u.bf16.f32 v24;
	v24 =	vunpack.i.l.bf16.f32 v24;
	v33 =	vld [tilespmem:s8+$0xFFFFFFF0]  }
0x30f: {  	v25 =	vunpack.i.l.bf16.f32 v23;
	v31 =	vunpack.i.u.bf16.f32 v26;
	v26 =	vunpack.i.l.bf16.f32 v26;
	v34 =	vld [tilespmem:s7+$0xFFFFFFF0]  }
0x310: {  	v27 =	vunpack.i.u.bf16.f32 v23;
	v23 =	vmul.f32 v26, v25;
	v26 =	vunpack.i.l.bf16.f32 v30  }
0x311: {  	v31 =	vmul.f32 v31, v27;
	v35 =	vunpack.i.u.bf16.f32 v28;
	v36 =	vunpack.i.l.bf16.f32 v28  }
0x312: {  	v24 =	vmul.f32 v24, v26;
	v28 =	vunpack.i.u.bf16.f32 v29;
	v29 =	vunpack.i.l.bf16.f32 v29;
	v37 =	vld [tilespmem:s8+$0x0]  }
0x313: {  	v23 =	vadd.f32 v23, v31;
	v31 =	vunpack.i.u.bf16.f32 v30;
	v38 =	vunpack.i.l.bf16.f32 v33;
	v39 =	vld [tilespmem:s7+$0x0]  }
0x314: {  	v35 =	vmul.f32 v35, v28;
	v33 =	vunpack.i.u.bf16.f32 v33;
	v30 =	vunpack.i.u.bf16.f32 v34  }
0x315: {  	v40 =	vmul.f32 v32, v31;
	v32 =	vunpack.i.l.bf16.f32 v34;
	v33 =	vmul.f32 v33, v30;
	v34 =	vld [tilespmem:s8+$0x10]  }
0x316: {  	v36 =	vmul.f32 v36, v29;
	v38 =	vmul.f32 v38, v32;
	v41 =	vld [tilespmem:s7+$0x10]  }
0x317: {  	v24 =	vadd.f32 v24, v40;
	v40 =	vunpack.i.u.bf16.f32 v37;
	v42 =	vld [tilespmem:s8+$0x20]  }
0x318: {  	v36 =	vadd.f32 v36, v35;
	v38 =	vadd.f32 v38, v33;
	v33 =	vunpack.i.u.bf16.f32 v39;
	v43 =	vld [tilespmem:s7+$0x20]  }
0x319: {  	v37 =	vunpack.i.l.bf16.f32 v37;
	v35 =	vunpack.i.l.bf16.f32 v39;
	v39 =	vmul.f32 v40, v33  }
0x31a: {  	v23 =	vadd.f32 v24, v23;
	v24 =	vmul.f32 v37, v35;
	v37 =	vunpack.i.l.bf16.f32 v34  }
0x31b: {  	v34 =	vunpack.i.u.bf16.f32 v34;
	v40 =	vunpack.i.u.bf16.f32 v41;
	v41 =	vunpack.i.l.bf16.f32 v41  }
0x31c: {  	v23 =	vadd.f32 v36, v23;
	v24 =	vadd.f32 v24, v39;
	v36 =	vunpack.i.l.bf16.f32 v42;
	v39 =	vld [tilespmem:s8+$0x30]  }
0x31d: {  	v34 =	vmul.f32 v34, v40;
	v42 =	vunpack.i.u.bf16.f32 v42;
	v44 =	vunpack.i.u.bf16.f32 v43;
	v45 =	vld [tilespmem:s7+$0x30]  }
0x31e: {  	v23 =	vadd.f32 v38, v23;
	v43 =	vunpack.i.l.bf16.f32 v43;
	v38 =	vmul.f32 v42, v44  }
0x31f: {  	v37 =	vmul.f32 v37, v41;
	v36 =	vmul.f32 v36, v43  }
0x320: {  	v42 =	vadd.f32 v24, v23  }
0x321: {  	v34 =	vadd.f32 v37, v34;
	v36 =	vadd.f32 v36, v38;
	v37 =	vunpack.i.u.bf16.f32 v39  }
0x322: {  	v38 =	vunpack.i.l.bf16.f32 v39;
	v23 =	vunpack.i.u.bf16.f32 v45;
	v24 =	vunpack.i.l.bf16.f32 v45  }
0x323: {  	v34 =	vadd.f32 v34, v42;
	v38 =	vmul.f32 v38, v24;
	v37 =	vmul.f32 v37, v23;
	_ =	sdelay $0x1  }
0x324: {  	v34 =	vadd.f32 v36, v34;
	v36 =	vadd.f32 v38, v37;
	_ =	sdelay $0x1  }
0x325: {  	v34 =	vadd.f32 v36, v34;
	_ =	sdelay $0x1  }
0x326: {  	(xrf2) =	vadd.scan.msk.f32 $0xffff, v34;
	_ =	sdelay $0x9  }
0x327: {  	v34, _, _ =	vpop (xrf2)  }
0x328: {  	v34 =	vmul.f32 $1.442695020e+00, v34;
	_ =	sdelay $0x1  }
0x329: {  	(erf) = vpow2.f32 v34;
	_ =	sdelay $0x1  }
0x32a: {  	v34 =	vmov s10;
	_ =	sdelay $0x3  }
0x32b: {  	v36 =	vld [tilespmem:$0x1B380]  }
0x32c: {  	v34 =	vld.idx.msk [tilespmem:v34+s19+$0x0], $0xffff;
	_ =	sdelay $0x1  }
0x32d: {  	v37 =	vpop (erf)  }
0x32e: {  	v38 =	vsel vm0, $0x0, v37  }
0x32f: {  	v36 =	vadd.f32 v38, v36  }
0x330: {  	[tilespmem:$0x1B300] =	vst v37  }
0x331: {  	v37 =	vsub.s32 v34, v2;
	[tilespmem:$0x1B380] =	vst v36;
	v36 =	vshll.u32 v34, $0x7  }
0x332: {  	v37 =	vshll.u32 v37, $0x8;
	v34 =	vld.idx.msk [tilespmem:v7+s23+$0x0], $0xffff  }
0x333: {  	v37 =	vand.u32 $0xFFFFF800, v37;
	v36 =	vand.u32 $0x380, v36  }
0x334: {  	v37 =	vor.u32 v36, v37  }
0x335: {  	v42 =	vor.u32 v0, v37;
	v38 =	vor.u32 v16, v37;
	v36 =	vor.u32 v20, v37  }
0x336: {  	v45 =	vor.u32 v8, v37;
	v46 =	vor.u32 v14, v37;
	v39 =	vor.u32 v15, v37  }
0x337: {  	v47 =	vor.u32 v9, v37;
	v48 =	vor.u32 v12, v37;
	v49 =	vor.u32 v13, v37  }
0x338: {  	v50 =	vor.u32 v10, v37;
	v25 =	vmul.f32 v34, v25;
	v27 =	vmul.f32 v34, v27  }
0x339: {  	v51 =	vor.u32 v11, v37;
	v26 =	vmul.f32 v34, v26;
	v31 =	vmul.f32 v34, v31  }
0x33a: {  	[tilespmem:v42+s24+$0x0] =	vst.idx.add.f32.msk $0xffff, v25;
	v25 =	vmul.f32 v34, v29;
	v42 =	vmul.f32 v34, v28  }
0x33b: {  	v32 =	vmul.f32 v34, v32;
	[tilespmem:v45+s24+$0x0] =	vst.idx.add.f32.msk $0xffff, v27;
	v45 =	vmul.f32 v34, v30  }
0x33c: {  	v29 =	vmul.f32 v34, v33;
	v30 =	vmul.f32 v34, v35;
	[tilespmem:v47+s24+$0x0] =	vst.idx.add.f32.msk $0xffff, v26  }
.Ltmp17:
0x33d: {  	v28 =	vmul.f32 v34, v41;
	v26 =	vmul.f32 v34, v40;
	[tilespmem:v50+s24+$0x0] =	vst.idx.add.f32.msk $0xffff, v31;
	(pc) =	sbr.rel @!p1 .LBB2_39-.Ltmp17, $4  }
0x33e: {  	v27 =	vmul.f32 v34, v43;
	[tilespmem:v51+s24+$0x0] =	vst.idx.add.f32.msk $0xffff, v25;
	v25 =	vmul.f32 v34, v44  }
0x33f: {  	v31 =	vor.u32 v17, v37;
	[tilespmem:v48+s24+$0x0] =	vst.idx.add.f32.msk $0xffff, v42  }
0x340: {  	[tilespmem:v49+s24+$0x0] =	vst.idx.add.f32.msk $0xffff, v32;
	v32 =	vor.u32 v18, v37  }
0x341: {  	v33 =	vor.u32 v19, v37;
	[tilespmem:v46+s24+$0x0] =	vst.idx.add.f32.msk $0xffff, v45  }
0x342: {  	_ =	sdelay $0x3  }
0x343: {  	[tilespmem:v39+s24+$0x0] =	vst.idx.add.f32.msk $0xffff, v30  }
0x344: {  	v62 =	vor.u32 v21, v37;
	[tilespmem:v38+s24+$0x0] =	vst.idx.add.f32.msk $0xffff, v29  }
0x345: {  	v63 =	vor.u32 v22, v37;
	[tilespmem:v31+s24+$0x0] =	vst.idx.add.f32.msk $0xffff, v28  }
0x346: {  	[tilespmem:v32+s24+$0x0] =	vst.idx.add.f32.msk $0xffff, v26  }
0x347: {  	v24 =	vmul.f32 v34, v24;
	[tilespmem:v33+s24+$0x0] =	vst.idx.add.f32.msk $0xffff, v27  }
0x348: {  	v23 =	vmul.f32 v34, v23;
	[tilespmem:v36+s24+$0x0] =	vst.idx.add.f32.msk $0xffff, v25  }
0x349: {  	[tilespmem:v62+s24+$0x0] =	vst.idx.add.f32.msk $0xffff, v24  }
0x34a: {  	[tilespmem:v63+s24+$0x0] =	vst.idx.add.f32.msk $0xffff, v23  }
0x34b: {  	p1 =	slt.u32 s11, $0xC0  }
.Ltmp18:
0x34c: {  	_ = 	snop;
	(pc) =	sbr.rel @!p1 .LBB2_38-.Ltmp18, $4  }
.Ltmp19:
0x34d: {  	_ = 	snop;
	(pc) =	sbr.rel @p1 .LBB2_21-.Ltmp19, $4  }
0x34e: {  	_ = 	snop  }
0x34f: {  	_ = 	snop  }
0x350: {  	_ = 	snop  }
0x351: {  	_ = 	snop  }
.LBB2_20:
0x352: {  	p2 =	slt.s32 s3, $0x40  }
.Ltmp20:
0x353: {  	_ = 	snop;
	(pc) =	sbr.rel @p2 .LBB2_22-.Ltmp20, $4  }
.Ltmp21:
0x354: {  	_ = 	snop;
	(pc) =	sbr.rel @!p2 .LBB2_21-.Ltmp21, $4  }
0x355: {  	_ = 	snop  }
0x356: {  	_ = 	snop  }
0x357: {  	p1 =	por $0x1, $0x1  }
0x358: {  	_ = 	snop  }
.LBB2_23:
.Ltmp22:
0x359: {  	(pc) =	sbr.rel @p1 .LBB2_27-.Ltmp22, $1  }
0x35a: {  	_ =	sdelay $0x3  }
0x35b: {  	_ =	swait.ge [sflag:s21], $0x2000  }
0x35c: {  	[sflag:s21] =	ssyncset.done $0x0  }
0x35d: {  	[sflag:s21] =	ssyncadd.s32 $0xFFFFE000  }
0x35e: {  	_ =	swait.ge [sflag:s22], $0x2000  }
0x35f: {  	[sflag:s22] =	ssyncset.done $0x0  }
0x360: {  	s0 =	simm.s32 $0x3340;
	[sflag:s22] =	ssyncadd.s32 $0xFFFFE000  }
0x361: {  	s7 =	simm.s32 $0x5340;
	v23 =	vld [tilespmem:s0+$0xFFFFFFC0]  }
0x362: {  	v24 =	vld [tilespmem:s7+$0xFFFFFFD0]  }
0x363: {  	v25 =	vld [tilespmem:s7+$0xFFFFFFC0]  }
0x364: {  	v26 =	vld [tilespmem:s0+$0xFFFFFFD0]  }
0x365: {  	v27 =	vld [tilespmem:s7+$0xFFFFFFE0]  }
0x366: {  	v28 =	vld [tilespmem:s0+$0xFFFFFFE0]  }
0x367: {  	v30 =	vld [tilespmem:s7+$0xFFFFFFF0]  }
0x368: {  	v33 =	vld [tilespmem:s0+$0xFFFFFFF0]  }
0x369: {  	v38 =	vld [tilespmem:s0+$0x0];
	v29 =	vunpack.i.u.bf16.f32 v24;
	v24 =	vunpack.i.l.bf16.f32 v24;
	v31 =	vunpack.i.l.bf16.f32 v23  }
0x36a: {  	v39 =	vld [tilespmem:s7+$0x10];
	v32 =	vunpack.i.l.bf16.f32 v25;
	v25 =	vunpack.i.u.bf16.f32 v25;
	v35 =	vunpack.i.u.bf16.f32 v23  }
0x36b: {  	v42 =	vld [tilespmem:s0+$0x10];
	v56 =	vunpack.i.l.bf16.f32 v26;
	v34 =	vunpack.i.u.bf16.f32 v27;
	v27 =	vunpack.i.l.bf16.f32 v27  }
0x36c: {  	v40 =	vunpack.i.u.bf16.f32 v28;
	v28 =	vunpack.i.l.bf16.f32 v28;
	v26 =	vunpack.i.u.bf16.f32 v26  }
0x36d: {  	v37 =	vunpack.i.l.bf16.f32 v30;
	v41 =	vunpack.i.u.bf16.f32 v33;
	v30 =	vunpack.i.u.bf16.f32 v30  }
0x36e: {  	v36 =	vld [tilespmem:s7+$0x0];
	v33 =	vunpack.i.l.bf16.f32 v33;
	v43 =	vunpack.i.u.bf16.f32 v38;
	v44 =	vunpack.i.l.bf16.f32 v38  }
0x36f: {  	v58 =	vunpack.i.l.bf16.f32 v39;
	v23 =	vmul.f32 v32, v31;
	v25 =	vmul.f32 v25, v35  }
0x370: {  	v57 =	vld [tilespmem:s0+$0x20];
	v45 =	vunpack.i.u.bf16.f32 v42;
	v24 =	vmul.f32 v24, v56;
	v29 =	vmul.f32 v29, v26  }
0x371: {  	v42 =	vunpack.i.l.bf16.f32 v42;
	v59 =	vunpack.i.u.bf16.f32 v39;
	v34 =	vmul.f32 v34, v40  }
0x372: {  	v27 =	vmul.f32 v27, v28;
	v23 =	vadd.f32 v23, v25;
	v24 =	vadd.f32 v24, v29;
	v29 =	vld [tilespmem:s7+$0x20]  }
0x373: {  	v30 =	vmul.f32 v30, v41;
	v37 =	vmul.f32 v37, v33;
	v25 =	vunpack.i.u.bf16.f32 v36  }
0x374: {  	v27 =	vadd.f32 v27, v34;
	v36 =	vunpack.i.l.bf16.f32 v36;
	v23 =	vadd.f32 v24, v23  }
0x375: {  	v46 =	vunpack.i.u.bf16.f32 v57;
	v25 =	vmul.f32 v25, v43;
	v24 =	vmul.f32 v36, v44  }
0x376: {  	v60 =	vld [tilespmem:s0+$0x30];
	v47 =	vunpack.i.l.bf16.f32 v57;
	v30 =	vadd.f32 v37, v30;
	v23 =	vadd.f32 v27, v23  }
0x377: {  	v24 =	vadd.f32 v24, v25;
	v27 =	vld [tilespmem:s7+$0x30];
	v25 =	vunpack.i.l.bf16.f32 v29;
	v29 =	vunpack.i.u.bf16.f32 v29  }
0x378: {  	v37 =	vmul.f32 v59, v45;
	v23 =	vadd.f32 v30, v23;
	v29 =	vmul.f32 v29, v46  }
0x379: {  	v30 =	vmul.f32 v58, v42;
	v25 =	vmul.f32 v25, v47  }
0x37a: {  	v61 =	vadd.f32 v24, v23  }
0x37b: {  	v30 =	vadd.f32 v30, v37;
	v25 =	vadd.f32 v25, v29;
	v23 =	vunpack.i.u.bf16.f32 v60  }
0x37c: {  	v24 =	vunpack.i.l.bf16.f32 v60;
	v29 =	vunpack.i.u.bf16.f32 v27;
	v27 =	vunpack.i.l.bf16.f32 v27  }
0x37d: {  	v30 =	vadd.f32 v30, v61;
	v27 =	vmul.f32 v27, v24;
	v29 =	vmul.f32 v29, v23;
	_ =	sdelay $0x1  }
0x37e: {  	v25 =	vadd.f32 v25, v30;
	v27 =	vadd.f32 v27, v29;
	_ =	sdelay $0x1  }
0x37f: {  	v25 =	vadd.f32 v27, v25;
	_ =	sdelay $0x1  }
0x380: {  	(xrf2) =	vadd.scan.msk.f32 $0xffff, v25;
	_ =	sdelay $0x9  }
0x381: {  	v25, _, _ =	vpop (xrf2)  }
0x382: {  	v25 =	vmul.f32 $1.442695020e+00, v25;
	_ =	sdelay $0x1  }
0x383: {  	(erf) = vpow2.f32 v25  }
0x384: {  	s8 =	simm.s32 $0x0  }
0x385: {  	v25 =	vmov s8;
	_ =	sdelay $0x3  }
0x386: {  	v27 =	vld [tilespmem:$0x1B380]  }
0x387: {  	v25 =	vld.idx.msk [tilespmem:v25+s19+$0x0], $0xffff;
	_ =	sdelay $0x1  }
0x388: {  	v29 =	vpop (erf)  }
0x389: {  	v30 =	vsel vm0, $0x0, v29  }
0x38a: {  	v27 =	vadd.f32 v30, v27  }
0x38b: {  	[tilespmem:$0x1B300] =	vst v29;
	v29 =	vsub.s32 v25, v2  }
0x38c: {  	v25 =	vshll.u32 v25, $0x7;
	[tilespmem:$0x1B380] =	vst v27;
	v27 =	vshll.u32 v29, $0x8  }
0x38d: {  	v25 =	vand.u32 $0x380, v25;
	v34 =	vld.idx.msk [tilespmem:v7+s23+$0x0], $0xffff;
	v27 =	vand.u32 $0xFFFFF800, v27  }
0x38e: {  	v37 =	vor.u32 v25, v27  }
0x38f: {  	v25 =	vor.u32 v0, v37  }
0x390: {  	v38 =	vor.u32 v16, v37;
	v27 =	vor.u32 v8, v37  }
0x391: {  	v36 =	vor.u32 v20, v37;
	v48 =	vor.u32 v14, v37;
	v29 =	vor.u32 v9, v37  }
0x392: {  	v39 =	vor.u32 v15, v37;
	v30 =	vmul.f32 v34, v31;
	v31 =	vor.u32 v10, v37  }
0x393: {  	v49 =	vor.u32 v12, v37;
	v50 =	vor.u32 v11, v37;
	v35 =	vmul.f32 v34, v35  }
0x394: {  	v51 =	vor.u32 v13, v37;
	v32 =	vmul.f32 v34, v56;
	[tilespmem:v25+s24+$0x0] =	vst.idx.add.f32.msk $0xffff, v30  }
0x395: {  	v62 =	vmul.f32 v34, v40;
	v25 =	vmul.f32 v34, v26;
	[tilespmem:v27+s24+$0x0] =	vst.idx.add.f32.msk $0xffff, v35  }
0x396: {  	v33 =	vmul.f32 v34, v33;
	v26 =	vmul.f32 v34, v28;
	[tilespmem:v29+s24+$0x0] =	vst.idx.add.f32.msk $0xffff, v32  }
0x397: {  	v63 =	vmul.f32 v34, v41;
	v30 =	vmul.f32 v34, v44;
	[tilespmem:v31+s24+$0x0] =	vst.idx.add.f32.msk $0xffff, v25  }
0x398: {  	v28 =	vmul.f32 v34, v42;
	v27 =	vmul.f32 v34, v47;
	[tilespmem:v50+s24+$0x0] =	vst.idx.add.f32.msk $0xffff, v26  }
0x399: {  	v29 =	vmul.f32 v34, v43;
	v31 =	vor.u32 v17, v37;
	[tilespmem:v49+s24+$0x0] =	vst.idx.add.f32.msk $0xffff, v62  }
0x39a: {  	v32 =	vor.u32 v18, v37;
	v25 =	vmul.f32 v34, v46;
	[tilespmem:v51+s24+$0x0] =	vst.idx.add.f32.msk $0xffff, v33  }
0x39b: {  	s8 =	simm.s32 $0x1;
	v26 =	vmul.f32 v34, v45;
	v33 =	vor.u32 v19, v37;
	[tilespmem:v48+s24+$0x0] =	vst.idx.add.f32.msk $0xffff, v63  }
.LBB2_25:
0x39c: {  	p1 =	sne.s32 s8, $0x3F;
	[tilespmem:v39+s24+$0x0] =	vst.idx.add.f32.msk $0xffff, v30;
	s7 =	sadd.s32 $0x80, s7;
	s0 =	sadd.s32 $0x80, s0  }
0x39d: {  	s9 =	smov.u32 s8;
	s8 =	sadd.s32 $0x1, s8;
	[tilespmem:v38+s24+$0x0] =	vst.idx.add.f32.msk $0xffff, v29;
	v29 =	vor.u32 v21, v37  }
0x39e: {  	[tilespmem:v31+s24+$0x0] =	vst.idx.add.f32.msk $0xffff, v28;
	v28 =	vor.u32 v22, v37  }
0x39f: {  	[tilespmem:v32+s24+$0x0] =	vst.idx.add.f32.msk $0xffff, v26  }
0x3a0: {  	v24 =	vmul.f32 v34, v24;
	[tilespmem:v33+s24+$0x0] =	vst.idx.add.f32.msk $0xffff, v27  }
0x3a1: {  	v23 =	vmul.f32 v34, v23;
	[tilespmem:v36+s24+$0x0] =	vst.idx.add.f32.msk $0xffff, v25  }
0x3a2: {  	[tilespmem:v29+s24+$0x0] =	vst.idx.add.f32.msk $0xffff, v24  }
0x3a3: {  	[tilespmem:v28+s24+$0x0] =	vst.idx.add.f32.msk $0xffff, v23  }
0x3a4: {  	v23 =	vld [tilespmem:s0+$0xFFFFFFC0]  }
0x3a5: {  	v24 =	vld [tilespmem:s7+$0xFFFFFFD0]  }
0x3a6: {  	v26 =	vld [tilespmem:s7+$0xFFFFFFC0]  }
0x3a7: {  	v30 =	vld [tilespmem:s0+$0xFFFFFFD0]  }
0x3a8: {  	v28 =	vld [tilespmem:s7+$0xFFFFFFE0]  }
0x3a9: {  	v29 =	vld [tilespmem:s0+$0xFFFFFFE0]  }
0x3aa: {  	v32 =	vunpack.i.u.bf16.f32 v24;
	v24 =	vunpack.i.l.bf16.f32 v24;
	v33 =	vld [tilespmem:s7+$0xFFFFFFF0]  }
0x3ab: {  	v25 =	vunpack.i.l.bf16.f32 v23;
	v31 =	vunpack.i.u.bf16.f32 v26;
	v26 =	vunpack.i.l.bf16.f32 v26;
	v34 =	vld [tilespmem:s0+$0xFFFFFFF0]  }
0x3ac: {  	v27 =	vunpack.i.u.bf16.f32 v23;
	v23 =	vmul.f32 v26, v25;
	v26 =	vunpack.i.l.bf16.f32 v30  }
0x3ad: {  	v31 =	vmul.f32 v31, v27;
	v35 =	vunpack.i.u.bf16.f32 v28;
	v36 =	vunpack.i.l.bf16.f32 v28  }
0x3ae: {  	v24 =	vmul.f32 v24, v26;
	v28 =	vunpack.i.u.bf16.f32 v29;
	v29 =	vunpack.i.l.bf16.f32 v29;
	v37 =	vld [tilespmem:s7+$0x0]  }
0x3af: {  	v23 =	vadd.f32 v23, v31;
	v31 =	vunpack.i.u.bf16.f32 v30;
	v38 =	vunpack.i.l.bf16.f32 v33;
	v39 =	vld [tilespmem:s0+$0x0]  }
0x3b0: {  	v35 =	vmul.f32 v35, v28;
	v33 =	vunpack.i.u.bf16.f32 v33;
	v30 =	vunpack.i.u.bf16.f32 v34  }
0x3b1: {  	v40 =	vmul.f32 v32, v31;
	v32 =	vunpack.i.l.bf16.f32 v34;
	v33 =	vmul.f32 v33, v30;
	v34 =	vld [tilespmem:s7+$0x10]  }
0x3b2: {  	v36 =	vmul.f32 v36, v29;
	v38 =	vmul.f32 v38, v32;
	v41 =	vld [tilespmem:s0+$0x10]  }
0x3b3: {  	v24 =	vadd.f32 v24, v40;
	v40 =	vunpack.i.u.bf16.f32 v37;
	v42 =	vld [tilespmem:s7+$0x20]  }
0x3b4: {  	v36 =	vadd.f32 v36, v35;
	v38 =	vadd.f32 v38, v33;
	v33 =	vunpack.i.u.bf16.f32 v39;
	v43 =	vld [tilespmem:s0+$0x20]  }
0x3b5: {  	v37 =	vunpack.i.l.bf16.f32 v37;
	v35 =	vunpack.i.l.bf16.f32 v39;
	v39 =	vmul.f32 v40, v33  }
0x3b6: {  	v23 =	vadd.f32 v24, v23;
	v24 =	vmul.f32 v37, v35;
	v37 =	vunpack.i.l.bf16.f32 v34  }
0x3b7: {  	v34 =	vunpack.i.u.bf16.f32 v34;
	v40 =	vunpack.i.u.bf16.f32 v41;
	v41 =	vunpack.i.l.bf16.f32 v41  }
0x3b8: {  	v23 =	vadd.f32 v36, v23;
	v24 =	vadd.f32 v24, v39;
	v36 =	vunpack.i.l.bf16.f32 v42;
	v39 =	vld [tilespmem:s7+$0x30]  }
0x3b9: {  	v34 =	vmul.f32 v34, v40;
	v42 =	vunpack.i.u.bf16.f32 v42;
	v44 =	vunpack.i.u.bf16.f32 v43;
	v45 =	vld [tilespmem:s0+$0x30]  }
0x3ba: {  	v23 =	vadd.f32 v38, v23;
	v43 =	vunpack.i.l.bf16.f32 v43;
	v38 =	vmul.f32 v42, v44  }
0x3bb: {  	v37 =	vmul.f32 v37, v41;
	v36 =	vmul.f32 v36, v43  }
0x3bc: {  	v42 =	vadd.f32 v24, v23  }
0x3bd: {  	v34 =	vadd.f32 v37, v34;
	v36 =	vadd.f32 v36, v38;
	v37 =	vunpack.i.u.bf16.f32 v39  }
0x3be: {  	v38 =	vunpack.i.l.bf16.f32 v39;
	v23 =	vunpack.i.u.bf16.f32 v45;
	v24 =	vunpack.i.l.bf16.f32 v45  }
0x3bf: {  	v34 =	vadd.f32 v34, v42;
	v38 =	vmul.f32 v38, v24;
	v37 =	vmul.f32 v37, v23;
	_ =	sdelay $0x1  }
0x3c0: {  	v34 =	vadd.f32 v36, v34;
	v36 =	vadd.f32 v38, v37;
	_ =	sdelay $0x1  }
0x3c1: {  	v34 =	vadd.f32 v36, v34;
	_ =	sdelay $0x1  }
0x3c2: {  	(xrf2) =	vadd.scan.msk.f32 $0xffff, v34;
	_ =	sdelay $0x9  }
0x3c3: {  	v34, _, _ =	vpop (xrf2)  }
0x3c4: {  	v34 =	vmul.f32 $1.442695020e+00, v34;
	_ =	sdelay $0x1  }
0x3c5: {  	(erf) = vpow2.f32 v34;
	_ =	sdelay $0x1  }
0x3c6: {  	v34 =	vmov s9;
	_ =	sdelay $0x3  }
0x3c7: {  	v36 =	vld [tilespmem:$0x1B380]  }
0x3c8: {  	v34 =	vld.idx.msk [tilespmem:v34+s19+$0x0], $0xffff;
	_ =	sdelay $0x1  }
0x3c9: {  	v37 =	vpop (erf)  }
0x3ca: {  	v38 =	vsel vm0, $0x0, v37  }
0x3cb: {  	v36 =	vadd.f32 v38, v36  }
0x3cc: {  	[tilespmem:$0x1B300] =	vst v37  }
0x3cd: {  	v37 =	vsub.s32 v34, v2;
	[tilespmem:$0x1B380] =	vst v36;
	v36 =	vshll.u32 v34, $0x7  }
0x3ce: {  	v37 =	vshll.u32 v37, $0x8;
	v34 =	vld.idx.msk [tilespmem:v7+s23+$0x0], $0xffff  }
0x3cf: {  	v37 =	vand.u32 $0xFFFFF800, v37;
	v36 =	vand.u32 $0x380, v36  }
0x3d0: {  	v37 =	vor.u32 v36, v37  }
0x3d1: {  	v42 =	vor.u32 v0, v37;
	v38 =	vor.u32 v16, v37;
	v36 =	vor.u32 v20, v37  }
0x3d2: {  	v45 =	vor.u32 v8, v37;
	v46 =	vor.u32 v14, v37;
	v39 =	vor.u32 v15, v37  }
0x3d3: {  	v47 =	vor.u32 v9, v37;
	v48 =	vor.u32 v12, v37;
	v49 =	vor.u32 v13, v37  }
0x3d4: {  	v50 =	vor.u32 v10, v37;
	v25 =	vmul.f32 v34, v25;
	v27 =	vmul.f32 v34, v27  }
0x3d5: {  	v51 =	vor.u32 v11, v37;
	v26 =	vmul.f32 v34, v26;
	v31 =	vmul.f32 v34, v31  }
0x3d6: {  	[tilespmem:v42+s24+$0x0] =	vst.idx.add.f32.msk $0xffff, v25;
	v25 =	vmul.f32 v34, v29;
	v42 =	vmul.f32 v34, v28  }
0x3d7: {  	v32 =	vmul.f32 v34, v32;
	[tilespmem:v45+s24+$0x0] =	vst.idx.add.f32.msk $0xffff, v27;
	v45 =	vmul.f32 v34, v30  }
0x3d8: {  	v29 =	vmul.f32 v34, v33;
	v30 =	vmul.f32 v34, v35;
	[tilespmem:v47+s24+$0x0] =	vst.idx.add.f32.msk $0xffff, v26  }
.Ltmp23:
0x3d9: {  	v28 =	vmul.f32 v34, v41;
	v26 =	vmul.f32 v34, v40;
	[tilespmem:v50+s24+$0x0] =	vst.idx.add.f32.msk $0xffff, v31;
	(pc) =	sbr.rel @p1 .LBB2_25-.Ltmp23, $4  }
0x3da: {  	v27 =	vmul.f32 v34, v43;
	[tilespmem:v51+s24+$0x0] =	vst.idx.add.f32.msk $0xffff, v25;
	v25 =	vmul.f32 v34, v44  }
0x3db: {  	v31 =	vor.u32 v17, v37;
	[tilespmem:v48+s24+$0x0] =	vst.idx.add.f32.msk $0xffff, v42  }
0x3dc: {  	[tilespmem:v49+s24+$0x0] =	vst.idx.add.f32.msk $0xffff, v32;
	v32 =	vor.u32 v18, v37  }
0x3dd: {  	v33 =	vor.u32 v19, v37;
	[tilespmem:v46+s24+$0x0] =	vst.idx.add.f32.msk $0xffff, v45  }
0x3de: {  	_ =	sdelay $0x3  }
0x3df: {  	[tilespmem:v39+s24+$0x0] =	vst.idx.add.f32.msk $0xffff, v30  }
0x3e0: {  	v62 =	vor.u32 v21, v37;
	[tilespmem:v38+s24+$0x0] =	vst.idx.add.f32.msk $0xffff, v29  }
0x3e1: {  	v63 =	vor.u32 v22, v37;
	[tilespmem:v31+s24+$0x0] =	vst.idx.add.f32.msk $0xffff, v28  }
0x3e2: {  	[tilespmem:v32+s24+$0x0] =	vst.idx.add.f32.msk $0xffff, v26  }
0x3e3: {  	v24 =	vmul.f32 v34, v24;
	[tilespmem:v33+s24+$0x0] =	vst.idx.add.f32.msk $0xffff, v27  }
0x3e4: {  	v23 =	vmul.f32 v34, v23;
	[tilespmem:v36+s24+$0x0] =	vst.idx.add.f32.msk $0xffff, v25  }
0x3e5: {  	[tilespmem:v62+s24+$0x0] =	vst.idx.add.f32.msk $0xffff, v24  }
0x3e6: {  	[tilespmem:v63+s24+$0x0] =	vst.idx.add.f32.msk $0xffff, v23  }
.LBB2_27:
0x3e7: {  	p1 =	slt.s32 s3, $0x1  }
.Ltmp24:
0x3e8: {  	_ = 	snop;
	(pc) =	sbr.rel @p1 .LBB2_31-.Ltmp24, $1  }
0x3e9: {  	_ =	sdelay $0x3  }
0x3ea: {  	[tilespmem:s3+$0x2000] =	vst v1  }
0x3eb: {  	[tilespmem:s3+$0x2900] =	vst v4  }
0x3ec: {  	[tilespmem:s3+$0x2010] =	vst v1  }
0x3ed: {  	[tilespmem:s3+$0x2910] =	vst v4  }
0x3ee: {  	[tilespmem:s3+$0x2020] =	vst v1  }
0x3ef: {  	[tilespmem:s3+$0x2920] =	vst v4  }
0x3f0: {  	[tilespmem:s3+$0x2030] =	vst v1  }
0x3f1: {  	[tilespmem:s3+$0x2930] =	vst v4  }
0x3f2: {  	v23 =	vld [tilespmem:$0x2000]  }
0x3f3: {  	v24 =	vld [tilespmem:$0x2900]  }
0x3f4: {  	v25 =	vld [tilespmem:$0x2010]  }
0x3f5: {  	v26 =	vld [tilespmem:$0x2910]  }
0x3f6: {  	v27 =	vld [tilespmem:$0x2020]  }
0x3f7: {  	[tilespmem:$0x3200] =	vst v23;
	v23 =	vld [tilespmem:$0x2920]  }
0x3f8: {  	[tilespmem:$0x3280] =	vst v24;
	v24 =	vld [tilespmem:$0x2030]  }
0x3f9: {  	[tilespmem:$0x3210] =	vst v25;
	v25 =	vld [tilespmem:$0x2930]  }
0x3fa: {  	[tilespmem:$0x3290] =	vst v26  }
0x3fb: {  	[tilespmem:$0x3220] =	vst v27  }
0x3fc: {  	[tilespmem:$0x32A0] =	vst v23  }
0x3fd: {  	[tilespmem:$0x3230] =	vst v24  }
0x3fe: {  	[tilespmem:$0x32B0] =	vst v25  }
0x3ff: {  	[tilespmem:s18], [sflag:$0x1] =	stream.indirect.gather [hbm4b:s6+s16], $0x80, s17, s16, $0xb8;
	[tilespmem:$0x1B400] =	vst v63  }
0x400: {  	_ = 	snop  }
0x401: {  	[tilespmem:s20], [sflag:$0x2] =	stream.indirect.gather [hbm4b:s1+s16], $0x80, s19, s16, $0xb8;
	[tilespmem:$0x1B400] =	vst v63  }
0x402: {  	_ =	swait.ge [sflag:s21], $0x2000  }
0x403: {  	[sflag:s21] =	ssyncset.done $0x0  }
0x404: {  	[sflag:s21] =	ssyncadd.s32 $0xFFFFE000  }
0x405: {  	_ =	swait.ge [sflag:s22], $0x2000  }
0x406: {  	[sflag:s22] =	ssyncset.done $0x0  }
0x407: {  	s0 =	simm.s32 $0x5340;
	[sflag:s22] =	ssyncadd.s32 $0xFFFFE000  }
0x408: {  	v23 =	vld [tilespmem:s0+$0xFFFFFFD0]  }
0x409: {  	s11 =	simm.s32 $0x3340;
	v24 =	vld [tilespmem:s0+$0xFFFFFFC0]  }
0x40a: {  	v25 =	vld [tilespmem:s11+$0xFFFFFFC0]  }
0x40b: {  	v26 =	vld [tilespmem:s11+$0xFFFFFFD0]  }
0x40c: {  	v27 =	vld [tilespmem:s0+$0xFFFFFFE0]  }
0x40d: {  	v28 =	vld [tilespmem:s11+$0xFFFFFFE0]  }
0x40e: {  	v33 =	vld [tilespmem:s11+$0xFFFFFFF0]  }
0x40f: {  	v29 =	vunpack.i.l.bf16.f32 v24;
	v30 =	vunpack.i.u.bf16.f32 v23;
	v23 =	vunpack.i.l.bf16.f32 v23  }
0x410: {  	v36 =	vld [tilespmem:s0+$0x0];
	v32 =	vunpack.i.u.bf16.f32 v25;
	v25 =	vunpack.i.l.bf16.f32 v25;
	v24 =	vunpack.i.u.bf16.f32 v24  }
0x411: {  	v31 =	vld [tilespmem:s0+$0xFFFFFFF0];
	v34 =	vunpack.i.l.bf16.f32 v26;
	v26 =	vunpack.i.u.bf16.f32 v26;
	v35 =	vunpack.i.l.bf16.f32 v27  }
0x412: {  	v38 =	vld [tilespmem:s11+$0x0];
	v37 =	vunpack.i.u.bf16.f32 v28;
	v28 =	vunpack.i.l.bf16.f32 v28;
	v27 =	vunpack.i.u.bf16.f32 v27  }
0x413: {  	v39 =	vld [tilespmem:s0+$0x10];
	v42 =	vunpack.i.u.bf16.f32 v33;
	v29 =	vmul.f32 v29, v25;
	v24 =	vmul.f32 v24, v32  }
0x414: {  	v41 =	vld [tilespmem:s0+$0x20];
	v33 =	vunpack.i.l.bf16.f32 v33;
	v23 =	vmul.f32 v23, v34;
	v30 =	vmul.f32 v30, v26  }
0x415: {  	v40 =	vunpack.i.u.bf16.f32 v36;
	v35 =	vmul.f32 v35, v28;
	v27 =	vmul.f32 v27, v37  }
0x416: {  	v24 =	vadd.f32 v29, v24;
	v29 =	vunpack.i.l.bf16.f32 v31;
	v23 =	vadd.f32 v23, v30;
	v30 =	vld [tilespmem:s11+$0x10]  }
0x417: {  	v36 =	vunpack.i.l.bf16.f32 v36;
	v31 =	vunpack.i.u.bf16.f32 v31;
	v29 =	vmul.f32 v29, v33  }
0x418: {  	v31 =	vmul.f32 v31, v42;
	v23 =	vadd.f32 v23, v24;
	v24 =	vadd.f32 v35, v27  }
0x419: {  	v52 =	vunpack.i.l.bf16.f32 v39;
	v53 =	vunpack.i.l.bf16.f32 v41;
	v27 =	vld [tilespmem:s11+$0x20];
	v35 =	vunpack.i.u.bf16.f32 v38  }
0x41a: {  	v29 =	vadd.f32 v29, v31;
	v31 =	vunpack.i.l.bf16.f32 v38;
	v23 =	vadd.f32 v24, v23  }
0x41b: {  	v55 =	vld [tilespmem:s11+$0x30];
	v51 =	vmul.f32 v40, v35;
	v24 =	vmul.f32 v36, v31;
	v43 =	vunpack.i.u.bf16.f32 v30  }
0x41c: {  	v44 =	vunpack.i.l.bf16.f32 v30;
	v30 =	vunpack.i.u.bf16.f32 v39;
	v23 =	vadd.f32 v29, v23;
	v29 =	vld [tilespmem:s0+$0x30]  }
0x41d: {  	v54 =	vunpack.i.u.bf16.f32 v41;
	v24 =	vadd.f32 v24, v51;
	v30 =	vmul.f32 v30, v43  }
0x41e: {  	v36 =	vmul.f32 v52, v44;
	v45 =	vunpack.i.u.bf16.f32 v27;
	v27 =	vunpack.i.l.bf16.f32 v27  }
0x41f: {  	v39 =	vmul.f32 v54, v45;
	v38 =	vmul.f32 v53, v27;
	v56 =	vadd.f32 v24, v23  }
0x420: {  	v30 =	vadd.f32 v36, v30;
	v23 =	vunpack.i.u.bf16.f32 v55;
	v24 =	vunpack.i.l.bf16.f32 v55  }
0x421: {  	v57 =	vadd.f32 v38, v39;
	v58 =	vunpack.i.l.bf16.f32 v29;
	v29 =	vunpack.i.u.bf16.f32 v29  }
0x422: {  	v30 =	vadd.f32 v30, v56;
	v38 =	vmul.f32 v58, v24;
	v29 =	vmul.f32 v29, v23;
	_ =	sdelay $0x1  }
0x423: {  	v30 =	vadd.f32 v57, v30;
	v29 =	vadd.f32 v38, v29;
	_ =	sdelay $0x1  }
0x424: {  	v29 =	vadd.f32 v29, v30;
	_ =	sdelay $0x1  }
0x425: {  	(xrf2) =	vadd.scan.msk.f32 $0xffff, v29;
	_ =	sdelay $0x9  }
0x426: {  	v29, _, _ =	vpop (xrf2)  }
0x427: {  	v29 =	vmul.f32 $1.442695020e+00, v29;
	_ =	sdelay $0x1  }
0x428: {  	(erf) = vpow2.f32 v29;
	_ =	sdelay $0x2  }
0x429: {  	s7 =	simm.s32 $0x0  }
0x42a: {  	v29 =	vmov s7;
	_ =	sdelay $0x3  }
0x42b: {  	p1 =	sgt.s32 s3, $0x0;
	v30 =	vld [tilespmem:$0x1B380];
	s7 =	simm.f32 $1.000000000e+00  }
0x42c: {  	s7 =	simm.s32 @!p1 $0x0;
	v29 =	vld.idx.msk [tilespmem:v29+s19+$0x0], $0xffff;
	v59 =	vpop (erf)  }
0x42d: {  	v36 =	vmul.f32 s7, v59;
	_ =	sdelay $0x1  }
0x42e: {  	v60 =	vsel vm0, $0x0, v36  }
0x42f: {  	v30 =	vadd.f32 v60, v30  }
0x430: {  	v61 =	vsub.s32 v29, v2;
	[tilespmem:$0x1B300] =	vst v36  }
0x431: {  	v29 =	vshll.u32 v29, $0x7;
	[tilespmem:$0x1B380] =	vst v30;
	v30 =	vshll.u32 v61, $0x8  }
0x432: {  	v29 =	vand.u32 $0x380, v29;
	v36 =	vld.idx.msk [tilespmem:v7+s23+$0x0], $0xffff;
	v30 =	vand.u32 $0xFFFFF800, v30  }
0x433: {  	v39 =	vor.u32 v29, v30  }
0x434: {  	v29 =	vor.u32 v0, v39  }
0x435: {  	v40 =	vor.u32 v16, v39;
	v30 =	vor.u32 v8, v39  }
0x436: {  	v38 =	vor.u32 v20, v39;
	v46 =	vor.u32 v14, v39;
	v47 =	vor.u32 v9, v39  }
0x437: {  	v41 =	vor.u32 v15, v39;
	v48 =	vor.u32 v10, v39;
	v25 =	vmul.f32 v36, v25  }
0x438: {  	v49 =	vor.u32 v12, v39;
	v50 =	vor.u32 v11, v39;
	v32 =	vmul.f32 v36, v32  }
0x439: {  	v51 =	vor.u32 v13, v39;
	v34 =	vmul.f32 v36, v34;
	[tilespmem:v29+s24+$0x0] =	vst.idx.add.f32.msk $0xffff, v25  }
0x43a: {  	v62 =	vmul.f32 v36, v37;
	v25 =	vmul.f32 v36, v26;
	[tilespmem:v30+s24+$0x0] =	vst.idx.add.f32.msk $0xffff, v32  }
0x43b: {  	v33 =	vmul.f32 v36, v33;
	v26 =	vmul.f32 v36, v28;
	[tilespmem:v47+s24+$0x0] =	vst.idx.add.f32.msk $0xffff, v34  }
0x43c: {  	v63 =	vmul.f32 v36, v42;
	v27 =	vmul.f32 v36, v27;
	[tilespmem:v48+s24+$0x0] =	vst.idx.add.f32.msk $0xffff, v25  }
0x43d: {  	v29 =	vmul.f32 v36, v35;
	v28 =	vmul.f32 v36, v44;
	[tilespmem:v50+s24+$0x0] =	vst.idx.add.f32.msk $0xffff, v26  }
0x43e: {  	v30 =	vmul.f32 v36, v31;
	v31 =	vor.u32 v17, v39;
	[tilespmem:v49+s24+$0x0] =	vst.idx.add.f32.msk $0xffff, v62  }
0x43f: {  	v32 =	vor.u32 v18, v39;
	v25 =	vmul.f32 v36, v45;
	[tilespmem:v51+s24+$0x0] =	vst.idx.add.f32.msk $0xffff, v33  }
0x440: {  	s7 =	simm.s32 $0x1;
	v26 =	vmul.f32 v36, v43;
	v33 =	vor.u32 v19, v39;
	[tilespmem:v46+s24+$0x0] =	vst.idx.add.f32.msk $0xffff, v63  }
.LBB2_29:
0x441: {  	p1 =	sne.s32 s7, $0x3F;
	[tilespmem:v41+s24+$0x0] =	vst.idx.add.f32.msk $0xffff, v30;
	s11 =	sadd.s32 $0x80, s11;
	s0 =	sadd.s32 $0x80, s0  }
0x442: {  	s8 =	smov.u32 s7;
	s7 =	sadd.s32 $0x1, s7;
	[tilespmem:v40+s24+$0x0] =	vst.idx.add.f32.msk $0xffff, v29;
	v29 =	vor.u32 v21, v39  }
0x443: {  	[tilespmem:v31+s24+$0x0] =	vst.idx.add.f32.msk $0xffff, v28;
	v28 =	vor.u32 v22, v39  }
0x444: {  	[tilespmem:v32+s24+$0x0] =	vst.idx.add.f32.msk $0xffff, v26  }
0x445: {  	v24 =	vmul.f32 v36, v24;
	[tilespmem:v33+s24+$0x0] =	vst.idx.add.f32.msk $0xffff, v27  }
0x446: {  	v23 =	vmul.f32 v36, v23;
	[tilespmem:v38+s24+$0x0] =	vst.idx.add.f32.msk $0xffff, v25  }
0x447: {  	[tilespmem:v29+s24+$0x0] =	vst.idx.add.f32.msk $0xffff, v24  }
0x448: {  	[tilespmem:v28+s24+$0x0] =	vst.idx.add.f32.msk $0xffff, v23  }
0x449: {  	v23 =	vld [tilespmem:s0+$0xFFFFFFD0]  }
0x44a: {  	v24 =	vld [tilespmem:s0+$0xFFFFFFC0]  }
0x44b: {  	v26 =	vld [tilespmem:s11+$0xFFFFFFC0]  }
0x44c: {  	v28 =	vld [tilespmem:s11+$0xFFFFFFD0]  }
0x44d: {  	v31 =	vld [tilespmem:s0+$0xFFFFFFE0]  }
0x44e: {  	v30 =	vld [tilespmem:s11+$0xFFFFFFE0]  }
0x44f: {  	v32 =	vunpack.i.u.bf16.f32 v23;
	v23 =	vunpack.i.l.bf16.f32 v23;
	v27 =	vunpack.i.l.bf16.f32 v24;
	v33 =	vld [tilespmem:s0+$0xFFFFFFF0]  }
0x450: {  	v25 =	vunpack.i.u.bf16.f32 v26;
	v26 =	vunpack.i.l.bf16.f32 v26;
	v34 =	vld [tilespmem:s11+$0xFFFFFFF0]  }
0x451: {  	v24 =	vunpack.i.u.bf16.f32 v24;
	v35 =	vmul.f32 v27, v26;
	v27 =	vunpack.i.l.bf16.f32 v28  }
0x452: {  	v24 =	vmul.f32 v24, v25;
	v29 =	vunpack.i.u.bf16.f32 v28;
	v36 =	vunpack.i.l.bf16.f32 v31  }
0x453: {  	v23 =	vmul.f32 v23, v27;
	v28 =	vunpack.i.u.bf16.f32 v30;
	v30 =	vunpack.i.l.bf16.f32 v30;
	v37 =	vld [tilespmem:s0+$0x0]  }
0x454: {  	v24 =	vadd.f32 v35, v24;
	v35 =	vunpack.i.u.bf16.f32 v31;
	v38 =	vunpack.i.l.bf16.f32 v33;
	v39 =	vld [tilespmem:s11+$0x0]  }
0x455: {  	v40 =	vmul.f32 v32, v29;
	v36 =	vmul.f32 v36, v30;
	v31 =	vunpack.i.u.bf16.f32 v34  }
0x456: {  	v35 =	vmul.f32 v35, v28;
	v33 =	vunpack.i.u.bf16.f32 v33;
	v32 =	vunpack.i.l.bf16.f32 v34;
	v41 =	vld [tilespmem:s0+$0x10]  }
0x457: {  	v23 =	vadd.f32 v23, v40;
	v34 =	vmul.f32 v38, v32;
	v38 =	vmul.f32 v33, v31;
	v40 =	vld [tilespmem:s11+$0x10]  }
0x458: {  	v42 =	vunpack.i.u.bf16.f32 v37;
	v37 =	vunpack.i.l.bf16.f32 v37;
	v43 =	vld [tilespmem:s0+$0x20]  }
0x459: {  	v23 =	vadd.f32 v23, v24;
	v24 =	vadd.f32 v36, v35;
	v33 =	vunpack.i.u.bf16.f32 v39;
	v36 =	vld [tilespmem:s11+$0x20]  }
0x45a: {  	v38 =	vadd.f32 v34, v38;
	v34 =	vunpack.i.l.bf16.f32 v39;
	v39 =	vmul.f32 v42, v33  }
0x45b: {  	v23 =	vadd.f32 v24, v23;
	v24 =	vmul.f32 v37, v34;
	v42 =	vunpack.i.l.bf16.f32 v41  }
0x45c: {  	v35 =	vunpack.i.u.bf16.f32 v40;
	v37 =	vunpack.i.l.bf16.f32 v40;
	v40 =	vunpack.i.u.bf16.f32 v41  }
0x45d: {  	v23 =	vadd.f32 v38, v23;
	v24 =	vadd.f32 v24, v39;
	v38 =	vunpack.i.l.bf16.f32 v43;
	v39 =	vld [tilespmem:s0+$0x30]  }
0x45e: {  	v40 =	vmul.f32 v40, v35;
	v41 =	vunpack.i.u.bf16.f32 v43;
	v44 =	vunpack.i.u.bf16.f32 v36;
	v43 =	vld [tilespmem:s11+$0x30]  }
0x45f: {  	v45 =	vadd.f32 v24, v23;
	v46 =	vunpack.i.l.bf16.f32 v36;
	v23 =	vmul.f32 v41, v44  }
0x460: {  	v24 =	vmul.f32 v42, v37;
	v36 =	vmul.f32 v38, v46;
	_ =	sdelay $0x1  }
0x461: {  	v38 =	vadd.f32 v24, v40;
	v36 =	vadd.f32 v36, v23;
	v40 =	vunpack.i.l.bf16.f32 v39  }
0x462: {  	v39 =	vunpack.i.u.bf16.f32 v39;
	v23 =	vunpack.i.u.bf16.f32 v43;
	v24 =	vunpack.i.l.bf16.f32 v43  }
0x463: {  	v38 =	vadd.f32 v38, v45;
	v40 =	vmul.f32 v40, v24;
	v39 =	vmul.f32 v39, v23;
	_ =	sdelay $0x1  }
0x464: {  	v36 =	vadd.f32 v36, v38;
	v38 =	vadd.f32 v40, v39;
	_ =	sdelay $0x1  }
0x465: {  	v36 =	vadd.f32 v38, v36;
	_ =	sdelay $0x1  }
0x466: {  	(xrf2) =	vadd.scan.msk.f32 $0xffff, v36;
	_ =	sdelay $0x9  }
0x467: {  	v36, _, _ =	vpop (xrf2)  }
0x468: {  	v36 =	vmul.f32 $1.442695020e+00, v36;
	_ =	sdelay $0x1  }
0x469: {  	(erf) = vpow2.f32 v36;
	_ =	sdelay $0x3  }
0x46a: {  	v36 =	vmov s8;
	_ =	sdelay $0x3  }
0x46b: {  	p2 =	slt.s32 s8, s3;
	s8 =	simm.f32 $1.000000000e+00;
	v38 =	vld [tilespmem:$0x1B380]  }
0x46c: {  	s8 =	simm.s32 @!p2 $0x0;
	v36 =	vld.idx.msk [tilespmem:v36+s19+$0x0], $0xffff;
	v39 =	vpop (erf)  }
0x46d: {  	v39 =	vmul.f32 s8, v39;
	_ =	sdelay $0x1  }
0x46e: {  	v40 =	vsel vm0, $0x0, v39  }
0x46f: {  	v38 =	vadd.f32 v40, v38  }
0x470: {  	[tilespmem:$0x1B300] =	vst v39  }
0x471: {  	v39 =	vsub.s32 v36, v2;
	[tilespmem:$0x1B380] =	vst v38;
	v38 =	vshll.u32 v36, $0x7  }
0x472: {  	v39 =	vshll.u32 v39, $0x8;
	v36 =	vld.idx.msk [tilespmem:v7+s23+$0x0], $0xffff  }
0x473: {  	v39 =	vand.u32 $0xFFFFF800, v39;
	v38 =	vand.u32 $0x380, v38  }
0x474: {  	v39 =	vor.u32 v38, v39  }
0x475: {  	v42 =	vor.u32 v0, v39;
	v40 =	vor.u32 v16, v39;
	v38 =	vor.u32 v20, v39  }
0x476: {  	v43 =	vor.u32 v8, v39;
	v45 =	vor.u32 v14, v39;
	v41 =	vor.u32 v15, v39  }
0x477: {  	v47 =	vor.u32 v9, v39;
	v48 =	vor.u32 v12, v39;
	v49 =	vor.u32 v13, v39  }
0x478: {  	v50 =	vor.u32 v10, v39;
	v26 =	vmul.f32 v36, v26;
	v25 =	vmul.f32 v36, v25  }
0x479: {  	v52 =	vor.u32 v11, v39;
	v27 =	vmul.f32 v36, v27;
	v51 =	vmul.f32 v36, v29  }
0x47a: {  	v53 =	vmul.f32 v36, v28;
	[tilespmem:v42+s24+$0x0] =	vst.idx.add.f32.msk $0xffff, v26;
	v42 =	vmul.f32 v36, v30  }
0x47b: {  	v32 =	vmul.f32 v36, v32;
	[tilespmem:v43+s24+$0x0] =	vst.idx.add.f32.msk $0xffff, v25;
	v43 =	vmul.f32 v36, v31  }
0x47c: {  	v29 =	vmul.f32 v36, v33;
	v30 =	vmul.f32 v36, v34;
	[tilespmem:v47+s24+$0x0] =	vst.idx.add.f32.msk $0xffff, v27  }
.Ltmp25:
0x47d: {  	v28 =	vmul.f32 v36, v37;
	v26 =	vmul.f32 v36, v35;
	[tilespmem:v50+s24+$0x0] =	vst.idx.add.f32.msk $0xffff, v51;
	(pc) =	sbr.rel @p1 .LBB2_29-.Ltmp25, $4  }
0x47e: {  	v25 =	vmul.f32 v36, v44;
	v27 =	vmul.f32 v36, v46;
	[tilespmem:v52+s24+$0x0] =	vst.idx.add.f32.msk $0xffff, v42  }
0x47f: {  	v31 =	vor.u32 v17, v39;
	[tilespmem:v48+s24+$0x0] =	vst.idx.add.f32.msk $0xffff, v53  }
0x480: {  	[tilespmem:v49+s24+$0x0] =	vst.idx.add.f32.msk $0xffff, v32;
	v32 =	vor.u32 v18, v39  }
0x481: {  	v33 =	vor.u32 v19, v39;
	[tilespmem:v45+s24+$0x0] =	vst.idx.add.f32.msk $0xffff, v43  }
0x482: {  	_ =	sdelay $0x3  }
0x483: {  	[tilespmem:v41+s24+$0x0] =	vst.idx.add.f32.msk $0xffff, v30  }
0x484: {  	v62 =	vor.u32 v21, v39;
	[tilespmem:v40+s24+$0x0] =	vst.idx.add.f32.msk $0xffff, v29  }
0x485: {  	v63 =	vor.u32 v22, v39;
	[tilespmem:v31+s24+$0x0] =	vst.idx.add.f32.msk $0xffff, v28  }
.Ltmp26:
0x486: {  	[tilespmem:v32+s24+$0x0] =	vst.idx.add.f32.msk $0xffff, v26;
	(pc) =	sbr.rel .LBB2_31-.Ltmp26, $4  }
0x487: {  	v24 =	vmul.f32 v36, v24;
	[tilespmem:v33+s24+$0x0] =	vst.idx.add.f32.msk $0xffff, v27  }
0x488: {  	v23 =	vmul.f32 v36, v23;
	[tilespmem:v38+s24+$0x0] =	vst.idx.add.f32.msk $0xffff, v25  }
0x489: {  	[tilespmem:v62+s24+$0x0] =	vst.idx.add.f32.msk $0xffff, v24  }
0x48a: {  	[tilespmem:v63+s24+$0x0] =	vst.idx.add.f32.msk $0xffff, v23  }
.LBB2_32:
0x48b: {  	_ =	sfence.sel $0x180000  }
0x48c: {  	[bflag:$0x0] =	sbarrier.arrive $0xFFFF  }
0x48d: {  	_ =	strace $0x90000047  }
0x48e: {  	s0 =	stileid.u32;
	[bflag:$0x2] =	sbarrier.arrive $0xFFFF  }
0x48f: {  	p0 =	sne.s32 s0, $0x0;
	s0 =	rddreg [dreg:$0x5]  }
0x490: {  	s0 =	sadd.s32 @!p0 $0x100000, s0  }
0x491: {  	[sflag:s0] =	ssyncadd.tile.s32 @!p0 $0x1;
	_ =	shalt  }
.Lfunc_end2:
_tile_overlayer_lowered:
.L_overlay_start_2:
0x492: {  	(tag) =	ssettag $0x2  }
0x493: {  	s0 =	rddreg [dreg:$0x0];
	s2 =	stileid.u32  }
0x494: {  	s1 =	rddreg [dreg:$0x1];
	p0 =	sne.s32 s2, $0x0  }
0x495: {  	s3 =	rddreg [dreg:$0x2];
	[bflag:$0x3] =	sbarrier.arrive $0xFFFF;
	s2 =	simm.s32 @!p0 $0x1C07  }
0x496: {  	[timem:s3], [sflag:s2] =	dma.local @!p0 [hbm:s0], s1  }
0x497: {  	s0 =	simm.s32 @!p0 $0x7  }
0x498: {  	_ =	swait.ge @!p0 [sflag:s0], s1  }
0x499: {  	s1 =	ssub.s32 @!p0 $0x0, s1;
	[sflag:s0] =	ssyncset.done @!p0 $0x0  }
0x49a: {  	[sflag:s0] =	ssyncadd.s32 @!p0 s1  }
0x49b: {  	[bflag:$0x3] =	sbarrier.arrive $0xFFFF  }
0x49c: {  	_ =	shalt  }

</sc_bundles>
